<compile_context>
chip_gen: v7x
topology: tpu7x:2x2x1
jax: 0.10.2.dev20260603
libtpu: 0.0.44.dev20260713+nightly
codegen_flags: <defaults>
</compile_context>

<pallas_src>
import functools

import jax
import jax.numpy as jnp
from jax import lax
from jax.experimental import pallas as pl
from jax.experimental.pallas import tpu as pltpu
from jax.experimental.pallas import tpu_sc as plsc

_NG_LIST = (2, 3)
_NUM_HEADS = 4
_EV = 1024
_BASES = (31, 37, 41, 43, 47, 53, 59, 61)

_NC = 2
_NS = 16
_L = 16
_NW = _NC * _NS


def _ids_body(gsize, x_ref, out_ref):
    x = x_ref[...]
    b, s = x.shape
    z = jnp.zeros((b, 1), jnp.int32)
    x1 = jnp.concatenate([z, x[:, :-1]], axis=1)
    x2 = jnp.concatenate([z, z, x[:, :-2]], axis=1)
    pos = lax.broadcasted_iota(jnp.int32, (b, s), 1)
    i = 0
    for n in _NG_LIST:
        for k in range(_NUM_HEADS):
            base = _BASES[k % len(_BASES)]
            if n == 2:
                hv = x1 * base + x * (base + 1)
            else:
                hv = x2 * base + x1 * (base + 1) + x * (base + 2)
            hv = hv % (_EV - 1) + 1
            hv = jnp.where(pos >= n - 1, hv, 0)
            out_ref[i] = hv + (i % gsize) * _EV
            i += 1


_MASK_HI = -65536


def _rne_bf16_bits(x):
    u = lax.bitcast_convert_type(x, jnp.int32)
    return u + 0x7FFF + jnp.bitwise_and(lax.shift_right_logical(u, 16), 1)


def _fold_body(e_ref, w_ref, m_ref):
    x = lax.dot_general(
        e_ref[0].astype(jnp.bfloat16), w_ref[...].astype(jnp.bfloat16),
        dimension_numbers=(((1,), (1,)), ((), ())),
        preferred_element_type=jnp.float32)
    hw = x.shape[1] // 2
    r_lo = _rne_bf16_bits(x[:, :hw])
    r_hi = _rne_bf16_bits(x[:, hw:])
    m_ref[0] = jnp.bitwise_or(jnp.bitwise_and(r_hi, _MASK_HI),
                              lax.shift_right_logical(r_lo, 16))


def _sc_gather_sum_body(ntok, hid, tck, nt, m_hbm, idx_hbm, out_hbm,
                        idx_v, acc_v, buf0_v, buf1_v, sg0, sg1, sacc, sout):
    hw = hid // 2
    tpw = ntok // _NW
    nchunk = tpw // tck
    jpr = hw // _L
    jshift = jpr.bit_length() - 1
    assert jpr == 1 << jshift
    nslice = tck * jpr

    wid = lax.axis_index("s") * _NC + lax.axis_index("c")
    base = wid * tpw
    pltpu.sync_copy(idx_hbm.at[:, pl.ds(base, tpw)], idx_v)

    bufs = (buf0_v, buf1_v)
    gsems = (sg0, sg1)

    def gidx(ti, ci):
        return idx_v.at[ti, pl.ds(ci * tck, tck)]

    cp_acc = pltpu.make_async_copy(m_hbm.at[gidx(0, 0)], acc_v, sacc)
    cp_acc.start()
    g = 0
    pend = pltpu.make_async_copy(m_hbm.at[gidx(1, 0)], bufs[0], gsems[0])
    pend.start()
    out_cp = None

    for ci in range(nchunk):
        cp_acc.wait()
        for ti in range(1, nt):
            cur, src = pend, bufs[g % 2]
            nti, nci = (ti + 1, ci) if ti < nt - 1 else (1, ci + 1)
            if nci < nchunk:
                g += 1
                pend = pltpu.make_async_copy(
                    m_hbm.at[gidx(nti, nci)], bufs[g % 2], gsems[g % 2])
                pend.start()
            cur.wait()
            accb = acc_v.bitcast(jnp.bfloat16)
            srcb = src.bitcast(jnp.bfloat16)

            @plsc.parallel_loop(0, nslice, 1, unroll=8)
            def _(q, accb=accb, srcb=srcb):
                t2 = lax.shift_right_logical(q, jshift) * 2
                cw = jnp.bitwise_and(q, jpr - 1) * _L
                sl = (pl.ds(t2, 2), pl.ds(cw, _L))
                aref = accb.at[sl]
                sref = srcb.at[sl]
                aref.set(aref.get() + sref.get())

        out_cp = pltpu.make_async_copy(
            acc_v, out_hbm.at[pl.ds(base + ci * tck, tck)], sout)
        out_cp.start()
        if ci + 1 < nchunk:
            out_cp.wait()
            cp_acc = pltpu.make_async_copy(m_hbm.at[gidx(0, ci + 1)], acc_v, sacc)
            cp_acc.start()
    out_cp.wait()


def _unpack_lo(x):
    return lax.bitcast_convert_type(lax.shift_left(x, 16), jnp.float32)


def _unpack_hi(x):
    return lax.bitcast_convert_type(jnp.bitwise_and(x, _MASK_HI), jnp.float32)


def _sum_unpacked(xs):
    lo = sum(_unpack_lo(x) for x in xs)
    hi = sum(_unpack_hi(x) for x in xs)
    return jnp.concatenate([lo, hi], axis=-1)


def _alpha_body(nmem, h_ref, *refs):
    gh_ref, gmp_ref, bdp_ref, bg_ref, a_ref = refs[nmem:]
    h = h_ref[...]
    mfull = _sum_unpacked([r[...] for r in refs[:nmem]])
    gh = gh_ref[...]
    gmp = gmp_ref[...]
    const = jnp.sum(bdp_ref[...] * gmp) + bg_ref[0, 0]
    s = (jnp.sum(h * gh, axis=1, keepdims=True)
         + jnp.sum(mfull * gmp, axis=1, keepdims=True) + const)
    a_ref[...] = jax.nn.sigmoid(s)


def _fuse_conv_body(nmem, h_ref, *refs):
    a_ref, bd_ref, cw_ref, o_ref = refs[nmem:]
    h = h_ref[0]
    bd = bd_ref[...]
    a = a_ref[0]
    m = _sum_unpacked([r[0] for r in refs[:nmem]]) + bd
    f = h + a * m
    s, cb = f.shape
    z = jnp.zeros((1, cb), jnp.float32)
    f1 = jnp.concatenate([z, f[:-1, :]], axis=0)
    f2 = jnp.concatenate([z, z, f[:-2, :]], axis=0)
    f3 = jnp.concatenate([z, z, z, f[:-3, :]], axis=0)
    w = cw_ref[...]
    o_ref[0] = f * w[3:4] + f1 * w[2:3] + f2 * w[1:2] + f3 * w[0:1]


def kernel(hidden_states, input_ids, emb_tables, W_down, b_down, W_gate,
           b_gate, conv_w):
    B, S, H = hidden_states.shape
    ntab = emb_tables.shape[0]
    ntok = B * S

    ngrp = 2
    gsize = ntab // ngrp
    ids8 = pl.pallas_call(
        functools.partial(_ids_body, gsize),
        out_shape=jax.ShapeDtypeStruct((ntab, B, S), jnp.int32),
    )(input_ids)
    idx_flat = ids8.reshape(ntab, ntok)

    hw = H // 2
    ts = 512
    tpw = ntok // _NW
    tck = 32
    mesh = plsc.VectorSubcoreMesh(core_axis_name="c", subcore_axis_name="s")
    sc_fn = pl.kernel(
        functools.partial(_sc_gather_sum_body, ntok, H, tck, gsize),
        out_type=jax.ShapeDtypeStruct((ntok, hw), jnp.int32),
        mesh=mesh,
        scratch_types=[
            pltpu.VMEM((gsize, tpw), jnp.int32),
            pltpu.VMEM((tck, hw), jnp.int32),
            pltpu.VMEM((tck, hw), jnp.int32),
            pltpu.VMEM((tck, hw), jnp.int32),
            pltpu.SemaphoreType.DMA,
            pltpu.SemaphoreType.DMA,
            pltpu.SemaphoreType.DMA,
            pltpu.SemaphoreType.DMA,
        ],
    )

    mems = []
    for gi in range(ngrp):
        toff = gi * gsize
        Mg = pl.pallas_call(
            _fold_body,
            grid=(gsize, H // ts),
            in_specs=[
                pl.BlockSpec((1, _EV, H),
                             lambda i, j, toff=toff: (i + toff, 0, 0)),
                pl.BlockSpec((ts, H),
                             lambda i, j, toff=toff: (j, i + toff)),
            ],
            out_specs=pl.BlockSpec((1, _EV, ts // 2), lambda i, j: (i, 0, j)),
            out_shape=jax.ShapeDtypeStruct((gsize, _EV, hw), jnp.int32),
        )(emb_tables, W_down)
        mems.append(sc_fn(Mg.reshape(gsize * _EV, hw),
                          idx_flat[toff:toff + gsize]))

    gh = W_gate[:, :H]
    gm = W_gate[:, H:]
    bd2 = b_down.reshape(1, H)

    def _perm(v):
        q = ts // 2
        lo = [v[:, j * ts:j * ts + q] for j in range(H // ts)]
        hi = [v[:, j * ts + q:(j + 1) * ts] for j in range(H // ts)]
        return jnp.concatenate(lo + hi, axis=1)

    gmp = _perm(gm)
    bdp = _perm(bd2)
    bg2 = b_gate.reshape(1, 1)
    h_flat = hidden_states.reshape(ntok, H)
    tb = 256
    alpha = pl.pallas_call(
        functools.partial(_alpha_body, ngrp),
        grid=(ntok // tb,),
        in_specs=[pl.BlockSpec((tb, H), lambda i: (i, 0))]
        + [pl.BlockSpec((tb, hw), lambda i: (i, 0)) for _ in range(ngrp)]
        + [
            pl.BlockSpec((1, H), lambda i: (0, 0)),
            pl.BlockSpec((1, H), lambda i: (0, 0)),
            pl.BlockSpec((1, H), lambda i: (0, 0)),
            pl.BlockSpec((1, 1), lambda i: (0, 0)),
        ],
        out_specs=pl.BlockSpec((tb, 1), lambda i: (i, 0)),
        out_shape=jax.ShapeDtypeStruct((ntok, 1), jnp.float32),
    )(h_flat, *mems, gh, gmp, bdp, bg2)

    cb = ts
    mems3 = [m.reshape(B, S, hw) for m in mems]
    alpha3 = alpha.reshape(B, S, 1)
    cwT = conv_w[:, 0, :].T
    out = pl.pallas_call(
        functools.partial(_fuse_conv_body, ngrp),
        grid=(B, H // cb),
        in_specs=[pl.BlockSpec((1, S, cb), lambda b, j: (b, 0, j))]
        + [pl.BlockSpec((1, S, cb // 2), lambda b, j: (b, 0, j))
           for _ in range(ngrp)]
        + [
            pl.BlockSpec((1, S, 1), lambda b, j: (b, 0, 0)),
            pl.BlockSpec((1, cb), lambda b, j: (0, j)),
            pl.BlockSpec((4, cb), lambda b, j: (0, j)),
        ],
        out_specs=pl.BlockSpec((1, S, cb), lambda b, j: (b, 0, j)),
        out_shape=jax.ShapeDtypeStruct((B, S, H), jnp.float32),
    )(hidden_states, *mems3, alpha3, bd2, cwT)
    return out

# --- scband reference (transcript-rebuilt; emitter-appended) ---
"""Pipeline reference for scband-engram-module-46866683134543 (READ-ONLY COPY).

The authoritative reference and input builder live on the scoring server;
editing this copy changes nothing except your own understanding.
"""

import jax, jax.numpy as jnp
import numpy as np

NG_LIST = [2, 3]
NUM_HEADS = 4
ENGRAM_VOCAB = 1024
HID = 2048
VOCAB = 10240
B, S = 2, 2048


def compute_n_gram_ids(input_ids, n, k, engram_vocab):
    bases = [31, 37, 41, 43, 47, 53, 59, 61]
    base = bases[k % len(bases)]
    b, s = input_ids.shape
    if s < n:
        return jnp.zeros((b, s), dtype=input_ids.dtype)
    windows = jnp.stack([input_ids[:, i:s - n + 1 + i] for i in range(n)], axis=-1)
    weights = jnp.array([base + i for i in range(n)], dtype=input_ids.dtype)
    hash_vals = (windows * weights).sum(axis=-1) % (engram_vocab - 1)
    hash_vals = hash_vals + 1
    out = jnp.zeros((b, s), dtype=input_ids.dtype)
    out = out.at[:, n - 1:].set(hash_vals)
    return out


def setup_inputs(seed: int = 0) -> dict:
    key = jax.random.key(seed)
    ks = [jax.random.fold_in(key, i) for i in range(8)]
    n_tables = NUM_HEADS * len(NG_LIST)
    hidden_states = jax.random.normal(ks[0], (B, S, HID), dtype=jnp.float32)
    input_ids = jax.random.randint(ks[1], (B, S), 0, VOCAB, dtype=jnp.int32)
    emb_tables = jax.random.normal(ks[2], (n_tables, ENGRAM_VOCAB, HID), dtype=jnp.float32) * 0.02
    W_down = jax.random.normal(ks[3], (HID, HID * n_tables), dtype=jnp.float32) * 0.02
    b_down = jnp.zeros((HID,), dtype=jnp.float32)
    W_gate = jax.random.normal(ks[4], (1, HID * 2), dtype=jnp.float32) * 0.02
    b_gate = jnp.zeros((1,), dtype=jnp.float32)
    conv_w = jax.random.normal(ks[5], (HID, 1, 4), dtype=jnp.float32) * 0.02
    return {"hidden_states": hidden_states, "input_ids": input_ids, "emb_tables": emb_tables,
            "W_down": W_down, "b_down": b_down, "W_gate": W_gate, "b_gate": b_gate, "conv_w": conv_w}


def reference(hidden_states, input_ids, emb_tables, W_down, b_down, W_gate, b_gate, conv_w):
    mem_list = []
    idx = 0
    for n in NG_LIST:
        for k in range(NUM_HEADS):
            ids = compute_n_gram_ids(input_ids, n, k, ENGRAM_VOCAB)
            mem_list.append(jnp.take(emb_tables[idx], ids, axis=0))
            idx += 1
    concat_mem = jnp.concatenate(mem_list, axis=-1)
    memory_vec = concat_mem @ W_down.T + b_down
    gate_input = jnp.concatenate([hidden_states, memory_vec], axis=-1)
    alpha = jax.nn.sigmoid(gate_input @ W_gate.T + b_gate)
    fused = hidden_states + alpha * memory_vec
    x = jnp.transpose(fused, (0, 2, 1))
    x = jnp.pad(x, ((0, 0), (0, 0), (3, 0)))
    out = jax.lax.conv_general_dilated(x, conv_w, window_strides=(1,), padding='VALID',
                                       feature_group_count=HID,
                                       dimension_numbers=('NCH', 'OIH', 'NCH'))
    return jnp.transpose(out, (0, 2, 1))

if __name__ == "__main__":
    import jax
    _d = setup_inputs()
    print(jax.jit(kernel)(*tuple(_d.values())))

</pallas_src>

<mosaic_0001>
#map = affine_map<(d0, d1) -> (0, 0)>
module attributes {stable_mosaic.version = 14 : i64} {
  func.func @_sc_gather_sum_body(%arg0: i32, %arg1: i32, %arg2: memref<4096x1024xi32, #tpu.memory_space<hbm>>, %arg3: memref<4x4096xi32, #tpu.memory_space<hbm>>, %arg4: memref<4096x1024xi32, #tpu.memory_space<hbm>>, %arg5: memref<4x128xi32, #tpu.memory_space<vmem>>, %arg6: memref<32x1024xi32, #tpu.memory_space<vmem>>, %arg7: memref<32x1024xi32, #tpu.memory_space<vmem>>, %arg8: memref<32x1024xi32, #tpu.memory_space<vmem>>, %arg9: memref<!tpu.dma_semaphore, #tpu.memory_space<semaphore_mem>>, %arg10: memref<!tpu.dma_semaphore, #tpu.memory_space<semaphore_mem>>, %arg11: memref<!tpu.dma_semaphore, #tpu.memory_space<semaphore_mem>>, %arg12: memref<!tpu.dma_semaphore, #tpu.memory_space<semaphore_mem>>) attributes {dimension_semantics = [#tpu.dimension_semantics<core_parallel>, #tpu.dimension_semantics<subcore_parallel>], iteration_bounds = array<i64: 2, 16>, scalar_prefetch = 0 : i64, scratch_operands = 8 : i64, tpu.core_type = #tpu.core_type<sc_vector_subcore>, window_params = [{transform_indices = #map}, {transform_indices = #map}, {transform_indices = #map}]} {
    %mul3A = arith.constant 2 : i32
    %mul3A_0 = arith.muli %arg1, %mul3A : i32
    %add3A = arith.addi %mul3A_0, %arg0 : i32
    %mul3A_1 = arith.constant 128 : i32
    %mul3A_2 = arith.muli %add3A, %mul3A_1 : i32
    "tpu.region"() ({
      %run_scoped3A = tpu.sem_alloc : memref<!tpu.dma_semaphore, #tpu.memory_space<semaphore_mem>>
      %dma_start3A_300 = arith.constant 0 : i32
      %dma_start3A_301 = tpu.memref_slice %arg3[%dma_start3A_300, %mul3A_2] : memref<4x4096xi32, #tpu.memory_space<hbm>> -> memref<4x128xi32, #tpu.memory_space<hbm>>
      %dma_start3A_302 = arith.constant 0 : i32
      %dma_start3A_303 = tpu.memref_slice %arg3[%dma_start3A_302, %mul3A_2] : memref<4x4096xi32, #tpu.memory_space<hbm>> -> memref<4x128xi32, #tpu.memory_space<hbm>>
      tpu.enqueue_dma source(%dma_start3A_303 : memref<4x128xi32, #tpu.memory_space<hbm>>) target(%arg5 : memref<4x128xi32, #tpu.memory_space<vmem>>) target_semaphore(%run_scoped3A : memref<!tpu.dma_semaphore, #tpu.memory_space<semaphore_mem>>)
      %dma_wait3A_304 = arith.constant 0 : i32
      %dma_wait3A_305 = tpu.memref_slice %arg3[%dma_wait3A_304, %mul3A_2] : memref<4x4096xi32, #tpu.memory_space<hbm>> -> memref<4x128xi32, #tpu.memory_space<hbm>>
      %dma_wait3A_306 = arith.constant 0 : i32
      %dma_wait3A_307 = tpu.memref_slice %arg3[%dma_wait3A_306, %mul3A_2] : memref<4x4096xi32, #tpu.memory_space<hbm>> -> memref<4x128xi32, #tpu.memory_space<hbm>>
      tpu.wait_dma2 semaphore(%run_scoped3A : memref<!tpu.dma_semaphore, #tpu.memory_space<semaphore_mem>>) src(%dma_wait3A_307 : memref<4x128xi32, #tpu.memory_space<hbm>>) dst(%arg5 : memref<4x128xi32, #tpu.memory_space<vmem>>)
      tpu.yield
    }) : () -> ()
    %dma_start3A = arith.constant 0 : i32
    %dma_start3A_3 = arith.constant 0 : i32
    %dma_start3A_4 = tpu.memref_slice %arg5[%dma_start3A, %dma_start3A_3] : memref<4x128xi32, #tpu.memory_space<vmem>> -> memref<1x32xi32, #tpu.memory_space<vmem>>
    %dma_start3A_5 = tpu.memref_squeeze %dma_start3A_4 : memref<1x32xi32, #tpu.memory_space<vmem>> -> memref<32xi32, #tpu.memory_space<vmem>>
    %dma_start3A_6 = arith.constant 0 : i32
    %dma_start3A_7 = arith.constant 0 : i32
    %dma_start3A_8 = tpu.memref_slice %arg2[%dma_start3A_6, %dma_start3A_7] : memref<4096x1024xi32, #tpu.memory_space<hbm>> -> memref<4096x1024xi32, #tpu.memory_space<hbm>>
    tpu.enqueue_indirect_dma source(%dma_start3A_8 : memref<4096x1024xi32, #tpu.memory_space<hbm>>) target(%arg6 : memref<32x1024xi32, #tpu.memory_space<vmem>>) offsets(%dma_start3A_5 : memref<32xi32, #tpu.memory_space<vmem>>) semaphore(%arg11 : memref<!tpu.dma_semaphore, #tpu.memory_space<semaphore_mem>>)
    %dma_start3A_9 = arith.constant 1 : i32
    %dma_start3A_10 = arith.constant 0 : i32
    %dma_start3A_11 = tpu.memref_slice %arg5[%dma_start3A_9, %dma_start3A_10] : memref<4x128xi32, #tpu.memory_space<vmem>> -> memref<1x32xi32, #tpu.memory_space<vmem>>
    %dma_start3A_12 = tpu.memref_squeeze %dma_start3A_11 : memref<1x32xi32, #tpu.memory_space<vmem>> -> memref<32xi32, #tpu.memory_space<vmem>>
    %dma_start3A_13 = arith.constant 0 : i32
    %dma_start3A_14 = arith.constant 0 : i32
    %dma_start3A_15 = tpu.memref_slice %arg2[%dma_start3A_13, %dma_start3A_14] : memref<4096x1024xi32, #tpu.memory_space<hbm>> -> memref<4096x1024xi32, #tpu.memory_space<hbm>>
    tpu.enqueue_indirect_dma source(%dma_start3A_15 : memref<4096x1024xi32, #tpu.memory_space<hbm>>) target(%arg7 : memref<32x1024xi32, #tpu.memory_space<vmem>>) offsets(%dma_start3A_12 : memref<32xi32, #tpu.memory_space<vmem>>) semaphore(%arg9 : memref<!tpu.dma_semaphore, #tpu.memory_space<semaphore_mem>>)
    %dma_wait3A = arith.constant 0 : i32
    %dma_wait3A_16 = arith.constant 0 : i32
    %dma_wait3A_17 = tpu.memref_slice %arg5[%dma_wait3A, %dma_wait3A_16] : memref<4x128xi32, #tpu.memory_space<vmem>> -> memref<1x32xi32, #tpu.memory_space<vmem>>
    %dma_wait3A_18 = tpu.memref_squeeze %dma_wait3A_17 : memref<1x32xi32, #tpu.memory_space<vmem>> -> memref<32xi32, #tpu.memory_space<vmem>>
    %dma_wait3A_19 = arith.constant 0 : i32
    %dma_wait3A_20 = arith.constant 0 : i32
    %dma_wait3A_21 = tpu.memref_slice %arg2[%dma_wait3A_19, %dma_wait3A_20] : memref<4096x1024xi32, #tpu.memory_space<hbm>> -> memref<4096x1024xi32, #tpu.memory_space<hbm>>
    tpu.wait_indirect_dma semaphore(%arg11 : memref<!tpu.dma_semaphore, #tpu.memory_space<semaphore_mem>>) src(%dma_wait3A_21 : memref<4096x1024xi32, #tpu.memory_space<hbm>>) dst(%arg6 : memref<32x1024xi32, #tpu.memory_space<vmem>>)
    %dma_start3A_22 = arith.constant 2 : i32
    %dma_start3A_23 = arith.constant 0 : i32
    %dma_start3A_24 = tpu.memref_slice %arg5[%dma_start3A_22, %dma_start3A_23] : memref<4x128xi32, #tpu.memory_space<vmem>> -> memref<1x32xi32, #tpu.memory_space<vmem>>
    %dma_start3A_25 = tpu.memref_squeeze %dma_start3A_24 : memref<1x32xi32, #tpu.memory_space<vmem>> -> memref<32xi32, #tpu.memory_space<vmem>>
    %dma_start3A_26 = arith.constant 0 : i32
    %dma_start3A_27 = arith.constant 0 : i32
    %dma_start3A_28 = tpu.memref_slice %arg2[%dma_start3A_26, %dma_start3A_27] : memref<4096x1024xi32, #tpu.memory_space<hbm>> -> memref<4096x1024xi32, #tpu.memory_space<hbm>>
    tpu.enqueue_indirect_dma source(%dma_start3A_28 : memref<4096x1024xi32, #tpu.memory_space<hbm>>) target(%arg8 : memref<32x1024xi32, #tpu.memory_space<vmem>>) offsets(%dma_start3A_25 : memref<32xi32, #tpu.memory_space<vmem>>) semaphore(%arg10 : memref<!tpu.dma_semaphore, #tpu.memory_space<semaphore_mem>>)
    %dma_wait3A_29 = arith.constant 1 : i32
    %dma_wait3A_30 = arith.constant 0 : i32
    %dma_wait3A_31 = tpu.memref_slice %arg5[%dma_wait3A_29, %dma_wait3A_30] : memref<4x128xi32, #tpu.memory_space<vmem>> -> memref<1x32xi32, #tpu.memory_space<vmem>>
    %dma_wait3A_32 = tpu.memref_squeeze %dma_wait3A_31 : memref<1x32xi32, #tpu.memory_space<vmem>> -> memref<32xi32, #tpu.memory_space<vmem>>
    %dma_wait3A_33 = arith.constant 0 : i32
    %dma_wait3A_34 = arith.constant 0 : i32
    %dma_wait3A_35 = tpu.memref_slice %arg2[%dma_wait3A_33, %dma_wait3A_34] : memref<4096x1024xi32, #tpu.memory_space<hbm>> -> memref<4096x1024xi32, #tpu.memory_space<hbm>>
    tpu.wait_indirect_dma semaphore(%arg9 : memref<!tpu.dma_semaphore, #tpu.memory_space<semaphore_mem>>) src(%dma_wait3A_35 : memref<4096x1024xi32, #tpu.memory_space<hbm>>) dst(%arg7 : memref<32x1024xi32, #tpu.memory_space<vmem>>)
    %parallel_loop3A = arith.constant 0 : i32
    %parallel_loop3A_36 = arith.constant 2048 : i32
    %parallel_loop3A_37 = arith.constant 1 : i32
    scf.for %parallel_loop3A_300 = %parallel_loop3A to %parallel_loop3A_36 step %parallel_loop3A_37  : i32 {
      %parallel_loop3A_301 = arith.constant 6 : i32
      %parallel_loop3A_302 = arith.shrui %parallel_loop3A_300, %parallel_loop3A_301 : i32
      %parallel_loop3A_303 = arith.constant 2 : i32
      %parallel_loop3A_304 = arith.muli %parallel_loop3A_302, %parallel_loop3A_303 : i32
      %parallel_loop3A_305 = arith.constant 63 : i32
      %parallel_loop3A_306 = arith.andi %parallel_loop3A_300, %parallel_loop3A_305 : i32
      %parallel_loop3A_307 = arith.constant 16 : i32
      %parallel_loop3A_308 = arith.muli %parallel_loop3A_306, %parallel_loop3A_307 : i32
      %parallel_loop3A_309 = tpu.memref_bitcast %arg6 : memref<32x1024xi32, #tpu.memory_space<vmem>> -> memref<64x1024xbf16, #tpu.memory_space<vmem>>
      %parallel_loop3A_310 = arith.index_cast %parallel_loop3A_304 : i32 to index
      %parallel_loop3A_311 = arith.index_cast %parallel_loop3A_308 : i32 to index
      %parallel_loop3A_312 = tpu.vector_load %parallel_loop3A_309[%parallel_loop3A_310, %parallel_loop3A_311] {strides = array<i32>} : memref<64x1024xbf16, #tpu.memory_space<vmem>>, vector<2x16xbf16>,
      %parallel_loop3A_313 = vector.shape_cast %parallel_loop3A_312 : vector<2x16xbf16> to vector<2x16xbf16>
      %parallel_loop3A_314 = tpu.memref_bitcast %arg7 : memref<32x1024xi32, #tpu.memory_space<vmem>> -> memref<64x1024xbf16, #tpu.memory_space<vmem>>
      %parallel_loop3A_315 = arith.index_cast %parallel_loop3A_304 : i32 to index
      %parallel_loop3A_316 = arith.index_cast %parallel_loop3A_308 : i32 to index
      %parallel_loop3A_317 = tpu.vector_load %parallel_loop3A_314[%parallel_loop3A_315, %parallel_loop3A_316] {strides = array<i32>} : memref<64x1024xbf16, #tpu.memory_space<vmem>>, vector<2x16xbf16>,
      %parallel_loop3A_318 = vector.shape_cast %parallel_loop3A_317 : vector<2x16xbf16> to vector<2x16xbf16>
      %parallel_loop3A_319 = arith.addf %parallel_loop3A_313, %parallel_loop3A_318 : vector<2x16xbf16>
      %parallel_loop3A_320 = tpu.memref_bitcast %arg6 : memref<32x1024xi32, #tpu.memory_space<vmem>> -> memref<64x1024xbf16, #tpu.memory_space<vmem>>
      %parallel_loop3A_321 = arith.index_cast %parallel_loop3A_304 : i32 to index
      %parallel_loop3A_322 = arith.index_cast %parallel_loop3A_308 : i32 to index
      %parallel_loop3A_323 = tpu.vector_load %parallel_loop3A_320[%parallel_loop3A_321, %parallel_loop3A_322] {strides = array<i32>} : memref<64x1024xbf16, #tpu.memory_space<vmem>>, vector<2x16xbf16>,
      %parallel_loop3A_324 = vector.shape_cast %parallel_loop3A_323 : vector<2x16xbf16> to vector<2x16xbf16>
      %parallel_loop3A_325 = vector.shape_cast %parallel_loop3A_319 : vector<2x16xbf16> to vector<2x16xbf16>
      tpu.vector_store %parallel_loop3A_320[%parallel_loop3A_321, %parallel_loop3A_322], %parallel_loop3A_325 {strides = array<i32>} : memref<64x1024xbf16, #tpu.memory_space<vmem>>, vector<2x16xbf16>,
    } {sc.loop_unroll_factor = 8 : i64, sc.parallel_access}
    %dma_start3A_38 = arith.constant 3 : i32
    %dma_start3A_39 = arith.constant 0 : i32
    %dma_start3A_40 = tpu.memref_slice %arg5[%dma_start3A_38, %dma_start3A_39] : memref<4x128xi32, #tpu.memory_space<vmem>> -> memref<1x32xi32, #tpu.memory_space<vmem>>
    %dma_start3A_41 = tpu.memref_squeeze %dma_start3A_40 : memref<1x32xi32, #tpu.memory_space<vmem>> -> memref<32xi32, #tpu.memory_space<vmem>>
    %dma_start3A_42 = arith.constant 0 : i32
    %dma_start3A_43 = arith.constant 0 : i32
    %dma_start3A_44 = tpu.memref_slice %arg2[%dma_start3A_42, %dma_start3A_43] : memref<4096x1024xi32, #tpu.memory_space<hbm>> -> memref<4096x1024xi32, #tpu.memory_space<hbm>>
    tpu.enqueue_indirect_dma source(%dma_start3A_44 : memref<4096x1024xi32, #tpu.memory_space<hbm>>) target(%arg7 : memref<32x1024xi32, #tpu.memory_space<vmem>>) offsets(%dma_start3A_41 : memref<32xi32, #tpu.memory_space<vmem>>) semaphore(%arg9 : memref<!tpu.dma_semaphore, #tpu.memory_space<semaphore_mem>>)
    %dma_wait3A_45 = arith.constant 2 : i32
    %dma_wait3A_46 = arith.constant 0 : i32
    %dma_wait3A_47 = tpu.memref_slice %arg5[%dma_wait3A_45, %dma_wait3A_46] : memref<4x128xi32, #tpu.memory_space<vmem>> -> memref<1x32xi32, #tpu.memory_space<vmem>>
    %dma_wait3A_48 = tpu.memref_squeeze %dma_wait3A_47 : memref<1x32xi32, #tpu.memory_space<vmem>> -> memref<32xi32, #tpu.memory_space<vmem>>
    %dma_wait3A_49 = arith.constant 0 : i32
    %dma_wait3A_50 = arith.constant 0 : i32
    %dma_wait3A_51 = tpu.memref_slice %arg2[%dma_wait3A_49, %dma_wait3A_50] : memref<4096x1024xi32, #tpu.memory_space<hbm>> -> memref<4096x1024xi32, #tpu.memory_space<hbm>>
    tpu.wait_indirect_dma semaphore(%arg10 : memref<!tpu.dma_semaphore, #tpu.memory_space<semaphore_mem>>) src(%dma_wait3A_51 : memref<4096x1024xi32, #tpu.memory_space<hbm>>) dst(%arg8 : memref<32x1024xi32, #tpu.memory_space<vmem>>)
    %parallel_loop3A_52 = arith.constant 0 : i32
    %parallel_loop3A_53 = arith.constant 2048 : i32
    %parallel_loop3A_54 = arith.constant 1 : i32
    scf.for %parallel_loop3A_300 = %parallel_loop3A_52 to %parallel_loop3A_53 step %parallel_loop3A_54  : i32 {
      %parallel_loop3A_301 = arith.constant 6 : i32
      %parallel_loop3A_302 = arith.shrui %parallel_loop3A_300, %parallel_loop3A_301 : i32
      %parallel_loop3A_303 = arith.constant 2 : i32
      %parallel_loop3A_304 = arith.muli %parallel_loop3A_302, %parallel_loop3A_303 : i32
      %parallel_loop3A_305 = arith.constant 63 : i32
      %parallel_loop3A_306 = arith.andi %parallel_loop3A_300, %parallel_loop3A_305 : i32
      %parallel_loop3A_307 = arith.constant 16 : i32
      %parallel_loop3A_308 = arith.muli %parallel_loop3A_306, %parallel_loop3A_307 : i32
      %parallel_loop3A_309 = tpu.memref_bitcast %arg6 : memref<32x1024xi32, #tpu.memory_space<vmem>> -> memref<64x1024xbf16, #tpu.memory_space<vmem>>
      %parallel_loop3A_310 = arith.index_cast %parallel_loop3A_304 : i32 to index
      %parallel_loop3A_311 = arith.index_cast %parallel_loop3A_308 : i32 to index
      %parallel_loop3A_312 = tpu.vector_load %parallel_loop3A_309[%parallel_loop3A_310, %parallel_loop3A_311] {strides = array<i32>} : memref<64x1024xbf16, #tpu.memory_space<vmem>>, vector<2x16xbf16>,
      %parallel_loop3A_313 = vector.shape_cast %parallel_loop3A_312 : vector<2x16xbf16> to vector<2x16xbf16>
      %parallel_loop3A_314 = tpu.memref_bitcast %arg8 : memref<32x1024xi32, #tpu.memory_space<vmem>> -> memref<64x1024xbf16, #tpu.memory_space<vmem>>
      %parallel_loop3A_315 = arith.index_cast %parallel_loop3A_304 : i32 to index
      %parallel_loop3A_316 = arith.index_cast %parallel_loop3A_308 : i32 to index
      %parallel_loop3A_317 = tpu.vector_load %parallel_loop3A_314[%parallel_loop3A_315, %parallel_loop3A_316] {strides = array<i32>} : memref<64x1024xbf16, #tpu.memory_space<vmem>>, vector<2x16xbf16>,
      %parallel_loop3A_318 = vector.shape_cast %parallel_loop3A_317 : vector<2x16xbf16> to vector<2x16xbf16>
      %parallel_loop3A_319 = arith.addf %parallel_loop3A_313, %parallel_loop3A_318 : vector<2x16xbf16>
      %parallel_loop3A_320 = tpu.memref_bitcast %arg6 : memref<32x1024xi32, #tpu.memory_space<vmem>> -> memref<64x1024xbf16, #tpu.memory_space<vmem>>
      %parallel_loop3A_321 = arith.index_cast %parallel_loop3A_304 : i32 to index
      %parallel_loop3A_322 = arith.index_cast %parallel_loop3A_308 : i32 to index
      %parallel_loop3A_323 = tpu.vector_load %parallel_loop3A_320[%parallel_loop3A_321, %parallel_loop3A_322] {strides = array<i32>} : memref<64x1024xbf16, #tpu.memory_space<vmem>>, vector<2x16xbf16>,
      %parallel_loop3A_324 = vector.shape_cast %parallel_loop3A_323 : vector<2x16xbf16> to vector<2x16xbf16>
      %parallel_loop3A_325 = vector.shape_cast %parallel_loop3A_319 : vector<2x16xbf16> to vector<2x16xbf16>
      tpu.vector_store %parallel_loop3A_320[%parallel_loop3A_321, %parallel_loop3A_322], %parallel_loop3A_325 {strides = array<i32>} : memref<64x1024xbf16, #tpu.memory_space<vmem>>, vector<2x16xbf16>,
    } {sc.loop_unroll_factor = 8 : i64, sc.parallel_access}
    %dma_start3A_55 = arith.constant 1 : i32
    %dma_start3A_56 = arith.constant 32 : i32
    %dma_start3A_57 = tpu.memref_slice %arg5[%dma_start3A_55, %dma_start3A_56] : memref<4x128xi32, #tpu.memory_space<vmem>> -> memref<1x32xi32, #tpu.memory_space<vmem>>
    %dma_start3A_58 = tpu.memref_squeeze %dma_start3A_57 : memref<1x32xi32, #tpu.memory_space<vmem>> -> memref<32xi32, #tpu.memory_space<vmem>>
    %dma_start3A_59 = arith.constant 0 : i32
    %dma_start3A_60 = arith.constant 0 : i32
    %dma_start3A_61 = tpu.memref_slice %arg2[%dma_start3A_59, %dma_start3A_60] : memref<4096x1024xi32, #tpu.memory_space<hbm>> -> memref<4096x1024xi32, #tpu.memory_space<hbm>>
    tpu.enqueue_indirect_dma source(%dma_start3A_61 : memref<4096x1024xi32, #tpu.memory_space<hbm>>) target(%arg8 : memref<32x1024xi32, #tpu.memory_space<vmem>>) offsets(%dma_start3A_58 : memref<32xi32, #tpu.memory_space<vmem>>) semaphore(%arg10 : memref<!tpu.dma_semaphore, #tpu.memory_space<semaphore_mem>>)
    %dma_wait3A_62 = arith.constant 3 : i32
    %dma_wait3A_63 = arith.constant 0 : i32
    %dma_wait3A_64 = tpu.memref_slice %arg5[%dma_wait3A_62, %dma_wait3A_63] : memref<4x128xi32, #tpu.memory_space<vmem>> -> memref<1x32xi32, #tpu.memory_space<vmem>>
    %dma_wait3A_65 = tpu.memref_squeeze %dma_wait3A_64 : memref<1x32xi32, #tpu.memory_space<vmem>> -> memref<32xi32, #tpu.memory_space<vmem>>
    %dma_wait3A_66 = arith.constant 0 : i32
    %dma_wait3A_67 = arith.constant 0 : i32
    %dma_wait3A_68 = tpu.memref_slice %arg2[%dma_wait3A_66, %dma_wait3A_67] : memref<4096x1024xi32, #tpu.memory_space<hbm>> -> memref<4096x1024xi32, #tpu.memory_space<hbm>>
    tpu.wait_indirect_dma semaphore(%arg9 : memref<!tpu.dma_semaphore, #tpu.memory_space<semaphore_mem>>) src(%dma_wait3A_68 : memref<4096x1024xi32, #tpu.memory_space<hbm>>) dst(%arg7 : memref<32x1024xi32, #tpu.memory_space<vmem>>)
    %parallel_loop3A_69 = arith.constant 0 : i32
    %parallel_loop3A_70 = arith.constant 2048 : i32
    %parallel_loop3A_71 = arith.constant 1 : i32
    scf.for %parallel_loop3A_300 = %parallel_loop3A_69 to %parallel_loop3A_70 step %parallel_loop3A_71  : i32 {
      %parallel_loop3A_301 = arith.constant 6 : i32
      %parallel_loop3A_302 = arith.shrui %parallel_loop3A_300, %parallel_loop3A_301 : i32
      %parallel_loop3A_303 = arith.constant 2 : i32
      %parallel_loop3A_304 = arith.muli %parallel_loop3A_302, %parallel_loop3A_303 : i32
      %parallel_loop3A_305 = arith.constant 63 : i32
      %parallel_loop3A_306 = arith.andi %parallel_loop3A_300, %parallel_loop3A_305 : i32
      %parallel_loop3A_307 = arith.constant 16 : i32
      %parallel_loop3A_308 = arith.muli %parallel_loop3A_306, %parallel_loop3A_307 : i32
      %parallel_loop3A_309 = tpu.memref_bitcast %arg6 : memref<32x1024xi32, #tpu.memory_space<vmem>> -> memref<64x1024xbf16, #tpu.memory_space<vmem>>
      %parallel_loop3A_310 = arith.index_cast %parallel_loop3A_304 : i32 to index
      %parallel_loop3A_311 = arith.index_cast %parallel_loop3A_308 : i32 to index
      %parallel_loop3A_312 = tpu.vector_load %parallel_loop3A_309[%parallel_loop3A_310, %parallel_loop3A_311] {strides = array<i32>} : memref<64x1024xbf16, #tpu.memory_space<vmem>>, vector<2x16xbf16>,
      %parallel_loop3A_313 = vector.shape_cast %parallel_loop3A_312 : vector<2x16xbf16> to vector<2x16xbf16>
      %parallel_loop3A_314 = tpu.memref_bitcast %arg7 : memref<32x1024xi32, #tpu.memory_space<vmem>> -> memref<64x1024xbf16, #tpu.memory_space<vmem>>
      %parallel_loop3A_315 = arith.index_cast %parallel_loop3A_304 : i32 to index
      %parallel_loop3A_316 = arith.index_cast %parallel_loop3A_308 : i32 to index
      %parallel_loop3A_317 = tpu.vector_load %parallel_loop3A_314[%parallel_loop3A_315, %parallel_loop3A_316] {strides = array<i32>} : memref<64x1024xbf16, #tpu.memory_space<vmem>>, vector<2x16xbf16>,
      %parallel_loop3A_318 = vector.shape_cast %parallel_loop3A_317 : vector<2x16xbf16> to vector<2x16xbf16>
      %parallel_loop3A_319 = arith.addf %parallel_loop3A_313, %parallel_loop3A_318 : vector<2x16xbf16>
      %parallel_loop3A_320 = tpu.memref_bitcast %arg6 : memref<32x1024xi32, #tpu.memory_space<vmem>> -> memref<64x1024xbf16, #tpu.memory_space<vmem>>
      %parallel_loop3A_321 = arith.index_cast %parallel_loop3A_304 : i32 to index
      %parallel_loop3A_322 = arith.index_cast %parallel_loop3A_308 : i32 to index
      %parallel_loop3A_323 = tpu.vector_load %parallel_loop3A_320[%parallel_loop3A_321, %parallel_loop3A_322] {strides = array<i32>} : memref<64x1024xbf16, #tpu.memory_space<vmem>>, vector<2x16xbf16>,
      %parallel_loop3A_324 = vector.shape_cast %parallel_loop3A_323 : vector<2x16xbf16> to vector<2x16xbf16>
      %parallel_loop3A_325 = vector.shape_cast %parallel_loop3A_319 : vector<2x16xbf16> to vector<2x16xbf16>
      tpu.vector_store %parallel_loop3A_320[%parallel_loop3A_321, %parallel_loop3A_322], %parallel_loop3A_325 {strides = array<i32>} : memref<64x1024xbf16, #tpu.memory_space<vmem>>, vector<2x16xbf16>,
    } {sc.loop_unroll_factor = 8 : i64, sc.parallel_access}
    %add3A_72 = arith.constant 0 : i32
    %add3A_73 = arith.addi %mul3A_2, %add3A_72 : i32
    %dma_start3A_74 = arith.constant 0 : i32
    %dma_start3A_75 = tpu.memref_slice %arg4[%add3A_73, %dma_start3A_74] : memref<4096x1024xi32, #tpu.memory_space<hbm>> -> memref<32x1024xi32, #tpu.memory_space<hbm>>
    %dma_start3A_76 = arith.constant 0 : i32
    %dma_start3A_77 = tpu.memref_slice %arg4[%add3A_73, %dma_start3A_76] : memref<4096x1024xi32, #tpu.memory_space<hbm>> -> memref<32x1024xi32, #tpu.memory_space<hbm>>
    tpu.enqueue_dma source(%arg6 : memref<32x1024xi32, #tpu.memory_space<vmem>>) target(%dma_start3A_77 : memref<32x1024xi32, #tpu.memory_space<hbm>>) target_semaphore(%arg12 : memref<!tpu.dma_semaphore, #tpu.memory_space<semaphore_mem>>)
    %dma_wait3A_78 = arith.constant 0 : i32
    %dma_wait3A_79 = tpu.memref_slice %arg4[%add3A_73, %dma_wait3A_78] : memref<4096x1024xi32, #tpu.memory_space<hbm>> -> memref<32x1024xi32, #tpu.memory_space<hbm>>
    %dma_wait3A_80 = arith.constant 0 : i32
    %dma_wait3A_81 = tpu.memref_slice %arg4[%add3A_73, %dma_wait3A_80] : memref<4096x1024xi32, #tpu.memory_space<hbm>> -> memref<32x1024xi32, #tpu.memory_space<hbm>>
    tpu.wait_dma2 semaphore(%arg12 : memref<!tpu.dma_semaphore, #tpu.memory_space<semaphore_mem>>) src(%arg6 : memref<32x1024xi32, #tpu.memory_space<vmem>>) dst(%dma_wait3A_81 : memref<32x1024xi32, #tpu.memory_space<hbm>>)
    %dma_start3A_82 = arith.constant 0 : i32
    %dma_start3A_83 = arith.constant 32 : i32
    %dma_start3A_84 = tpu.memref_slice %arg5[%dma_start3A_82, %dma_start3A_83] : memref<4x128xi32, #tpu.memory_space<vmem>> -> memref<1x32xi32, #tpu.memory_space<vmem>>
    %dma_start3A_85 = tpu.memref_squeeze %dma_start3A_84 : memref<1x32xi32, #tpu.memory_space<vmem>> -> memref<32xi32, #tpu.memory_space<vmem>>
    %dma_start3A_86 = arith.constant 0 : i32
    %dma_start3A_87 = arith.constant 0 : i32
    %dma_start3A_88 = tpu.memref_slice %arg2[%dma_start3A_86, %dma_start3A_87] : memref<4096x1024xi32, #tpu.memory_space<hbm>> -> memref<4096x1024xi32, #tpu.memory_space<hbm>>
    tpu.enqueue_indirect_dma source(%dma_start3A_88 : memref<4096x1024xi32, #tpu.memory_space<hbm>>) target(%arg6 : memref<32x1024xi32, #tpu.memory_space<vmem>>) offsets(%dma_start3A_85 : memref<32xi32, #tpu.memory_space<vmem>>) semaphore(%arg11 : memref<!tpu.dma_semaphore, #tpu.memory_space<semaphore_mem>>)
    %dma_wait3A_89 = arith.constant 0 : i32
    %dma_wait3A_90 = arith.constant 32 : i32
    %dma_wait3A_91 = tpu.memref_slice %arg5[%dma_wait3A_89, %dma_wait3A_90] : memref<4x128xi32, #tpu.memory_space<vmem>> -> memref<1x32xi32, #tpu.memory_space<vmem>>
    %dma_wait3A_92 = tpu.memref_squeeze %dma_wait3A_91 : memref<1x32xi32, #tpu.memory_space<vmem>> -> memref<32xi32, #tpu.memory_space<vmem>>
    %dma_wait3A_93 = arith.constant 0 : i32
    %dma_wait3A_94 = arith.constant 0 : i32
    %dma_wait3A_95 = tpu.memref_slice %arg2[%dma_wait3A_93, %dma_wait3A_94] : memref<4096x1024xi32, #tpu.memory_space<hbm>> -> memref<4096x1024xi32, #tpu.memory_space<hbm>>
    tpu.wait_indirect_dma semaphore(%arg11 : memref<!tpu.dma_semaphore, #tpu.memory_space<semaphore_mem>>) src(%dma_wait3A_95 : memref<4096x1024xi32, #tpu.memory_space<hbm>>) dst(%arg6 : memref<32x1024xi32, #tpu.memory_space<vmem>>)
    %dma_start3A_96 = arith.constant 2 : i32
    %dma_start3A_97 = arith.constant 32 : i32
    %dma_start3A_98 = tpu.memref_slice %arg5[%dma_start3A_96, %dma_start3A_97] : memref<4x128xi32, #tpu.memory_space<vmem>> -> memref<1x32xi32, #tpu.memory_space<vmem>>
    %dma_start3A_99 = tpu.memref_squeeze %dma_start3A_98 : memref<1x32xi32, #tpu.memory_space<vmem>> -> memref<32xi32, #tpu.memory_space<vmem>>
    %dma_start3A_100 = arith.constant 0 : i32
    %dma_start3A_101 = arith.constant 0 : i32
    %dma_start3A_102 = tpu.memref_slice %arg2[%dma_start3A_100, %dma_start3A_101] : memref<4096x1024xi32, #tpu.memory_space<hbm>> -> memref<4096x1024xi32, #tpu.memory_space<hbm>>
    tpu.enqueue_indirect_dma source(%dma_start3A_102 : memref<4096x1024xi32, #tpu.memory_space<hbm>>) target(%arg7 : memref<32x1024xi32, #tpu.memory_space<vmem>>) offsets(%dma_start3A_99 : memref<32xi32, #tpu.memory_space<vmem>>) semaphore(%arg9 : memref<!tpu.dma_semaphore, #tpu.memory_space<semaphore_mem>>)
    %dma_wait3A_103 = arith.constant 1 : i32
    %dma_wait3A_104 = arith.constant 32 : i32
    %dma_wait3A_105 = tpu.memref_slice %arg5[%dma_wait3A_103, %dma_wait3A_104] : memref<4x128xi32, #tpu.memory_space<vmem>> -> memref<1x32xi32, #tpu.memory_space<vmem>>
    %dma_wait3A_106 = tpu.memref_squeeze %dma_wait3A_105 : memref<1x32xi32, #tpu.memory_space<vmem>> -> memref<32xi32, #tpu.memory_space<vmem>>
    %dma_wait3A_107 = arith.constant 0 : i32
    %dma_wait3A_108 = arith.constant 0 : i32
    %dma_wait3A_109 = tpu.memref_slice %arg2[%dma_wait3A_107, %dma_wait3A_108] : memref<4096x1024xi32, #tpu.memory_space<hbm>> -> memref<4096x1024xi32, #tpu.memory_space<hbm>>
    tpu.wait_indirect_dma semaphore(%arg10 : memref<!tpu.dma_semaphore, #tpu.memory_space<semaphore_mem>>) src(%dma_wait3A_109 : memref<4096x1024xi32, #tpu.memory_space<hbm>>) dst(%arg8 : memref<32x1024xi32, #tpu.memory_space<vmem>>)
    %parallel_loop3A_110 = arith.constant 0 : i32
    %parallel_loop3A_111 = arith.constant 2048 : i32
    %parallel_loop3A_112 = arith.constant 1 : i32
    scf.for %parallel_loop3A_300 = %parallel_loop3A_110 to %parallel_loop3A_111 step %parallel_loop3A_112  : i32 {
      %parallel_loop3A_301 = arith.constant 6 : i32
      %parallel_loop3A_302 = arith.shrui %parallel_loop3A_300, %parallel_loop3A_301 : i32
      %parallel_loop3A_303 = arith.constant 2 : i32
      %parallel_loop3A_304 = arith.muli %parallel_loop3A_302, %parallel_loop3A_303 : i32
      %parallel_loop3A_305 = arith.constant 63 : i32
      %parallel_loop3A_306 = arith.andi %parallel_loop3A_300, %parallel_loop3A_305 : i32
      %parallel_loop3A_307 = arith.constant 16 : i32
      %parallel_loop3A_308 = arith.muli %parallel_loop3A_306, %parallel_loop3A_307 : i32
      %parallel_loop3A_309 = tpu.memref_bitcast %arg6 : memref<32x1024xi32, #tpu.memory_space<vmem>> -> memref<64x1024xbf16, #tpu.memory_space<vmem>>
      %parallel_loop3A_310 = arith.index_cast %parallel_loop3A_304 : i32 to index
      %parallel_loop3A_311 = arith.index_cast %parallel_loop3A_308 : i32 to index
      %parallel_loop3A_312 = tpu.vector_load %parallel_loop3A_309[%parallel_loop3A_310, %parallel_loop3A_311] {strides = array<i32>} : memref<64x1024xbf16, #tpu.memory_space<vmem>>, vector<2x16xbf16>,
      %parallel_loop3A_313 = vector.shape_cast %parallel_loop3A_312 : vector<2x16xbf16> to vector<2x16xbf16>
      %parallel_loop3A_314 = tpu.memref_bitcast %arg8 : memref<32x1024xi32, #tpu.memory_space<vmem>> -> memref<64x1024xbf16, #tpu.memory_space<vmem>>
      %parallel_loop3A_315 = arith.index_cast %parallel_loop3A_304 : i32 to index
      %parallel_loop3A_316 = arith.index_cast %parallel_loop3A_308 : i32 to index
      %parallel_loop3A_317 = tpu.vector_load %parallel_loop3A_314[%parallel_loop3A_315, %parallel_loop3A_316] {strides = array<i32>} : memref<64x1024xbf16, #tpu.memory_space<vmem>>, vector<2x16xbf16>,
      %parallel_loop3A_318 = vector.shape_cast %parallel_loop3A_317 : vector<2x16xbf16> to vector<2x16xbf16>
      %parallel_loop3A_319 = arith.addf %parallel_loop3A_313, %parallel_loop3A_318 : vector<2x16xbf16>
      %parallel_loop3A_320 = tpu.memref_bitcast %arg6 : memref<32x1024xi32, #tpu.memory_space<vmem>> -> memref<64x1024xbf16, #tpu.memory_space<vmem>>
      %parallel_loop3A_321 = arith.index_cast %parallel_loop3A_304 : i32 to index
      %parallel_loop3A_322 = arith.index_cast %parallel_loop3A_308 : i32 to index
      %parallel_loop3A_323 = tpu.vector_load %parallel_loop3A_320[%parallel_loop3A_321, %parallel_loop3A_322] {strides = array<i32>} : memref<64x1024xbf16, #tpu.memory_space<vmem>>, vector<2x16xbf16>,
      %parallel_loop3A_324 = vector.shape_cast %parallel_loop3A_323 : vector<2x16xbf16> to vector<2x16xbf16>
      %parallel_loop3A_325 = vector.shape_cast %parallel_loop3A_319 : vector<2x16xbf16> to vector<2x16xbf16>
      tpu.vector_store %parallel_loop3A_320[%parallel_loop3A_321, %parallel_loop3A_322], %parallel_loop3A_325 {strides = array<i32>} : memref<64x1024xbf16, #tpu.memory_space<vmem>>, vector<2x16xbf16>,
    } {sc.loop_unroll_factor = 8 : i64, sc.parallel_access}
    %dma_start3A_113 = arith.constant 3 : i32
    %dma_start3A_114 = arith.constant 32 : i32
    %dma_start3A_115 = tpu.memref_slice %arg5[%dma_start3A_113, %dma_start3A_114] : memref<4x128xi32, #tpu.memory_space<vmem>> -> memref<1x32xi32, #tpu.memory_space<vmem>>
    %dma_start3A_116 = tpu.memref_squeeze %dma_start3A_115 : memref<1x32xi32, #tpu.memory_space<vmem>> -> memref<32xi32, #tpu.memory_space<vmem>>
    %dma_start3A_117 = arith.constant 0 : i32
    %dma_start3A_118 = arith.constant 0 : i32
    %dma_start3A_119 = tpu.memref_slice %arg2[%dma_start3A_117, %dma_start3A_118] : memref<4096x1024xi32, #tpu.memory_space<hbm>> -> memref<4096x1024xi32, #tpu.memory_space<hbm>>
    tpu.enqueue_indirect_dma source(%dma_start3A_119 : memref<4096x1024xi32, #tpu.memory_space<hbm>>) target(%arg8 : memref<32x1024xi32, #tpu.memory_space<vmem>>) offsets(%dma_start3A_116 : memref<32xi32, #tpu.memory_space<vmem>>) semaphore(%arg10 : memref<!tpu.dma_semaphore, #tpu.memory_space<semaphore_mem>>)
    %dma_wait3A_120 = arith.constant 2 : i32
    %dma_wait3A_121 = arith.constant 32 : i32
    %dma_wait3A_122 = tpu.memref_slice %arg5[%dma_wait3A_120, %dma_wait3A_121] : memref<4x128xi32, #tpu.memory_space<vmem>> -> memref<1x32xi32, #tpu.memory_space<vmem>>
    %dma_wait3A_123 = tpu.memref_squeeze %dma_wait3A_122 : memref<1x32xi32, #tpu.memory_space<vmem>> -> memref<32xi32, #tpu.memory_space<vmem>>
    %dma_wait3A_124 = arith.constant 0 : i32
    %dma_wait3A_125 = arith.constant 0 : i32
    %dma_wait3A_126 = tpu.memref_slice %arg2[%dma_wait3A_124, %dma_wait3A_125] : memref<4096x1024xi32, #tpu.memory_space<hbm>> -> memref<4096x1024xi32, #tpu.memory_space<hbm>>
    tpu.wait_indirect_dma semaphore(%arg9 : memref<!tpu.dma_semaphore, #tpu.memory_space<semaphore_mem>>) src(%dma_wait3A_126 : memref<4096x1024xi32, #tpu.memory_space<hbm>>) dst(%arg7 : memref<32x1024xi32, #tpu.memory_space<vmem>>)
    %parallel_loop3A_127 = arith.constant 0 : i32
    %parallel_loop3A_128 = arith.constant 2048 : i32
    %parallel_loop3A_129 = arith.constant 1 : i32
    scf.for %parallel_loop3A_300 = %parallel_loop3A_127 to %parallel_loop3A_128 step %parallel_loop3A_129  : i32 {
      %parallel_loop3A_301 = arith.constant 6 : i32
      %parallel_loop3A_302 = arith.shrui %parallel_loop3A_300, %parallel_loop3A_301 : i32
      %parallel_loop3A_303 = arith.constant 2 : i32
      %parallel_loop3A_304 = arith.muli %parallel_loop3A_302, %parallel_loop3A_303 : i32
      %parallel_loop3A_305 = arith.constant 63 : i32
      %parallel_loop3A_306 = arith.andi %parallel_loop3A_300, %parallel_loop3A_305 : i32
      %parallel_loop3A_307 = arith.constant 16 : i32
      %parallel_loop3A_308 = arith.muli %parallel_loop3A_306, %parallel_loop3A_307 : i32
      %parallel_loop3A_309 = tpu.memref_bitcast %arg6 : memref<32x1024xi32, #tpu.memory_space<vmem>> -> memref<64x1024xbf16, #tpu.memory_space<vmem>>
      %parallel_loop3A_310 = arith.index_cast %parallel_loop3A_304 : i32 to index
      %parallel_loop3A_311 = arith.index_cast %parallel_loop3A_308 : i32 to index
      %parallel_loop3A_312 = tpu.vector_load %parallel_loop3A_309[%parallel_loop3A_310, %parallel_loop3A_311] {strides = array<i32>} : memref<64x1024xbf16, #tpu.memory_space<vmem>>, vector<2x16xbf16>,
      %parallel_loop3A_313 = vector.shape_cast %parallel_loop3A_312 : vector<2x16xbf16> to vector<2x16xbf16>
      %parallel_loop3A_314 = tpu.memref_bitcast %arg7 : memref<32x1024xi32, #tpu.memory_space<vmem>> -> memref<64x1024xbf16, #tpu.memory_space<vmem>>
      %parallel_loop3A_315 = arith.index_cast %parallel_loop3A_304 : i32 to index
      %parallel_loop3A_316 = arith.index_cast %parallel_loop3A_308 : i32 to index
      %parallel_loop3A_317 = tpu.vector_load %parallel_loop3A_314[%parallel_loop3A_315, %parallel_loop3A_316] {strides = array<i32>} : memref<64x1024xbf16, #tpu.memory_space<vmem>>, vector<2x16xbf16>,
      %parallel_loop3A_318 = vector.shape_cast %parallel_loop3A_317 : vector<2x16xbf16> to vector<2x16xbf16>
      %parallel_loop3A_319 = arith.addf %parallel_loop3A_313, %parallel_loop3A_318 : vector<2x16xbf16>
      %parallel_loop3A_320 = tpu.memref_bitcast %arg6 : memref<32x1024xi32, #tpu.memory_space<vmem>> -> memref<64x1024xbf16, #tpu.memory_space<vmem>>
      %parallel_loop3A_321 = arith.index_cast %parallel_loop3A_304 : i32 to index
      %parallel_loop3A_322 = arith.index_cast %parallel_loop3A_308 : i32 to index
      %parallel_loop3A_323 = tpu.vector_load %parallel_loop3A_320[%parallel_loop3A_321, %parallel_loop3A_322] {strides = array<i32>} : memref<64x1024xbf16, #tpu.memory_space<vmem>>, vector<2x16xbf16>,
      %parallel_loop3A_324 = vector.shape_cast %parallel_loop3A_323 : vector<2x16xbf16> to vector<2x16xbf16>
      %parallel_loop3A_325 = vector.shape_cast %parallel_loop3A_319 : vector<2x16xbf16> to vector<2x16xbf16>
      tpu.vector_store %parallel_loop3A_320[%parallel_loop3A_321, %parallel_loop3A_322], %parallel_loop3A_325 {strides = array<i32>} : memref<64x1024xbf16, #tpu.memory_space<vmem>>, vector<2x16xbf16>,
    } {sc.loop_unroll_factor = 8 : i64, sc.parallel_access}
    %dma_start3A_130 = arith.constant 1 : i32
    %dma_start3A_131 = arith.constant 64 : i32
    %dma_start3A_132 = tpu.memref_slice %arg5[%dma_start3A_130, %dma_start3A_131] : memref<4x128xi32, #tpu.memory_space<vmem>> -> memref<1x32xi32, #tpu.memory_space<vmem>>
    %dma_start3A_133 = tpu.memref_squeeze %dma_start3A_132 : memref<1x32xi32, #tpu.memory_space<vmem>> -> memref<32xi32, #tpu.memory_space<vmem>>
    %dma_start3A_134 = arith.constant 0 : i32
    %dma_start3A_135 = arith.constant 0 : i32
    %dma_start3A_136 = tpu.memref_slice %arg2[%dma_start3A_134, %dma_start3A_135] : memref<4096x1024xi32, #tpu.memory_space<hbm>> -> memref<4096x1024xi32, #tpu.memory_space<hbm>>
    tpu.enqueue_indirect_dma source(%dma_start3A_136 : memref<4096x1024xi32, #tpu.memory_space<hbm>>) target(%arg7 : memref<32x1024xi32, #tpu.memory_space<vmem>>) offsets(%dma_start3A_133 : memref<32xi32, #tpu.memory_space<vmem>>) semaphore(%arg9 : memref<!tpu.dma_semaphore, #tpu.memory_space<semaphore_mem>>)
    %dma_wait3A_137 = arith.constant 3 : i32
    %dma_wait3A_138 = arith.constant 32 : i32
    %dma_wait3A_139 = tpu.memref_slice %arg5[%dma_wait3A_137, %dma_wait3A_138] : memref<4x128xi32, #tpu.memory_space<vmem>> -> memref<1x32xi32, #tpu.memory_space<vmem>>
    %dma_wait3A_140 = tpu.memref_squeeze %dma_wait3A_139 : memref<1x32xi32, #tpu.memory_space<vmem>> -> memref<32xi32, #tpu.memory_space<vmem>>
    %dma_wait3A_141 = arith.constant 0 : i32
    %dma_wait3A_142 = arith.constant 0 : i32
    %dma_wait3A_143 = tpu.memref_slice %arg2[%dma_wait3A_141, %dma_wait3A_142] : memref<4096x1024xi32, #tpu.memory_space<hbm>> -> memref<4096x1024xi32, #tpu.memory_space<hbm>>
    tpu.wait_indirect_dma semaphore(%arg10 : memref<!tpu.dma_semaphore, #tpu.memory_space<semaphore_mem>>) src(%dma_wait3A_143 : memref<4096x1024xi32, #tpu.memory_space<hbm>>) dst(%arg8 : memref<32x1024xi32, #tpu.memory_space<vmem>>)
    %parallel_loop3A_144 = arith.constant 0 : i32
    %parallel_loop3A_145 = arith.constant 2048 : i32
    %parallel_loop3A_146 = arith.constant 1 : i32
    scf.for %parallel_loop3A_300 = %parallel_loop3A_144 to %parallel_loop3A_145 step %parallel_loop3A_146  : i32 {
      %parallel_loop3A_301 = arith.constant 6 : i32
      %parallel_loop3A_302 = arith.shrui %parallel_loop3A_300, %parallel_loop3A_301 : i32
      %parallel_loop3A_303 = arith.constant 2 : i32
      %parallel_loop3A_304 = arith.muli %parallel_loop3A_302, %parallel_loop3A_303 : i32
      %parallel_loop3A_305 = arith.constant 63 : i32
      %parallel_loop3A_306 = arith.andi %parallel_loop3A_300, %parallel_loop3A_305 : i32
      %parallel_loop3A_307 = arith.constant 16 : i32
      %parallel_loop3A_308 = arith.muli %parallel_loop3A_306, %parallel_loop3A_307 : i32
      %parallel_loop3A_309 = tpu.memref_bitcast %arg6 : memref<32x1024xi32, #tpu.memory_space<vmem>> -> memref<64x1024xbf16, #tpu.memory_space<vmem>>
      %parallel_loop3A_310 = arith.index_cast %parallel_loop3A_304 : i32 to index
      %parallel_loop3A_311 = arith.index_cast %parallel_loop3A_308 : i32 to index
      %parallel_loop3A_312 = tpu.vector_load %parallel_loop3A_309[%parallel_loop3A_310, %parallel_loop3A_311] {strides = array<i32>} : memref<64x1024xbf16, #tpu.memory_space<vmem>>, vector<2x16xbf16>,
      %parallel_loop3A_313 = vector.shape_cast %parallel_loop3A_312 : vector<2x16xbf16> to vector<2x16xbf16>
      %parallel_loop3A_314 = tpu.memref_bitcast %arg8 : memref<32x1024xi32, #tpu.memory_space<vmem>> -> memref<64x1024xbf16, #tpu.memory_space<vmem>>
      %parallel_loop3A_315 = arith.index_cast %parallel_loop3A_304 : i32 to index
      %parallel_loop3A_316 = arith.index_cast %parallel_loop3A_308 : i32 to index
      %parallel_loop3A_317 = tpu.vector_load %parallel_loop3A_314[%parallel_loop3A_315, %parallel_loop3A_316] {strides = array<i32>} : memref<64x1024xbf16, #tpu.memory_space<vmem>>, vector<2x16xbf16>,
      %parallel_loop3A_318 = vector.shape_cast %parallel_loop3A_317 : vector<2x16xbf16> to vector<2x16xbf16>
      %parallel_loop3A_319 = arith.addf %parallel_loop3A_313, %parallel_loop3A_318 : vector<2x16xbf16>
      %parallel_loop3A_320 = tpu.memref_bitcast %arg6 : memref<32x1024xi32, #tpu.memory_space<vmem>> -> memref<64x1024xbf16, #tpu.memory_space<vmem>>
      %parallel_loop3A_321 = arith.index_cast %parallel_loop3A_304 : i32 to index
      %parallel_loop3A_322 = arith.index_cast %parallel_loop3A_308 : i32 to index
      %parallel_loop3A_323 = tpu.vector_load %parallel_loop3A_320[%parallel_loop3A_321, %parallel_loop3A_322] {strides = array<i32>} : memref<64x1024xbf16, #tpu.memory_space<vmem>>, vector<2x16xbf16>,
      %parallel_loop3A_324 = vector.shape_cast %parallel_loop3A_323 : vector<2x16xbf16> to vector<2x16xbf16>
      %parallel_loop3A_325 = vector.shape_cast %parallel_loop3A_319 : vector<2x16xbf16> to vector<2x16xbf16>
      tpu.vector_store %parallel_loop3A_320[%parallel_loop3A_321, %parallel_loop3A_322], %parallel_loop3A_325 {strides = array<i32>} : memref<64x1024xbf16, #tpu.memory_space<vmem>>, vector<2x16xbf16>,
    } {sc.loop_unroll_factor = 8 : i64, sc.parallel_access}
    %add3A_147 = arith.constant 32 : i32
    %add3A_148 = arith.addi %mul3A_2, %add3A_147 : i32
    %dma_start3A_149 = arith.constant 0 : i32
    %dma_start3A_150 = tpu.memref_slice %arg4[%add3A_148, %dma_start3A_149] : memref<4096x1024xi32, #tpu.memory_space<hbm>> -> memref<32x1024xi32, #tpu.memory_space<hbm>>
    %dma_start3A_151 = arith.constant 0 : i32
    %dma_start3A_152 = tpu.memref_slice %arg4[%add3A_148, %dma_start3A_151] : memref<4096x1024xi32, #tpu.memory_space<hbm>> -> memref<32x1024xi32, #tpu.memory_space<hbm>>
    tpu.enqueue_dma source(%arg6 : memref<32x1024xi32, #tpu.memory_space<vmem>>) target(%dma_start3A_152 : memref<32x1024xi32, #tpu.memory_space<hbm>>) target_semaphore(%arg12 : memref<!tpu.dma_semaphore, #tpu.memory_space<semaphore_mem>>)
    %dma_wait3A_153 = arith.constant 0 : i32
    %dma_wait3A_154 = tpu.memref_slice %arg4[%add3A_148, %dma_wait3A_153] : memref<4096x1024xi32, #tpu.memory_space<hbm>> -> memref<32x1024xi32, #tpu.memory_space<hbm>>
    %dma_wait3A_155 = arith.constant 0 : i32
    %dma_wait3A_156 = tpu.memref_slice %arg4[%add3A_148, %dma_wait3A_155] : memref<4096x1024xi32, #tpu.memory_space<hbm>> -> memref<32x1024xi32, #tpu.memory_space<hbm>>
    tpu.wait_dma2 semaphore(%arg12 : memref<!tpu.dma_semaphore, #tpu.memory_space<semaphore_mem>>) src(%arg6 : memref<32x1024xi32, #tpu.memory_space<vmem>>) dst(%dma_wait3A_156 : memref<32x1024xi32, #tpu.memory_space<hbm>>)
    %dma_start3A_157 = arith.constant 0 : i32
    %dma_start3A_158 = arith.constant 64 : i32
    %dma_start3A_159 = tpu.memref_slice %arg5[%dma_start3A_157, %dma_start3A_158] : memref<4x128xi32, #tpu.memory_space<vmem>> -> memref<1x32xi32, #tpu.memory_space<vmem>>
    %dma_start3A_160 = tpu.memref_squeeze %dma_start3A_159 : memref<1x32xi32, #tpu.memory_space<vmem>> -> memref<32xi32, #tpu.memory_space<vmem>>
    %dma_start3A_161 = arith.constant 0 : i32
    %dma_start3A_162 = arith.constant 0 : i32
    %dma_start3A_163 = tpu.memref_slice %arg2[%dma_start3A_161, %dma_start3A_162] : memref<4096x1024xi32, #tpu.memory_space<hbm>> -> memref<4096x1024xi32, #tpu.memory_space<hbm>>
    tpu.enqueue_indirect_dma source(%dma_start3A_163 : memref<4096x1024xi32, #tpu.memory_space<hbm>>) target(%arg6 : memref<32x1024xi32, #tpu.memory_space<vmem>>) offsets(%dma_start3A_160 : memref<32xi32, #tpu.memory_space<vmem>>) semaphore(%arg11 : memref<!tpu.dma_semaphore, #tpu.memory_space<semaphore_mem>>)
    %dma_wait3A_164 = arith.constant 0 : i32
    %dma_wait3A_165 = arith.constant 64 : i32
    %dma_wait3A_166 = tpu.memref_slice %arg5[%dma_wait3A_164, %dma_wait3A_165] : memref<4x128xi32, #tpu.memory_space<vmem>> -> memref<1x32xi32, #tpu.memory_space<vmem>>
    %dma_wait3A_167 = tpu.memref_squeeze %dma_wait3A_166 : memref<1x32xi32, #tpu.memory_space<vmem>> -> memref<32xi32, #tpu.memory_space<vmem>>
    %dma_wait3A_168 = arith.constant 0 : i32
    %dma_wait3A_169 = arith.constant 0 : i32
    %dma_wait3A_170 = tpu.memref_slice %arg2[%dma_wait3A_168, %dma_wait3A_169] : memref<4096x1024xi32, #tpu.memory_space<hbm>> -> memref<4096x1024xi32, #tpu.memory_space<hbm>>
    tpu.wait_indirect_dma semaphore(%arg11 : memref<!tpu.dma_semaphore, #tpu.memory_space<semaphore_mem>>) src(%dma_wait3A_170 : memref<4096x1024xi32, #tpu.memory_space<hbm>>) dst(%arg6 : memref<32x1024xi32, #tpu.memory_space<vmem>>)
    %dma_start3A_171 = arith.constant 2 : i32
    %dma_start3A_172 = arith.constant 64 : i32
    %dma_start3A_173 = tpu.memref_slice %arg5[%dma_start3A_171, %dma_start3A_172] : memref<4x128xi32, #tpu.memory_space<vmem>> -> memref<1x32xi32, #tpu.memory_space<vmem>>
    %dma_start3A_174 = tpu.memref_squeeze %dma_start3A_173 : memref<1x32xi32, #tpu.memory_space<vmem>> -> memref<32xi32, #tpu.memory_space<vmem>>
    %dma_start3A_175 = arith.constant 0 : i32
    %dma_start3A_176 = arith.constant 0 : i32
    %dma_start3A_177 = tpu.memref_slice %arg2[%dma_start3A_175, %dma_start3A_176] : memref<4096x1024xi32, #tpu.memory_space<hbm>> -> memref<4096x1024xi32, #tpu.memory_space<hbm>>
    tpu.enqueue_indirect_dma source(%dma_start3A_177 : memref<4096x1024xi32, #tpu.memory_space<hbm>>) target(%arg8 : memref<32x1024xi32, #tpu.memory_space<vmem>>) offsets(%dma_start3A_174 : memref<32xi32, #tpu.memory_space<vmem>>) semaphore(%arg10 : memref<!tpu.dma_semaphore, #tpu.memory_space<semaphore_mem>>)
    %dma_wait3A_178 = arith.constant 1 : i32
    %dma_wait3A_179 = arith.constant 64 : i32
    %dma_wait3A_180 = tpu.memref_slice %arg5[%dma_wait3A_178, %dma_wait3A_179] : memref<4x128xi32, #tpu.memory_space<vmem>> -> memref<1x32xi32, #tpu.memory_space<vmem>>
    %dma_wait3A_181 = tpu.memref_squeeze %dma_wait3A_180 : memref<1x32xi32, #tpu.memory_space<vmem>> -> memref<32xi32, #tpu.memory_space<vmem>>
    %dma_wait3A_182 = arith.constant 0 : i32
    %dma_wait3A_183 = arith.constant 0 : i32
    %dma_wait3A_184 = tpu.memref_slice %arg2[%dma_wait3A_182, %dma_wait3A_183] : memref<4096x1024xi32, #tpu.memory_space<hbm>> -> memref<4096x1024xi32, #tpu.memory_space<hbm>>
    tpu.wait_indirect_dma semaphore(%arg9 : memref<!tpu.dma_semaphore, #tpu.memory_space<semaphore_mem>>) src(%dma_wait3A_184 : memref<4096x1024xi32, #tpu.memory_space<hbm>>) dst(%arg7 : memref<32x1024xi32, #tpu.memory_space<vmem>>)
    %parallel_loop3A_185 = arith.constant 0 : i32
    %parallel_loop3A_186 = arith.constant 2048 : i32
    %parallel_loop3A_187 = arith.constant 1 : i32
    scf.for %parallel_loop3A_300 = %parallel_loop3A_185 to %parallel_loop3A_186 step %parallel_loop3A_187  : i32 {
      %parallel_loop3A_301 = arith.constant 6 : i32
      %parallel_loop3A_302 = arith.shrui %parallel_loop3A_300, %parallel_loop3A_301 : i32
      %parallel_loop3A_303 = arith.constant 2 : i32
      %parallel_loop3A_304 = arith.muli %parallel_loop3A_302, %parallel_loop3A_303 : i32
      %parallel_loop3A_305 = arith.constant 63 : i32
      %parallel_loop3A_306 = arith.andi %parallel_loop3A_300, %parallel_loop3A_305 : i32
      %parallel_loop3A_307 = arith.constant 16 : i32
      %parallel_loop3A_308 = arith.muli %parallel_loop3A_306, %parallel_loop3A_307 : i32
      %parallel_loop3A_309 = tpu.memref_bitcast %arg6 : memref<32x1024xi32, #tpu.memory_space<vmem>> -> memref<64x1024xbf16, #tpu.memory_space<vmem>>
      %parallel_loop3A_310 = arith.index_cast %parallel_loop3A_304 : i32 to index
      %parallel_loop3A_311 = arith.index_cast %parallel_loop3A_308 : i32 to index
      %parallel_loop3A_312 = tpu.vector_load %parallel_loop3A_309[%parallel_loop3A_310, %parallel_loop3A_311] {strides = array<i32>} : memref<64x1024xbf16, #tpu.memory_space<vmem>>, vector<2x16xbf16>,
      %parallel_loop3A_313 = vector.shape_cast %parallel_loop3A_312 : vector<2x16xbf16> to vector<2x16xbf16>
      %parallel_loop3A_314 = tpu.memref_bitcast %arg7 : memref<32x1024xi32, #tpu.memory_space<vmem>> -> memref<64x1024xbf16, #tpu.memory_space<vmem>>
      %parallel_loop3A_315 = arith.index_cast %parallel_loop3A_304 : i32 to index
      %parallel_loop3A_316 = arith.index_cast %parallel_loop3A_308 : i32 to index
      %parallel_loop3A_317 = tpu.vector_load %parallel_loop3A_314[%parallel_loop3A_315, %parallel_loop3A_316] {strides = array<i32>} : memref<64x1024xbf16, #tpu.memory_space<vmem>>, vector<2x16xbf16>,
      %parallel_loop3A_318 = vector.shape_cast %parallel_loop3A_317 : vector<2x16xbf16> to vector<2x16xbf16>
      %parallel_loop3A_319 = arith.addf %parallel_loop3A_313, %parallel_loop3A_318 : vector<2x16xbf16>
      %parallel_loop3A_320 = tpu.memref_bitcast %arg6 : memref<32x1024xi32, #tpu.memory_space<vmem>> -> memref<64x1024xbf16, #tpu.memory_space<vmem>>
      %parallel_loop3A_321 = arith.index_cast %parallel_loop3A_304 : i32 to index
      %parallel_loop3A_322 = arith.index_cast %parallel_loop3A_308 : i32 to index
      %parallel_loop3A_323 = tpu.vector_load %parallel_loop3A_320[%parallel_loop3A_321, %parallel_loop3A_322] {strides = array<i32>} : memref<64x1024xbf16, #tpu.memory_space<vmem>>, vector<2x16xbf16>,
      %parallel_loop3A_324 = vector.shape_cast %parallel_loop3A_323 : vector<2x16xbf16> to vector<2x16xbf16>
      %parallel_loop3A_325 = vector.shape_cast %parallel_loop3A_319 : vector<2x16xbf16> to vector<2x16xbf16>
      tpu.vector_store %parallel_loop3A_320[%parallel_loop3A_321, %parallel_loop3A_322], %parallel_loop3A_325 {strides = array<i32>} : memref<64x1024xbf16, #tpu.memory_space<vmem>>, vector<2x16xbf16>,
    } {sc.loop_unroll_factor = 8 : i64, sc.parallel_access}
    %dma_start3A_188 = arith.constant 3 : i32
    %dma_start3A_189 = arith.constant 64 : i32
    %dma_start3A_190 = tpu.memref_slice %arg5[%dma_start3A_188, %dma_start3A_189] : memref<4x128xi32, #tpu.memory_space<vmem>> -> memref<1x32xi32, #tpu.memory_space<vmem>>
    %dma_start3A_191 = tpu.memref_squeeze %dma_start3A_190 : memref<1x32xi32, #tpu.memory_space<vmem>> -> memref<32xi32, #tpu.memory_space<vmem>>
    %dma_start3A_192 = arith.constant 0 : i32
    %dma_start3A_193 = arith.constant 0 : i32
    %dma_start3A_194 = tpu.memref_slice %arg2[%dma_start3A_192, %dma_start3A_193] : memref<4096x1024xi32, #tpu.memory_space<hbm>> -> memref<4096x1024xi32, #tpu.memory_space<hbm>>
    tpu.enqueue_indirect_dma source(%dma_start3A_194 : memref<4096x1024xi32, #tpu.memory_space<hbm>>) target(%arg7 : memref<32x1024xi32, #tpu.memory_space<vmem>>) offsets(%dma_start3A_191 : memref<32xi32, #tpu.memory_space<vmem>>) semaphore(%arg9 : memref<!tpu.dma_semaphore, #tpu.memory_space<semaphore_mem>>)
    %dma_wait3A_195 = arith.constant 2 : i32
    %dma_wait3A_196 = arith.constant 64 : i32
    %dma_wait3A_197 = tpu.memref_slice %arg5[%dma_wait3A_195, %dma_wait3A_196] : memref<4x128xi32, #tpu.memory_space<vmem>> -> memref<1x32xi32, #tpu.memory_space<vmem>>
    %dma_wait3A_198 = tpu.memref_squeeze %dma_wait3A_197 : memref<1x32xi32, #tpu.memory_space<vmem>> -> memref<32xi32, #tpu.memory_space<vmem>>
    %dma_wait3A_199 = arith.constant 0 : i32
    %dma_wait3A_200 = arith.constant 0 : i32
    %dma_wait3A_201 = tpu.memref_slice %arg2[%dma_wait3A_199, %dma_wait3A_200] : memref<4096x1024xi32, #tpu.memory_space<hbm>> -> memref<4096x1024xi32, #tpu.memory_space<hbm>>
    tpu.wait_indirect_dma semaphore(%arg10 : memref<!tpu.dma_semaphore, #tpu.memory_space<semaphore_mem>>) src(%dma_wait3A_201 : memref<4096x1024xi32, #tpu.memory_space<hbm>>) dst(%arg8 : memref<32x1024xi32, #tpu.memory_space<vmem>>)
    %parallel_loop3A_202 = arith.constant 0 : i32
    %parallel_loop3A_203 = arith.constant 2048 : i32
    %parallel_loop3A_204 = arith.constant 1 : i32
    scf.for %parallel_loop3A_300 = %parallel_loop3A_202 to %parallel_loop3A_203 step %parallel_loop3A_204  : i32 {
      %parallel_loop3A_301 = arith.constant 6 : i32
      %parallel_loop3A_302 = arith.shrui %parallel_loop3A_300, %parallel_loop3A_301 : i32
      %parallel_loop3A_303 = arith.constant 2 : i32
      %parallel_loop3A_304 = arith.muli %parallel_loop3A_302, %parallel_loop3A_303 : i32
      %parallel_loop3A_305 = arith.constant 63 : i32
      %parallel_loop3A_306 = arith.andi %parallel_loop3A_300, %parallel_loop3A_305 : i32
      %parallel_loop3A_307 = arith.constant 16 : i32
      %parallel_loop3A_308 = arith.muli %parallel_loop3A_306, %parallel_loop3A_307 : i32
      %parallel_loop3A_309 = tpu.memref_bitcast %arg6 : memref<32x1024xi32, #tpu.memory_space<vmem>> -> memref<64x1024xbf16, #tpu.memory_space<vmem>>
      %parallel_loop3A_310 = arith.index_cast %parallel_loop3A_304 : i32 to index
      %parallel_loop3A_311 = arith.index_cast %parallel_loop3A_308 : i32 to index
      %parallel_loop3A_312 = tpu.vector_load %parallel_loop3A_309[%parallel_loop3A_310, %parallel_loop3A_311] {strides = array<i32>} : memref<64x1024xbf16, #tpu.memory_space<vmem>>, vector<2x16xbf16>,
      %parallel_loop3A_313 = vector.shape_cast %parallel_loop3A_312 : vector<2x16xbf16> to vector<2x16xbf16>
      %parallel_loop3A_314 = tpu.memref_bitcast %arg8 : memref<32x1024xi32, #tpu.memory_space<vmem>> -> memref<64x1024xbf16, #tpu.memory_space<vmem>>
      %parallel_loop3A_315 = arith.index_cast %parallel_loop3A_304 : i32 to index
      %parallel_loop3A_316 = arith.index_cast %parallel_loop3A_308 : i32 to index
      %parallel_loop3A_317 = tpu.vector_load %parallel_loop3A_314[%parallel_loop3A_315, %parallel_loop3A_316] {strides = array<i32>} : memref<64x1024xbf16, #tpu.memory_space<vmem>>, vector<2x16xbf16>,
      %parallel_loop3A_318 = vector.shape_cast %parallel_loop3A_317 : vector<2x16xbf16> to vector<2x16xbf16>
      %parallel_loop3A_319 = arith.addf %parallel_loop3A_313, %parallel_loop3A_318 : vector<2x16xbf16>
      %parallel_loop3A_320 = tpu.memref_bitcast %arg6 : memref<32x1024xi32, #tpu.memory_space<vmem>> -> memref<64x1024xbf16, #tpu.memory_space<vmem>>
      %parallel_loop3A_321 = arith.index_cast %parallel_loop3A_304 : i32 to index
      %parallel_loop3A_322 = arith.index_cast %parallel_loop3A_308 : i32 to index
      %parallel_loop3A_323 = tpu.vector_load %parallel_loop3A_320[%parallel_loop3A_321, %parallel_loop3A_322] {strides = array<i32>} : memref<64x1024xbf16, #tpu.memory_space<vmem>>, vector<2x16xbf16>,
      %parallel_loop3A_324 = vector.shape_cast %parallel_loop3A_323 : vector<2x16xbf16> to vector<2x16xbf16>
      %parallel_loop3A_325 = vector.shape_cast %parallel_loop3A_319 : vector<2x16xbf16> to vector<2x16xbf16>
      tpu.vector_store %parallel_loop3A_320[%parallel_loop3A_321, %parallel_loop3A_322], %parallel_loop3A_325 {strides = array<i32>} : memref<64x1024xbf16, #tpu.memory_space<vmem>>, vector<2x16xbf16>,
    } {sc.loop_unroll_factor = 8 : i64, sc.parallel_access}
    %dma_start3A_205 = arith.constant 1 : i32
    %dma_start3A_206 = arith.constant 96 : i32
    %dma_start3A_207 = tpu.memref_slice %arg5[%dma_start3A_205, %dma_start3A_206] : memref<4x128xi32, #tpu.memory_space<vmem>> -> memref<1x32xi32, #tpu.memory_space<vmem>>
    %dma_start3A_208 = tpu.memref_squeeze %dma_start3A_207 : memref<1x32xi32, #tpu.memory_space<vmem>> -> memref<32xi32, #tpu.memory_space<vmem>>
    %dma_start3A_209 = arith.constant 0 : i32
    %dma_start3A_210 = arith.constant 0 : i32
    %dma_start3A_211 = tpu.memref_slice %arg2[%dma_start3A_209, %dma_start3A_210] : memref<4096x1024xi32, #tpu.memory_space<hbm>> -> memref<4096x1024xi32, #tpu.memory_space<hbm>>
    tpu.enqueue_indirect_dma source(%dma_start3A_211 : memref<4096x1024xi32, #tpu.memory_space<hbm>>) target(%arg8 : memref<32x1024xi32, #tpu.memory_space<vmem>>) offsets(%dma_start3A_208 : memref<32xi32, #tpu.memory_space<vmem>>) semaphore(%arg10 : memref<!tpu.dma_semaphore, #tpu.memory_space<semaphore_mem>>)
    %dma_wait3A_212 = arith.constant 3 : i32
    %dma_wait3A_213 = arith.constant 64 : i32
    %dma_wait3A_214 = tpu.memref_slice %arg5[%dma_wait3A_212, %dma_wait3A_213] : memref<4x128xi32, #tpu.memory_space<vmem>> -> memref<1x32xi32, #tpu.memory_space<vmem>>
    %dma_wait3A_215 = tpu.memref_squeeze %dma_wait3A_214 : memref<1x32xi32, #tpu.memory_space<vmem>> -> memref<32xi32, #tpu.memory_space<vmem>>
    %dma_wait3A_216 = arith.constant 0 : i32
    %dma_wait3A_217 = arith.constant 0 : i32
    %dma_wait3A_218 = tpu.memref_slice %arg2[%dma_wait3A_216, %dma_wait3A_217] : memref<4096x1024xi32, #tpu.memory_space<hbm>> -> memref<4096x1024xi32, #tpu.memory_space<hbm>>
    tpu.wait_indirect_dma semaphore(%arg9 : memref<!tpu.dma_semaphore, #tpu.memory_space<semaphore_mem>>) src(%dma_wait3A_218 : memref<4096x1024xi32, #tpu.memory_space<hbm>>) dst(%arg7 : memref<32x1024xi32, #tpu.memory_space<vmem>>)
    %parallel_loop3A_219 = arith.constant 0 : i32
    %parallel_loop3A_220 = arith.constant 2048 : i32
    %parallel_loop3A_221 = arith.constant 1 : i32
    scf.for %parallel_loop3A_300 = %parallel_loop3A_219 to %parallel_loop3A_220 step %parallel_loop3A_221  : i32 {
      %parallel_loop3A_301 = arith.constant 6 : i32
      %parallel_loop3A_302 = arith.shrui %parallel_loop3A_300, %parallel_loop3A_301 : i32
      %parallel_loop3A_303 = arith.constant 2 : i32
      %parallel_loop3A_304 = arith.muli %parallel_loop3A_302, %parallel_loop3A_303 : i32
      %parallel_loop3A_305 = arith.constant 63 : i32
      %parallel_loop3A_306 = arith.andi %parallel_loop3A_300, %parallel_loop3A_305 : i32
      %parallel_loop3A_307 = arith.constant 16 : i32
      %parallel_loop3A_308 = arith.muli %parallel_loop3A_306, %parallel_loop3A_307 : i32
      %parallel_loop3A_309 = tpu.memref_bitcast %arg6 : memref<32x1024xi32, #tpu.memory_space<vmem>> -> memref<64x1024xbf16, #tpu.memory_space<vmem>>
      %parallel_loop3A_310 = arith.index_cast %parallel_loop3A_304 : i32 to index
      %parallel_loop3A_311 = arith.index_cast %parallel_loop3A_308 : i32 to index
      %parallel_loop3A_312 = tpu.vector_load %parallel_loop3A_309[%parallel_loop3A_310, %parallel_loop3A_311] {strides = array<i32>} : memref<64x1024xbf16, #tpu.memory_space<vmem>>, vector<2x16xbf16>,
      %parallel_loop3A_313 = vector.shape_cast %parallel_loop3A_312 : vector<2x16xbf16> to vector<2x16xbf16>
      %parallel_loop3A_314 = tpu.memref_bitcast %arg7 : memref<32x1024xi32, #tpu.memory_space<vmem>> -> memref<64x1024xbf16, #tpu.memory_space<vmem>>
      %parallel_loop3A_315 = arith.index_cast %parallel_loop3A_304 : i32 to index
      %parallel_loop3A_316 = arith.index_cast %parallel_loop3A_308 : i32 to index
      %parallel_loop3A_317 = tpu.vector_load %parallel_loop3A_314[%parallel_loop3A_315, %parallel_loop3A_316] {strides = array<i32>} : memref<64x1024xbf16, #tpu.memory_space<vmem>>, vector<2x16xbf16>,
      %parallel_loop3A_318 = vector.shape_cast %parallel_loop3A_317 : vector<2x16xbf16> to vector<2x16xbf16>
      %parallel_loop3A_319 = arith.addf %parallel_loop3A_313, %parallel_loop3A_318 : vector<2x16xbf16>
      %parallel_loop3A_320 = tpu.memref_bitcast %arg6 : memref<32x1024xi32, #tpu.memory_space<vmem>> -> memref<64x1024xbf16, #tpu.memory_space<vmem>>
      %parallel_loop3A_321 = arith.index_cast %parallel_loop3A_304 : i32 to index
      %parallel_loop3A_322 = arith.index_cast %parallel_loop3A_308 : i32 to index
      %parallel_loop3A_323 = tpu.vector_load %parallel_loop3A_320[%parallel_loop3A_321, %parallel_loop3A_322] {strides = array<i32>} : memref<64x1024xbf16, #tpu.memory_space<vmem>>, vector<2x16xbf16>,
      %parallel_loop3A_324 = vector.shape_cast %parallel_loop3A_323 : vector<2x16xbf16> to vector<2x16xbf16>
      %parallel_loop3A_325 = vector.shape_cast %parallel_loop3A_319 : vector<2x16xbf16> to vector<2x16xbf16>
      tpu.vector_store %parallel_loop3A_320[%parallel_loop3A_321, %parallel_loop3A_322], %parallel_loop3A_325 {strides = array<i32>} : memref<64x1024xbf16, #tpu.memory_space<vmem>>, vector<2x16xbf16>,
    } {sc.loop_unroll_factor = 8 : i64, sc.parallel_access}
    %add3A_222 = arith.constant 64 : i32
    %add3A_223 = arith.addi %mul3A_2, %add3A_222 : i32
    %dma_start3A_224 = arith.constant 0 : i32
    %dma_start3A_225 = tpu.memref_slice %arg4[%add3A_223, %dma_start3A_224] : memref<4096x1024xi32, #tpu.memory_space<hbm>> -> memref<32x1024xi32, #tpu.memory_space<hbm>>
    %dma_start3A_226 = arith.constant 0 : i32
    %dma_start3A_227 = tpu.memref_slice %arg4[%add3A_223, %dma_start3A_226] : memref<4096x1024xi32, #tpu.memory_space<hbm>> -> memref<32x1024xi32, #tpu.memory_space<hbm>>
    tpu.enqueue_dma source(%arg6 : memref<32x1024xi32, #tpu.memory_space<vmem>>) target(%dma_start3A_227 : memref<32x1024xi32, #tpu.memory_space<hbm>>) target_semaphore(%arg12 : memref<!tpu.dma_semaphore, #tpu.memory_space<semaphore_mem>>)
    %dma_wait3A_228 = arith.constant 0 : i32
    %dma_wait3A_229 = tpu.memref_slice %arg4[%add3A_223, %dma_wait3A_228] : memref<4096x1024xi32, #tpu.memory_space<hbm>> -> memref<32x1024xi32, #tpu.memory_space<hbm>>
    %dma_wait3A_230 = arith.constant 0 : i32
    %dma_wait3A_231 = tpu.memref_slice %arg4[%add3A_223, %dma_wait3A_230] : memref<4096x1024xi32, #tpu.memory_space<hbm>> -> memref<32x1024xi32, #tpu.memory_space<hbm>>
    tpu.wait_dma2 semaphore(%arg12 : memref<!tpu.dma_semaphore, #tpu.memory_space<semaphore_mem>>) src(%arg6 : memref<32x1024xi32, #tpu.memory_space<vmem>>) dst(%dma_wait3A_231 : memref<32x1024xi32, #tpu.memory_space<hbm>>)
    %dma_start3A_232 = arith.constant 0 : i32
    %dma_start3A_233 = arith.constant 96 : i32
    %dma_start3A_234 = tpu.memref_slice %arg5[%dma_start3A_232, %dma_start3A_233] : memref<4x128xi32, #tpu.memory_space<vmem>> -> memref<1x32xi32, #tpu.memory_space<vmem>>
    %dma_start3A_235 = tpu.memref_squeeze %dma_start3A_234 : memref<1x32xi32, #tpu.memory_space<vmem>> -> memref<32xi32, #tpu.memory_space<vmem>>
    %dma_start3A_236 = arith.constant 0 : i32
    %dma_start3A_237 = arith.constant 0 : i32
    %dma_start3A_238 = tpu.memref_slice %arg2[%dma_start3A_236, %dma_start3A_237] : memref<4096x1024xi32, #tpu.memory_space<hbm>> -> memref<4096x1024xi32, #tpu.memory_space<hbm>>
    tpu.enqueue_indirect_dma source(%dma_start3A_238 : memref<4096x1024xi32, #tpu.memory_space<hbm>>) target(%arg6 : memref<32x1024xi32, #tpu.memory_space<vmem>>) offsets(%dma_start3A_235 : memref<32xi32, #tpu.memory_space<vmem>>) semaphore(%arg11 : memref<!tpu.dma_semaphore, #tpu.memory_space<semaphore_mem>>)
    %dma_wait3A_239 = arith.constant 0 : i32
    %dma_wait3A_240 = arith.constant 96 : i32
    %dma_wait3A_241 = tpu.memref_slice %arg5[%dma_wait3A_239, %dma_wait3A_240] : memref<4x128xi32, #tpu.memory_space<vmem>> -> memref<1x32xi32, #tpu.memory_space<vmem>>
    %dma_wait3A_242 = tpu.memref_squeeze %dma_wait3A_241 : memref<1x32xi32, #tpu.memory_space<vmem>> -> memref<32xi32, #tpu.memory_space<vmem>>
    %dma_wait3A_243 = arith.constant 0 : i32
    %dma_wait3A_244 = arith.constant 0 : i32
    %dma_wait3A_245 = tpu.memref_slice %arg2[%dma_wait3A_243, %dma_wait3A_244] : memref<4096x1024xi32, #tpu.memory_space<hbm>> -> memref<4096x1024xi32, #tpu.memory_space<hbm>>
    tpu.wait_indirect_dma semaphore(%arg11 : memref<!tpu.dma_semaphore, #tpu.memory_space<semaphore_mem>>) src(%dma_wait3A_245 : memref<4096x1024xi32, #tpu.memory_space<hbm>>) dst(%arg6 : memref<32x1024xi32, #tpu.memory_space<vmem>>)
    %dma_start3A_246 = arith.constant 2 : i32
    %dma_start3A_247 = arith.constant 96 : i32
    %dma_start3A_248 = tpu.memref_slice %arg5[%dma_start3A_246, %dma_start3A_247] : memref<4x128xi32, #tpu.memory_space<vmem>> -> memref<1x32xi32, #tpu.memory_space<vmem>>
    %dma_start3A_249 = tpu.memref_squeeze %dma_start3A_248 : memref<1x32xi32, #tpu.memory_space<vmem>> -> memref<32xi32, #tpu.memory_space<vmem>>
    %dma_start3A_250 = arith.constant 0 : i32
    %dma_start3A_251 = arith.constant 0 : i32
    %dma_start3A_252 = tpu.memref_slice %arg2[%dma_start3A_250, %dma_start3A_251] : memref<4096x1024xi32, #tpu.memory_space<hbm>> -> memref<4096x1024xi32, #tpu.memory_space<hbm>>
    tpu.enqueue_indirect_dma source(%dma_start3A_252 : memref<4096x1024xi32, #tpu.memory_space<hbm>>) target(%arg7 : memref<32x1024xi32, #tpu.memory_space<vmem>>) offsets(%dma_start3A_249 : memref<32xi32, #tpu.memory_space<vmem>>) semaphore(%arg9 : memref<!tpu.dma_semaphore, #tpu.memory_space<semaphore_mem>>)
    %dma_wait3A_253 = arith.constant 1 : i32
    %dma_wait3A_254 = arith.constant 96 : i32
    %dma_wait3A_255 = tpu.memref_slice %arg5[%dma_wait3A_253, %dma_wait3A_254] : memref<4x128xi32, #tpu.memory_space<vmem>> -> memref<1x32xi32, #tpu.memory_space<vmem>>
    %dma_wait3A_256 = tpu.memref_squeeze %dma_wait3A_255 : memref<1x32xi32, #tpu.memory_space<vmem>> -> memref<32xi32, #tpu.memory_space<vmem>>
    %dma_wait3A_257 = arith.constant 0 : i32
    %dma_wait3A_258 = arith.constant 0 : i32
    %dma_wait3A_259 = tpu.memref_slice %arg2[%dma_wait3A_257, %dma_wait3A_258] : memref<4096x1024xi32, #tpu.memory_space<hbm>> -> memref<4096x1024xi32, #tpu.memory_space<hbm>>
    tpu.wait_indirect_dma semaphore(%arg10 : memref<!tpu.dma_semaphore, #tpu.memory_space<semaphore_mem>>) src(%dma_wait3A_259 : memref<4096x1024xi32, #tpu.memory_space<hbm>>) dst(%arg8 : memref<32x1024xi32, #tpu.memory_space<vmem>>)
    %parallel_loop3A_260 = arith.constant 0 : i32
    %parallel_loop3A_261 = arith.constant 2048 : i32
    %parallel_loop3A_262 = arith.constant 1 : i32
    scf.for %parallel_loop3A_300 = %parallel_loop3A_260 to %parallel_loop3A_261 step %parallel_loop3A_262  : i32 {
      %parallel_loop3A_301 = arith.constant 6 : i32
      %parallel_loop3A_302 = arith.shrui %parallel_loop3A_300, %parallel_loop3A_301 : i32
      %parallel_loop3A_303 = arith.constant 2 : i32
      %parallel_loop3A_304 = arith.muli %parallel_loop3A_302, %parallel_loop3A_303 : i32
      %parallel_loop3A_305 = arith.constant 63 : i32
      %parallel_loop3A_306 = arith.andi %parallel_loop3A_300, %parallel_loop3A_305 : i32
      %parallel_loop3A_307 = arith.constant 16 : i32
      %parallel_loop3A_308 = arith.muli %parallel_loop3A_306, %parallel_loop3A_307 : i32
      %parallel_loop3A_309 = tpu.memref_bitcast %arg6 : memref<32x1024xi32, #tpu.memory_space<vmem>> -> memref<64x1024xbf16, #tpu.memory_space<vmem>>
      %parallel_loop3A_310 = arith.index_cast %parallel_loop3A_304 : i32 to index
      %parallel_loop3A_311 = arith.index_cast %parallel_loop3A_308 : i32 to index
      %parallel_loop3A_312 = tpu.vector_load %parallel_loop3A_309[%parallel_loop3A_310, %parallel_loop3A_311] {strides = array<i32>} : memref<64x1024xbf16, #tpu.memory_space<vmem>>, vector<2x16xbf16>,
      %parallel_loop3A_313 = vector.shape_cast %parallel_loop3A_312 : vector<2x16xbf16> to vector<2x16xbf16>
      %parallel_loop3A_314 = tpu.memref_bitcast %arg8 : memref<32x1024xi32, #tpu.memory_space<vmem>> -> memref<64x1024xbf16, #tpu.memory_space<vmem>>
      %parallel_loop3A_315 = arith.index_cast %parallel_loop3A_304 : i32 to index
      %parallel_loop3A_316 = arith.index_cast %parallel_loop3A_308 : i32 to index
      %parallel_loop3A_317 = tpu.vector_load %parallel_loop3A_314[%parallel_loop3A_315, %parallel_loop3A_316] {strides = array<i32>} : memref<64x1024xbf16, #tpu.memory_space<vmem>>, vector<2x16xbf16>,
      %parallel_loop3A_318 = vector.shape_cast %parallel_loop3A_317 : vector<2x16xbf16> to vector<2x16xbf16>
      %parallel_loop3A_319 = arith.addf %parallel_loop3A_313, %parallel_loop3A_318 : vector<2x16xbf16>
      %parallel_loop3A_320 = tpu.memref_bitcast %arg6 : memref<32x1024xi32, #tpu.memory_space<vmem>> -> memref<64x1024xbf16, #tpu.memory_space<vmem>>
      %parallel_loop3A_321 = arith.index_cast %parallel_loop3A_304 : i32 to index
      %parallel_loop3A_322 = arith.index_cast %parallel_loop3A_308 : i32 to index
      %parallel_loop3A_323 = tpu.vector_load %parallel_loop3A_320[%parallel_loop3A_321, %parallel_loop3A_322] {strides = array<i32>} : memref<64x1024xbf16, #tpu.memory_space<vmem>>, vector<2x16xbf16>,
      %parallel_loop3A_324 = vector.shape_cast %parallel_loop3A_323 : vector<2x16xbf16> to vector<2x16xbf16>
      %parallel_loop3A_325 = vector.shape_cast %parallel_loop3A_319 : vector<2x16xbf16> to vector<2x16xbf16>
      tpu.vector_store %parallel_loop3A_320[%parallel_loop3A_321, %parallel_loop3A_322], %parallel_loop3A_325 {strides = array<i32>} : memref<64x1024xbf16, #tpu.memory_space<vmem>>, vector<2x16xbf16>,
    } {sc.loop_unroll_factor = 8 : i64, sc.parallel_access}
    %dma_start3A_263 = arith.constant 3 : i32
    %dma_start3A_264 = arith.constant 96 : i32
    %dma_start3A_265 = tpu.memref_slice %arg5[%dma_start3A_263, %dma_start3A_264] : memref<4x128xi32, #tpu.memory_space<vmem>> -> memref<1x32xi32, #tpu.memory_space<vmem>>
    %dma_start3A_266 = tpu.memref_squeeze %dma_start3A_265 : memref<1x32xi32, #tpu.memory_space<vmem>> -> memref<32xi32, #tpu.memory_space<vmem>>
    %dma_start3A_267 = arith.constant 0 : i32
    %dma_start3A_268 = arith.constant 0 : i32
    %dma_start3A_269 = tpu.memref_slice %arg2[%dma_start3A_267, %dma_start3A_268] : memref<4096x1024xi32, #tpu.memory_space<hbm>> -> memref<4096x1024xi32, #tpu.memory_space<hbm>>
    tpu.enqueue_indirect_dma source(%dma_start3A_269 : memref<4096x1024xi32, #tpu.memory_space<hbm>>) target(%arg8 : memref<32x1024xi32, #tpu.memory_space<vmem>>) offsets(%dma_start3A_266 : memref<32xi32, #tpu.memory_space<vmem>>) semaphore(%arg10 : memref<!tpu.dma_semaphore, #tpu.memory_space<semaphore_mem>>)
    %dma_wait3A_270 = arith.constant 2 : i32
    %dma_wait3A_271 = arith.constant 96 : i32
    %dma_wait3A_272 = tpu.memref_slice %arg5[%dma_wait3A_270, %dma_wait3A_271] : memref<4x128xi32, #tpu.memory_space<vmem>> -> memref<1x32xi32, #tpu.memory_space<vmem>>
    %dma_wait3A_273 = tpu.memref_squeeze %dma_wait3A_272 : memref<1x32xi32, #tpu.memory_space<vmem>> -> memref<32xi32, #tpu.memory_space<vmem>>
    %dma_wait3A_274 = arith.constant 0 : i32
    %dma_wait3A_275 = arith.constant 0 : i32
    %dma_wait3A_276 = tpu.memref_slice %arg2[%dma_wait3A_274, %dma_wait3A_275] : memref<4096x1024xi32, #tpu.memory_space<hbm>> -> memref<4096x1024xi32, #tpu.memory_space<hbm>>
    tpu.wait_indirect_dma semaphore(%arg9 : memref<!tpu.dma_semaphore, #tpu.memory_space<semaphore_mem>>) src(%dma_wait3A_276 : memref<4096x1024xi32, #tpu.memory_space<hbm>>) dst(%arg7 : memref<32x1024xi32, #tpu.memory_space<vmem>>)
    %parallel_loop3A_277 = arith.constant 0 : i32
    %parallel_loop3A_278 = arith.constant 2048 : i32
    %parallel_loop3A_279 = arith.constant 1 : i32
    scf.for %parallel_loop3A_300 = %parallel_loop3A_277 to %parallel_loop3A_278 step %parallel_loop3A_279  : i32 {
      %parallel_loop3A_301 = arith.constant 6 : i32
      %parallel_loop3A_302 = arith.shrui %parallel_loop3A_300, %parallel_loop3A_301 : i32
      %parallel_loop3A_303 = arith.constant 2 : i32
      %parallel_loop3A_304 = arith.muli %parallel_loop3A_302, %parallel_loop3A_303 : i32
      %parallel_loop3A_305 = arith.constant 63 : i32
      %parallel_loop3A_306 = arith.andi %parallel_loop3A_300, %parallel_loop3A_305 : i32
      %parallel_loop3A_307 = arith.constant 16 : i32
      %parallel_loop3A_308 = arith.muli %parallel_loop3A_306, %parallel_loop3A_307 : i32
      %parallel_loop3A_309 = tpu.memref_bitcast %arg6 : memref<32x1024xi32, #tpu.memory_space<vmem>> -> memref<64x1024xbf16, #tpu.memory_space<vmem>>
      %parallel_loop3A_310 = arith.index_cast %parallel_loop3A_304 : i32 to index
      %parallel_loop3A_311 = arith.index_cast %parallel_loop3A_308 : i32 to index
      %parallel_loop3A_312 = tpu.vector_load %parallel_loop3A_309[%parallel_loop3A_310, %parallel_loop3A_311] {strides = array<i32>} : memref<64x1024xbf16, #tpu.memory_space<vmem>>, vector<2x16xbf16>,
      %parallel_loop3A_313 = vector.shape_cast %parallel_loop3A_312 : vector<2x16xbf16> to vector<2x16xbf16>
      %parallel_loop3A_314 = tpu.memref_bitcast %arg7 : memref<32x1024xi32, #tpu.memory_space<vmem>> -> memref<64x1024xbf16, #tpu.memory_space<vmem>>
      %parallel_loop3A_315 = arith.index_cast %parallel_loop3A_304 : i32 to index
      %parallel_loop3A_316 = arith.index_cast %parallel_loop3A_308 : i32 to index
      %parallel_loop3A_317 = tpu.vector_load %parallel_loop3A_314[%parallel_loop3A_315, %parallel_loop3A_316] {strides = array<i32>} : memref<64x1024xbf16, #tpu.memory_space<vmem>>, vector<2x16xbf16>,
      %parallel_loop3A_318 = vector.shape_cast %parallel_loop3A_317 : vector<2x16xbf16> to vector<2x16xbf16>
      %parallel_loop3A_319 = arith.addf %parallel_loop3A_313, %parallel_loop3A_318 : vector<2x16xbf16>
      %parallel_loop3A_320 = tpu.memref_bitcast %arg6 : memref<32x1024xi32, #tpu.memory_space<vmem>> -> memref<64x1024xbf16, #tpu.memory_space<vmem>>
      %parallel_loop3A_321 = arith.index_cast %parallel_loop3A_304 : i32 to index
      %parallel_loop3A_322 = arith.index_cast %parallel_loop3A_308 : i32 to index
      %parallel_loop3A_323 = tpu.vector_load %parallel_loop3A_320[%parallel_loop3A_321, %parallel_loop3A_322] {strides = array<i32>} : memref<64x1024xbf16, #tpu.memory_space<vmem>>, vector<2x16xbf16>,
      %parallel_loop3A_324 = vector.shape_cast %parallel_loop3A_323 : vector<2x16xbf16> to vector<2x16xbf16>
      %parallel_loop3A_325 = vector.shape_cast %parallel_loop3A_319 : vector<2x16xbf16> to vector<2x16xbf16>
      tpu.vector_store %parallel_loop3A_320[%parallel_loop3A_321, %parallel_loop3A_322], %parallel_loop3A_325 {strides = array<i32>} : memref<64x1024xbf16, #tpu.memory_space<vmem>>, vector<2x16xbf16>,
    } {sc.loop_unroll_factor = 8 : i64, sc.parallel_access}
    %dma_wait3A_280 = arith.constant 3 : i32
    %dma_wait3A_281 = arith.constant 96 : i32
    %dma_wait3A_282 = tpu.memref_slice %arg5[%dma_wait3A_280, %dma_wait3A_281] : memref<4x128xi32, #tpu.memory_space<vmem>> -> memref<1x32xi32, #tpu.memory_space<vmem>>
    %dma_wait3A_283 = tpu.memref_squeeze %dma_wait3A_282 : memref<1x32xi32, #tpu.memory_space<vmem>> -> memref<32xi32, #tpu.memory_space<vmem>>
    %dma_wait3A_284 = arith.constant 0 : i32
    %dma_wait3A_285 = arith.constant 0 : i32
    %dma_wait3A_286 = tpu.memref_slice %arg2[%dma_wait3A_284, %dma_wait3A_285] : memref<4096x1024xi32, #tpu.memory_space<hbm>> -> memref<4096x1024xi32, #tpu.memory_space<hbm>>
    tpu.wait_indirect_dma semaphore(%arg10 : memref<!tpu.dma_semaphore, #tpu.memory_space<semaphore_mem>>) src(%dma_wait3A_286 : memref<4096x1024xi32, #tpu.memory_space<hbm>>) dst(%arg8 : memref<32x1024xi32, #tpu.memory_space<vmem>>)
    %parallel_loop3A_287 = arith.constant 0 : i32
    %parallel_loop3A_288 = arith.constant 2048 : i32
    %parallel_loop3A_289 = arith.constant 1 : i32
    scf.for %parallel_loop3A_300 = %parallel_loop3A_287 to %parallel_loop3A_288 step %parallel_loop3A_289  : i32 {
      %parallel_loop3A_301 = arith.constant 6 : i32
      %parallel_loop3A_302 = arith.shrui %parallel_loop3A_300, %parallel_loop3A_301 : i32
      %parallel_loop3A_303 = arith.constant 2 : i32
      %parallel_loop3A_304 = arith.muli %parallel_loop3A_302, %parallel_loop3A_303 : i32
      %parallel_loop3A_305 = arith.constant 63 : i32
      %parallel_loop3A_306 = arith.andi %parallel_loop3A_300, %parallel_loop3A_305 : i32
      %parallel_loop3A_307 = arith.constant 16 : i32
      %parallel_loop3A_308 = arith.muli %parallel_loop3A_306, %parallel_loop3A_307 : i32
      %parallel_loop3A_309 = tpu.memref_bitcast %arg6 : memref<32x1024xi32, #tpu.memory_space<vmem>> -> memref<64x1024xbf16, #tpu.memory_space<vmem>>
      %parallel_loop3A_310 = arith.index_cast %parallel_loop3A_304 : i32 to index
      %parallel_loop3A_311 = arith.index_cast %parallel_loop3A_308 : i32 to index
      %parallel_loop3A_312 = tpu.vector_load %parallel_loop3A_309[%parallel_loop3A_310, %parallel_loop3A_311] {strides = array<i32>} : memref<64x1024xbf16, #tpu.memory_space<vmem>>, vector<2x16xbf16>,
      %parallel_loop3A_313 = vector.shape_cast %parallel_loop3A_312 : vector<2x16xbf16> to vector<2x16xbf16>
      %parallel_loop3A_314 = tpu.memref_bitcast %arg8 : memref<32x1024xi32, #tpu.memory_space<vmem>> -> memref<64x1024xbf16, #tpu.memory_space<vmem>>
      %parallel_loop3A_315 = arith.index_cast %parallel_loop3A_304 : i32 to index
      %parallel_loop3A_316 = arith.index_cast %parallel_loop3A_308 : i32 to index
      %parallel_loop3A_317 = tpu.vector_load %parallel_loop3A_314[%parallel_loop3A_315, %parallel_loop3A_316] {strides = array<i32>} : memref<64x1024xbf16, #tpu.memory_space<vmem>>, vector<2x16xbf16>,
      %parallel_loop3A_318 = vector.shape_cast %parallel_loop3A_317 : vector<2x16xbf16> to vector<2x16xbf16>
      %parallel_loop3A_319 = arith.addf %parallel_loop3A_313, %parallel_loop3A_318 : vector<2x16xbf16>
      %parallel_loop3A_320 = tpu.memref_bitcast %arg6 : memref<32x1024xi32, #tpu.memory_space<vmem>> -> memref<64x1024xbf16, #tpu.memory_space<vmem>>
      %parallel_loop3A_321 = arith.index_cast %parallel_loop3A_304 : i32 to index
      %parallel_loop3A_322 = arith.index_cast %parallel_loop3A_308 : i32 to index
      %parallel_loop3A_323 = tpu.vector_load %parallel_loop3A_320[%parallel_loop3A_321, %parallel_loop3A_322] {strides = array<i32>} : memref<64x1024xbf16, #tpu.memory_space<vmem>>, vector<2x16xbf16>,
      %parallel_loop3A_324 = vector.shape_cast %parallel_loop3A_323 : vector<2x16xbf16> to vector<2x16xbf16>
      %parallel_loop3A_325 = vector.shape_cast %parallel_loop3A_319 : vector<2x16xbf16> to vector<2x16xbf16>
      tpu.vector_store %parallel_loop3A_320[%parallel_loop3A_321, %parallel_loop3A_322], %parallel_loop3A_325 {strides = array<i32>} : memref<64x1024xbf16, #tpu.memory_space<vmem>>, vector<2x16xbf16>,
    } {sc.loop_unroll_factor = 8 : i64, sc.parallel_access}
    %add3A_290 = arith.constant 96 : i32
    %add3A_291 = arith.addi %mul3A_2, %add3A_290 : i32
    %dma_start3A_292 = arith.constant 0 : i32
    %dma_start3A_293 = tpu.memref_slice %arg4[%add3A_291, %dma_start3A_292] : memref<4096x1024xi32, #tpu.memory_space<hbm>> -> memref<32x1024xi32, #tpu.memory_space<hbm>>
    %dma_start3A_294 = arith.constant 0 : i32
    %dma_start3A_295 = tpu.memref_slice %arg4[%add3A_291, %dma_start3A_294] : memref<4096x1024xi32, #tpu.memory_space<hbm>> -> memref<32x1024xi32, #tpu.memory_space<hbm>>
    tpu.enqueue_dma source(%arg6 : memref<32x1024xi32, #tpu.memory_space<vmem>>) target(%dma_start3A_295 : memref<32x1024xi32, #tpu.memory_space<hbm>>) target_semaphore(%arg12 : memref<!tpu.dma_semaphore, #tpu.memory_space<semaphore_mem>>)
    %dma_wait3A_296 = arith.constant 0 : i32
    %dma_wait3A_297 = tpu.memref_slice %arg4[%add3A_291, %dma_wait3A_296] : memref<4096x1024xi32, #tpu.memory_space<hbm>> -> memref<32x1024xi32, #tpu.memory_space<hbm>>
    %dma_wait3A_298 = arith.constant 0 : i32
    %dma_wait3A_299 = tpu.memref_slice %arg4[%add3A_291, %dma_wait3A_298] : memref<4096x1024xi32, #tpu.memory_space<hbm>> -> memref<32x1024xi32, #tpu.memory_space<hbm>>
    tpu.wait_dma2 semaphore(%arg12 : memref<!tpu.dma_semaphore, #tpu.memory_space<semaphore_mem>>) src(%arg6 : memref<32x1024xi32, #tpu.memory_space<vmem>>) dst(%dma_wait3A_299 : memref<32x1024xi32, #tpu.memory_space<hbm>>)
    return
  }
}

#map = affine_map<(d0, d1) -> (0, 0)>
module attributes {stable_mosaic.version = 14 : i64} {
  func.func @_sc_gather_sum_body(%arg0: i32, %arg1: i32, %arg2: memref<4096x1024xi32, #tpu.memory_space<hbm>>, %arg3: memref<4x4096xi32, #tpu.memory_space<hbm>>, %arg4: memref<4096x1024xi32, #tpu.memory_space<hbm>>, %arg5: memref<4x128xi32, #tpu.memory_space<vmem>>, %arg6: memref<32x1024xi32, #tpu.memory_space<vmem>>, %arg7: memref<32x1024xi32, #tpu.memory_space<vmem>>, %arg8: memref<32x1024xi32, #tpu.memory_space<vmem>>, %arg9: memref<!tpu.dma_semaphore, #tpu.memory_space<semaphore_mem>>, %arg10: memref<!tpu.dma_semaphore, #tpu.memory_space<semaphore_mem>>, %arg11: memref<!tpu.dma_semaphore, #tpu.memory_space<semaphore_mem>>, %arg12: memref<!tpu.dma_semaphore, #tpu.memory_space<semaphore_mem>>) attributes {dimension_semantics = [#tpu.dimension_semantics<core_parallel>, #tpu.dimension_semantics<subcore_parallel>], iteration_bounds = array<i64: 2, 16>, scalar_prefetch = 0 : i64, scratch_operands = 8 : i64, tpu.core_type = #tpu.core_type<sc_vector_subcore>, window_params = [{transform_indices = #map}, {transform_indices = #map}, {transform_indices = #map}]} {
    %mul3A = arith.constant 2 : i32
    %mul3A_0 = arith.muli %arg1, %mul3A : i32
    %add3A = arith.addi %mul3A_0, %arg0 : i32
    %mul3A_1 = arith.constant 128 : i32
    %mul3A_2 = arith.muli %add3A, %mul3A_1 : i32
    "tpu.region"() ({
      %run_scoped3A = tpu.sem_alloc : memref<!tpu.dma_semaphore, #tpu.memory_space<semaphore_mem>>
      %dma_start3A_300 = arith.constant 0 : i32
      %dma_start3A_301 = tpu.memref_slice %arg3[%dma_start3A_300, %mul3A_2] : memref<4x4096xi32, #tpu.memory_space<hbm>> -> memref<4x128xi32, #tpu.memory_space<hbm>>
      %dma_start3A_302 = arith.constant 0 : i32
      %dma_start3A_303 = tpu.memref_slice %arg3[%dma_start3A_302, %mul3A_2] : memref<4x4096xi32, #tpu.memory_space<hbm>> -> memref<4x128xi32, #tpu.memory_space<hbm>>
      tpu.enqueue_dma source(%dma_start3A_303 : memref<4x128xi32, #tpu.memory_space<hbm>>) target(%arg5 : memref<4x128xi32, #tpu.memory_space<vmem>>) target_semaphore(%run_scoped3A : memref<!tpu.dma_semaphore, #tpu.memory_space<semaphore_mem>>)
      %dma_wait3A_304 = arith.constant 0 : i32
      %dma_wait3A_305 = tpu.memref_slice %arg3[%dma_wait3A_304, %mul3A_2] : memref<4x4096xi32, #tpu.memory_space<hbm>> -> memref<4x128xi32, #tpu.memory_space<hbm>>
      %dma_wait3A_306 = arith.constant 0 : i32
      %dma_wait3A_307 = tpu.memref_slice %arg3[%dma_wait3A_306, %mul3A_2] : memref<4x4096xi32, #tpu.memory_space<hbm>> -> memref<4x128xi32, #tpu.memory_space<hbm>>
      tpu.wait_dma2 semaphore(%run_scoped3A : memref<!tpu.dma_semaphore, #tpu.memory_space<semaphore_mem>>) src(%dma_wait3A_307 : memref<4x128xi32, #tpu.memory_space<hbm>>) dst(%arg5 : memref<4x128xi32, #tpu.memory_space<vmem>>)
      tpu.yield
    }) : () -> ()
    %dma_start3A = arith.constant 0 : i32
    %dma_start3A_3 = arith.constant 0 : i32
    %dma_start3A_4 = tpu.memref_slice %arg5[%dma_start3A, %dma_start3A_3] : memref<4x128xi32, #tpu.memory_space<vmem>> -> memref<1x32xi32, #tpu.memory_space<vmem>>
    %dma_start3A_5 = tpu.memref_squeeze %dma_start3A_4 : memref<1x32xi32, #tpu.memory_space<vmem>> -> memref<32xi32, #tpu.memory_space<vmem>>
    %dma_start3A_6 = arith.constant 0 : i32
    %dma_start3A_7 = arith.constant 0 : i32
    %dma_start3A_8 = tpu.memref_slice %arg2[%dma_start3A_6, %dma_start3A_7] : memref<4096x1024xi32, #tpu.memory_space<hbm>> -> memref<4096x1024xi32, #tpu.memory_space<hbm>>
    tpu.enqueue_indirect_dma source(%dma_start3A_8 : memref<4096x1024xi32, #tpu.memory_space<hbm>>) target(%arg6 : memref<32x1024xi32, #tpu.memory_space<vmem>>) offsets(%dma_start3A_5 : memref<32xi32, #tpu.memory_space<vmem>>) semaphore(%arg11 : memref<!tpu.dma_semaphore, #tpu.memory_space<semaphore_mem>>)
    %dma_start3A_9 = arith.constant 1 : i32
    %dma_start3A_10 = arith.constant 0 : i32
    %dma_start3A_11 = tpu.memref_slice %arg5[%dma_start3A_9, %dma_start3A_10] : memref<4x128xi32, #tpu.memory_space<vmem>> -> memref<1x32xi32, #tpu.memory_space<vmem>>
    %dma_start3A_12 = tpu.memref_squeeze %dma_start3A_11 : memref<1x32xi32, #tpu.memory_space<vmem>> -> memref<32xi32, #tpu.memory_space<vmem>>
    %dma_start3A_13 = arith.constant 0 : i32
    %dma_start3A_14 = arith.constant 0 : i32
    %dma_start3A_15 = tpu.memref_slice %arg2[%dma_start3A_13, %dma_start3A_14] : memref<4096x1024xi32, #tpu.memory_space<hbm>> -> memref<4096x1024xi32, #tpu.memory_space<hbm>>
    tpu.enqueue_indirect_dma source(%dma_start3A_15 : memref<4096x1024xi32, #tpu.memory_space<hbm>>) target(%arg7 : memref<32x1024xi32, #tpu.memory_space<vmem>>) offsets(%dma_start3A_12 : memref<32xi32, #tpu.memory_space<vmem>>) semaphore(%arg9 : memref<!tpu.dma_semaphore, #tpu.memory_space<semaphore_mem>>)
    %dma_wait3A = arith.constant 0 : i32
    %dma_wait3A_16 = arith.constant 0 : i32
    %dma_wait3A_17 = tpu.memref_slice %arg5[%dma_wait3A, %dma_wait3A_16] : memref<4x128xi32, #tpu.memory_space<vmem>> -> memref<1x32xi32, #tpu.memory_space<vmem>>
    %dma_wait3A_18 = tpu.memref_squeeze %dma_wait3A_17 : memref<1x32xi32, #tpu.memory_space<vmem>> -> memref<32xi32, #tpu.memory_space<vmem>>
    %dma_wait3A_19 = arith.constant 0 : i32
    %dma_wait3A_20 = arith.constant 0 : i32
    %dma_wait3A_21 = tpu.memref_slice %arg2[%dma_wait3A_19, %dma_wait3A_20] : memref<4096x1024xi32, #tpu.memory_space<hbm>> -> memref<4096x1024xi32, #tpu.memory_space<hbm>>
    tpu.wait_indirect_dma semaphore(%arg11 : memref<!tpu.dma_semaphore, #tpu.memory_space<semaphore_mem>>) src(%dma_wait3A_21 : memref<4096x1024xi32, #tpu.memory_space<hbm>>) dst(%arg6 : memref<32x1024xi32, #tpu.memory_space<vmem>>)
    %dma_start3A_22 = arith.constant 2 : i32
    %dma_start3A_23 = arith.constant 0 : i32
    %dma_start3A_24 = tpu.memref_slice %arg5[%dma_start3A_22, %dma_start3A_23] : memref<4x128xi32, #tpu.memory_space<vmem>> -> memref<1x32xi32, #tpu.memory_space<vmem>>
    %dma_start3A_25 = tpu.memref_squeeze %dma_start3A_24 : memref<1x32xi32, #tpu.memory_space<vmem>> -> memref<32xi32, #tpu.memory_space<vmem>>
    %dma_start3A_26 = arith.constant 0 : i32
    %dma_start3A_27 = arith.constant 0 : i32
    %dma_start3A_28 = tpu.memref_slice %arg2[%dma_start3A_26, %dma_start3A_27] : memref<4096x1024xi32, #tpu.memory_space<hbm>> -> memref<4096x1024xi32, #tpu.memory_space<hbm>>
    tpu.enqueue_indirect_dma source(%dma_start3A_28 : memref<4096x1024xi32, #tpu.memory_space<hbm>>) target(%arg8 : memref<32x1024xi32, #tpu.memory_space<vmem>>) offsets(%dma_start3A_25 : memref<32xi32, #tpu.memory_space<vmem>>) semaphore(%arg10 : memref<!tpu.dma_semaphore, #tpu.memory_space<semaphore_mem>>)
    %dma_wait3A_29 = arith.constant 1 : i32
    %dma_wait3A_30 = arith.constant 0 : i32
    %dma_wait3A_31 = tpu.memref_slice %arg5[%dma_wait3A_29, %dma_wait3A_30] : memref<4x128xi32, #tpu.memory_space<vmem>> -> memref<1x32xi32, #tpu.memory_space<vmem>>
    %dma_wait3A_32 = tpu.memref_squeeze %dma_wait3A_31 : memref<1x32xi32, #tpu.memory_space<vmem>> -> memref<32xi32, #tpu.memory_space<vmem>>
    %dma_wait3A_33 = arith.constant 0 : i32
    %dma_wait3A_34 = arith.constant 0 : i32
    %dma_wait3A_35 = tpu.memref_slice %arg2[%dma_wait3A_33, %dma_wait3A_34] : memref<4096x1024xi32, #tpu.memory_space<hbm>> -> memref<4096x1024xi32, #tpu.memory_space<hbm>>
    tpu.wait_indirect_dma semaphore(%arg9 : memref<!tpu.dma_semaphore, #tpu.memory_space<semaphore_mem>>) src(%dma_wait3A_35 : memref<4096x1024xi32, #tpu.memory_space<hbm>>) dst(%arg7 : memref<32x1024xi32, #tpu.memory_space<vmem>>)
    %parallel_loop3A = arith.constant 0 : i32
    %parallel_loop3A_36 = arith.constant 2048 : i32
    %parallel_loop3A_37 = arith.constant 1 : i32
    scf.for %parallel_loop3A_300 = %parallel_loop3A to %parallel_loop3A_36 step %parallel_loop3A_37  : i32 {
      %parallel_loop3A_301 = arith.constant 6 : i32
      %parallel_loop3A_302 = arith.shrui %parallel_loop3A_300, %parallel_loop3A_301 : i32
      %parallel_loop3A_303 = arith.constant 2 : i32
      %parallel_loop3A_304 = arith.muli %parallel_loop3A_302, %parallel_loop3A_303 : i32
      %parallel_loop3A_305 = arith.constant 63 : i32
      %parallel_loop3A_306 = arith.andi %parallel_loop3A_300, %parallel_loop3A_305 : i32
      %parallel_loop3A_307 = arith.constant 16 : i32
      %parallel_loop3A_308 = arith.muli %parallel_loop3A_306, %parallel_loop3A_307 : i32
      %parallel_loop3A_309 = tpu.memref_bitcast %arg6 : memref<32x1024xi32, #tpu.memory_space<vmem>> -> memref<64x1024xbf16, #tpu.memory_space<vmem>>
      %parallel_loop3A_310 = arith.index_cast %parallel_loop3A_304 : i32 to index
      %parallel_loop3A_311 = arith.index_cast %parallel_loop3A_308 : i32 to index
      %parallel_loop3A_312 = tpu.vector_load %parallel_loop3A_309[%parallel_loop3A_310, %parallel_loop3A_311] {strides = array<i32>} : memref<64x1024xbf16, #tpu.memory_space<vmem>>, vector<2x16xbf16>,
      %parallel_loop3A_313 = vector.shape_cast %parallel_loop3A_312 : vector<2x16xbf16> to vector<2x16xbf16>
      %parallel_loop3A_314 = tpu.memref_bitcast %arg7 : memref<32x1024xi32, #tpu.memory_space<vmem>> -> memref<64x1024xbf16, #tpu.memory_space<vmem>>
      %parallel_loop3A_315 = arith.index_cast %parallel_loop3A_304 : i32 to index
      %parallel_loop3A_316 = arith.index_cast %parallel_loop3A_308 : i32 to index
      %parallel_loop3A_317 = tpu.vector_load %parallel_loop3A_314[%parallel_loop3A_315, %parallel_loop3A_316] {strides = array<i32>} : memref<64x1024xbf16, #tpu.memory_space<vmem>>, vector<2x16xbf16>,
      %parallel_loop3A_318 = vector.shape_cast %parallel_loop3A_317 : vector<2x16xbf16> to vector<2x16xbf16>
      %parallel_loop3A_319 = arith.addf %parallel_loop3A_313, %parallel_loop3A_318 : vector<2x16xbf16>
      %parallel_loop3A_320 = tpu.memref_bitcast %arg6 : memref<32x1024xi32, #tpu.memory_space<vmem>> -> memref<64x1024xbf16, #tpu.memory_space<vmem>>
      %parallel_loop3A_321 = arith.index_cast %parallel_loop3A_304 : i32 to index
      %parallel_loop3A_322 = arith.index_cast %parallel_loop3A_308 : i32 to index
      %parallel_loop3A_323 = tpu.vector_load %parallel_loop3A_320[%parallel_loop3A_321, %parallel_loop3A_322] {strides = array<i32>} : memref<64x1024xbf16, #tpu.memory_space<vmem>>, vector<2x16xbf16>,
      %parallel_loop3A_324 = vector.shape_cast %parallel_loop3A_323 : vector<2x16xbf16> to vector<2x16xbf16>
      %parallel_loop3A_325 = vector.shape_cast %parallel_loop3A_319 : vector<2x16xbf16> to vector<2x16xbf16>
      tpu.vector_store %parallel_loop3A_320[%parallel_loop3A_321, %parallel_loop3A_322], %parallel_loop3A_325 {strides = array<i32>} : memref<64x1024xbf16, #tpu.memory_space<vmem>>, vector<2x16xbf16>,
    } {sc.loop_unroll_factor = 8 : i64, sc.parallel_access}
    %dma_start3A_38 = arith.constant 3 : i32
    %dma_start3A_39 = arith.constant 0 : i32
    %dma_start3A_40 = tpu.memref_slice %arg5[%dma_start3A_38, %dma_start3A_39] : memref<4x128xi32, #tpu.memory_space<vmem>> -> memref<1x32xi32, #tpu.memory_space<vmem>>
    %dma_start3A_41 = tpu.memref_squeeze %dma_start3A_40 : memref<1x32xi32, #tpu.memory_space<vmem>> -> memref<32xi32, #tpu.memory_space<vmem>>
    %dma_start3A_42 = arith.constant 0 : i32
    %dma_start3A_43 = arith.constant 0 : i32
    %dma_start3A_44 = tpu.memref_slice %arg2[%dma_start3A_42, %dma_start3A_43] : memref<4096x1024xi32, #tpu.memory_space<hbm>> -> memref<4096x1024xi32, #tpu.memory_space<hbm>>
    tpu.enqueue_indirect_dma source(%dma_start3A_44 : memref<4096x1024xi32, #tpu.memory_space<hbm>>) target(%arg7 : memref<32x1024xi32, #tpu.memory_space<vmem>>) offsets(%dma_start3A_41 : memref<32xi32, #tpu.memory_space<vmem>>) semaphore(%arg9 : memref<!tpu.dma_semaphore, #tpu.memory_space<semaphore_mem>>)
    %dma_wait3A_45 = arith.constant 2 : i32
    %dma_wait3A_46 = arith.constant 0 : i32
    %dma_wait3A_47 = tpu.memref_slice %arg5[%dma_wait3A_45, %dma_wait3A_46] : memref<4x128xi32, #tpu.memory_space<vmem>> -> memref<1x32xi32, #tpu.memory_space<vmem>>
    %dma_wait3A_48 = tpu.memref_squeeze %dma_wait3A_47 : memref<1x32xi32, #tpu.memory_space<vmem>> -> memref<32xi32, #tpu.memory_space<vmem>>
    %dma_wait3A_49 = arith.constant 0 : i32
    %dma_wait3A_50 = arith.constant 0 : i32
    %dma_wait3A_51 = tpu.memref_slice %arg2[%dma_wait3A_49, %dma_wait3A_50] : memref<4096x1024xi32, #tpu.memory_space<hbm>> -> memref<4096x1024xi32, #tpu.memory_space<hbm>>
    tpu.wait_indirect_dma semaphore(%arg10 : memref<!tpu.dma_semaphore, #tpu.memory_space<semaphore_mem>>) src(%dma_wait3A_51 : memref<4096x1024xi32, #tpu.memory_space<hbm>>) dst(%arg8 : memref<32x1024xi32, #tpu.memory_space<vmem>>)
    %parallel_loop3A_52 = arith.constant 0 : i32
    %parallel_loop3A_53 = arith.constant 2048 : i32
    %parallel_loop3A_54 = arith.constant 1 : i32
    scf.for %parallel_loop3A_300 = %parallel_loop3A_52 to %parallel_loop3A_53 step %parallel_loop3A_54  : i32 {
      %parallel_loop3A_301 = arith.constant 6 : i32
      %parallel_loop3A_302 = arith.shrui %parallel_loop3A_300, %parallel_loop3A_301 : i32
      %parallel_loop3A_303 = arith.constant 2 : i32
      %parallel_loop3A_304 = arith.muli %parallel_loop3A_302, %parallel_loop3A_303 : i32
      %parallel_loop3A_305 = arith.constant 63 : i32
      %parallel_loop3A_306 = arith.andi %parallel_loop3A_300, %parallel_loop3A_305 : i32
      %parallel_loop3A_307 = arith.constant 16 : i32
      %parallel_loop3A_308 = arith.muli %parallel_loop3A_306, %parallel_loop3A_307 : i32
      %parallel_loop3A_309 = tpu.memref_bitcast %arg6 : memref<32x1024xi32, #tpu.memory_space<vmem>> -> memref<64x1024xbf16, #tpu.memory_space<vmem>>
      %parallel_loop3A_310 = arith.index_cast %parallel_loop3A_304 : i32 to index
      %parallel_loop3A_311 = arith.index_cast %parallel_loop3A_308 : i32 to index
      %parallel_loop3A_312 = tpu.vector_load %parallel_loop3A_309[%parallel_loop3A_310, %parallel_loop3A_311] {strides = array<i32>} : memref<64x1024xbf16, #tpu.memory_space<vmem>>, vector<2x16xbf16>,
      %parallel_loop3A_313 = vector.shape_cast %parallel_loop3A_312 : vector<2x16xbf16> to vector<2x16xbf16>
      %parallel_loop3A_314 = tpu.memref_bitcast %arg8 : memref<32x1024xi32, #tpu.memory_space<vmem>> -> memref<64x1024xbf16, #tpu.memory_space<vmem>>
      %parallel_loop3A_315 = arith.index_cast %parallel_loop3A_304 : i32 to index
      %parallel_loop3A_316 = arith.index_cast %parallel_loop3A_308 : i32 to index
      %parallel_loop3A_317 = tpu.vector_load %parallel_loop3A_314[%parallel_loop3A_315, %parallel_loop3A_316] {strides = array<i32>} : memref<64x1024xbf16, #tpu.memory_space<vmem>>, vector<2x16xbf16>,
      %parallel_loop3A_318 = vector.shape_cast %parallel_loop3A_317 : vector<2x16xbf16> to vector<2x16xbf16>
      %parallel_loop3A_319 = arith.addf %parallel_loop3A_313, %parallel_loop3A_318 : vector<2x16xbf16>
      %parallel_loop3A_320 = tpu.memref_bitcast %arg6 : memref<32x1024xi32, #tpu.memory_space<vmem>> -> memref<64x1024xbf16, #tpu.memory_space<vmem>>
      %parallel_loop3A_321 = arith.index_cast %parallel_loop3A_304 : i32 to index
      %parallel_loop3A_322 = arith.index_cast %parallel_loop3A_308 : i32 to index
      %parallel_loop3A_323 = tpu.vector_load %parallel_loop3A_320[%parallel_loop3A_321, %parallel_loop3A_322] {strides = array<i32>} : memref<64x1024xbf16, #tpu.memory_space<vmem>>, vector<2x16xbf16>,
      %parallel_loop3A_324 = vector.shape_cast %parallel_loop3A_323 : vector<2x16xbf16> to vector<2x16xbf16>
      %parallel_loop3A_325 = vector.shape_cast %parallel_loop3A_319 : vector<2x16xbf16> to vector<2x16xbf16>
      tpu.vector_store %parallel_loop3A_320[%parallel_loop3A_321, %parallel_loop3A_322], %parallel_loop3A_325 {strides = array<i32>} : memref<64x1024xbf16, #tpu.memory_space<vmem>>, vector<2x16xbf16>,
    } {sc.loop_unroll_factor = 8 : i64, sc.parallel_access}
    %dma_start3A_55 = arith.constant 1 : i32
    %dma_start3A_56 = arith.constant 32 : i32
    %dma_start3A_57 = tpu.memref_slice %arg5[%dma_start3A_55, %dma_start3A_56] : memref<4x128xi32, #tpu.memory_space<vmem>> -> memref<1x32xi32, #tpu.memory_space<vmem>>
    %dma_start3A_58 = tpu.memref_squeeze %dma_start3A_57 : memref<1x32xi32, #tpu.memory_space<vmem>> -> memref<32xi32, #tpu.memory_space<vmem>>
    %dma_start3A_59 = arith.constant 0 : i32
    %dma_start3A_60 = arith.constant 0 : i32
    %dma_start3A_61 = tpu.memref_slice %arg2[%dma_start3A_59, %dma_start3A_60] : memref<4096x1024xi32, #tpu.memory_space<hbm>> -> memref<4096x1024xi32, #tpu.memory_space<hbm>>
    tpu.enqueue_indirect_dma source(%dma_start3A_61 : memref<4096x1024xi32, #tpu.memory_space<hbm>>) target(%arg8 : memref<32x1024xi32, #tpu.memory_space<vmem>>) offsets(%dma_start3A_58 : memref<32xi32, #tpu.memory_space<vmem>>) semaphore(%arg10 : memref<!tpu.dma_semaphore, #tpu.memory_space<semaphore_mem>>)
    %dma_wait3A_62 = arith.constant 3 : i32
    %dma_wait3A_63 = arith.constant 0 : i32
    %dma_wait3A_64 = tpu.memref_slice %arg5[%dma_wait3A_62, %dma_wait3A_63] : memref<4x128xi32, #tpu.memory_space<vmem>> -> memref<1x32xi32, #tpu.memory_space<vmem>>
    %dma_wait3A_65 = tpu.memref_squeeze %dma_wait3A_64 : memref<1x32xi32, #tpu.memory_space<vmem>> -> memref<32xi32, #tpu.memory_space<vmem>>
    %dma_wait3A_66 = arith.constant 0 : i32
    %dma_wait3A_67 = arith.constant 0 : i32
    %dma_wait3A_68 = tpu.memref_slice %arg2[%dma_wait3A_66, %dma_wait3A_67] : memref<4096x1024xi32, #tpu.memory_space<hbm>> -> memref<4096x1024xi32, #tpu.memory_space<hbm>>
    tpu.wait_indirect_dma semaphore(%arg9 : memref<!tpu.dma_semaphore, #tpu.memory_space<semaphore_mem>>) src(%dma_wait3A_68 : memref<4096x1024xi32, #tpu.memory_space<hbm>>) dst(%arg7 : memref<32x1024xi32, #tpu.memory_space<vmem>>)
    %parallel_loop3A_69 = arith.constant 0 : i32
    %parallel_loop3A_70 = arith.constant 2048 : i32
    %parallel_loop3A_71 = arith.constant 1 : i32
    scf.for %parallel_loop3A_300 = %parallel_loop3A_69 to %parallel_loop3A_70 step %parallel_loop3A_71  : i32 {
      %parallel_loop3A_301 = arith.constant 6 : i32
      %parallel_loop3A_302 = arith.shrui %parallel_loop3A_300, %parallel_loop3A_301 : i32
      %parallel_loop3A_303 = arith.constant 2 : i32
      %parallel_loop3A_304 = arith.muli %parallel_loop3A_302, %parallel_loop3A_303 : i32
      %parallel_loop3A_305 = arith.constant 63 : i32
      %parallel_loop3A_306 = arith.andi %parallel_loop3A_300, %parallel_loop3A_305 : i32
      %parallel_loop3A_307 = arith.constant 16 : i32
      %parallel_loop3A_308 = arith.muli %parallel_loop3A_306, %parallel_loop3A_307 : i32
      %parallel_loop3A_309 = tpu.memref_bitcast %arg6 : memref<32x1024xi32, #tpu.memory_space<vmem>> -> memref<64x1024xbf16, #tpu.memory_space<vmem>>
      %parallel_loop3A_310 = arith.index_cast %parallel_loop3A_304 : i32 to index
      %parallel_loop3A_311 = arith.index_cast %parallel_loop3A_308 : i32 to index
      %parallel_loop3A_312 = tpu.vector_load %parallel_loop3A_309[%parallel_loop3A_310, %parallel_loop3A_311] {strides = array<i32>} : memref<64x1024xbf16, #tpu.memory_space<vmem>>, vector<2x16xbf16>,
      %parallel_loop3A_313 = vector.shape_cast %parallel_loop3A_312 : vector<2x16xbf16> to vector<2x16xbf16>
      %parallel_loop3A_314 = tpu.memref_bitcast %arg7 : memref<32x1024xi32, #tpu.memory_space<vmem>> -> memref<64x1024xbf16, #tpu.memory_space<vmem>>
      %parallel_loop3A_315 = arith.index_cast %parallel_loop3A_304 : i32 to index
      %parallel_loop3A_316 = arith.index_cast %parallel_loop3A_308 : i32 to index
      %parallel_loop3A_317 = tpu.vector_load %parallel_loop3A_314[%parallel_loop3A_315, %parallel_loop3A_316] {strides = array<i32>} : memref<64x1024xbf16, #tpu.memory_space<vmem>>, vector<2x16xbf16>,
      %parallel_loop3A_318 = vector.shape_cast %parallel_loop3A_317 : vector<2x16xbf16> to vector<2x16xbf16>
      %parallel_loop3A_319 = arith.addf %parallel_loop3A_313, %parallel_loop3A_318 : vector<2x16xbf16>
      %parallel_loop3A_320 = tpu.memref_bitcast %arg6 : memref<32x1024xi32, #tpu.memory_space<vmem>> -> memref<64x1024xbf16, #tpu.memory_space<vmem>>
      %parallel_loop3A_321 = arith.index_cast %parallel_loop3A_304 : i32 to index
      %parallel_loop3A_322 = arith.index_cast %parallel_loop3A_308 : i32 to index
      %parallel_loop3A_323 = tpu.vector_load %parallel_loop3A_320[%parallel_loop3A_321, %parallel_loop3A_322] {strides = array<i32>} : memref<64x1024xbf16, #tpu.memory_space<vmem>>, vector<2x16xbf16>,
      %parallel_loop3A_324 = vector.shape_cast %parallel_loop3A_323 : vector<2x16xbf16> to vector<2x16xbf16>
      %parallel_loop3A_325 = vector.shape_cast %parallel_loop3A_319 : vector<2x16xbf16> to vector<2x16xbf16>
      tpu.vector_store %parallel_loop3A_320[%parallel_loop3A_321, %parallel_loop3A_322], %parallel_loop3A_325 {strides = array<i32>} : memref<64x1024xbf16, #tpu.memory_space<vmem>>, vector<2x16xbf16>,
    } {sc.loop_unroll_factor = 8 : i64, sc.parallel_access}
    %add3A_72 = arith.constant 0 : i32
    %add3A_73 = arith.addi %mul3A_2, %add3A_72 : i32
    %dma_start3A_74 = arith.constant 0 : i32
    %dma_start3A_75 = tpu.memref_slice %arg4[%add3A_73, %dma_start3A_74] : memref<4096x1024xi32, #tpu.memory_space<hbm>> -> memref<32x1024xi32, #tpu.memory_space<hbm>>
    %dma_start3A_76 = arith.constant 0 : i32
    %dma_start3A_77 = tpu.memref_slice %arg4[%add3A_73, %dma_start3A_76] : memref<4096x1024xi32, #tpu.memory_space<hbm>> -> memref<32x1024xi32, #tpu.memory_space<hbm>>
    tpu.enqueue_dma source(%arg6 : memref<32x1024xi32, #tpu.memory_space<vmem>>) target(%dma_start3A_77 : memref<32x1024xi32, #tpu.memory_space<hbm>>) target_semaphore(%arg12 : memref<!tpu.dma_semaphore, #tpu.memory_space<semaphore_mem>>)
    %dma_wait3A_78 = arith.constant 0 : i32
    %dma_wait3A_79 = tpu.memref_slice %arg4[%add3A_73, %dma_wait3A_78] : memref<4096x1024xi32, #tpu.memory_space<hbm>> -> memref<32x1024xi32, #tpu.memory_space<hbm>>
    %dma_wait3A_80 = arith.constant 0 : i32
    %dma_wait3A_81 = tpu.memref_slice %arg4[%add3A_73, %dma_wait3A_80] : memref<4096x1024xi32, #tpu.memory_space<hbm>> -> memref<32x1024xi32, #tpu.memory_space<hbm>>
    tpu.wait_dma2 semaphore(%arg12 : memref<!tpu.dma_semaphore, #tpu.memory_space<semaphore_mem>>) src(%arg6 : memref<32x1024xi32, #tpu.memory_space<vmem>>) dst(%dma_wait3A_81 : memref<32x1024xi32, #tpu.memory_space<hbm>>)
    %dma_start3A_82 = arith.constant 0 : i32
    %dma_start3A_83 = arith.constant 32 : i32
    %dma_start3A_84 = tpu.memref_slice %arg5[%dma_start3A_82, %dma_start3A_83] : memref<4x128xi32, #tpu.memory_space<vmem>> -> memref<1x32xi32, #tpu.memory_space<vmem>>
    %dma_start3A_85 = tpu.memref_squeeze %dma_start3A_84 : memref<1x32xi32, #tpu.memory_space<vmem>> -> memref<32xi32, #tpu.memory_space<vmem>>
    %dma_start3A_86 = arith.constant 0 : i32
    %dma_start3A_87 = arith.constant 0 : i32
    %dma_start3A_88 = tpu.memref_slice %arg2[%dma_start3A_86, %dma_start3A_87] : memref<4096x1024xi32, #tpu.memory_space<hbm>> -> memref<4096x1024xi32, #tpu.memory_space<hbm>>
    tpu.enqueue_indirect_dma source(%dma_start3A_88 : memref<4096x1024xi32, #tpu.memory_space<hbm>>) target(%arg6 : memref<32x1024xi32, #tpu.memory_space<vmem>>) offsets(%dma_start3A_85 : memref<32xi32, #tpu.memory_space<vmem>>) semaphore(%arg11 : memref<!tpu.dma_semaphore, #tpu.memory_space<semaphore_mem>>)
    %dma_wait3A_89 = arith.constant 0 : i32
    %dma_wait3A_90 = arith.constant 32 : i32
    %dma_wait3A_91 = tpu.memref_slice %arg5[%dma_wait3A_89, %dma_wait3A_90] : memref<4x128xi32, #tpu.memory_space<vmem>> -> memref<1x32xi32, #tpu.memory_space<vmem>>
    %dma_wait3A_92 = tpu.memref_squeeze %dma_wait3A_91 : memref<1x32xi32, #tpu.memory_space<vmem>> -> memref<32xi32, #tpu.memory_space<vmem>>
    %dma_wait3A_93 = arith.constant 0 : i32
    %dma_wait3A_94 = arith.constant 0 : i32
    %dma_wait3A_95 = tpu.memref_slice %arg2[%dma_wait3A_93, %dma_wait3A_94] : memref<4096x1024xi32, #tpu.memory_space<hbm>> -> memref<4096x1024xi32, #tpu.memory_space<hbm>>
    tpu.wait_indirect_dma semaphore(%arg11 : memref<!tpu.dma_semaphore, #tpu.memory_space<semaphore_mem>>) src(%dma_wait3A_95 : memref<4096x1024xi32, #tpu.memory_space<hbm>>) dst(%arg6 : memref<32x1024xi32, #tpu.memory_space<vmem>>)
    %dma_start3A_96 = arith.constant 2 : i32
    %dma_start3A_97 = arith.constant 32 : i32
    %dma_start3A_98 = tpu.memref_slice %arg5[%dma_start3A_96, %dma_start3A_97] : memref<4x128xi32, #tpu.memory_space<vmem>> -> memref<1x32xi32, #tpu.memory_space<vmem>>
    %dma_start3A_99 = tpu.memref_squeeze %dma_start3A_98 : memref<1x32xi32, #tpu.memory_space<vmem>> -> memref<32xi32, #tpu.memory_space<vmem>>
    %dma_start3A_100 = arith.constant 0 : i32
    %dma_start3A_101 = arith.constant 0 : i32
    %dma_start3A_102 = tpu.memref_slice %arg2[%dma_start3A_100, %dma_start3A_101] : memref<4096x1024xi32, #tpu.memory_space<hbm>> -> memref<4096x1024xi32, #tpu.memory_space<hbm>>
    tpu.enqueue_indirect_dma source(%dma_start3A_102 : memref<4096x1024xi32, #tpu.memory_space<hbm>>) target(%arg7 : memref<32x1024xi32, #tpu.memory_space<vmem>>) offsets(%dma_start3A_99 : memref<32xi32, #tpu.memory_space<vmem>>) semaphore(%arg9 : memref<!tpu.dma_semaphore, #tpu.memory_space<semaphore_mem>>)
    %dma_wait3A_103 = arith.constant 1 : i32
    %dma_wait3A_104 = arith.constant 32 : i32
    %dma_wait3A_105 = tpu.memref_slice %arg5[%dma_wait3A_103, %dma_wait3A_104] : memref<4x128xi32, #tpu.memory_space<vmem>> -> memref<1x32xi32, #tpu.memory_space<vmem>>
    %dma_wait3A_106 = tpu.memref_squeeze %dma_wait3A_105 : memref<1x32xi32, #tpu.memory_space<vmem>> -> memref<32xi32, #tpu.memory_space<vmem>>
    %dma_wait3A_107 = arith.constant 0 : i32
    %dma_wait3A_108 = arith.constant 0 : i32
    %dma_wait3A_109 = tpu.memref_slice %arg2[%dma_wait3A_107, %dma_wait3A_108] : memref<4096x1024xi32, #tpu.memory_space<hbm>> -> memref<4096x1024xi32, #tpu.memory_space<hbm>>
    tpu.wait_indirect_dma semaphore(%arg10 : memref<!tpu.dma_semaphore, #tpu.memory_space<semaphore_mem>>) src(%dma_wait3A_109 : memref<4096x1024xi32, #tpu.memory_space<hbm>>) dst(%arg8 : memref<32x1024xi32, #tpu.memory_space<vmem>>)
    %parallel_loop3A_110 = arith.constant 0 : i32
    %parallel_loop3A_111 = arith.constant 2048 : i32
    %parallel_loop3A_112 = arith.constant 1 : i32
    scf.for %parallel_loop3A_300 = %parallel_loop3A_110 to %parallel_loop3A_111 step %parallel_loop3A_112  : i32 {
      %parallel_loop3A_301 = arith.constant 6 : i32
      %parallel_loop3A_302 = arith.shrui %parallel_loop3A_300, %parallel_loop3A_301 : i32
      %parallel_loop3A_303 = arith.constant 2 : i32
      %parallel_loop3A_304 = arith.muli %parallel_loop3A_302, %parallel_loop3A_303 : i32
      %parallel_loop3A_305 = arith.constant 63 : i32
      %parallel_loop3A_306 = arith.andi %parallel_loop3A_300, %parallel_loop3A_305 : i32
      %parallel_loop3A_307 = arith.constant 16 : i32
      %parallel_loop3A_308 = arith.muli %parallel_loop3A_306, %parallel_loop3A_307 : i32
      %parallel_loop3A_309 = tpu.memref_bitcast %arg6 : memref<32x1024xi32, #tpu.memory_space<vmem>> -> memref<64x1024xbf16, #tpu.memory_space<vmem>>
      %parallel_loop3A_310 = arith.index_cast %parallel_loop3A_304 : i32 to index
      %parallel_loop3A_311 = arith.index_cast %parallel_loop3A_308 : i32 to index
      %parallel_loop3A_312 = tpu.vector_load %parallel_loop3A_309[%parallel_loop3A_310, %parallel_loop3A_311] {strides = array<i32>} : memref<64x1024xbf16, #tpu.memory_space<vmem>>, vector<2x16xbf16>,
      %parallel_loop3A_313 = vector.shape_cast %parallel_loop3A_312 : vector<2x16xbf16> to vector<2x16xbf16>
      %parallel_loop3A_314 = tpu.memref_bitcast %arg8 : memref<32x1024xi32, #tpu.memory_space<vmem>> -> memref<64x1024xbf16, #tpu.memory_space<vmem>>
      %parallel_loop3A_315 = arith.index_cast %parallel_loop3A_304 : i32 to index
      %parallel_loop3A_316 = arith.index_cast %parallel_loop3A_308 : i32 to index
      %parallel_loop3A_317 = tpu.vector_load %parallel_loop3A_314[%parallel_loop3A_315, %parallel_loop3A_316] {strides = array<i32>} : memref<64x1024xbf16, #tpu.memory_space<vmem>>, vector<2x16xbf16>,
      %parallel_loop3A_318 = vector.shape_cast %parallel_loop3A_317 : vector<2x16xbf16> to vector<2x16xbf16>
      %parallel_loop3A_319 = arith.addf %parallel_loop3A_313, %parallel_loop3A_318 : vector<2x16xbf16>
      %parallel_loop3A_320 = tpu.memref_bitcast %arg6 : memref<32x1024xi32, #tpu.memory_space<vmem>> -> memref<64x1024xbf16, #tpu.memory_space<vmem>>
      %parallel_loop3A_321 = arith.index_cast %parallel_loop3A_304 : i32 to index
      %parallel_loop3A_322 = arith.index_cast %parallel_loop3A_308 : i32 to index
      %parallel_loop3A_323 = tpu.vector_load %parallel_loop3A_320[%parallel_loop3A_321, %parallel_loop3A_322] {strides = array<i32>} : memref<64x1024xbf16, #tpu.memory_space<vmem>>, vector<2x16xbf16>,
      %parallel_loop3A_324 = vector.shape_cast %parallel_loop3A_323 : vector<2x16xbf16> to vector<2x16xbf16>
      %parallel_loop3A_325 = vector.shape_cast %parallel_loop3A_319 : vector<2x16xbf16> to vector<2x16xbf16>
      tpu.vector_store %parallel_loop3A_320[%parallel_loop3A_321, %parallel_loop3A_322], %parallel_loop3A_325 {strides = array<i32>} : memref<64x1024xbf16, #tpu.memory_space<vmem>>, vector<2x16xbf16>,
    } {sc.loop_unroll_factor = 8 : i64, sc.parallel_access}
    %dma_start3A_113 = arith.constant 3 : i32
    %dma_start3A_114 = arith.constant 32 : i32
    %dma_start3A_115 = tpu.memref_slice %arg5[%dma_start3A_113, %dma_start3A_114] : memref<4x128xi32, #tpu.memory_space<vmem>> -> memref<1x32xi32, #tpu.memory_space<vmem>>
    %dma_start3A_116 = tpu.memref_squeeze %dma_start3A_115 : memref<1x32xi32, #tpu.memory_space<vmem>> -> memref<32xi32, #tpu.memory_space<vmem>>
    %dma_start3A_117 = arith.constant 0 : i32
    %dma_start3A_118 = arith.constant 0 : i32
    %dma_start3A_119 = tpu.memref_slice %arg2[%dma_start3A_117, %dma_start3A_118] : memref<4096x1024xi32, #tpu.memory_space<hbm>> -> memref<4096x1024xi32, #tpu.memory_space<hbm>>
    tpu.enqueue_indirect_dma source(%dma_start3A_119 : memref<4096x1024xi32, #tpu.memory_space<hbm>>) target(%arg8 : memref<32x1024xi32, #tpu.memory_space<vmem>>) offsets(%dma_start3A_116 : memref<32xi32, #tpu.memory_space<vmem>>) semaphore(%arg10 : memref<!tpu.dma_semaphore, #tpu.memory_space<semaphore_mem>>)
    %dma_wait3A_120 = arith.constant 2 : i32
    %dma_wait3A_121 = arith.constant 32 : i32
    %dma_wait3A_122 = tpu.memref_slice %arg5[%dma_wait3A_120, %dma_wait3A_121] : memref<4x128xi32, #tpu.memory_space<vmem>> -> memref<1x32xi32, #tpu.memory_space<vmem>>
    %dma_wait3A_123 = tpu.memref_squeeze %dma_wait3A_122 : memref<1x32xi32, #tpu.memory_space<vmem>> -> memref<32xi32, #tpu.memory_space<vmem>>
    %dma_wait3A_124 = arith.constant 0 : i32
    %dma_wait3A_125 = arith.constant 0 : i32
    %dma_wait3A_126 = tpu.memref_slice %arg2[%dma_wait3A_124, %dma_wait3A_125] : memref<4096x1024xi32, #tpu.memory_space<hbm>> -> memref<4096x1024xi32, #tpu.memory_space<hbm>>
    tpu.wait_indirect_dma semaphore(%arg9 : memref<!tpu.dma_semaphore, #tpu.memory_space<semaphore_mem>>) src(%dma_wait3A_126 : memref<4096x1024xi32, #tpu.memory_space<hbm>>) dst(%arg7 : memref<32x1024xi32, #tpu.memory_space<vmem>>)
    %parallel_loop3A_127 = arith.constant 0 : i32
    %parallel_loop3A_128 = arith.constant 2048 : i32
    %parallel_loop3A_129 = arith.constant 1 : i32
    scf.for %parallel_loop3A_300 = %parallel_loop3A_127 to %parallel_loop3A_128 step %parallel_loop3A_129  : i32 {
      %parallel_loop3A_301 = arith.constant 6 : i32
      %parallel_loop3A_302 = arith.shrui %parallel_loop3A_300, %parallel_loop3A_301 : i32
      %parallel_loop3A_303 = arith.constant 2 : i32
      %parallel_loop3A_304 = arith.muli %parallel_loop3A_302, %parallel_loop3A_303 : i32
      %parallel_loop3A_305 = arith.constant 63 : i32
      %parallel_loop3A_306 = arith.andi %parallel_loop3A_300, %parallel_loop3A_305 : i32
      %parallel_loop3A_307 = arith.constant 16 : i32
      %parallel_loop3A_308 = arith.muli %parallel_loop3A_306, %parallel_loop3A_307 : i32
      %parallel_loop3A_309 = tpu.memref_bitcast %arg6 : memref<32x1024xi32, #tpu.memory_space<vmem>> -> memref<64x1024xbf16, #tpu.memory_space<vmem>>
      %parallel_loop3A_310 = arith.index_cast %parallel_loop3A_304 : i32 to index
      %parallel_loop3A_311 = arith.index_cast %parallel_loop3A_308 : i32 to index
      %parallel_loop3A_312 = tpu.vector_load %parallel_loop3A_309[%parallel_loop3A_310, %parallel_loop3A_311] {strides = array<i32>} : memref<64x1024xbf16, #tpu.memory_space<vmem>>, vector<2x16xbf16>,
      %parallel_loop3A_313 = vector.shape_cast %parallel_loop3A_312 : vector<2x16xbf16> to vector<2x16xbf16>
      %parallel_loop3A_314 = tpu.memref_bitcast %arg7 : memref<32x1024xi32, #tpu.memory_space<vmem>> -> memref<64x1024xbf16, #tpu.memory_space<vmem>>
      %parallel_loop3A_315 = arith.index_cast %parallel_loop3A_304 : i32 to index
      %parallel_loop3A_316 = arith.index_cast %parallel_loop3A_308 : i32 to index
      %parallel_loop3A_317 = tpu.vector_load %parallel_loop3A_314[%parallel_loop3A_315, %parallel_loop3A_316] {strides = array<i32>} : memref<64x1024xbf16, #tpu.memory_space<vmem>>, vector<2x16xbf16>,
      %parallel_loop3A_318 = vector.shape_cast %parallel_loop3A_317 : vector<2x16xbf16> to vector<2x16xbf16>
      %parallel_loop3A_319 = arith.addf %parallel_loop3A_313, %parallel_loop3A_318 : vector<2x16xbf16>
      %parallel_loop3A_320 = tpu.memref_bitcast %arg6 : memref<32x1024xi32, #tpu.memory_space<vmem>> -> memref<64x1024xbf16, #tpu.memory_space<vmem>>
      %parallel_loop3A_321 = arith.index_cast %parallel_loop3A_304 : i32 to index
      %parallel_loop3A_322 = arith.index_cast %parallel_loop3A_308 : i32 to index
      %parallel_loop3A_323 = tpu.vector_load %parallel_loop3A_320[%parallel_loop3A_321, %parallel_loop3A_322] {strides = array<i32>} : memref<64x1024xbf16, #tpu.memory_space<vmem>>, vector<2x16xbf16>,
      %parallel_loop3A_324 = vector.shape_cast %parallel_loop3A_323 : vector<2x16xbf16> to vector<2x16xbf16>
      %parallel_loop3A_325 = vector.shape_cast %parallel_loop3A_319 : vector<2x16xbf16> to vector<2x16xbf16>
      tpu.vector_store %parallel_loop3A_320[%parallel_loop3A_321, %parallel_loop3A_322], %parallel_loop3A_325 {strides = array<i32>} : memref<64x1024xbf16, #tpu.memory_space<vmem>>, vector<2x16xbf16>,
    } {sc.loop_unroll_factor = 8 : i64, sc.parallel_access}
    %dma_start3A_130 = arith.constant 1 : i32
    %dma_start3A_131 = arith.constant 64 : i32
    %dma_start3A_132 = tpu.memref_slice %arg5[%dma_start3A_130, %dma_start3A_131] : memref<4x128xi32, #tpu.memory_space<vmem>> -> memref<1x32xi32, #tpu.memory_space<vmem>>
    %dma_start3A_133 = tpu.memref_squeeze %dma_start3A_132 : memref<1x32xi32, #tpu.memory_space<vmem>> -> memref<32xi32, #tpu.memory_space<vmem>>
    %dma_start3A_134 = arith.constant 0 : i32
    %dma_start3A_135 = arith.constant 0 : i32
    %dma_start3A_136 = tpu.memref_slice %arg2[%dma_start3A_134, %dma_start3A_135] : memref<4096x1024xi32, #tpu.memory_space<hbm>> -> memref<4096x1024xi32, #tpu.memory_space<hbm>>
    tpu.enqueue_indirect_dma source(%dma_start3A_136 : memref<4096x1024xi32, #tpu.memory_space<hbm>>) target(%arg7 : memref<32x1024xi32, #tpu.memory_space<vmem>>) offsets(%dma_start3A_133 : memref<32xi32, #tpu.memory_space<vmem>>) semaphore(%arg9 : memref<!tpu.dma_semaphore, #tpu.memory_space<semaphore_mem>>)
    %dma_wait3A_137 = arith.constant 3 : i32
    %dma_wait3A_138 = arith.constant 32 : i32
    %dma_wait3A_139 = tpu.memref_slice %arg5[%dma_wait3A_137, %dma_wait3A_138] : memref<4x128xi32, #tpu.memory_space<vmem>> -> memref<1x32xi32, #tpu.memory_space<vmem>>
    %dma_wait3A_140 = tpu.memref_squeeze %dma_wait3A_139 : memref<1x32xi32, #tpu.memory_space<vmem>> -> memref<32xi32, #tpu.memory_space<vmem>>
    %dma_wait3A_141 = arith.constant 0 : i32
    %dma_wait3A_142 = arith.constant 0 : i32
    %dma_wait3A_143 = tpu.memref_slice %arg2[%dma_wait3A_141, %dma_wait3A_142] : memref<4096x1024xi32, #tpu.memory_space<hbm>> -> memref<4096x1024xi32, #tpu.memory_space<hbm>>
    tpu.wait_indirect_dma semaphore(%arg10 : memref<!tpu.dma_semaphore, #tpu.memory_space<semaphore_mem>>) src(%dma_wait3A_143 : memref<4096x1024xi32, #tpu.memory_space<hbm>>) dst(%arg8 : memref<32x1024xi32, #tpu.memory_space<vmem>>)
    %parallel_loop3A_144 = arith.constant 0 : i32
    %parallel_loop3A_145 = arith.constant 2048 : i32
    %parallel_loop3A_146 = arith.constant 1 : i32
    scf.for %parallel_loop3A_300 = %parallel_loop3A_144 to %parallel_loop3A_145 step %parallel_loop3A_146  : i32 {
      %parallel_loop3A_301 = arith.constant 6 : i32
      %parallel_loop3A_302 = arith.shrui %parallel_loop3A_300, %parallel_loop3A_301 : i32
      %parallel_loop3A_303 = arith.constant 2 : i32
      %parallel_loop3A_304 = arith.muli %parallel_loop3A_302, %parallel_loop3A_303 : i32
      %parallel_loop3A_305 = arith.constant 63 : i32
      %parallel_loop3A_306 = arith.andi %parallel_loop3A_300, %parallel_loop3A_305 : i32
      %parallel_loop3A_307 = arith.constant 16 : i32
      %parallel_loop3A_308 = arith.muli %parallel_loop3A_306, %parallel_loop3A_307 : i32
      %parallel_loop3A_309 = tpu.memref_bitcast %arg6 : memref<32x1024xi32, #tpu.memory_space<vmem>> -> memref<64x1024xbf16, #tpu.memory_space<vmem>>
      %parallel_loop3A_310 = arith.index_cast %parallel_loop3A_304 : i32 to index
      %parallel_loop3A_311 = arith.index_cast %parallel_loop3A_308 : i32 to index
      %parallel_loop3A_312 = tpu.vector_load %parallel_loop3A_309[%parallel_loop3A_310, %parallel_loop3A_311] {strides = array<i32>} : memref<64x1024xbf16, #tpu.memory_space<vmem>>, vector<2x16xbf16>,
      %parallel_loop3A_313 = vector.shape_cast %parallel_loop3A_312 : vector<2x16xbf16> to vector<2x16xbf16>
      %parallel_loop3A_314 = tpu.memref_bitcast %arg8 : memref<32x1024xi32, #tpu.memory_space<vmem>> -> memref<64x1024xbf16, #tpu.memory_space<vmem>>
      %parallel_loop3A_315 = arith.index_cast %parallel_loop3A_304 : i32 to index
      %parallel_loop3A_316 = arith.index_cast %parallel_loop3A_308 : i32 to index
      %parallel_loop3A_317 = tpu.vector_load %parallel_loop3A_314[%parallel_loop3A_315, %parallel_loop3A_316] {strides = array<i32>} : memref<64x1024xbf16, #tpu.memory_space<vmem>>, vector<2x16xbf16>,
      %parallel_loop3A_318 = vector.shape_cast %parallel_loop3A_317 : vector<2x16xbf16> to vector<2x16xbf16>
      %parallel_loop3A_319 = arith.addf %parallel_loop3A_313, %parallel_loop3A_318 : vector<2x16xbf16>
      %parallel_loop3A_320 = tpu.memref_bitcast %arg6 : memref<32x1024xi32, #tpu.memory_space<vmem>> -> memref<64x1024xbf16, #tpu.memory_space<vmem>>
      %parallel_loop3A_321 = arith.index_cast %parallel_loop3A_304 : i32 to index
      %parallel_loop3A_322 = arith.index_cast %parallel_loop3A_308 : i32 to index
      %parallel_loop3A_323 = tpu.vector_load %parallel_loop3A_320[%parallel_loop3A_321, %parallel_loop3A_322] {strides = array<i32>} : memref<64x1024xbf16, #tpu.memory_space<vmem>>, vector<2x16xbf16>,
      %parallel_loop3A_324 = vector.shape_cast %parallel_loop3A_323 : vector<2x16xbf16> to vector<2x16xbf16>
      %parallel_loop3A_325 = vector.shape_cast %parallel_loop3A_319 : vector<2x16xbf16> to vector<2x16xbf16>
      tpu.vector_store %parallel_loop3A_320[%parallel_loop3A_321, %parallel_loop3A_322], %parallel_loop3A_325 {strides = array<i32>} : memref<64x1024xbf16, #tpu.memory_space<vmem>>, vector<2x16xbf16>,
    } {sc.loop_unroll_factor = 8 : i64, sc.parallel_access}
    %add3A_147 = arith.constant 32 : i32
    %add3A_148 = arith.addi %mul3A_2, %add3A_147 : i32
    %dma_start3A_149 = arith.constant 0 : i32
    %dma_start3A_150 = tpu.memref_slice %arg4[%add3A_148, %dma_start3A_149] : memref<4096x1024xi32, #tpu.memory_space<hbm>> -> memref<32x1024xi32, #tpu.memory_space<hbm>>
    %dma_start3A_151 = arith.constant 0 : i32
    %dma_start3A_152 = tpu.memref_slice %arg4[%add3A_148, %dma_start3A_151] : memref<4096x1024xi32, #tpu.memory_space<hbm>> -> memref<32x1024xi32, #tpu.memory_space<hbm>>
    tpu.enqueue_dma source(%arg6 : memref<32x1024xi32, #tpu.memory_space<vmem>>) target(%dma_start3A_152 : memref<32x1024xi32, #tpu.memory_space<hbm>>) target_semaphore(%arg12 : memref<!tpu.dma_semaphore, #tpu.memory_space<semaphore_mem>>)
    %dma_wait3A_153 = arith.constant 0 : i32
    %dma_wait3A_154 = tpu.memref_slice %arg4[%add3A_148, %dma_wait3A_153] : memref<4096x1024xi32, #tpu.memory_space<hbm>> -> memref<32x1024xi32, #tpu.memory_space<hbm>>
    %dma_wait3A_155 = arith.constant 0 : i32
    %dma_wait3A_156 = tpu.memref_slice %arg4[%add3A_148, %dma_wait3A_155] : memref<4096x1024xi32, #tpu.memory_space<hbm>> -> memref<32x1024xi32, #tpu.memory_space<hbm>>
    tpu.wait_dma2 semaphore(%arg12 : memref<!tpu.dma_semaphore, #tpu.memory_space<semaphore_mem>>) src(%arg6 : memref<32x1024xi32, #tpu.memory_space<vmem>>) dst(%dma_wait3A_156 : memref<32x1024xi32, #tpu.memory_space<hbm>>)
    %dma_start3A_157 = arith.constant 0 : i32
    %dma_start3A_158 = arith.constant 64 : i32
    %dma_start3A_159 = tpu.memref_slice %arg5[%dma_start3A_157, %dma_start3A_158] : memref<4x128xi32, #tpu.memory_space<vmem>> -> memref<1x32xi32, #tpu.memory_space<vmem>>
    %dma_start3A_160 = tpu.memref_squeeze %dma_start3A_159 : memref<1x32xi32, #tpu.memory_space<vmem>> -> memref<32xi32, #tpu.memory_space<vmem>>
    %dma_start3A_161 = arith.constant 0 : i32
    %dma_start3A_162 = arith.constant 0 : i32
    %dma_start3A_163 = tpu.memref_slice %arg2[%dma_start3A_161, %dma_start3A_162] : memref<4096x1024xi32, #tpu.memory_space<hbm>> -> memref<4096x1024xi32, #tpu.memory_space<hbm>>
    tpu.enqueue_indirect_dma source(%dma_start3A_163 : memref<4096x1024xi32, #tpu.memory_space<hbm>>) target(%arg6 : memref<32x1024xi32, #tpu.memory_space<vmem>>) offsets(%dma_start3A_160 : memref<32xi32, #tpu.memory_space<vmem>>) semaphore(%arg11 : memref<!tpu.dma_semaphore, #tpu.memory_space<semaphore_mem>>)
    %dma_wait3A_164 = arith.constant 0 : i32
    %dma_wait3A_165 = arith.constant 64 : i32
    %dma_wait3A_166 = tpu.memref_slice %arg5[%dma_wait3A_164, %dma_wait3A_165] : memref<4x128xi32, #tpu.memory_space<vmem>> -> memref<1x32xi32, #tpu.memory_space<vmem>>
    %dma_wait3A_167 = tpu.memref_squeeze %dma_wait3A_166 : memref<1x32xi32, #tpu.memory_space<vmem>> -> memref<32xi32, #tpu.memory_space<vmem>>
    %dma_wait3A_168 = arith.constant 0 : i32
    %dma_wait3A_169 = arith.constant 0 : i32
    %dma_wait3A_170 = tpu.memref_slice %arg2[%dma_wait3A_168, %dma_wait3A_169] : memref<4096x1024xi32, #tpu.memory_space<hbm>> -> memref<4096x1024xi32, #tpu.memory_space<hbm>>
    tpu.wait_indirect_dma semaphore(%arg11 : memref<!tpu.dma_semaphore, #tpu.memory_space<semaphore_mem>>) src(%dma_wait3A_170 : memref<4096x1024xi32, #tpu.memory_space<hbm>>) dst(%arg6 : memref<32x1024xi32, #tpu.memory_space<vmem>>)
    %dma_start3A_171 = arith.constant 2 : i32
    %dma_start3A_172 = arith.constant 64 : i32
    %dma_start3A_173 = tpu.memref_slice %arg5[%dma_start3A_171, %dma_start3A_172] : memref<4x128xi32, #tpu.memory_space<vmem>> -> memref<1x32xi32, #tpu.memory_space<vmem>>
    %dma_start3A_174 = tpu.memref_squeeze %dma_start3A_173 : memref<1x32xi32, #tpu.memory_space<vmem>> -> memref<32xi32, #tpu.memory_space<vmem>>
    %dma_start3A_175 = arith.constant 0 : i32
    %dma_start3A_176 = arith.constant 0 : i32
    %dma_start3A_177 = tpu.memref_slice %arg2[%dma_start3A_175, %dma_start3A_176] : memref<4096x1024xi32, #tpu.memory_space<hbm>> -> memref<4096x1024xi32, #tpu.memory_space<hbm>>
    tpu.enqueue_indirect_dma source(%dma_start3A_177 : memref<4096x1024xi32, #tpu.memory_space<hbm>>) target(%arg8 : memref<32x1024xi32, #tpu.memory_space<vmem>>) offsets(%dma_start3A_174 : memref<32xi32, #tpu.memory_space<vmem>>) semaphore(%arg10 : memref<!tpu.dma_semaphore, #tpu.memory_space<semaphore_mem>>)
    %dma_wait3A_178 = arith.constant 1 : i32
    %dma_wait3A_179 = arith.constant 64 : i32
    %dma_wait3A_180 = tpu.memref_slice %arg5[%dma_wait3A_178, %dma_wait3A_179] : memref<4x128xi32, #tpu.memory_space<vmem>> -> memref<1x32xi32, #tpu.memory_space<vmem>>
    %dma_wait3A_181 = tpu.memref_squeeze %dma_wait3A_180 : memref<1x32xi32, #tpu.memory_space<vmem>> -> memref<32xi32, #tpu.memory_space<vmem>>
    %dma_wait3A_182 = arith.constant 0 : i32
    %dma_wait3A_183 = arith.constant 0 : i32
    %dma_wait3A_184 = tpu.memref_slice %arg2[%dma_wait3A_182, %dma_wait3A_183] : memref<4096x1024xi32, #tpu.memory_space<hbm>> -> memref<4096x1024xi32, #tpu.memory_space<hbm>>
    tpu.wait_indirect_dma semaphore(%arg9 : memref<!tpu.dma_semaphore, #tpu.memory_space<semaphore_mem>>) src(%dma_wait3A_184 : memref<4096x1024xi32, #tpu.memory_space<hbm>>) dst(%arg7 : memref<32x1024xi32, #tpu.memory_space<vmem>>)
    %parallel_loop3A_185 = arith.constant 0 : i32
    %parallel_loop3A_186 = arith.constant 2048 : i32
    %parallel_loop3A_187 = arith.constant 1 : i32
    scf.for %parallel_loop3A_300 = %parallel_loop3A_185 to %parallel_loop3A_186 step %parallel_loop3A_187  : i32 {
      %parallel_loop3A_301 = arith.constant 6 : i32
      %parallel_loop3A_302 = arith.shrui %parallel_loop3A_300, %parallel_loop3A_301 : i32
      %parallel_loop3A_303 = arith.constant 2 : i32
      %parallel_loop3A_304 = arith.muli %parallel_loop3A_302, %parallel_loop3A_303 : i32
      %parallel_loop3A_305 = arith.constant 63 : i32
      %parallel_loop3A_306 = arith.andi %parallel_loop3A_300, %parallel_loop3A_305 : i32
      %parallel_loop3A_307 = arith.constant 16 : i32
      %parallel_loop3A_308 = arith.muli %parallel_loop3A_306, %parallel_loop3A_307 : i32
      %parallel_loop3A_309 = tpu.memref_bitcast %arg6 : memref<32x1024xi32, #tpu.memory_space<vmem>> -> memref<64x1024xbf16, #tpu.memory_space<vmem>>
      %parallel_loop3A_310 = arith.index_cast %parallel_loop3A_304 : i32 to index
      %parallel_loop3A_311 = arith.index_cast %parallel_loop3A_308 : i32 to index
      %parallel_loop3A_312 = tpu.vector_load %parallel_loop3A_309[%parallel_loop3A_310, %parallel_loop3A_311] {strides = array<i32>} : memref<64x1024xbf16, #tpu.memory_space<vmem>>, vector<2x16xbf16>,
      %parallel_loop3A_313 = vector.shape_cast %parallel_loop3A_312 : vector<2x16xbf16> to vector<2x16xbf16>
      %parallel_loop3A_314 = tpu.memref_bitcast %arg7 : memref<32x1024xi32, #tpu.memory_space<vmem>> -> memref<64x1024xbf16, #tpu.memory_space<vmem>>
      %parallel_loop3A_315 = arith.index_cast %parallel_loop3A_304 : i32 to index
      %parallel_loop3A_316 = arith.index_cast %parallel_loop3A_308 : i32 to index
      %parallel_loop3A_317 = tpu.vector_load %parallel_loop3A_314[%parallel_loop3A_315, %parallel_loop3A_316] {strides = array<i32>} : memref<64x1024xbf16, #tpu.memory_space<vmem>>, vector<2x16xbf16>,
      %parallel_loop3A_318 = vector.shape_cast %parallel_loop3A_317 : vector<2x16xbf16> to vector<2x16xbf16>
      %parallel_loop3A_319 = arith.addf %parallel_loop3A_313, %parallel_loop3A_318 : vector<2x16xbf16>
      %parallel_loop3A_320 = tpu.memref_bitcast %arg6 : memref<32x1024xi32, #tpu.memory_space<vmem>> -> memref<64x1024xbf16, #tpu.memory_space<vmem>>
      %parallel_loop3A_321 = arith.index_cast %parallel_loop3A_304 : i32 to index
      %parallel_loop3A_322 = arith.index_cast %parallel_loop3A_308 : i32 to index
      %parallel_loop3A_323 = tpu.vector_load %parallel_loop3A_320[%parallel_loop3A_321, %parallel_loop3A_322] {strides = array<i32>} : memref<64x1024xbf16, #tpu.memory_space<vmem>>, vector<2x16xbf16>,
      %parallel_loop3A_324 = vector.shape_cast %parallel_loop3A_323 : vector<2x16xbf16> to vector<2x16xbf16>
      %parallel_loop3A_325 = vector.shape_cast %parallel_loop3A_319 : vector<2x16xbf16> to vector<2x16xbf16>
      tpu.vector_store %parallel_loop3A_320[%parallel_loop3A_321, %parallel_loop3A_322], %parallel_loop3A_325 {strides = array<i32>} : memref<64x1024xbf16, #tpu.memory_space<vmem>>, vector<2x16xbf16>,
    } {sc.loop_unroll_factor = 8 : i64, sc.parallel_access}
    %dma_start3A_188 = arith.constant 3 : i32
    %dma_start3A_189 = arith.constant 64 : i32
    %dma_start3A_190 = tpu.memref_slice %arg5[%dma_start3A_188, %dma_start3A_189] : memref<4x128xi32, #tpu.memory_space<vmem>> -> memref<1x32xi32, #tpu.memory_space<vmem>>
    %dma_start3A_191 = tpu.memref_squeeze %dma_start3A_190 : memref<1x32xi32, #tpu.memory_space<vmem>> -> memref<32xi32, #tpu.memory_space<vmem>>
    %dma_start3A_192 = arith.constant 0 : i32
    %dma_start3A_193 = arith.constant 0 : i32
    %dma_start3A_194 = tpu.memref_slice %arg2[%dma_start3A_192, %dma_start3A_193] : memref<4096x1024xi32, #tpu.memory_space<hbm>> -> memref<4096x1024xi32, #tpu.memory_space<hbm>>
    tpu.enqueue_indirect_dma source(%dma_start3A_194 : memref<4096x1024xi32, #tpu.memory_space<hbm>>) target(%arg7 : memref<32x1024xi32, #tpu.memory_space<vmem>>) offsets(%dma_start3A_191 : memref<32xi32, #tpu.memory_space<vmem>>) semaphore(%arg9 : memref<!tpu.dma_semaphore, #tpu.memory_space<semaphore_mem>>)
    %dma_wait3A_195 = arith.constant 2 : i32
    %dma_wait3A_196 = arith.constant 64 : i32
    %dma_wait3A_197 = tpu.memref_slice %arg5[%dma_wait3A_195, %dma_wait3A_196] : memref<4x128xi32, #tpu.memory_space<vmem>> -> memref<1x32xi32, #tpu.memory_space<vmem>>
    %dma_wait3A_198 = tpu.memref_squeeze %dma_wait3A_197 : memref<1x32xi32, #tpu.memory_space<vmem>> -> memref<32xi32, #tpu.memory_space<vmem>>
    %dma_wait3A_199 = arith.constant 0 : i32
    %dma_wait3A_200 = arith.constant 0 : i32
    %dma_wait3A_201 = tpu.memref_slice %arg2[%dma_wait3A_199, %dma_wait3A_200] : memref<4096x1024xi32, #tpu.memory_space<hbm>> -> memref<4096x1024xi32, #tpu.memory_space<hbm>>
    tpu.wait_indirect_dma semaphore(%arg10 : memref<!tpu.dma_semaphore, #tpu.memory_space<semaphore_mem>>) src(%dma_wait3A_201 : memref<4096x1024xi32, #tpu.memory_space<hbm>>) dst(%arg8 : memref<32x1024xi32, #tpu.memory_space<vmem>>)
    %parallel_loop3A_202 = arith.constant 0 : i32
    %parallel_loop3A_203 = arith.constant 2048 : i32
    %parallel_loop3A_204 = arith.constant 1 : i32
    scf.for %parallel_loop3A_300 = %parallel_loop3A_202 to %parallel_loop3A_203 step %parallel_loop3A_204  : i32 {
      %parallel_loop3A_301 = arith.constant 6 : i32
      %parallel_loop3A_302 = arith.shrui %parallel_loop3A_300, %parallel_loop3A_301 : i32
      %parallel_loop3A_303 = arith.constant 2 : i32
      %parallel_loop3A_304 = arith.muli %parallel_loop3A_302, %parallel_loop3A_303 : i32
      %parallel_loop3A_305 = arith.constant 63 : i32
      %parallel_loop3A_306 = arith.andi %parallel_loop3A_300, %parallel_loop3A_305 : i32
      %parallel_loop3A_307 = arith.constant 16 : i32
      %parallel_loop3A_308 = arith.muli %parallel_loop3A_306, %parallel_loop3A_307 : i32
      %parallel_loop3A_309 = tpu.memref_bitcast %arg6 : memref<32x1024xi32, #tpu.memory_space<vmem>> -> memref<64x1024xbf16, #tpu.memory_space<vmem>>
      %parallel_loop3A_310 = arith.index_cast %parallel_loop3A_304 : i32 to index
      %parallel_loop3A_311 = arith.index_cast %parallel_loop3A_308 : i32 to index
      %parallel_loop3A_312 = tpu.vector_load %parallel_loop3A_309[%parallel_loop3A_310, %parallel_loop3A_311] {strides = array<i32>} : memref<64x1024xbf16, #tpu.memory_space<vmem>>, vector<2x16xbf16>,
      %parallel_loop3A_313 = vector.shape_cast %parallel_loop3A_312 : vector<2x16xbf16> to vector<2x16xbf16>
      %parallel_loop3A_314 = tpu.memref_bitcast %arg8 : memref<32x1024xi32, #tpu.memory_space<vmem>> -> memref<64x1024xbf16, #tpu.memory_space<vmem>>
      %parallel_loop3A_315 = arith.index_cast %parallel_loop3A_304 : i32 to index
      %parallel_loop3A_316 = arith.index_cast %parallel_loop3A_308 : i32 to index
      %parallel_loop3A_317 = tpu.vector_load %parallel_loop3A_314[%parallel_loop3A_315, %parallel_loop3A_316] {strides = array<i32>} : memref<64x1024xbf16, #tpu.memory_space<vmem>>, vector<2x16xbf16>,
      %parallel_loop3A_318 = vector.shape_cast %parallel_loop3A_317 : vector<2x16xbf16> to vector<2x16xbf16>
      %parallel_loop3A_319 = arith.addf %parallel_loop3A_313, %parallel_loop3A_318 : vector<2x16xbf16>
      %parallel_loop3A_320 = tpu.memref_bitcast %arg6 : memref<32x1024xi32, #tpu.memory_space<vmem>> -> memref<64x1024xbf16, #tpu.memory_space<vmem>>
      %parallel_loop3A_321 = arith.index_cast %parallel_loop3A_304 : i32 to index
      %parallel_loop3A_322 = arith.index_cast %parallel_loop3A_308 : i32 to index
      %parallel_loop3A_323 = tpu.vector_load %parallel_loop3A_320[%parallel_loop3A_321, %parallel_loop3A_322] {strides = array<i32>} : memref<64x1024xbf16, #tpu.memory_space<vmem>>, vector<2x16xbf16>,
      %parallel_loop3A_324 = vector.shape_cast %parallel_loop3A_323 : vector<2x16xbf16> to vector<2x16xbf16>
      %parallel_loop3A_325 = vector.shape_cast %parallel_loop3A_319 : vector<2x16xbf16> to vector<2x16xbf16>
      tpu.vector_store %parallel_loop3A_320[%parallel_loop3A_321, %parallel_loop3A_322], %parallel_loop3A_325 {strides = array<i32>} : memref<64x1024xbf16, #tpu.memory_space<vmem>>, vector<2x16xbf16>,
    } {sc.loop_unroll_factor = 8 : i64, sc.parallel_access}
    %dma_start3A_205 = arith.constant 1 : i32
    %dma_start3A_206 = arith.constant 96 : i32
    %dma_start3A_207 = tpu.memref_slice %arg5[%dma_start3A_205, %dma_start3A_206] : memref<4x128xi32, #tpu.memory_space<vmem>> -> memref<1x32xi32, #tpu.memory_space<vmem>>
    %dma_start3A_208 = tpu.memref_squeeze %dma_start3A_207 : memref<1x32xi32, #tpu.memory_space<vmem>> -> memref<32xi32, #tpu.memory_space<vmem>>
    %dma_start3A_209 = arith.constant 0 : i32
    %dma_start3A_210 = arith.constant 0 : i32
    %dma_start3A_211 = tpu.memref_slice %arg2[%dma_start3A_209, %dma_start3A_210] : memref<4096x1024xi32, #tpu.memory_space<hbm>> -> memref<4096x1024xi32, #tpu.memory_space<hbm>>
    tpu.enqueue_indirect_dma source(%dma_start3A_211 : memref<4096x1024xi32, #tpu.memory_space<hbm>>) target(%arg8 : memref<32x1024xi32, #tpu.memory_space<vmem>>) offsets(%dma_start3A_208 : memref<32xi32, #tpu.memory_space<vmem>>) semaphore(%arg10 : memref<!tpu.dma_semaphore, #tpu.memory_space<semaphore_mem>>)
    %dma_wait3A_212 = arith.constant 3 : i32
    %dma_wait3A_213 = arith.constant 64 : i32
    %dma_wait3A_214 = tpu.memref_slice %arg5[%dma_wait3A_212, %dma_wait3A_213] : memref<4x128xi32, #tpu.memory_space<vmem>> -> memref<1x32xi32, #tpu.memory_space<vmem>>
    %dma_wait3A_215 = tpu.memref_squeeze %dma_wait3A_214 : memref<1x32xi32, #tpu.memory_space<vmem>> -> memref<32xi32, #tpu.memory_space<vmem>>
    %dma_wait3A_216 = arith.constant 0 : i32
    %dma_wait3A_217 = arith.constant 0 : i32
    %dma_wait3A_218 = tpu.memref_slice %arg2[%dma_wait3A_216, %dma_wait3A_217] : memref<4096x1024xi32, #tpu.memory_space<hbm>> -> memref<4096x1024xi32, #tpu.memory_space<hbm>>
    tpu.wait_indirect_dma semaphore(%arg9 : memref<!tpu.dma_semaphore, #tpu.memory_space<semaphore_mem>>) src(%dma_wait3A_218 : memref<4096x1024xi32, #tpu.memory_space<hbm>>) dst(%arg7 : memref<32x1024xi32, #tpu.memory_space<vmem>>)
    %parallel_loop3A_219 = arith.constant 0 : i32
    %parallel_loop3A_220 = arith.constant 2048 : i32
    %parallel_loop3A_221 = arith.constant 1 : i32
    scf.for %parallel_loop3A_300 = %parallel_loop3A_219 to %parallel_loop3A_220 step %parallel_loop3A_221  : i32 {
      %parallel_loop3A_301 = arith.constant 6 : i32
      %parallel_loop3A_302 = arith.shrui %parallel_loop3A_300, %parallel_loop3A_301 : i32
      %parallel_loop3A_303 = arith.constant 2 : i32
      %parallel_loop3A_304 = arith.muli %parallel_loop3A_302, %parallel_loop3A_303 : i32
      %parallel_loop3A_305 = arith.constant 63 : i32
      %parallel_loop3A_306 = arith.andi %parallel_loop3A_300, %parallel_loop3A_305 : i32
      %parallel_loop3A_307 = arith.constant 16 : i32
      %parallel_loop3A_308 = arith.muli %parallel_loop3A_306, %parallel_loop3A_307 : i32
      %parallel_loop3A_309 = tpu.memref_bitcast %arg6 : memref<32x1024xi32, #tpu.memory_space<vmem>> -> memref<64x1024xbf16, #tpu.memory_space<vmem>>
      %parallel_loop3A_310 = arith.index_cast %parallel_loop3A_304 : i32 to index
      %parallel_loop3A_311 = arith.index_cast %parallel_loop3A_308 : i32 to index
      %parallel_loop3A_312 = tpu.vector_load %parallel_loop3A_309[%parallel_loop3A_310, %parallel_loop3A_311] {strides = array<i32>} : memref<64x1024xbf16, #tpu.memory_space<vmem>>, vector<2x16xbf16>,
      %parallel_loop3A_313 = vector.shape_cast %parallel_loop3A_312 : vector<2x16xbf16> to vector<2x16xbf16>
      %parallel_loop3A_314 = tpu.memref_bitcast %arg7 : memref<32x1024xi32, #tpu.memory_space<vmem>> -> memref<64x1024xbf16, #tpu.memory_space<vmem>>
      %parallel_loop3A_315 = arith.index_cast %parallel_loop3A_304 : i32 to index
      %parallel_loop3A_316 = arith.index_cast %parallel_loop3A_308 : i32 to index
      %parallel_loop3A_317 = tpu.vector_load %parallel_loop3A_314[%parallel_loop3A_315, %parallel_loop3A_316] {strides = array<i32>} : memref<64x1024xbf16, #tpu.memory_space<vmem>>, vector<2x16xbf16>,
      %parallel_loop3A_318 = vector.shape_cast %parallel_loop3A_317 : vector<2x16xbf16> to vector<2x16xbf16>
      %parallel_loop3A_319 = arith.addf %parallel_loop3A_313, %parallel_loop3A_318 : vector<2x16xbf16>
      %parallel_loop3A_320 = tpu.memref_bitcast %arg6 : memref<32x1024xi32, #tpu.memory_space<vmem>> -> memref<64x1024xbf16, #tpu.memory_space<vmem>>
      %parallel_loop3A_321 = arith.index_cast %parallel_loop3A_304 : i32 to index
      %parallel_loop3A_322 = arith.index_cast %parallel_loop3A_308 : i32 to index
      %parallel_loop3A_323 = tpu.vector_load %parallel_loop3A_320[%parallel_loop3A_321, %parallel_loop3A_322] {strides = array<i32>} : memref<64x1024xbf16, #tpu.memory_space<vmem>>, vector<2x16xbf16>,
      %parallel_loop3A_324 = vector.shape_cast %parallel_loop3A_323 : vector<2x16xbf16> to vector<2x16xbf16>
      %parallel_loop3A_325 = vector.shape_cast %parallel_loop3A_319 : vector<2x16xbf16> to vector<2x16xbf16>
      tpu.vector_store %parallel_loop3A_320[%parallel_loop3A_321, %parallel_loop3A_322], %parallel_loop3A_325 {strides = array<i32>} : memref<64x1024xbf16, #tpu.memory_space<vmem>>, vector<2x16xbf16>,
    } {sc.loop_unroll_factor = 8 : i64, sc.parallel_access}
    %add3A_222 = arith.constant 64 : i32
    %add3A_223 = arith.addi %mul3A_2, %add3A_222 : i32
    %dma_start3A_224 = arith.constant 0 : i32
    %dma_start3A_225 = tpu.memref_slice %arg4[%add3A_223, %dma_start3A_224] : memref<4096x1024xi32, #tpu.memory_space<hbm>> -> memref<32x1024xi32, #tpu.memory_space<hbm>>
    %dma_start3A_226 = arith.constant 0 : i32
    %dma_start3A_227 = tpu.memref_slice %arg4[%add3A_223, %dma_start3A_226] : memref<4096x1024xi32, #tpu.memory_space<hbm>> -> memref<32x1024xi32, #tpu.memory_space<hbm>>
    tpu.enqueue_dma source(%arg6 : memref<32x1024xi32, #tpu.memory_space<vmem>>) target(%dma_start3A_227 : memref<32x1024xi32, #tpu.memory_space<hbm>>) target_semaphore(%arg12 : memref<!tpu.dma_semaphore, #tpu.memory_space<semaphore_mem>>)
    %dma_wait3A_228 = arith.constant 0 : i32
    %dma_wait3A_229 = tpu.memref_slice %arg4[%add3A_223, %dma_wait3A_228] : memref<4096x1024xi32, #tpu.memory_space<hbm>> -> memref<32x1024xi32, #tpu.memory_space<hbm>>
    %dma_wait3A_230 = arith.constant 0 : i32
    %dma_wait3A_231 = tpu.memref_slice %arg4[%add3A_223, %dma_wait3A_230] : memref<4096x1024xi32, #tpu.memory_space<hbm>> -> memref<32x1024xi32, #tpu.memory_space<hbm>>
    tpu.wait_dma2 semaphore(%arg12 : memref<!tpu.dma_semaphore, #tpu.memory_space<semaphore_mem>>) src(%arg6 : memref<32x1024xi32, #tpu.memory_space<vmem>>) dst(%dma_wait3A_231 : memref<32x1024xi32, #tpu.memory_space<hbm>>)
    %dma_start3A_232 = arith.constant 0 : i32
    %dma_start3A_233 = arith.constant 96 : i32
    %dma_start3A_234 = tpu.memref_slice %arg5[%dma_start3A_232, %dma_start3A_233] : memref<4x128xi32, #tpu.memory_space<vmem>> -> memref<1x32xi32, #tpu.memory_space<vmem>>
    %dma_start3A_235 = tpu.memref_squeeze %dma_start3A_234 : memref<1x32xi32, #tpu.memory_space<vmem>> -> memref<32xi32, #tpu.memory_space<vmem>>
    %dma_start3A_236 = arith.constant 0 : i32
    %dma_start3A_237 = arith.constant 0 : i32
    %dma_start3A_238 = tpu.memref_slice %arg2[%dma_start3A_236, %dma_start3A_237] : memref<4096x1024xi32, #tpu.memory_space<hbm>> -> memref<4096x1024xi32, #tpu.memory_space<hbm>>
    tpu.enqueue_indirect_dma source(%dma_start3A_238 : memref<4096x1024xi32, #tpu.memory_space<hbm>>) target(%arg6 : memref<32x1024xi32, #tpu.memory_space<vmem>>) offsets(%dma_start3A_235 : memref<32xi32, #tpu.memory_space<vmem>>) semaphore(%arg11 : memref<!tpu.dma_semaphore, #tpu.memory_space<semaphore_mem>>)
    %dma_wait3A_239 = arith.constant 0 : i32
    %dma_wait3A_240 = arith.constant 96 : i32
    %dma_wait3A_241 = tpu.memref_slice %arg5[%dma_wait3A_239, %dma_wait3A_240] : memref<4x128xi32, #tpu.memory_space<vmem>> -> memref<1x32xi32, #tpu.memory_space<vmem>>
    %dma_wait3A_242 = tpu.memref_squeeze %dma_wait3A_241 : memref<1x32xi32, #tpu.memory_space<vmem>> -> memref<32xi32, #tpu.memory_space<vmem>>
    %dma_wait3A_243 = arith.constant 0 : i32
    %dma_wait3A_244 = arith.constant 0 : i32
    %dma_wait3A_245 = tpu.memref_slice %arg2[%dma_wait3A_243, %dma_wait3A_244] : memref<4096x1024xi32, #tpu.memory_space<hbm>> -> memref<4096x1024xi32, #tpu.memory_space<hbm>>
    tpu.wait_indirect_dma semaphore(%arg11 : memref<!tpu.dma_semaphore, #tpu.memory_space<semaphore_mem>>) src(%dma_wait3A_245 : memref<4096x1024xi32, #tpu.memory_space<hbm>>) dst(%arg6 : memref<32x1024xi32, #tpu.memory_space<vmem>>)
    %dma_start3A_246 = arith.constant 2 : i32
    %dma_start3A_247 = arith.constant 96 : i32
    %dma_start3A_248 = tpu.memref_slice %arg5[%dma_start3A_246, %dma_start3A_247] : memref<4x128xi32, #tpu.memory_space<vmem>> -> memref<1x32xi32, #tpu.memory_space<vmem>>
    %dma_start3A_249 = tpu.memref_squeeze %dma_start3A_248 : memref<1x32xi32, #tpu.memory_space<vmem>> -> memref<32xi32, #tpu.memory_space<vmem>>
    %dma_start3A_250 = arith.constant 0 : i32
    %dma_start3A_251 = arith.constant 0 : i32
    %dma_start3A_252 = tpu.memref_slice %arg2[%dma_start3A_250, %dma_start3A_251] : memref<4096x1024xi32, #tpu.memory_space<hbm>> -> memref<4096x1024xi32, #tpu.memory_space<hbm>>
    tpu.enqueue_indirect_dma source(%dma_start3A_252 : memref<4096x1024xi32, #tpu.memory_space<hbm>>) target(%arg7 : memref<32x1024xi32, #tpu.memory_space<vmem>>) offsets(%dma_start3A_249 : memref<32xi32, #tpu.memory_space<vmem>>) semaphore(%arg9 : memref<!tpu.dma_semaphore, #tpu.memory_space<semaphore_mem>>)
    %dma_wait3A_253 = arith.constant 1 : i32
    %dma_wait3A_254 = arith.constant 96 : i32
    %dma_wait3A_255 = tpu.memref_slice %arg5[%dma_wait3A_253, %dma_wait3A_254] : memref<4x128xi32, #tpu.memory_space<vmem>> -> memref<1x32xi32, #tpu.memory_space<vmem>>
    %dma_wait3A_256 = tpu.memref_squeeze %dma_wait3A_255 : memref<1x32xi32, #tpu.memory_space<vmem>> -> memref<32xi32, #tpu.memory_space<vmem>>
    %dma_wait3A_257 = arith.constant 0 : i32
    %dma_wait3A_258 = arith.constant 0 : i32
    %dma_wait3A_259 = tpu.memref_slice %arg2[%dma_wait3A_257, %dma_wait3A_258] : memref<4096x1024xi32, #tpu.memory_space<hbm>> -> memref<4096x1024xi32, #tpu.memory_space<hbm>>
    tpu.wait_indirect_dma semaphore(%arg10 : memref<!tpu.dma_semaphore, #tpu.memory_space<semaphore_mem>>) src(%dma_wait3A_259 : memref<4096x1024xi32, #tpu.memory_space<hbm>>) dst(%arg8 : memref<32x1024xi32, #tpu.memory_space<vmem>>)
    %parallel_loop3A_260 = arith.constant 0 : i32
    %parallel_loop3A_261 = arith.constant 2048 : i32
    %parallel_loop3A_262 = arith.constant 1 : i32
    scf.for %parallel_loop3A_300 = %parallel_loop3A_260 to %parallel_loop3A_261 step %parallel_loop3A_262  : i32 {
      %parallel_loop3A_301 = arith.constant 6 : i32
      %parallel_loop3A_302 = arith.shrui %parallel_loop3A_300, %parallel_loop3A_301 : i32
      %parallel_loop3A_303 = arith.constant 2 : i32
      %parallel_loop3A_304 = arith.muli %parallel_loop3A_302, %parallel_loop3A_303 : i32
      %parallel_loop3A_305 = arith.constant 63 : i32
      %parallel_loop3A_306 = arith.andi %parallel_loop3A_300, %parallel_loop3A_305 : i32
      %parallel_loop3A_307 = arith.constant 16 : i32
      %parallel_loop3A_308 = arith.muli %parallel_loop3A_306, %parallel_loop3A_307 : i32
      %parallel_loop3A_309 = tpu.memref_bitcast %arg6 : memref<32x1024xi32, #tpu.memory_space<vmem>> -> memref<64x1024xbf16, #tpu.memory_space<vmem>>
      %parallel_loop3A_310 = arith.index_cast %parallel_loop3A_304 : i32 to index
      %parallel_loop3A_311 = arith.index_cast %parallel_loop3A_308 : i32 to index
      %parallel_loop3A_312 = tpu.vector_load %parallel_loop3A_309[%parallel_loop3A_310, %parallel_loop3A_311] {strides = array<i32>} : memref<64x1024xbf16, #tpu.memory_space<vmem>>, vector<2x16xbf16>,
      %parallel_loop3A_313 = vector.shape_cast %parallel_loop3A_312 : vector<2x16xbf16> to vector<2x16xbf16>
      %parallel_loop3A_314 = tpu.memref_bitcast %arg8 : memref<32x1024xi32, #tpu.memory_space<vmem>> -> memref<64x1024xbf16, #tpu.memory_space<vmem>>
      %parallel_loop3A_315 = arith.index_cast %parallel_loop3A_304 : i32 to index
      %parallel_loop3A_316 = arith.index_cast %parallel_loop3A_308 : i32 to index
      %parallel_loop3A_317 = tpu.vector_load %parallel_loop3A_314[%parallel_loop3A_315, %parallel_loop3A_316] {strides = array<i32>} : memref<64x1024xbf16, #tpu.memory_space<vmem>>, vector<2x16xbf16>,
      %parallel_loop3A_318 = vector.shape_cast %parallel_loop3A_317 : vector<2x16xbf16> to vector<2x16xbf16>
      %parallel_loop3A_319 = arith.addf %parallel_loop3A_313, %parallel_loop3A_318 : vector<2x16xbf16>
      %parallel_loop3A_320 = tpu.memref_bitcast %arg6 : memref<32x1024xi32, #tpu.memory_space<vmem>> -> memref<64x1024xbf16, #tpu.memory_space<vmem>>
      %parallel_loop3A_321 = arith.index_cast %parallel_loop3A_304 : i32 to index
      %parallel_loop3A_322 = arith.index_cast %parallel_loop3A_308 : i32 to index
      %parallel_loop3A_323 = tpu.vector_load %parallel_loop3A_320[%parallel_loop3A_321, %parallel_loop3A_322] {strides = array<i32>} : memref<64x1024xbf16, #tpu.memory_space<vmem>>, vector<2x16xbf16>,
      %parallel_loop3A_324 = vector.shape_cast %parallel_loop3A_323 : vector<2x16xbf16> to vector<2x16xbf16>
      %parallel_loop3A_325 = vector.shape_cast %parallel_loop3A_319 : vector<2x16xbf16> to vector<2x16xbf16>
      tpu.vector_store %parallel_loop3A_320[%parallel_loop3A_321, %parallel_loop3A_322], %parallel_loop3A_325 {strides = array<i32>} : memref<64x1024xbf16, #tpu.memory_space<vmem>>, vector<2x16xbf16>,
    } {sc.loop_unroll_factor = 8 : i64, sc.parallel_access}
    %dma_start3A_263 = arith.constant 3 : i32
    %dma_start3A_264 = arith.constant 96 : i32
    %dma_start3A_265 = tpu.memref_slice %arg5[%dma_start3A_263, %dma_start3A_264] : memref<4x128xi32, #tpu.memory_space<vmem>> -> memref<1x32xi32, #tpu.memory_space<vmem>>
    %dma_start3A_266 = tpu.memref_squeeze %dma_start3A_265 : memref<1x32xi32, #tpu.memory_space<vmem>> -> memref<32xi32, #tpu.memory_space<vmem>>
    %dma_start3A_267 = arith.constant 0 : i32
    %dma_start3A_268 = arith.constant 0 : i32
    %dma_start3A_269 = tpu.memref_slice %arg2[%dma_start3A_267, %dma_start3A_268] : memref<4096x1024xi32, #tpu.memory_space<hbm>> -> memref<4096x1024xi32, #tpu.memory_space<hbm>>
    tpu.enqueue_indirect_dma source(%dma_start3A_269 : memref<4096x1024xi32, #tpu.memory_space<hbm>>) target(%arg8 : memref<32x1024xi32, #tpu.memory_space<vmem>>) offsets(%dma_start3A_266 : memref<32xi32, #tpu.memory_space<vmem>>) semaphore(%arg10 : memref<!tpu.dma_semaphore, #tpu.memory_space<semaphore_mem>>)
    %dma_wait3A_270 = arith.constant 2 : i32
    %dma_wait3A_271 = arith.constant 96 : i32
    %dma_wait3A_272 = tpu.memref_slice %arg5[%dma_wait3A_270, %dma_wait3A_271] : memref<4x128xi32, #tpu.memory_space<vmem>> -> memref<1x32xi32, #tpu.memory_space<vmem>>
    %dma_wait3A_273 = tpu.memref_squeeze %dma_wait3A_272 : memref<1x32xi32, #tpu.memory_space<vmem>> -> memref<32xi32, #tpu.memory_space<vmem>>
    %dma_wait3A_274 = arith.constant 0 : i32
    %dma_wait3A_275 = arith.constant 0 : i32
    %dma_wait3A_276 = tpu.memref_slice %arg2[%dma_wait3A_274, %dma_wait3A_275] : memref<4096x1024xi32, #tpu.memory_space<hbm>> -> memref<4096x1024xi32, #tpu.memory_space<hbm>>
    tpu.wait_indirect_dma semaphore(%arg9 : memref<!tpu.dma_semaphore, #tpu.memory_space<semaphore_mem>>) src(%dma_wait3A_276 : memref<4096x1024xi32, #tpu.memory_space<hbm>>) dst(%arg7 : memref<32x1024xi32, #tpu.memory_space<vmem>>)
    %parallel_loop3A_277 = arith.constant 0 : i32
    %parallel_loop3A_278 = arith.constant 2048 : i32
    %parallel_loop3A_279 = arith.constant 1 : i32
    scf.for %parallel_loop3A_300 = %parallel_loop3A_277 to %parallel_loop3A_278 step %parallel_loop3A_279  : i32 {
      %parallel_loop3A_301 = arith.constant 6 : i32
      %parallel_loop3A_302 = arith.shrui %parallel_loop3A_300, %parallel_loop3A_301 : i32
      %parallel_loop3A_303 = arith.constant 2 : i32
      %parallel_loop3A_304 = arith.muli %parallel_loop3A_302, %parallel_loop3A_303 : i32
      %parallel_loop3A_305 = arith.constant 63 : i32
      %parallel_loop3A_306 = arith.andi %parallel_loop3A_300, %parallel_loop3A_305 : i32
      %parallel_loop3A_307 = arith.constant 16 : i32
      %parallel_loop3A_308 = arith.muli %parallel_loop3A_306, %parallel_loop3A_307 : i32
      %parallel_loop3A_309 = tpu.memref_bitcast %arg6 : memref<32x1024xi32, #tpu.memory_space<vmem>> -> memref<64x1024xbf16, #tpu.memory_space<vmem>>
      %parallel_loop3A_310 = arith.index_cast %parallel_loop3A_304 : i32 to index
      %parallel_loop3A_311 = arith.index_cast %parallel_loop3A_308 : i32 to index
      %parallel_loop3A_312 = tpu.vector_load %parallel_loop3A_309[%parallel_loop3A_310, %parallel_loop3A_311] {strides = array<i32>} : memref<64x1024xbf16, #tpu.memory_space<vmem>>, vector<2x16xbf16>,
      %parallel_loop3A_313 = vector.shape_cast %parallel_loop3A_312 : vector<2x16xbf16> to vector<2x16xbf16>
      %parallel_loop3A_314 = tpu.memref_bitcast %arg7 : memref<32x1024xi32, #tpu.memory_space<vmem>> -> memref<64x1024xbf16, #tpu.memory_space<vmem>>
      %parallel_loop3A_315 = arith.index_cast %parallel_loop3A_304 : i32 to index
      %parallel_loop3A_316 = arith.index_cast %parallel_loop3A_308 : i32 to index
      %parallel_loop3A_317 = tpu.vector_load %parallel_loop3A_314[%parallel_loop3A_315, %parallel_loop3A_316] {strides = array<i32>} : memref<64x1024xbf16, #tpu.memory_space<vmem>>, vector<2x16xbf16>,
      %parallel_loop3A_318 = vector.shape_cast %parallel_loop3A_317 : vector<2x16xbf16> to vector<2x16xbf16>
      %parallel_loop3A_319 = arith.addf %parallel_loop3A_313, %parallel_loop3A_318 : vector<2x16xbf16>
      %parallel_loop3A_320 = tpu.memref_bitcast %arg6 : memref<32x1024xi32, #tpu.memory_space<vmem>> -> memref<64x1024xbf16, #tpu.memory_space<vmem>>
      %parallel_loop3A_321 = arith.index_cast %parallel_loop3A_304 : i32 to index
      %parallel_loop3A_322 = arith.index_cast %parallel_loop3A_308 : i32 to index
      %parallel_loop3A_323 = tpu.vector_load %parallel_loop3A_320[%parallel_loop3A_321, %parallel_loop3A_322] {strides = array<i32>} : memref<64x1024xbf16, #tpu.memory_space<vmem>>, vector<2x16xbf16>,
      %parallel_loop3A_324 = vector.shape_cast %parallel_loop3A_323 : vector<2x16xbf16> to vector<2x16xbf16>
      %parallel_loop3A_325 = vector.shape_cast %parallel_loop3A_319 : vector<2x16xbf16> to vector<2x16xbf16>
      tpu.vector_store %parallel_loop3A_320[%parallel_loop3A_321, %parallel_loop3A_322], %parallel_loop3A_325 {strides = array<i32>} : memref<64x1024xbf16, #tpu.memory_space<vmem>>, vector<2x16xbf16>,
    } {sc.loop_unroll_factor = 8 : i64, sc.parallel_access}
    %dma_wait3A_280 = arith.constant 3 : i32
    %dma_wait3A_281 = arith.constant 96 : i32
    %dma_wait3A_282 = tpu.memref_slice %arg5[%dma_wait3A_280, %dma_wait3A_281] : memref<4x128xi32, #tpu.memory_space<vmem>> -> memref<1x32xi32, #tpu.memory_space<vmem>>
    %dma_wait3A_283 = tpu.memref_squeeze %dma_wait3A_282 : memref<1x32xi32, #tpu.memory_space<vmem>> -> memref<32xi32, #tpu.memory_space<vmem>>
    %dma_wait3A_284 = arith.constant 0 : i32
    %dma_wait3A_285 = arith.constant 0 : i32
    %dma_wait3A_286 = tpu.memref_slice %arg2[%dma_wait3A_284, %dma_wait3A_285] : memref<4096x1024xi32, #tpu.memory_space<hbm>> -> memref<4096x1024xi32, #tpu.memory_space<hbm>>
    tpu.wait_indirect_dma semaphore(%arg10 : memref<!tpu.dma_semaphore, #tpu.memory_space<semaphore_mem>>) src(%dma_wait3A_286 : memref<4096x1024xi32, #tpu.memory_space<hbm>>) dst(%arg8 : memref<32x1024xi32, #tpu.memory_space<vmem>>)
    %parallel_loop3A_287 = arith.constant 0 : i32
    %parallel_loop3A_288 = arith.constant 2048 : i32
    %parallel_loop3A_289 = arith.constant 1 : i32
    scf.for %parallel_loop3A_300 = %parallel_loop3A_287 to %parallel_loop3A_288 step %parallel_loop3A_289  : i32 {
      %parallel_loop3A_301 = arith.constant 6 : i32
      %parallel_loop3A_302 = arith.shrui %parallel_loop3A_300, %parallel_loop3A_301 : i32
      %parallel_loop3A_303 = arith.constant 2 : i32
      %parallel_loop3A_304 = arith.muli %parallel_loop3A_302, %parallel_loop3A_303 : i32
      %parallel_loop3A_305 = arith.constant 63 : i32
      %parallel_loop3A_306 = arith.andi %parallel_loop3A_300, %parallel_loop3A_305 : i32
      %parallel_loop3A_307 = arith.constant 16 : i32
      %parallel_loop3A_308 = arith.muli %parallel_loop3A_306, %parallel_loop3A_307 : i32
      %parallel_loop3A_309 = tpu.memref_bitcast %arg6 : memref<32x1024xi32, #tpu.memory_space<vmem>> -> memref<64x1024xbf16, #tpu.memory_space<vmem>>
      %parallel_loop3A_310 = arith.index_cast %parallel_loop3A_304 : i32 to index
      %parallel_loop3A_311 = arith.index_cast %parallel_loop3A_308 : i32 to index
      %parallel_loop3A_312 = tpu.vector_load %parallel_loop3A_309[%parallel_loop3A_310, %parallel_loop3A_311] {strides = array<i32>} : memref<64x1024xbf16, #tpu.memory_space<vmem>>, vector<2x16xbf16>,
      %parallel_loop3A_313 = vector.shape_cast %parallel_loop3A_312 : vector<2x16xbf16> to vector<2x16xbf16>
      %parallel_loop3A_314 = tpu.memref_bitcast %arg8 : memref<32x1024xi32, #tpu.memory_space<vmem>> -> memref<64x1024xbf16, #tpu.memory_space<vmem>>
      %parallel_loop3A_315 = arith.index_cast %parallel_loop3A_304 : i32 to index
      %parallel_loop3A_316 = arith.index_cast %parallel_loop3A_308 : i32 to index
      %parallel_loop3A_317 = tpu.vector_load %parallel_loop3A_314[%parallel_loop3A_315, %parallel_loop3A_316] {strides = array<i32>} : memref<64x1024xbf16, #tpu.memory_space<vmem>>, vector<2x16xbf16>,
      %parallel_loop3A_318 = vector.shape_cast %parallel_loop3A_317 : vector<2x16xbf16> to vector<2x16xbf16>
      %parallel_loop3A_319 = arith.addf %parallel_loop3A_313, %parallel_loop3A_318 : vector<2x16xbf16>
      %parallel_loop3A_320 = tpu.memref_bitcast %arg6 : memref<32x1024xi32, #tpu.memory_space<vmem>> -> memref<64x1024xbf16, #tpu.memory_space<vmem>>
      %parallel_loop3A_321 = arith.index_cast %parallel_loop3A_304 : i32 to index
      %parallel_loop3A_322 = arith.index_cast %parallel_loop3A_308 : i32 to index
      %parallel_loop3A_323 = tpu.vector_load %parallel_loop3A_320[%parallel_loop3A_321, %parallel_loop3A_322] {strides = array<i32>} : memref<64x1024xbf16, #tpu.memory_space<vmem>>, vector<2x16xbf16>,
      %parallel_loop3A_324 = vector.shape_cast %parallel_loop3A_323 : vector<2x16xbf16> to vector<2x16xbf16>
      %parallel_loop3A_325 = vector.shape_cast %parallel_loop3A_319 : vector<2x16xbf16> to vector<2x16xbf16>
      tpu.vector_store %parallel_loop3A_320[%parallel_loop3A_321, %parallel_loop3A_322], %parallel_loop3A_325 {strides = array<i32>} : memref<64x1024xbf16, #tpu.memory_space<vmem>>, vector<2x16xbf16>,
    } {sc.loop_unroll_factor = 8 : i64, sc.parallel_access}
    %add3A_290 = arith.constant 96 : i32
    %add3A_291 = arith.addi %mul3A_2, %add3A_290 : i32
    %dma_start3A_292 = arith.constant 0 : i32
    %dma_start3A_293 = tpu.memref_slice %arg4[%add3A_291, %dma_start3A_292] : memref<4096x1024xi32, #tpu.memory_space<hbm>> -> memref<32x1024xi32, #tpu.memory_space<hbm>>
    %dma_start3A_294 = arith.constant 0 : i32
    %dma_start3A_295 = tpu.memref_slice %arg4[%add3A_291, %dma_start3A_294] : memref<4096x1024xi32, #tpu.memory_space<hbm>> -> memref<32x1024xi32, #tpu.memory_space<hbm>>
    tpu.enqueue_dma source(%arg6 : memref<32x1024xi32, #tpu.memory_space<vmem>>) target(%dma_start3A_295 : memref<32x1024xi32, #tpu.memory_space<hbm>>) target_semaphore(%arg12 : memref<!tpu.dma_semaphore, #tpu.memory_space<semaphore_mem>>)
    %dma_wait3A_296 = arith.constant 0 : i32
    %dma_wait3A_297 = tpu.memref_slice %arg4[%add3A_291, %dma_wait3A_296] : memref<4096x1024xi32, #tpu.memory_space<hbm>> -> memref<32x1024xi32, #tpu.memory_space<hbm>>
    %dma_wait3A_298 = arith.constant 0 : i32
    %dma_wait3A_299 = tpu.memref_slice %arg4[%add3A_291, %dma_wait3A_298] : memref<4096x1024xi32, #tpu.memory_space<hbm>> -> memref<32x1024xi32, #tpu.memory_space<hbm>>
    tpu.wait_dma2 semaphore(%arg12 : memref<!tpu.dma_semaphore, #tpu.memory_space<semaphore_mem>>) src(%arg6 : memref<32x1024xi32, #tpu.memory_space<vmem>>) dst(%dma_wait3A_299 : memref<32x1024xi32, #tpu.memory_space<hbm>>)
    return
  }
}

module attributes {stable_mosaic.version = 14 : i64} {
  func.func @_ids_body(%arg0: memref<2x2048xi32, #tpu.memory_space<vmem>>, %arg1: memref<8x2x2048xi32, #tpu.memory_space<vmem>>) attributes {dimension_semantics = [], scalar_prefetch = 0 : i64, scratch_operands = 0 : i64, tpu.core_type = #tpu.core_type<tc>} {
    %get3A = arith.constant 0 : index
    %get3A_0 = arith.constant 0 : index
    %get3A_1 = vector.load %arg0[%get3A, %get3A_0] : memref<2x2048xi32, #tpu.memory_space<vmem>>, vector<2x2048xi32>
    %broadcast_in_dim3A = arith.constant 0 : i32
    %broadcast_in_dim3A_2 = vector.broadcast %broadcast_in_dim3A : i32 to vector<2x1xi32>
    %slice3A = vector.extract_strided_slice %get3A_1 {offsets = [0, 0], sizes = [2, 2047], strides = [1, 1]} : vector<2x2048xi32> to vector<2x2047xi32>
    %concatenate3A = tpu.concatenate %broadcast_in_dim3A_2, %slice3A in 1 : vector<2x1xi32>, vector<2x2047xi32> -> vector<2x2048xi32>
    %slice3A_3 = vector.extract_strided_slice %get3A_1 {offsets = [0, 0], sizes = [2, 2046], strides = [1, 1]} : vector<2x2048xi32> to vector<2x2046xi32>
    %concatenate3A_4 = tpu.concatenate %broadcast_in_dim3A_2, %broadcast_in_dim3A_2, %slice3A_3 in 1 : vector<2x1xi32>, vector<2x1xi32>, vector<2x2046xi32> -> vector<2x2048xi32>
    %iota3A = tpu.iota {dimensions = array<i32: 1>} : vector<2x2048xi32>
    %mul3A = arith.constant 31 : i32
    %mul3A_5 = vector.broadcast %mul3A : i32 to vector<2x2048xi32>
    %mul3A_6 = arith.muli %concatenate3A, %mul3A_5 : vector<2x2048xi32>
    %mul3A_7 = arith.constant 32 : i32
    %mul3A_8 = vector.broadcast %mul3A_7 : i32 to vector<2x2048xi32>
    %mul3A_9 = arith.muli %get3A_1, %mul3A_8 : vector<2x2048xi32>
    %add3A = arith.addi %mul3A_6, %mul3A_9 : vector<2x2048xi32>
    %jit3A = arith.constant 1023 : i32
    %eq3A = arith.constant 0 : i32
    %eq3A_10 = arith.cmpi eq, %jit3A, %eq3A : i32
    %jit3A_11 = arith.constant 1 : i32
    %select_n3A = arith.select %eq3A_10, %jit3A_11, %jit3A : i32
    %rem3A = vector.broadcast %select_n3A : i32 to vector<2x2048xi32>
    %rem3A_12 = arith.remsi %add3A, %rem3A : vector<2x2048xi32>
    %ne3A = arith.constant 0 : i32
    %ne3A_13 = vector.broadcast %ne3A : i32 to vector<2x2048xi32>
    %ne3A_14 = arith.cmpi ne, %rem3A_12, %ne3A_13 : vector<2x2048xi32>
    %lt3A = arith.constant 0 : i32
    %lt3A_15 = vector.broadcast %lt3A : i32 to vector<2x2048xi32>
    %lt3A_16 = arith.cmpi slt, %rem3A_12, %lt3A_15 : vector<2x2048xi32>
    %lt3A_17 = arith.constant 0 : i32
    %lt3A_18 = arith.cmpi slt, %select_n3A, %lt3A_17 : i32
    %ne3A_19 = vector.broadcast %lt3A_18 : i1 to vector<2x2048xi1>
    %ne3A_20 = vector.broadcast %ne3A_19 : vector<2x2048xi1> to vector<2x2048xi1>
    %ne3A_21 = arith.xori %lt3A_16, %ne3A_20 : vector<2x2048xi1>
    %and3A = arith.andi %ne3A_21, %ne3A_14 : vector<2x2048xi1>
    %add3A_22 = vector.broadcast %select_n3A : i32 to vector<2x2048xi32>
    %add3A_23 = arith.addi %rem3A_12, %add3A_22 : vector<2x2048xi32>
    %select_n3A_24 = arith.select %and3A, %add3A_23, %rem3A_12 : vector<2x2048xi1>, vector<2x2048xi32>
    %add3A_25 = arith.constant 1 : i32
    %add3A_26 = vector.broadcast %add3A_25 : i32 to vector<2x2048xi32>
    %add3A_27 = arith.addi %select_n3A_24, %add3A_26 : vector<2x2048xi32>
    %ge3A = arith.constant 1 : i32
    %ge3A_28 = vector.broadcast %ge3A : i32 to vector<2x2048xi32>
    %ge3A_29 = arith.cmpi sge, %iota3A, %ge3A_28 : vector<2x2048xi32>
    %jit3A_30 = arith.constant 0 : i32
    %broadcast_in_dim3A_31 = vector.broadcast %jit3A_30 : i32 to vector<2x2048xi32>
    %select_n3A_32 = arith.select %ge3A_29, %add3A_27, %broadcast_in_dim3A_31 : vector<2x2048xi1>, vector<2x2048xi32>
    %add3A_33 = arith.constant 0 : i32
    %add3A_34 = vector.broadcast %add3A_33 : i32 to vector<2x2048xi32>
    %add3A_35 = arith.addi %select_n3A_32, %add3A_34 : vector<2x2048xi32>
    %swap3A = arith.constant 0 : index
    %swap3A_36 = arith.constant 0 : index
    %swap3A_37 = arith.constant 0 : index
    %swap3A_38 = vector.load %arg1[%swap3A, %swap3A_36, %swap3A_37] : memref<8x2x2048xi32, #tpu.memory_space<vmem>>, vector<1x2x2048xi32>
    %swap3A_39 = vector.shape_cast %swap3A_38 : vector<1x2x2048xi32> to vector<2x2048xi32>
    %swap3A_40 = vector.shape_cast %add3A_35 : vector<2x2048xi32> to vector<1x2x2048xi32>
    tpu.vector_store %arg1[%swap3A, %swap3A_36, %swap3A_37], %swap3A_40 {strides = array<i32>} : memref<8x2x2048xi32, #tpu.memory_space<vmem>>, vector<1x2x2048xi32>,
    %mul3A_41 = arith.constant 37 : i32
    %mul3A_42 = vector.broadcast %mul3A_41 : i32 to vector<2x2048xi32>
    %mul3A_43 = arith.muli %concatenate3A, %mul3A_42 : vector<2x2048xi32>
    %mul3A_44 = arith.constant 38 : i32
    %mul3A_45 = vector.broadcast %mul3A_44 : i32 to vector<2x2048xi32>
    %mul3A_46 = arith.muli %get3A_1, %mul3A_45 : vector<2x2048xi32>
    %add3A_47 = arith.addi %mul3A_43, %mul3A_46 : vector<2x2048xi32>
    %jit3A_48 = arith.constant 1023 : i32
    %eq3A_49 = arith.constant 0 : i32
    %eq3A_50 = arith.cmpi eq, %jit3A_48, %eq3A_49 : i32
    %jit3A_51 = arith.constant 1 : i32
    %select_n3A_52 = arith.select %eq3A_50, %jit3A_51, %jit3A_48 : i32
    %rem3A_53 = vector.broadcast %select_n3A_52 : i32 to vector<2x2048xi32>
    %rem3A_54 = arith.remsi %add3A_47, %rem3A_53 : vector<2x2048xi32>
    %ne3A_55 = arith.constant 0 : i32
    %ne3A_56 = vector.broadcast %ne3A_55 : i32 to vector<2x2048xi32>
    %ne3A_57 = arith.cmpi ne, %rem3A_54, %ne3A_56 : vector<2x2048xi32>
    %lt3A_58 = arith.constant 0 : i32
    %lt3A_59 = vector.broadcast %lt3A_58 : i32 to vector<2x2048xi32>
    %lt3A_60 = arith.cmpi slt, %rem3A_54, %lt3A_59 : vector<2x2048xi32>
    %lt3A_61 = arith.constant 0 : i32
    %lt3A_62 = arith.cmpi slt, %select_n3A_52, %lt3A_61 : i32
    %ne3A_63 = vector.broadcast %lt3A_62 : i1 to vector<2x2048xi1>
    %ne3A_64 = vector.broadcast %ne3A_63 : vector<2x2048xi1> to vector<2x2048xi1>
    %ne3A_65 = arith.xori %lt3A_60, %ne3A_64 : vector<2x2048xi1>
    %and3A_66 = arith.andi %ne3A_65, %ne3A_57 : vector<2x2048xi1>
    %add3A_67 = vector.broadcast %select_n3A_52 : i32 to vector<2x2048xi32>
    %add3A_68 = arith.addi %rem3A_54, %add3A_67 : vector<2x2048xi32>
    %select_n3A_69 = arith.select %and3A_66, %add3A_68, %rem3A_54 : vector<2x2048xi1>, vector<2x2048xi32>
    %add3A_70 = arith.constant 1 : i32
    %add3A_71 = vector.broadcast %add3A_70 : i32 to vector<2x2048xi32>
    %add3A_72 = arith.addi %select_n3A_69, %add3A_71 : vector<2x2048xi32>
    %ge3A_73 = arith.constant 1 : i32
    %ge3A_74 = vector.broadcast %ge3A_73 : i32 to vector<2x2048xi32>
    %ge3A_75 = arith.cmpi sge, %iota3A, %ge3A_74 : vector<2x2048xi32>
    %jit3A_76 = arith.constant 0 : i32
    %broadcast_in_dim3A_77 = vector.broadcast %jit3A_76 : i32 to vector<2x2048xi32>
    %select_n3A_78 = arith.select %ge3A_75, %add3A_72, %broadcast_in_dim3A_77 : vector<2x2048xi1>, vector<2x2048xi32>
    %add3A_79 = arith.constant 1024 : i32
    %add3A_80 = vector.broadcast %add3A_79 : i32 to vector<2x2048xi32>
    %add3A_81 = arith.addi %select_n3A_78, %add3A_80 : vector<2x2048xi32>
    %swap3A_82 = arith.constant 1 : index
    %swap3A_83 = arith.constant 0 : index
    %swap3A_84 = arith.constant 0 : index
    %swap3A_85 = vector.load %arg1[%swap3A_82, %swap3A_83, %swap3A_84] : memref<8x2x2048xi32, #tpu.memory_space<vmem>>, vector<1x2x2048xi32>
    %swap3A_86 = vector.shape_cast %swap3A_85 : vector<1x2x2048xi32> to vector<2x2048xi32>
    %swap3A_87 = vector.shape_cast %add3A_81 : vector<2x2048xi32> to vector<1x2x2048xi32>
    tpu.vector_store %arg1[%swap3A_82, %swap3A_83, %swap3A_84], %swap3A_87 {strides = array<i32>} : memref<8x2x2048xi32, #tpu.memory_space<vmem>>, vector<1x2x2048xi32>,
    %mul3A_88 = arith.constant 41 : i32
    %mul3A_89 = vector.broadcast %mul3A_88 : i32 to vector<2x2048xi32>
    %mul3A_90 = arith.muli %concatenate3A, %mul3A_89 : vector<2x2048xi32>
    %mul3A_91 = arith.constant 42 : i32
    %mul3A_92 = vector.broadcast %mul3A_91 : i32 to vector<2x2048xi32>
    %mul3A_93 = arith.muli %get3A_1, %mul3A_92 : vector<2x2048xi32>
    %add3A_94 = arith.addi %mul3A_90, %mul3A_93 : vector<2x2048xi32>
    %jit3A_95 = arith.constant 1023 : i32
    %eq3A_96 = arith.constant 0 : i32
    %eq3A_97 = arith.cmpi eq, %jit3A_95, %eq3A_96 : i32
    %jit3A_98 = arith.constant 1 : i32
    %select_n3A_99 = arith.select %eq3A_97, %jit3A_98, %jit3A_95 : i32
    %rem3A_100 = vector.broadcast %select_n3A_99 : i32 to vector<2x2048xi32>
    %rem3A_101 = arith.remsi %add3A_94, %rem3A_100 : vector<2x2048xi32>
    %ne3A_102 = arith.constant 0 : i32
    %ne3A_103 = vector.broadcast %ne3A_102 : i32 to vector<2x2048xi32>
    %ne3A_104 = arith.cmpi ne, %rem3A_101, %ne3A_103 : vector<2x2048xi32>
    %lt3A_105 = arith.constant 0 : i32
    %lt3A_106 = vector.broadcast %lt3A_105 : i32 to vector<2x2048xi32>
    %lt3A_107 = arith.cmpi slt, %rem3A_101, %lt3A_106 : vector<2x2048xi32>
    %lt3A_108 = arith.constant 0 : i32
    %lt3A_109 = arith.cmpi slt, %select_n3A_99, %lt3A_108 : i32
    %ne3A_110 = vector.broadcast %lt3A_109 : i1 to vector<2x2048xi1>
    %ne3A_111 = vector.broadcast %ne3A_110 : vector<2x2048xi1> to vector<2x2048xi1>
    %ne3A_112 = arith.xori %lt3A_107, %ne3A_111 : vector<2x2048xi1>
    %and3A_113 = arith.andi %ne3A_112, %ne3A_104 : vector<2x2048xi1>
    %add3A_114 = vector.broadcast %select_n3A_99 : i32 to vector<2x2048xi32>
    %add3A_115 = arith.addi %rem3A_101, %add3A_114 : vector<2x2048xi32>
    %select_n3A_116 = arith.select %and3A_113, %add3A_115, %rem3A_101 : vector<2x2048xi1>, vector<2x2048xi32>
    %add3A_117 = arith.constant 1 : i32
    %add3A_118 = vector.broadcast %add3A_117 : i32 to vector<2x2048xi32>
    %add3A_119 = arith.addi %select_n3A_116, %add3A_118 : vector<2x2048xi32>
    %ge3A_120 = arith.constant 1 : i32
    %ge3A_121 = vector.broadcast %ge3A_120 : i32 to vector<2x2048xi32>
    %ge3A_122 = arith.cmpi sge, %iota3A, %ge3A_121 : vector<2x2048xi32>
    %jit3A_123 = arith.constant 0 : i32
    %broadcast_in_dim3A_124 = vector.broadcast %jit3A_123 : i32 to vector<2x2048xi32>
    %select_n3A_125 = arith.select %ge3A_122, %add3A_119, %broadcast_in_dim3A_124 : vector<2x2048xi1>, vector<2x2048xi32>
    %add3A_126 = arith.constant 2048 : i32
    %add3A_127 = vector.broadcast %add3A_126 : i32 to vector<2x2048xi32>
    %add3A_128 = arith.addi %select_n3A_125, %add3A_127 : vector<2x2048xi32>
    %swap3A_129 = arith.constant 2 : index
    %swap3A_130 = arith.constant 0 : index
    %swap3A_131 = arith.constant 0 : index
    %swap3A_132 = vector.load %arg1[%swap3A_129, %swap3A_130, %swap3A_131] : memref<8x2x2048xi32, #tpu.memory_space<vmem>>, vector<1x2x2048xi32>
    %swap3A_133 = vector.shape_cast %swap3A_132 : vector<1x2x2048xi32> to vector<2x2048xi32>
    %swap3A_134 = vector.shape_cast %add3A_128 : vector<2x2048xi32> to vector<1x2x2048xi32>
    tpu.vector_store %arg1[%swap3A_129, %swap3A_130, %swap3A_131], %swap3A_134 {strides = array<i32>} : memref<8x2x2048xi32, #tpu.memory_space<vmem>>, vector<1x2x2048xi32>,
    %mul3A_135 = arith.constant 43 : i32
    %mul3A_136 = vector.broadcast %mul3A_135 : i32 to vector<2x2048xi32>
    %mul3A_137 = arith.muli %concatenate3A, %mul3A_136 : vector<2x2048xi32>
    %mul3A_138 = arith.constant 44 : i32
    %mul3A_139 = vector.broadcast %mul3A_138 : i32 to vector<2x2048xi32>
    %mul3A_140 = arith.muli %get3A_1, %mul3A_139 : vector<2x2048xi32>
    %add3A_141 = arith.addi %mul3A_137, %mul3A_140 : vector<2x2048xi32>
    %jit3A_142 = arith.constant 1023 : i32
    %eq3A_143 = arith.constant 0 : i32
    %eq3A_144 = arith.cmpi eq, %jit3A_142, %eq3A_143 : i32
    %jit3A_145 = arith.constant 1 : i32
    %select_n3A_146 = arith.select %eq3A_144, %jit3A_145, %jit3A_142 : i32
    %rem3A_147 = vector.broadcast %select_n3A_146 : i32 to vector<2x2048xi32>
    %rem3A_148 = arith.remsi %add3A_141, %rem3A_147 : vector<2x2048xi32>
    %ne3A_149 = arith.constant 0 : i32
    %ne3A_150 = vector.broadcast %ne3A_149 : i32 to vector<2x2048xi32>
    %ne3A_151 = arith.cmpi ne, %rem3A_148, %ne3A_150 : vector<2x2048xi32>
    %lt3A_152 = arith.constant 0 : i32
    %lt3A_153 = vector.broadcast %lt3A_152 : i32 to vector<2x2048xi32>
    %lt3A_154 = arith.cmpi slt, %rem3A_148, %lt3A_153 : vector<2x2048xi32>
    %lt3A_155 = arith.constant 0 : i32
    %lt3A_156 = arith.cmpi slt, %select_n3A_146, %lt3A_155 : i32
    %ne3A_157 = vector.broadcast %lt3A_156 : i1 to vector<2x2048xi1>
    %ne3A_158 = vector.broadcast %ne3A_157 : vector<2x2048xi1> to vector<2x2048xi1>
    %ne3A_159 = arith.xori %lt3A_154, %ne3A_158 : vector<2x2048xi1>
    %and3A_160 = arith.andi %ne3A_159, %ne3A_151 : vector<2x2048xi1>
    %add3A_161 = vector.broadcast %select_n3A_146 : i32 to vector<2x2048xi32>
    %add3A_162 = arith.addi %rem3A_148, %add3A_161 : vector<2x2048xi32>
    %select_n3A_163 = arith.select %and3A_160, %add3A_162, %rem3A_148 : vector<2x2048xi1>, vector<2x2048xi32>
    %add3A_164 = arith.constant 1 : i32
    %add3A_165 = vector.broadcast %add3A_164 : i32 to vector<2x2048xi32>
    %add3A_166 = arith.addi %select_n3A_163, %add3A_165 : vector<2x2048xi32>
    %ge3A_167 = arith.constant 1 : i32
    %ge3A_168 = vector.broadcast %ge3A_167 : i32 to vector<2x2048xi32>
    %ge3A_169 = arith.cmpi sge, %iota3A, %ge3A_168 : vector<2x2048xi32>
    %jit3A_170 = arith.constant 0 : i32
    %broadcast_in_dim3A_171 = vector.broadcast %jit3A_170 : i32 to vector<2x2048xi32>
    %select_n3A_172 = arith.select %ge3A_169, %add3A_166, %broadcast_in_dim3A_171 : vector<2x2048xi1>, vector<2x2048xi32>
    %add3A_173 = arith.constant 3072 : i32
    %add3A_174 = vector.broadcast %add3A_173 : i32 to vector<2x2048xi32>
    %add3A_175 = arith.addi %select_n3A_172, %add3A_174 : vector<2x2048xi32>
    %swap3A_176 = arith.constant 3 : index
    %swap3A_177 = arith.constant 0 : index
    %swap3A_178 = arith.constant 0 : index
    %swap3A_179 = vector.load %arg1[%swap3A_176, %swap3A_177, %swap3A_178] : memref<8x2x2048xi32, #tpu.memory_space<vmem>>, vector<1x2x2048xi32>
    %swap3A_180 = vector.shape_cast %swap3A_179 : vector<1x2x2048xi32> to vector<2x2048xi32>
    %swap3A_181 = vector.shape_cast %add3A_175 : vector<2x2048xi32> to vector<1x2x2048xi32>
    tpu.vector_store %arg1[%swap3A_176, %swap3A_177, %swap3A_178], %swap3A_181 {strides = array<i32>} : memref<8x2x2048xi32, #tpu.memory_space<vmem>>, vector<1x2x2048xi32>,
    %mul3A_182 = arith.constant 31 : i32
    %mul3A_183 = vector.broadcast %mul3A_182 : i32 to vector<2x2048xi32>
    %mul3A_184 = arith.muli %concatenate3A_4, %mul3A_183 : vector<2x2048xi32>
    %mul3A_185 = arith.constant 32 : i32
    %mul3A_186 = vector.broadcast %mul3A_185 : i32 to vector<2x2048xi32>
    %mul3A_187 = arith.muli %concatenate3A, %mul3A_186 : vector<2x2048xi32>
    %add3A_188 = arith.addi %mul3A_184, %mul3A_187 : vector<2x2048xi32>
    %mul3A_189 = arith.constant 33 : i32
    %mul3A_190 = vector.broadcast %mul3A_189 : i32 to vector<2x2048xi32>
    %mul3A_191 = arith.muli %get3A_1, %mul3A_190 : vector<2x2048xi32>
    %add3A_192 = arith.addi %add3A_188, %mul3A_191 : vector<2x2048xi32>
    %jit3A_193 = arith.constant 1023 : i32
    %eq3A_194 = arith.constant 0 : i32
    %eq3A_195 = arith.cmpi eq, %jit3A_193, %eq3A_194 : i32
    %jit3A_196 = arith.constant 1 : i32
    %select_n3A_197 = arith.select %eq3A_195, %jit3A_196, %jit3A_193 : i32
    %rem3A_198 = vector.broadcast %select_n3A_197 : i32 to vector<2x2048xi32>
    %rem3A_199 = arith.remsi %add3A_192, %rem3A_198 : vector<2x2048xi32>
    %ne3A_200 = arith.constant 0 : i32
    %ne3A_201 = vector.broadcast %ne3A_200 : i32 to vector<2x2048xi32>
    %ne3A_202 = arith.cmpi ne, %rem3A_199, %ne3A_201 : vector<2x2048xi32>
    %lt3A_203 = arith.constant 0 : i32
    %lt3A_204 = vector.broadcast %lt3A_203 : i32 to vector<2x2048xi32>
    %lt3A_205 = arith.cmpi slt, %rem3A_199, %lt3A_204 : vector<2x2048xi32>
    %lt3A_206 = arith.constant 0 : i32
    %lt3A_207 = arith.cmpi slt, %select_n3A_197, %lt3A_206 : i32
    %ne3A_208 = vector.broadcast %lt3A_207 : i1 to vector<2x2048xi1>
    %ne3A_209 = vector.broadcast %ne3A_208 : vector<2x2048xi1> to vector<2x2048xi1>
    %ne3A_210 = arith.xori %lt3A_205, %ne3A_209 : vector<2x2048xi1>
    %and3A_211 = arith.andi %ne3A_210, %ne3A_202 : vector<2x2048xi1>
    %add3A_212 = vector.broadcast %select_n3A_197 : i32 to vector<2x2048xi32>
    %add3A_213 = arith.addi %rem3A_199, %add3A_212 : vector<2x2048xi32>
    %select_n3A_214 = arith.select %and3A_211, %add3A_213, %rem3A_199 : vector<2x2048xi1>, vector<2x2048xi32>
    %add3A_215 = arith.constant 1 : i32
    %add3A_216 = vector.broadcast %add3A_215 : i32 to vector<2x2048xi32>
    %add3A_217 = arith.addi %select_n3A_214, %add3A_216 : vector<2x2048xi32>
    %ge3A_218 = arith.constant 2 : i32
    %ge3A_219 = vector.broadcast %ge3A_218 : i32 to vector<2x2048xi32>
    %ge3A_220 = arith.cmpi sge, %iota3A, %ge3A_219 : vector<2x2048xi32>
    %jit3A_221 = arith.constant 0 : i32
    %broadcast_in_dim3A_222 = vector.broadcast %jit3A_221 : i32 to vector<2x2048xi32>
    %select_n3A_223 = arith.select %ge3A_220, %add3A_217, %broadcast_in_dim3A_222 : vector<2x2048xi1>, vector<2x2048xi32>
    %add3A_224 = arith.constant 0 : i32
    %add3A_225 = vector.broadcast %add3A_224 : i32 to vector<2x2048xi32>
    %add3A_226 = arith.addi %select_n3A_223, %add3A_225 : vector<2x2048xi32>
    %swap3A_227 = arith.constant 4 : index
    %swap3A_228 = arith.constant 0 : index
    %swap3A_229 = arith.constant 0 : index
    %swap3A_230 = vector.load %arg1[%swap3A_227, %swap3A_228, %swap3A_229] : memref<8x2x2048xi32, #tpu.memory_space<vmem>>, vector<1x2x2048xi32>
    %swap3A_231 = vector.shape_cast %swap3A_230 : vector<1x2x2048xi32> to vector<2x2048xi32>
    %swap3A_232 = vector.shape_cast %add3A_226 : vector<2x2048xi32> to vector<1x2x2048xi32>
    tpu.vector_store %arg1[%swap3A_227, %swap3A_228, %swap3A_229], %swap3A_232 {strides = array<i32>} : memref<8x2x2048xi32, #tpu.memory_space<vmem>>, vector<1x2x2048xi32>,
    %mul3A_233 = arith.constant 37 : i32
    %mul3A_234 = vector.broadcast %mul3A_233 : i32 to vector<2x2048xi32>
    %mul3A_235 = arith.muli %concatenate3A_4, %mul3A_234 : vector<2x2048xi32>
    %mul3A_236 = arith.constant 38 : i32
    %mul3A_237 = vector.broadcast %mul3A_236 : i32 to vector<2x2048xi32>
    %mul3A_238 = arith.muli %concatenate3A, %mul3A_237 : vector<2x2048xi32>
    %add3A_239 = arith.addi %mul3A_235, %mul3A_238 : vector<2x2048xi32>
    %mul3A_240 = arith.constant 39 : i32
    %mul3A_241 = vector.broadcast %mul3A_240 : i32 to vector<2x2048xi32>
    %mul3A_242 = arith.muli %get3A_1, %mul3A_241 : vector<2x2048xi32>
    %add3A_243 = arith.addi %add3A_239, %mul3A_242 : vector<2x2048xi32>
    %jit3A_244 = arith.constant 1023 : i32
    %eq3A_245 = arith.constant 0 : i32
    %eq3A_246 = arith.cmpi eq, %jit3A_244, %eq3A_245 : i32
    %jit3A_247 = arith.constant 1 : i32
    %select_n3A_248 = arith.select %eq3A_246, %jit3A_247, %jit3A_244 : i32
    %rem3A_249 = vector.broadcast %select_n3A_248 : i32 to vector<2x2048xi32>
    %rem3A_250 = arith.remsi %add3A_243, %rem3A_249 : vector<2x2048xi32>
    %ne3A_251 = arith.constant 0 : i32
    %ne3A_252 = vector.broadcast %ne3A_251 : i32 to vector<2x2048xi32>
    %ne3A_253 = arith.cmpi ne, %rem3A_250, %ne3A_252 : vector<2x2048xi32>
    %lt3A_254 = arith.constant 0 : i32
    %lt3A_255 = vector.broadcast %lt3A_254 : i32 to vector<2x2048xi32>
    %lt3A_256 = arith.cmpi slt, %rem3A_250, %lt3A_255 : vector<2x2048xi32>
    %lt3A_257 = arith.constant 0 : i32
    %lt3A_258 = arith.cmpi slt, %select_n3A_248, %lt3A_257 : i32
    %ne3A_259 = vector.broadcast %lt3A_258 : i1 to vector<2x2048xi1>
    %ne3A_260 = vector.broadcast %ne3A_259 : vector<2x2048xi1> to vector<2x2048xi1>
    %ne3A_261 = arith.xori %lt3A_256, %ne3A_260 : vector<2x2048xi1>
    %and3A_262 = arith.andi %ne3A_261, %ne3A_253 : vector<2x2048xi1>
    %add3A_263 = vector.broadcast %select_n3A_248 : i32 to vector<2x2048xi32>
    %add3A_264 = arith.addi %rem3A_250, %add3A_263 : vector<2x2048xi32>
    %select_n3A_265 = arith.select %and3A_262, %add3A_264, %rem3A_250 : vector<2x2048xi1>, vector<2x2048xi32>
    %add3A_266 = arith.constant 1 : i32
    %add3A_267 = vector.broadcast %add3A_266 : i32 to vector<2x2048xi32>
    %add3A_268 = arith.addi %select_n3A_265, %add3A_267 : vector<2x2048xi32>
    %ge3A_269 = arith.constant 2 : i32
    %ge3A_270 = vector.broadcast %ge3A_269 : i32 to vector<2x2048xi32>
    %ge3A_271 = arith.cmpi sge, %iota3A, %ge3A_270 : vector<2x2048xi32>
    %jit3A_272 = arith.constant 0 : i32
    %broadcast_in_dim3A_273 = vector.broadcast %jit3A_272 : i32 to vector<2x2048xi32>
    %select_n3A_274 = arith.select %ge3A_271, %add3A_268, %broadcast_in_dim3A_273 : vector<2x2048xi1>, vector<2x2048xi32>
    %add3A_275 = arith.constant 1024 : i32
    %add3A_276 = vector.broadcast %add3A_275 : i32 to vector<2x2048xi32>
    %add3A_277 = arith.addi %select_n3A_274, %add3A_276 : vector<2x2048xi32>
    %swap3A_278 = arith.constant 5 : index
    %swap3A_279 = arith.constant 0 : index
    %swap3A_280 = arith.constant 0 : index
    %swap3A_281 = vector.load %arg1[%swap3A_278, %swap3A_279, %swap3A_280] : memref<8x2x2048xi32, #tpu.memory_space<vmem>>, vector<1x2x2048xi32>
    %swap3A_282 = vector.shape_cast %swap3A_281 : vector<1x2x2048xi32> to vector<2x2048xi32>
    %swap3A_283 = vector.shape_cast %add3A_277 : vector<2x2048xi32> to vector<1x2x2048xi32>
    tpu.vector_store %arg1[%swap3A_278, %swap3A_279, %swap3A_280], %swap3A_283 {strides = array<i32>} : memref<8x2x2048xi32, #tpu.memory_space<vmem>>, vector<1x2x2048xi32>,
    %mul3A_284 = arith.constant 41 : i32
    %mul3A_285 = vector.broadcast %mul3A_284 : i32 to vector<2x2048xi32>
    %mul3A_286 = arith.muli %concatenate3A_4, %mul3A_285 : vector<2x2048xi32>
    %mul3A_287 = arith.constant 42 : i32
    %mul3A_288 = vector.broadcast %mul3A_287 : i32 to vector<2x2048xi32>
    %mul3A_289 = arith.muli %concatenate3A, %mul3A_288 : vector<2x2048xi32>
    %add3A_290 = arith.addi %mul3A_286, %mul3A_289 : vector<2x2048xi32>
    %mul3A_291 = arith.constant 43 : i32
    %mul3A_292 = vector.broadcast %mul3A_291 : i32 to vector<2x2048xi32>
    %mul3A_293 = arith.muli %get3A_1, %mul3A_292 : vector<2x2048xi32>
    %add3A_294 = arith.addi %add3A_290, %mul3A_293 : vector<2x2048xi32>
    %jit3A_295 = arith.constant 1023 : i32
    %eq3A_296 = arith.constant 0 : i32
    %eq3A_297 = arith.cmpi eq, %jit3A_295, %eq3A_296 : i32
    %jit3A_298 = arith.constant 1 : i32
    %select_n3A_299 = arith.select %eq3A_297, %jit3A_298, %jit3A_295 : i32
    %rem3A_300 = vector.broadcast %select_n3A_299 : i32 to vector<2x2048xi32>
    %rem3A_301 = arith.remsi %add3A_294, %rem3A_300 : vector<2x2048xi32>
    %ne3A_302 = arith.constant 0 : i32
    %ne3A_303 = vector.broadcast %ne3A_302 : i32 to vector<2x2048xi32>
    %ne3A_304 = arith.cmpi ne, %rem3A_301, %ne3A_303 : vector<2x2048xi32>
    %lt3A_305 = arith.constant 0 : i32
    %lt3A_306 = vector.broadcast %lt3A_305 : i32 to vector<2x2048xi32>
    %lt3A_307 = arith.cmpi slt, %rem3A_301, %lt3A_306 : vector<2x2048xi32>
    %lt3A_308 = arith.constant 0 : i32
    %lt3A_309 = arith.cmpi slt, %select_n3A_299, %lt3A_308 : i32
    %ne3A_310 = vector.broadcast %lt3A_309 : i1 to vector<2x2048xi1>
    %ne3A_311 = vector.broadcast %ne3A_310 : vector<2x2048xi1> to vector<2x2048xi1>
    %ne3A_312 = arith.xori %lt3A_307, %ne3A_311 : vector<2x2048xi1>
    %and3A_313 = arith.andi %ne3A_312, %ne3A_304 : vector<2x2048xi1>
    %add3A_314 = vector.broadcast %select_n3A_299 : i32 to vector<2x2048xi32>
    %add3A_315 = arith.addi %rem3A_301, %add3A_314 : vector<2x2048xi32>
    %select_n3A_316 = arith.select %and3A_313, %add3A_315, %rem3A_301 : vector<2x2048xi1>, vector<2x2048xi32>
    %add3A_317 = arith.constant 1 : i32
    %add3A_318 = vector.broadcast %add3A_317 : i32 to vector<2x2048xi32>
    %add3A_319 = arith.addi %select_n3A_316, %add3A_318 : vector<2x2048xi32>
    %ge3A_320 = arith.constant 2 : i32
    %ge3A_321 = vector.broadcast %ge3A_320 : i32 to vector<2x2048xi32>
    %ge3A_322 = arith.cmpi sge, %iota3A, %ge3A_321 : vector<2x2048xi32>
    %jit3A_323 = arith.constant 0 : i32
    %broadcast_in_dim3A_324 = vector.broadcast %jit3A_323 : i32 to vector<2x2048xi32>
    %select_n3A_325 = arith.select %ge3A_322, %add3A_319, %broadcast_in_dim3A_324 : vector<2x2048xi1>, vector<2x2048xi32>
    %add3A_326 = arith.constant 2048 : i32
    %add3A_327 = vector.broadcast %add3A_326 : i32 to vector<2x2048xi32>
    %add3A_328 = arith.addi %select_n3A_325, %add3A_327 : vector<2x2048xi32>
    %swap3A_329 = arith.constant 6 : index
    %swap3A_330 = arith.constant 0 : index
    %swap3A_331 = arith.constant 0 : index
    %swap3A_332 = vector.load %arg1[%swap3A_329, %swap3A_330, %swap3A_331] : memref<8x2x2048xi32, #tpu.memory_space<vmem>>, vector<1x2x2048xi32>
    %swap3A_333 = vector.shape_cast %swap3A_332 : vector<1x2x2048xi32> to vector<2x2048xi32>
    %swap3A_334 = vector.shape_cast %add3A_328 : vector<2x2048xi32> to vector<1x2x2048xi32>
    tpu.vector_store %arg1[%swap3A_329, %swap3A_330, %swap3A_331], %swap3A_334 {strides = array<i32>} : memref<8x2x2048xi32, #tpu.memory_space<vmem>>, vector<1x2x2048xi32>,
    %mul3A_335 = arith.constant 43 : i32
    %mul3A_336 = vector.broadcast %mul3A_335 : i32 to vector<2x2048xi32>
    %mul3A_337 = arith.muli %concatenate3A_4, %mul3A_336 : vector<2x2048xi32>
    %mul3A_338 = arith.constant 44 : i32
    %mul3A_339 = vector.broadcast %mul3A_338 : i32 to vector<2x2048xi32>
    %mul3A_340 = arith.muli %concatenate3A, %mul3A_339 : vector<2x2048xi32>
    %add3A_341 = arith.addi %mul3A_337, %mul3A_340 : vector<2x2048xi32>
    %mul3A_342 = arith.constant 45 : i32
    %mul3A_343 = vector.broadcast %mul3A_342 : i32 to vector<2x2048xi32>
    %mul3A_344 = arith.muli %get3A_1, %mul3A_343 : vector<2x2048xi32>
    %add3A_345 = arith.addi %add3A_341, %mul3A_344 : vector<2x2048xi32>
    %jit3A_346 = arith.constant 1023 : i32
    %eq3A_347 = arith.constant 0 : i32
    %eq3A_348 = arith.cmpi eq, %jit3A_346, %eq3A_347 : i32
    %jit3A_349 = arith.constant 1 : i32
    %select_n3A_350 = arith.select %eq3A_348, %jit3A_349, %jit3A_346 : i32
    %rem3A_351 = vector.broadcast %select_n3A_350 : i32 to vector<2x2048xi32>
    %rem3A_352 = arith.remsi %add3A_345, %rem3A_351 : vector<2x2048xi32>
    %ne3A_353 = arith.constant 0 : i32
    %ne3A_354 = vector.broadcast %ne3A_353 : i32 to vector<2x2048xi32>
    %ne3A_355 = arith.cmpi ne, %rem3A_352, %ne3A_354 : vector<2x2048xi32>
    %lt3A_356 = arith.constant 0 : i32
    %lt3A_357 = vector.broadcast %lt3A_356 : i32 to vector<2x2048xi32>
    %lt3A_358 = arith.cmpi slt, %rem3A_352, %lt3A_357 : vector<2x2048xi32>
    %lt3A_359 = arith.constant 0 : i32
    %lt3A_360 = arith.cmpi slt, %select_n3A_350, %lt3A_359 : i32
    %ne3A_361 = vector.broadcast %lt3A_360 : i1 to vector<2x2048xi1>
    %ne3A_362 = vector.broadcast %ne3A_361 : vector<2x2048xi1> to vector<2x2048xi1>
    %ne3A_363 = arith.xori %lt3A_358, %ne3A_362 : vector<2x2048xi1>
    %and3A_364 = arith.andi %ne3A_363, %ne3A_355 : vector<2x2048xi1>
    %add3A_365 = vector.broadcast %select_n3A_350 : i32 to vector<2x2048xi32>
    %add3A_366 = arith.addi %rem3A_352, %add3A_365 : vector<2x2048xi32>
    %select_n3A_367 = arith.select %and3A_364, %add3A_366, %rem3A_352 : vector<2x2048xi1>, vector<2x2048xi32>
    %add3A_368 = arith.constant 1 : i32
    %add3A_369 = vector.broadcast %add3A_368 : i32 to vector<2x2048xi32>
    %add3A_370 = arith.addi %select_n3A_367, %add3A_369 : vector<2x2048xi32>
    %ge3A_371 = arith.constant 2 : i32
    %ge3A_372 = vector.broadcast %ge3A_371 : i32 to vector<2x2048xi32>
    %ge3A_373 = arith.cmpi sge, %iota3A, %ge3A_372 : vector<2x2048xi32>
    %jit3A_374 = arith.constant 0 : i32
    %broadcast_in_dim3A_375 = vector.broadcast %jit3A_374 : i32 to vector<2x2048xi32>
    %select_n3A_376 = arith.select %ge3A_373, %add3A_370, %broadcast_in_dim3A_375 : vector<2x2048xi1>, vector<2x2048xi32>
    %add3A_377 = arith.constant 3072 : i32
    %add3A_378 = vector.broadcast %add3A_377 : i32 to vector<2x2048xi32>
    %add3A_379 = arith.addi %select_n3A_376, %add3A_378 : vector<2x2048xi32>
    %swap3A_380 = arith.constant 7 : index
    %swap3A_381 = arith.constant 0 : index
    %swap3A_382 = arith.constant 0 : index
    %swap3A_383 = vector.load %arg1[%swap3A_380, %swap3A_381, %swap3A_382] : memref<8x2x2048xi32, #tpu.memory_space<vmem>>, vector<1x2x2048xi32>
    %swap3A_384 = vector.shape_cast %swap3A_383 : vector<1x2x2048xi32> to vector<2x2048xi32>
    %swap3A_385 = vector.shape_cast %add3A_379 : vector<2x2048xi32> to vector<1x2x2048xi32>
    tpu.vector_store %arg1[%swap3A_380, %swap3A_381, %swap3A_382], %swap3A_385 {strides = array<i32>} : memref<8x2x2048xi32, #tpu.memory_space<vmem>>, vector<1x2x2048xi32>,
    return
  }
}

module attributes {stable_mosaic.version = 14 : i64} {
  func.func @_fold_body(%arg0: i32, %arg1: i32, %arg2: memref<1x1024x2048xf32, #tpu.memory_space<vmem>>, %arg3: memref<512x2048xf32, #tpu.memory_space<vmem>>, %arg4: memref<1x1024x256xi32, #tpu.memory_space<vmem>>) attributes {dimension_semantics = [#tpu.dimension_semantics<arbitrary>, #tpu.dimension_semantics<arbitrary>], iteration_bounds = array<i64: 4, 4>, scalar_prefetch = 0 : i64, scratch_operands = 0 : i64, tpu.core_type = #tpu.core_type<tc>, window_params = [{transform_indices = @transform_0, window_bounds = array<i64: 1, 1024, 2048>}, {transform_indices = @transform_1, window_bounds = array<i64: 512, 2048>}, {transform_indices = @transform_2, window_bounds = array<i64: 1, 1024, 256>}]} {
    %get3A = arith.constant 0 : index
    %get3A_0 = arith.constant 0 : index
    %get3A_1 = arith.constant 0 : index
    %get3A_2 = vector.load %arg2[%get3A, %get3A_0, %get3A_1] : memref<1x1024x2048xf32, #tpu.memory_space<vmem>>, vector<1x1024x2048xf32>
    %get3A_3 = vector.shape_cast %get3A_2 : vector<1x1024x2048xf32> to vector<1024x2048xf32>
    %convert_element_type3A = arith.truncf %get3A_3 : vector<1024x2048xf32> to vector<1024x2048xbf16>
    %get3A_4 = arith.constant 0 : index
    %get3A_5 = arith.constant 0 : index
    %get3A_6 = vector.load %arg3[%get3A_4, %get3A_5] : memref<512x2048xf32, #tpu.memory_space<vmem>>, vector<512x2048xf32>
    %convert_element_type3A_7 = arith.truncf %get3A_6 : vector<512x2048xf32> to vector<512x2048xbf16>
    %dot_general3A = arith.constant dense<0.000000e+00> : vector<1024x512xf32>
    %dot_general3A_8 = tpu.matmul %convert_element_type3A, %convert_element_type3A_7, %dot_general3A {dimension_numbers = #tpu.dot_dimension_numbers<[1], [1], [0], [0], [0, 0, 1, 0], [], []>, transpose_lhs_hint = false} : vector<1024x2048xbf16>, vector<512x2048xbf16>, vector<1024x512xf32> -> vector<1024x512xf32>
    %slice3A = vector.extract_strided_slice %dot_general3A_8 {offsets = [0, 0], sizes = [1024, 256], strides = [1, 1]} : vector<1024x512xf32> to vector<1024x256xf32>
    %bitcast_convert_type3A = tpu.bitcast %slice3A : vector<1024x256xf32> -> vector<1024x256xi32>
    %add3A = arith.constant 32767 : i32
    %add3A_9 = vector.broadcast %add3A : i32 to vector<1024x256xi32>
    %add3A_10 = arith.addi %bitcast_convert_type3A, %add3A_9 : vector<1024x256xi32>
    %shift_right_logical3A = arith.constant 16 : i32
    %shift_right_logical3A_11 = vector.broadcast %shift_right_logical3A : i32 to vector<1024x256xi32>
    %shift_right_logical3A_12 = arith.shrui %bitcast_convert_type3A, %shift_right_logical3A_11 : vector<1024x256xi32>
    %and3A = arith.constant 1 : i32
    %and3A_13 = vector.broadcast %and3A : i32 to vector<1024x256xi32>
    %and3A_14 = arith.andi %shift_right_logical3A_12, %and3A_13 : vector<1024x256xi32>
    %add3A_15 = arith.addi %add3A_10, %and3A_14 : vector<1024x256xi32>
    %slice3A_16 = vector.extract_strided_slice %dot_general3A_8 {offsets = [0, 256], sizes = [1024, 256], strides = [1, 1]} : vector<1024x512xf32> to vector<1024x256xf32>
    %bitcast_convert_type3A_17 = tpu.bitcast %slice3A_16 : vector<1024x256xf32> -> vector<1024x256xi32>
    %add3A_18 = arith.constant 32767 : i32
    %add3A_19 = vector.broadcast %add3A_18 : i32 to vector<1024x256xi32>
    %add3A_20 = arith.addi %bitcast_convert_type3A_17, %add3A_19 : vector<1024x256xi32>
    %shift_right_logical3A_21 = arith.constant 16 : i32
    %shift_right_logical3A_22 = vector.broadcast %shift_right_logical3A_21 : i32 to vector<1024x256xi32>
    %shift_right_logical3A_23 = arith.shrui %bitcast_convert_type3A_17, %shift_right_logical3A_22 : vector<1024x256xi32>
    %and3A_24 = arith.constant 1 : i32
    %and3A_25 = vector.broadcast %and3A_24 : i32 to vector<1024x256xi32>
    %and3A_26 = arith.andi %shift_right_logical3A_23, %and3A_25 : vector<1024x256xi32>
    %add3A_27 = arith.addi %add3A_20, %and3A_26 : vector<1024x256xi32>
    %and3A_28 = arith.constant -65536 : i32
    %and3A_29 = vector.broadcast %and3A_28 : i32 to vector<1024x256xi32>
    %and3A_30 = arith.andi %add3A_27, %and3A_29 : vector<1024x256xi32>
    %shift_right_logical3A_31 = arith.constant 16 : i32
    %shift_right_logical3A_32 = vector.broadcast %shift_right_logical3A_31 : i32 to vector<1024x256xi32>
    %shift_right_logical3A_33 = arith.shrui %add3A_15, %shift_right_logical3A_32 : vector<1024x256xi32>
    %or3A = arith.ori %and3A_30, %shift_right_logical3A_33 : vector<1024x256xi32>
    %swap3A = arith.constant 0 : index
    %swap3A_34 = arith.constant 0 : index
    %swap3A_35 = arith.constant 0 : index
    %swap3A_36 = vector.load %arg4[%swap3A, %swap3A_34, %swap3A_35] : memref<1x1024x256xi32, #tpu.memory_space<vmem>>, vector<1x1024x256xi32>
    %swap3A_37 = vector.shape_cast %swap3A_36 : vector<1x1024x256xi32> to vector<1024x256xi32>
    %swap3A_38 = vector.shape_cast %or3A : vector<1024x256xi32> to vector<1x1024x256xi32>
    tpu.vector_store %arg4[%swap3A, %swap3A_34, %swap3A_35], %swap3A_38 {strides = array<i32>} : memref<1x1024x256xi32, #tpu.memory_space<vmem>>, vector<1x1024x256xi32>,
    return
  }
  func.func @transform_0(%arg0: i32, %arg1: i32) -> (i32, i32, i32) {
    %add3A = arith.constant 4 : i32
    %add3A_0 = arith.addi %arg0, %add3A : i32
    %c0_i32 = arith.constant 0 : i32
    %c0_i32_1 = arith.constant 0 : i32
    %c0_i32_2 = arith.constant 0 : i32
    return %add3A_0, %c0_i32, %c0_i32_1 : i32, i32, i32
  }
  func.func @transform_1(%arg0: i32, %arg1: i32) -> (i32, i32) {
    %add3A = arith.constant 4 : i32
    %add3A_0 = arith.addi %arg0, %add3A : i32
    %c0_i32 = arith.constant 0 : i32
    return %arg1, %add3A_0 : i32, i32
  }
  func.func @transform_2(%arg0: i32, %arg1: i32) -> (i32, i32, i32) {
    %c0_i32 = arith.constant 0 : i32
    %c0_i32_0 = arith.constant 0 : i32
    return %arg0, %c0_i32, %arg1 : i32, i32, i32
  }
}

module attributes {stable_mosaic.version = 14 : i64} {
  func.func @_fold_body(%arg0: i32, %arg1: i32, %arg2: memref<1x1024x2048xf32, #tpu.memory_space<vmem>>, %arg3: memref<512x2048xf32, #tpu.memory_space<vmem>>, %arg4: memref<1x1024x256xi32, #tpu.memory_space<vmem>>) attributes {dimension_semantics = [#tpu.dimension_semantics<arbitrary>, #tpu.dimension_semantics<arbitrary>], iteration_bounds = array<i64: 4, 4>, scalar_prefetch = 0 : i64, scratch_operands = 0 : i64, tpu.core_type = #tpu.core_type<tc>, window_params = [{transform_indices = @transform_0, window_bounds = array<i64: 1, 1024, 2048>}, {transform_indices = @transform_1, window_bounds = array<i64: 512, 2048>}, {transform_indices = @transform_2, window_bounds = array<i64: 1, 1024, 256>}]} {
    %get3A = arith.constant 0 : index
    %get3A_0 = arith.constant 0 : index
    %get3A_1 = arith.constant 0 : index
    %get3A_2 = vector.load %arg2[%get3A, %get3A_0, %get3A_1] : memref<1x1024x2048xf32, #tpu.memory_space<vmem>>, vector<1x1024x2048xf32>
    %get3A_3 = vector.shape_cast %get3A_2 : vector<1x1024x2048xf32> to vector<1024x2048xf32>
    %convert_element_type3A = arith.truncf %get3A_3 : vector<1024x2048xf32> to vector<1024x2048xbf16>
    %get3A_4 = arith.constant 0 : index
    %get3A_5 = arith.constant 0 : index
    %get3A_6 = vector.load %arg3[%get3A_4, %get3A_5] : memref<512x2048xf32, #tpu.memory_space<vmem>>, vector<512x2048xf32>
    %convert_element_type3A_7 = arith.truncf %get3A_6 : vector<512x2048xf32> to vector<512x2048xbf16>
    %dot_general3A = arith.constant dense<0.000000e+00> : vector<1024x512xf32>
    %dot_general3A_8 = tpu.matmul %convert_element_type3A, %convert_element_type3A_7, %dot_general3A {dimension_numbers = #tpu.dot_dimension_numbers<[1], [1], [0], [0], [0, 0, 1, 0], [], []>, transpose_lhs_hint = false} : vector<1024x2048xbf16>, vector<512x2048xbf16>, vector<1024x512xf32> -> vector<1024x512xf32>
    %slice3A = vector.extract_strided_slice %dot_general3A_8 {offsets = [0, 0], sizes = [1024, 256], strides = [1, 1]} : vector<1024x512xf32> to vector<1024x256xf32>
    %bitcast_convert_type3A = tpu.bitcast %slice3A : vector<1024x256xf32> -> vector<1024x256xi32>
    %add3A = arith.constant 32767 : i32
    %add3A_9 = vector.broadcast %add3A : i32 to vector<1024x256xi32>
    %add3A_10 = arith.addi %bitcast_convert_type3A, %add3A_9 : vector<1024x256xi32>
    %shift_right_logical3A = arith.constant 16 : i32
    %shift_right_logical3A_11 = vector.broadcast %shift_right_logical3A : i32 to vector<1024x256xi32>
    %shift_right_logical3A_12 = arith.shrui %bitcast_convert_type3A, %shift_right_logical3A_11 : vector<1024x256xi32>
    %and3A = arith.constant 1 : i32
    %and3A_13 = vector.broadcast %and3A : i32 to vector<1024x256xi32>
    %and3A_14 = arith.andi %shift_right_logical3A_12, %and3A_13 : vector<1024x256xi32>
    %add3A_15 = arith.addi %add3A_10, %and3A_14 : vector<1024x256xi32>
    %slice3A_16 = vector.extract_strided_slice %dot_general3A_8 {offsets = [0, 256], sizes = [1024, 256], strides = [1, 1]} : vector<1024x512xf32> to vector<1024x256xf32>
    %bitcast_convert_type3A_17 = tpu.bitcast %slice3A_16 : vector<1024x256xf32> -> vector<1024x256xi32>
    %add3A_18 = arith.constant 32767 : i32
    %add3A_19 = vector.broadcast %add3A_18 : i32 to vector<1024x256xi32>
    %add3A_20 = arith.addi %bitcast_convert_type3A_17, %add3A_19 : vector<1024x256xi32>
    %shift_right_logical3A_21 = arith.constant 16 : i32
    %shift_right_logical3A_22 = vector.broadcast %shift_right_logical3A_21 : i32 to vector<1024x256xi32>
    %shift_right_logical3A_23 = arith.shrui %bitcast_convert_type3A_17, %shift_right_logical3A_22 : vector<1024x256xi32>
    %and3A_24 = arith.constant 1 : i32
    %and3A_25 = vector.broadcast %and3A_24 : i32 to vector<1024x256xi32>
    %and3A_26 = arith.andi %shift_right_logical3A_23, %and3A_25 : vector<1024x256xi32>
    %add3A_27 = arith.addi %add3A_20, %and3A_26 : vector<1024x256xi32>
    %and3A_28 = arith.constant -65536 : i32
    %and3A_29 = vector.broadcast %and3A_28 : i32 to vector<1024x256xi32>
    %and3A_30 = arith.andi %add3A_27, %and3A_29 : vector<1024x256xi32>
    %shift_right_logical3A_31 = arith.constant 16 : i32
    %shift_right_logical3A_32 = vector.broadcast %shift_right_logical3A_31 : i32 to vector<1024x256xi32>
    %shift_right_logical3A_33 = arith.shrui %add3A_15, %shift_right_logical3A_32 : vector<1024x256xi32>
    %or3A = arith.ori %and3A_30, %shift_right_logical3A_33 : vector<1024x256xi32>
    %swap3A = arith.constant 0 : index
    %swap3A_34 = arith.constant 0 : index
    %swap3A_35 = arith.constant 0 : index
    %swap3A_36 = vector.load %arg4[%swap3A, %swap3A_34, %swap3A_35] : memref<1x1024x256xi32, #tpu.memory_space<vmem>>, vector<1x1024x256xi32>
    %swap3A_37 = vector.shape_cast %swap3A_36 : vector<1x1024x256xi32> to vector<1024x256xi32>
    %swap3A_38 = vector.shape_cast %or3A : vector<1024x256xi32> to vector<1x1024x256xi32>
    tpu.vector_store %arg4[%swap3A, %swap3A_34, %swap3A_35], %swap3A_38 {strides = array<i32>} : memref<1x1024x256xi32, #tpu.memory_space<vmem>>, vector<1x1024x256xi32>,
    return
  }
  func.func @transform_0(%arg0: i32, %arg1: i32) -> (i32, i32, i32) {
    %add3A = arith.constant 0 : i32
    %add3A_0 = arith.addi %arg0, %add3A : i32
    %c0_i32 = arith.constant 0 : i32
    %c0_i32_1 = arith.constant 0 : i32
    %c0_i32_2 = arith.constant 0 : i32
    return %add3A_0, %c0_i32, %c0_i32_1 : i32, i32, i32
  }
  func.func @transform_1(%arg0: i32, %arg1: i32) -> (i32, i32) {
    %add3A = arith.constant 0 : i32
    %add3A_0 = arith.addi %arg0, %add3A : i32
    %c0_i32 = arith.constant 0 : i32
    return %arg1, %add3A_0 : i32, i32
  }
  func.func @transform_2(%arg0: i32, %arg1: i32) -> (i32, i32, i32) {
    %c0_i32 = arith.constant 0 : i32
    %c0_i32_0 = arith.constant 0 : i32
    return %arg0, %c0_i32, %arg1 : i32, i32, i32
  }
}

module attributes {stable_mosaic.version = 14 : i64} {
  func.func @_alpha_body(%arg0: i32, %arg1: memref<256x2048xf32, #tpu.memory_space<vmem>>, %arg2: memref<256x1024xi32, #tpu.memory_space<vmem>>, %arg3: memref<256x1024xi32, #tpu.memory_space<vmem>>, %arg4: memref<1x2048xf32, #tpu.memory_space<vmem>>, %arg5: memref<1x2048xf32, #tpu.memory_space<vmem>>, %arg6: memref<1x2048xf32, #tpu.memory_space<vmem>>, %arg7: memref<1x1xf32, #tpu.memory_space<vmem>>, %arg8: memref<256x1xf32, #tpu.memory_space<vmem>>) attributes {dimension_semantics = [#tpu.dimension_semantics<arbitrary>], iteration_bounds = array<i64: 16>, scalar_prefetch = 0 : i64, scratch_operands = 0 : i64, tpu.core_type = #tpu.core_type<tc>, window_params = [{transform_indices = @transform_0, window_bounds = array<i64: 256, 2048>}, {transform_indices = @transform_1, window_bounds = array<i64: 256, 1024>}, {transform_indices = @transform_2, window_bounds = array<i64: 256, 1024>}, {pipeline_mode = #tpu.pipeline_mode<synchronous>, transform_indices = @transform_3, window_bounds = array<i64: 1, 2048>}, {pipeline_mode = #tpu.pipeline_mode<synchronous>, transform_indices = @transform_4, window_bounds = array<i64: 1, 2048>}, {pipeline_mode = #tpu.pipeline_mode<synchronous>, transform_indices = @transform_5, window_bounds = array<i64: 1, 2048>}, {pipeline_mode = #tpu.pipeline_mode<synchronous>, transform_indices = @transform_6, window_bounds = array<i64: 1, 1>}, {transform_indices = @transform_7, window_bounds = array<i64: 256, 1>}]} {
    %get3A = arith.constant 0 : index
    %get3A_0 = arith.constant 0 : index
    %get3A_1 = vector.load %arg1[%get3A, %get3A_0] : memref<256x2048xf32, #tpu.memory_space<vmem>>, vector<256x2048xf32>
    %get3A_2 = arith.constant 0 : index
    %get3A_3 = arith.constant 0 : index
    %get3A_4 = vector.load %arg2[%get3A_2, %get3A_3] : memref<256x1024xi32, #tpu.memory_space<vmem>>, vector<256x1024xi32>
    %get3A_5 = arith.constant 0 : index
    %get3A_6 = arith.constant 0 : index
    %get3A_7 = vector.load %arg3[%get3A_5, %get3A_6] : memref<256x1024xi32, #tpu.memory_space<vmem>>, vector<256x1024xi32>
    %shift_left3A = arith.constant 16 : i32
    %shift_left3A_8 = vector.broadcast %shift_left3A : i32 to vector<256x1024xi32>
    %shift_left3A_9 = arith.shli %get3A_4, %shift_left3A_8 : vector<256x1024xi32>
    %bitcast_convert_type3A = tpu.bitcast %shift_left3A_9 : vector<256x1024xi32> -> vector<256x1024xf32>
    %add3A = arith.constant 0.000000e+00 : f32
    %add3A_10 = vector.broadcast %add3A : f32 to vector<256x1024xf32>
    %add3A_11 = arith.addf %add3A_10, %bitcast_convert_type3A : vector<256x1024xf32>
    %shift_left3A_12 = arith.constant 16 : i32
    %shift_left3A_13 = vector.broadcast %shift_left3A_12 : i32 to vector<256x1024xi32>
    %shift_left3A_14 = arith.shli %get3A_7, %shift_left3A_13 : vector<256x1024xi32>
    %bitcast_convert_type3A_15 = tpu.bitcast %shift_left3A_14 : vector<256x1024xi32> -> vector<256x1024xf32>
    %add3A_16 = arith.addf %add3A_11, %bitcast_convert_type3A_15 : vector<256x1024xf32>
    %and3A = arith.constant -65536 : i32
    %and3A_17 = vector.broadcast %and3A : i32 to vector<256x1024xi32>
    %and3A_18 = arith.andi %get3A_4, %and3A_17 : vector<256x1024xi32>
    %bitcast_convert_type3A_19 = tpu.bitcast %and3A_18 : vector<256x1024xi32> -> vector<256x1024xf32>
    %add3A_20 = arith.constant 0.000000e+00 : f32
    %add3A_21 = vector.broadcast %add3A_20 : f32 to vector<256x1024xf32>
    %add3A_22 = arith.addf %add3A_21, %bitcast_convert_type3A_19 : vector<256x1024xf32>
    %and3A_23 = arith.constant -65536 : i32
    %and3A_24 = vector.broadcast %and3A_23 : i32 to vector<256x1024xi32>
    %and3A_25 = arith.andi %get3A_7, %and3A_24 : vector<256x1024xi32>
    %bitcast_convert_type3A_26 = tpu.bitcast %and3A_25 : vector<256x1024xi32> -> vector<256x1024xf32>
    %add3A_27 = arith.addf %add3A_22, %bitcast_convert_type3A_26 : vector<256x1024xf32>
    %concatenate3A = tpu.concatenate %add3A_16, %add3A_27 in 1 : vector<256x1024xf32>, vector<256x1024xf32> -> vector<256x2048xf32>
    %get3A_28 = arith.constant 0 : index
    %get3A_29 = arith.constant 0 : index
    %get3A_30 = vector.load %arg4[%get3A_28, %get3A_29] : memref<1x2048xf32, #tpu.memory_space<vmem>>, vector<1x2048xf32>
    %get3A_31 = arith.constant 0 : index
    %get3A_32 = arith.constant 0 : index
    %get3A_33 = vector.load %arg5[%get3A_31, %get3A_32] : memref<1x2048xf32, #tpu.memory_space<vmem>>, vector<1x2048xf32>
    %get3A_34 = arith.constant 0 : index
    %get3A_35 = arith.constant 0 : index
    %get3A_36 = vector.load %arg6[%get3A_34, %get3A_35] : memref<1x2048xf32, #tpu.memory_space<vmem>>, vector<1x2048xf32>
    %mul3A = arith.mulf %get3A_36, %get3A_33 : vector<1x2048xf32>
    %reduce_sum3A = vector.shape_cast %mul3A : vector<1x2048xf32> to vector<1x1x2048xf32>
    %reduce_sum3A_37 = arith.constant dense<0.000000e+00> : vector<1xf32>
    %reduce_sum3A_38 = vector.multi_reduction <add>, %reduce_sum3A, %reduce_sum3A_37 [1, 2] : vector<1x1x2048xf32> to vector<1xf32>
    %reduce_sum3A_39 = vector.shape_cast %reduce_sum3A_38 : vector<1xf32> to vector<1x1x1xf32>
    %reduce_sum3A_40 = vector.extract %reduce_sum3A_39[0, 0, 0] : f32 from vector<1x1x1xf32>
    %get3A_41 = arith.constant 0 : index
    %get3A_42 = arith.constant 0 : index
    %get3A_43 = vector.load %arg7[%get3A_41, %get3A_42] : memref<1x1xf32, #tpu.memory_space<vmem>>, vector<1x1xf32>
    %get3A_44 = vector.extract %get3A_43[0, 0] : f32 from vector<1x1xf32>
    %add3A_45 = arith.addf %reduce_sum3A_40, %get3A_44 : f32
    %mul3A_46 = vector.broadcast %get3A_30 : vector<1x2048xf32> to vector<256x2048xf32>
    %mul3A_47 = arith.mulf %get3A_1, %mul3A_46 : vector<256x2048xf32>
    %reduce_sum3A_48 = arith.constant dense<0.000000e+00> : vector<256xf32>
    %reduce_sum3A_49 = vector.multi_reduction <add>, %mul3A_47, %reduce_sum3A_48 [1] : vector<256x2048xf32> to vector<256xf32>
    %broadcast_in_dim3A = vector.shape_cast %reduce_sum3A_49 : vector<256xf32> to vector<256x1xf32>
    %mul3A_50 = vector.broadcast %get3A_33 : vector<1x2048xf32> to vector<256x2048xf32>
    %mul3A_51 = arith.mulf %concatenate3A, %mul3A_50 : vector<256x2048xf32>
    %reduce_sum3A_52 = arith.constant dense<0.000000e+00> : vector<256xf32>
    %reduce_sum3A_53 = vector.multi_reduction <add>, %mul3A_51, %reduce_sum3A_52 [1] : vector<256x2048xf32> to vector<256xf32>
    %broadcast_in_dim3A_54 = vector.shape_cast %reduce_sum3A_53 : vector<256xf32> to vector<256x1xf32>
    %add3A_55 = arith.addf %broadcast_in_dim3A, %broadcast_in_dim3A_54 : vector<256x1xf32>
    %add3A_56 = vector.broadcast %add3A_45 : f32 to vector<256x1xf32>
    %add3A_57 = arith.addf %add3A_55, %add3A_56 : vector<256x1xf32>
    %logistic3A = arith.negf %add3A_57 : vector<256x1xf32>
    %logistic3A_58 = math.exp %logistic3A : vector<256x1xf32>
    %logistic3A_59 = arith.constant 1.000000e+00 : f32
    %logistic3A_60 = vector.broadcast %logistic3A_59 : f32 to vector<256x1xf32>
    %logistic3A_61 = arith.addf %logistic3A_60, %logistic3A_58 : vector<256x1xf32>
    %logistic3A_62 = arith.divf %logistic3A_60, %logistic3A_61 : vector<256x1xf32>
    %swap3A = arith.constant 0 : index
    %swap3A_63 = arith.constant 0 : index
    %swap3A_64 = vector.load %arg8[%swap3A, %swap3A_63] : memref<256x1xf32, #tpu.memory_space<vmem>>, vector<256x1xf32>
    tpu.vector_store %arg8[%swap3A, %swap3A_63], %logistic3A_62 {strides = array<i32>} : memref<256x1xf32, #tpu.memory_space<vmem>>, vector<256x1xf32>,
    return
  }
  func.func @transform_0(%arg0: i32) -> (i32, i32) {
    %c0_i32 = arith.constant 0 : i32
    %c0_i32_0 = arith.constant 0 : i32
    return %arg0, %c0_i32 : i32, i32
  }
  func.func @transform_1(%arg0: i32) -> (i32, i32) {
    %c0_i32 = arith.constant 0 : i32
    %c0_i32_0 = arith.constant 0 : i32
    return %arg0, %c0_i32 : i32, i32
  }
  func.func @transform_2(%arg0: i32) -> (i32, i32) {
    %c0_i32 = arith.constant 0 : i32
    %c0_i32_0 = arith.constant 0 : i32
    return %arg0, %c0_i32 : i32, i32
  }
  func.func @transform_3(%arg0: i32) -> (i32, i32) {
    %c0_i32 = arith.constant 0 : i32
    %c0_i32_0 = arith.constant 0 : i32
    %c0_i32_1 = arith.constant 0 : i32
    return %c0_i32, %c0_i32_0 : i32, i32
  }
  func.func @transform_4(%arg0: i32) -> (i32, i32) {
    %c0_i32 = arith.constant 0 : i32
    %c0_i32_0 = arith.constant 0 : i32
    %c0_i32_1 = arith.constant 0 : i32
    return %c0_i32, %c0_i32_0 : i32, i32
  }
  func.func @transform_5(%arg0: i32) -> (i32, i32) {
    %c0_i32 = arith.constant 0 : i32
    %c0_i32_0 = arith.constant 0 : i32
    %c0_i32_1 = arith.constant 0 : i32
    return %c0_i32, %c0_i32_0 : i32, i32
  }
  func.func @transform_6(%arg0: i32) -> (i32, i32) {
    %c0_i32 = arith.constant 0 : i32
    %c0_i32_0 = arith.constant 0 : i32
    %c0_i32_1 = arith.constant 0 : i32
    return %c0_i32, %c0_i32_0 : i32, i32
  }
  func.func @transform_7(%arg0: i32) -> (i32, i32) {
    %c0_i32 = arith.constant 0 : i32
    %c0_i32_0 = arith.constant 0 : i32
    return %arg0, %c0_i32 : i32, i32
  }
}

module attributes {stable_mosaic.version = 14 : i64} {
  func.func @_fuse_conv_body(%arg0: i32, %arg1: i32, %arg2: memref<1x2048x512xf32, #tpu.memory_space<vmem>>, %arg3: memref<1x2048x256xi32, #tpu.memory_space<vmem>>, %arg4: memref<1x2048x256xi32, #tpu.memory_space<vmem>>, %arg5: memref<1x2048x1xf32, #tpu.memory_space<vmem>>, %arg6: memref<1x512xf32, #tpu.memory_space<vmem>>, %arg7: memref<4x512xf32, #tpu.memory_space<vmem>>, %arg8: memref<1x2048x512xf32, #tpu.memory_space<vmem>>) attributes {dimension_semantics = [#tpu.dimension_semantics<arbitrary>, #tpu.dimension_semantics<arbitrary>], iteration_bounds = array<i64: 2, 4>, scalar_prefetch = 0 : i64, scratch_operands = 0 : i64, tpu.core_type = #tpu.core_type<tc>, window_params = [{transform_indices = @transform_0, window_bounds = array<i64: 1, 2048, 512>}, {transform_indices = @transform_1, window_bounds = array<i64: 1, 2048, 256>}, {transform_indices = @transform_2, window_bounds = array<i64: 1, 2048, 256>}, {transform_indices = @transform_3, window_bounds = array<i64: 1, 2048, 1>}, {transform_indices = @transform_4, window_bounds = array<i64: 1, 512>}, {transform_indices = @transform_5, window_bounds = array<i64: 4, 512>}, {transform_indices = @transform_6, window_bounds = array<i64: 1, 2048, 512>}]} {
    %get3A = arith.constant 0 : index
    %get3A_0 = arith.constant 0 : index
    %get3A_1 = arith.constant 0 : index
    %get3A_2 = vector.load %arg2[%get3A, %get3A_0, %get3A_1] : memref<1x2048x512xf32, #tpu.memory_space<vmem>>, vector<1x2048x512xf32>
    %get3A_3 = vector.shape_cast %get3A_2 : vector<1x2048x512xf32> to vector<2048x512xf32>
    %get3A_4 = arith.constant 0 : index
    %get3A_5 = arith.constant 0 : index
    %get3A_6 = vector.load %arg6[%get3A_4, %get3A_5] : memref<1x512xf32, #tpu.memory_space<vmem>>, vector<1x512xf32>
    %get3A_7 = arith.constant 0 : index
    %get3A_8 = arith.constant 0 : index
    %get3A_9 = arith.constant 0 : index
    %get3A_10 = vector.load %arg5[%get3A_7, %get3A_8, %get3A_9] : memref<1x2048x1xf32, #tpu.memory_space<vmem>>, vector<1x2048x1xf32>
    %get3A_11 = vector.shape_cast %get3A_10 : vector<1x2048x1xf32> to vector<2048x1xf32>
    %get3A_12 = arith.constant 0 : index
    %get3A_13 = arith.constant 0 : index
    %get3A_14 = arith.constant 0 : index
    %get3A_15 = vector.load %arg3[%get3A_12, %get3A_13, %get3A_14] : memref<1x2048x256xi32, #tpu.memory_space<vmem>>, vector<1x2048x256xi32>
    %get3A_16 = vector.shape_cast %get3A_15 : vector<1x2048x256xi32> to vector<2048x256xi32>
    %get3A_17 = arith.constant 0 : index
    %get3A_18 = arith.constant 0 : index
    %get3A_19 = arith.constant 0 : index
    %get3A_20 = vector.load %arg4[%get3A_17, %get3A_18, %get3A_19] : memref<1x2048x256xi32, #tpu.memory_space<vmem>>, vector<1x2048x256xi32>
    %get3A_21 = vector.shape_cast %get3A_20 : vector<1x2048x256xi32> to vector<2048x256xi32>
    %shift_left3A = arith.constant 16 : i32
    %shift_left3A_22 = vector.broadcast %shift_left3A : i32 to vector<2048x256xi32>
    %shift_left3A_23 = arith.shli %get3A_16, %shift_left3A_22 : vector<2048x256xi32>
    %bitcast_convert_type3A = tpu.bitcast %shift_left3A_23 : vector<2048x256xi32> -> vector<2048x256xf32>
    %add3A = arith.constant 0.000000e+00 : f32
    %add3A_24 = vector.broadcast %add3A : f32 to vector<2048x256xf32>
    %add3A_25 = arith.addf %add3A_24, %bitcast_convert_type3A : vector<2048x256xf32>
    %shift_left3A_26 = arith.constant 16 : i32
    %shift_left3A_27 = vector.broadcast %shift_left3A_26 : i32 to vector<2048x256xi32>
    %shift_left3A_28 = arith.shli %get3A_21, %shift_left3A_27 : vector<2048x256xi32>
    %bitcast_convert_type3A_29 = tpu.bitcast %shift_left3A_28 : vector<2048x256xi32> -> vector<2048x256xf32>
    %add3A_30 = arith.addf %add3A_25, %bitcast_convert_type3A_29 : vector<2048x256xf32>
    %and3A = arith.constant -65536 : i32
    %and3A_31 = vector.broadcast %and3A : i32 to vector<2048x256xi32>
    %and3A_32 = arith.andi %get3A_16, %and3A_31 : vector<2048x256xi32>
    %bitcast_convert_type3A_33 = tpu.bitcast %and3A_32 : vector<2048x256xi32> -> vector<2048x256xf32>
    %add3A_34 = arith.constant 0.000000e+00 : f32
    %add3A_35 = vector.broadcast %add3A_34 : f32 to vector<2048x256xf32>
    %add3A_36 = arith.addf %add3A_35, %bitcast_convert_type3A_33 : vector<2048x256xf32>
    %and3A_37 = arith.constant -65536 : i32
    %and3A_38 = vector.broadcast %and3A_37 : i32 to vector<2048x256xi32>
    %and3A_39 = arith.andi %get3A_21, %and3A_38 : vector<2048x256xi32>
    %bitcast_convert_type3A_40 = tpu.bitcast %and3A_39 : vector<2048x256xi32> -> vector<2048x256xf32>
    %add3A_41 = arith.addf %add3A_36, %bitcast_convert_type3A_40 : vector<2048x256xf32>
    %concatenate3A = tpu.concatenate %add3A_30, %add3A_41 in 1 : vector<2048x256xf32>, vector<2048x256xf32> -> vector<2048x512xf32>
    %add3A_42 = vector.broadcast %get3A_6 : vector<1x512xf32> to vector<2048x512xf32>
    %add3A_43 = arith.addf %concatenate3A, %add3A_42 : vector<2048x512xf32>
    %mul3A = vector.broadcast %get3A_11 : vector<2048x1xf32> to vector<2048x512xf32>
    %mul3A_44 = arith.mulf %mul3A, %add3A_43 : vector<2048x512xf32>
    %add3A_45 = arith.addf %get3A_3, %mul3A_44 : vector<2048x512xf32>
    %broadcast_in_dim3A = arith.constant 0.000000e+00 : f32
    %broadcast_in_dim3A_46 = vector.broadcast %broadcast_in_dim3A : f32 to vector<1x512xf32>
    %slice3A = vector.extract_strided_slice %add3A_45 {offsets = [0, 0], sizes = [2047, 512], strides = [1, 1]} : vector<2048x512xf32> to vector<2047x512xf32>
    %concatenate3A_47 = tpu.concatenate %broadcast_in_dim3A_46, %slice3A in 0 : vector<1x512xf32>, vector<2047x512xf32> -> vector<2048x512xf32>
    %slice3A_48 = vector.extract_strided_slice %add3A_45 {offsets = [0, 0], sizes = [2046, 512], strides = [1, 1]} : vector<2048x512xf32> to vector<2046x512xf32>
    %concatenate3A_49 = tpu.concatenate %broadcast_in_dim3A_46, %broadcast_in_dim3A_46, %slice3A_48 in 0 : vector<1x512xf32>, vector<1x512xf32>, vector<2046x512xf32> -> vector<2048x512xf32>
    %slice3A_50 = vector.extract_strided_slice %add3A_45 {offsets = [0, 0], sizes = [2045, 512], strides = [1, 1]} : vector<2048x512xf32> to vector<2045x512xf32>
    %concatenate3A_51 = tpu.concatenate %broadcast_in_dim3A_46, %broadcast_in_dim3A_46, %broadcast_in_dim3A_46, %slice3A_50 in 0 : vector<1x512xf32>, vector<1x512xf32>, vector<1x512xf32>, vector<2045x512xf32> -> vector<2048x512xf32>
    %get3A_52 = arith.constant 0 : index
    %get3A_53 = arith.constant 0 : index
    %get3A_54 = vector.load %arg7[%get3A_52, %get3A_53] : memref<4x512xf32, #tpu.memory_space<vmem>>, vector<4x512xf32>
    %slice3A_55 = vector.extract_strided_slice %get3A_54 {offsets = [3, 0], sizes = [1, 512], strides = [1, 1]} : vector<4x512xf32> to vector<1x512xf32>
    %mul3A_56 = vector.broadcast %slice3A_55 : vector<1x512xf32> to vector<2048x512xf32>
    %mul3A_57 = arith.mulf %add3A_45, %mul3A_56 : vector<2048x512xf32>
    %slice3A_58 = vector.extract_strided_slice %get3A_54 {offsets = [2, 0], sizes = [1, 512], strides = [1, 1]} : vector<4x512xf32> to vector<1x512xf32>
    %mul3A_59 = vector.broadcast %slice3A_58 : vector<1x512xf32> to vector<2048x512xf32>
    %mul3A_60 = arith.mulf %concatenate3A_47, %mul3A_59 : vector<2048x512xf32>
    %add3A_61 = arith.addf %mul3A_57, %mul3A_60 : vector<2048x512xf32>
    %slice3A_62 = vector.extract_strided_slice %get3A_54 {offsets = [1, 0], sizes = [1, 512], strides = [1, 1]} : vector<4x512xf32> to vector<1x512xf32>
    %mul3A_63 = vector.broadcast %slice3A_62 : vector<1x512xf32> to vector<2048x512xf32>
    %mul3A_64 = arith.mulf %concatenate3A_49, %mul3A_63 : vector<2048x512xf32>
    %add3A_65 = arith.addf %add3A_61, %mul3A_64 : vector<2048x512xf32>
    %slice3A_66 = vector.extract_strided_slice %get3A_54 {offsets = [0, 0], sizes = [1, 512], strides = [1, 1]} : vector<4x512xf32> to vector<1x512xf32>
    %mul3A_67 = vector.broadcast %slice3A_66 : vector<1x512xf32> to vector<2048x512xf32>
    %mul3A_68 = arith.mulf %concatenate3A_51, %mul3A_67 : vector<2048x512xf32>
    %add3A_69 = arith.addf %add3A_65, %mul3A_68 : vector<2048x512xf32>
    %swap3A = arith.constant 0 : index
    %swap3A_70 = arith.constant 0 : index
    %swap3A_71 = arith.constant 0 : index
    %swap3A_72 = vector.load %arg8[%swap3A, %swap3A_70, %swap3A_71] : memref<1x2048x512xf32, #tpu.memory_space<vmem>>, vector<1x2048x512xf32>
    %swap3A_73 = vector.shape_cast %swap3A_72 : vector<1x2048x512xf32> to vector<2048x512xf32>
    %swap3A_74 = vector.shape_cast %add3A_69 : vector<2048x512xf32> to vector<1x2048x512xf32>
    tpu.vector_store %arg8[%swap3A, %swap3A_70, %swap3A_71], %swap3A_74 {strides = array<i32>} : memref<1x2048x512xf32, #tpu.memory_space<vmem>>, vector<1x2048x512xf32>,
    return
  }
  func.func @transform_0(%arg0: i32, %arg1: i32) -> (i32, i32, i32) {
    %c0_i32 = arith.constant 0 : i32
    %c0_i32_0 = arith.constant 0 : i32
    return %arg0, %c0_i32, %arg1 : i32, i32, i32
  }
  func.func @transform_1(%arg0: i32, %arg1: i32) -> (i32, i32, i32) {
    %c0_i32 = arith.constant 0 : i32
    %c0_i32_0 = arith.constant 0 : i32
    return %arg0, %c0_i32, %arg1 : i32, i32, i32
  }
  func.func @transform_2(%arg0: i32, %arg1: i32) -> (i32, i32, i32) {
    %c0_i32 = arith.constant 0 : i32
    %c0_i32_0 = arith.constant 0 : i32
    return %arg0, %c0_i32, %arg1 : i32, i32, i32
  }
  func.func @transform_3(%arg0: i32, %arg1: i32) -> (i32, i32, i32) {
    %c0_i32 = arith.constant 0 : i32
    %c0_i32_0 = arith.constant 0 : i32
    %c0_i32_1 = arith.constant 0 : i32
    return %arg0, %c0_i32, %c0_i32_0 : i32, i32, i32
  }
  func.func @transform_4(%arg0: i32, %arg1: i32) -> (i32, i32) {
    %c0_i32 = arith.constant 0 : i32
    %c0_i32_0 = arith.constant 0 : i32
    return %c0_i32, %arg1 : i32, i32
  }
  func.func @transform_5(%arg0: i32, %arg1: i32) -> (i32, i32) {
    %c0_i32 = arith.constant 0 : i32
    %c0_i32_0 = arith.constant 0 : i32
    return %c0_i32, %arg1 : i32, i32
  }
  func.func @transform_6(%arg0: i32, %arg1: i32) -> (i32, i32, i32) {
    %c0_i32 = arith.constant 0 : i32
    %c0_i32_0 = arith.constant 0 : i32
    return %arg0, %c0_i32, %arg1 : i32, i32, i32
  }
}

</mosaic_0001>

<sc_bundles>
// kernel: kernel.12.cloned.1.call-start
scs
__scs_entry_jumppad:
0x0: {  	(pc) =	sbr.rel $0x88, $3  }
0x1: {  	(tag) =	ssettag $0x0;
	lr =	simm.s32 $0x1  }
0x2: {  	[smem:$0x3F99] =	sst lr;
	_ =	strace $0xD0000000  }
0x3: {  	_ = 	snop  }
0x4: {  	_ = 	snop  }
0x5: {  	_ = 	snop  }
0x6: {  	_ = 	snop  }
0x7: {  	_ = 	snop  }
__scs_overlays_trampoline_lowered:
0x8: {  	[smem:$0x3FA8] =	sst s0  }
0x9: {  	[smem:$0x3FA9] =	sst s1  }
0xa: {  	[smem:$0x3FAA] =	sst s2  }
0xb: {  	[smem:$0x3FAB] =	sst s3  }
0xc: {  	[smem:$0x3FAC] =	sst s4  }
0xd: {  	[smem:$0x3FAD] =	sst s5  }
0xe: {  	[smem:$0x3FAE] =	sst s6  }
0xf: {  	[smem:$0x3FAF] =	sst s7  }
0x10: {  	[smem:$0x3FB0] =	sst s8  }
0x11: {  	[smem:$0x3FB1] =	sst s9;
	s0 =	simm.s32 @!p0 $0x0  }
0x12: {  	s1 =	sld [smem:$0x3F97];
	s0 =	simm.s32 @p0 $0x1  }
0x13: {  	[smem:$0x3FB2] =	sst s0;
	s0 =	simm.s32 @!p1 $0x0  }
0x14: {  	s2 =	sld [smem:$0x3F96];
	s0 =	simm.s32 @p1 $0x1  }
0x15: {  	[smem:$0x3FB3] =	sst s0;
	s0 =	simm.s32 @!p2 $0x0  }
0x16: {  	s3 =	sld [smem:$0x3FDB];
	s0 =	simm.s32 @p2 $0x1  }
0x17: {  	s4 =	simm.s32 $0x1BF5;
	[smem:$0x3FB5] =	sst s0  }
0x18: {  	s0 =	sld [smem:$0x3F98];
	_ =	swait.ge [sflag:s4], $0x0  }
0x19: {  	s7 =	sld [smem:$0x3F99]  }
0x1a: {  	s8 =	sadd.s32 $0xFFFFE003, lr  }
0x1b: {  	s9 =	sadd.s32 $0xFFFFFEF7, lr;
	s5 =	simm.s32 $0xFFFFFFFF;
	p2 =	slt.u32 s8, $0xFFFFF086  }
0x1c: {  	p1 =	slt.u32 s9, $0xF7A;
	s5 =	simm.s32 @!p2 $0x0  }
0x1d: {  	s5 =	simm.s32 @p1 $0x1;
	p0 =	seq.s32 s7, s2  }
0x1e: {  	s7 =	smul.u32 @!p0 $0xF7A, s2;
	p2 =	seq.s32 @!p0 s5, $0x0  }
0x1f: {  	s9 =	smul.u32 $0xF7A, s1;
	s8 =	simm.s32 @!p0 $0x1BF5;
	p2 =	por !p2, p0  }
0x20: {  	[sflag:s8] =	ssyncset.s32 @!p0 $0xFFFFF086;
	s6 =	sadd.s32 @!p0 s3, s7;
	s7 =	simm.s32 @!p0 $0x108  }
0x21: {  	s3 =	sadd.s32 s3, s9;
	s6 =	sadd.s32 @!p0 $0x88, s6;
	s7 =	simm.s32 @p2 $0x1082  }
0x22: {  	[simem:s7], [sflag:s8] =	dma.local @!p0 [hbm:s6], $0xF7A  }
0x23: {  	s9 =	sor.u32 $0xD0000000, s2;
	s6 =	simm.s32 $0x108;
	_ =	swait.ge @!p0 [sflag:s8], $0x0  }
0x24: {  	s3 =	sadd.s32 $0x88, s3;
	s6 =	simm.s32 @!p1 $0x1082;
	[sflag:s4] =	ssyncset.s32 $0xFFFFF086  }
0x25: {  	[simem:s6], [sflag:s4] =	dma.local [hbm:s3], $0xF7A  }
0x26: {  	[smem:$0x3F99] =	sst s1;
	(tag) =	ssettag s2;
	_ =	strace s9  }
0x27: {  	s1 =	sld [smem:$0x3FA9]  }
0x28: {  	s2 =	sld [smem:$0x3FAA]  }
0x29: {  	s4 =	sld [smem:$0x3FAC]  }
0x2a: {  	p0 =	seq.s32 s5, $0x0;
	s5 =	sld [smem:$0x3FAD]  }
0x2b: {  	s6 =	sld [smem:$0x3FAE]  }
0x2c: {  	s7 =	sld [smem:$0x3FAF]  }
0x2d: {  	s3 =	simm.s32 $0x108;
	s8 =	sld [smem:$0x3FB0]  }
0x2e: {  	s3 =	simm.s32 @!p0 $0x1082;
	s9 =	sld [smem:$0x3FB1]  }
0x2f: {  	lr =	sadd.s32 s0, s3;
	s0 =	sld [smem:$0x3FA8]  }
0x30: {  	s3 =	sld [smem:$0x3FAB]  }
0x31: {  	[smem:$0x3FB4] =	sst s10  }
0x32: {  	s10 =	sld [smem:$0x3FB2];
	_ =	sdelay $0x3  }
0x33: {  	p0 =	seq.s32 s10, $0x1;
	s10 =	sld [smem:$0x3FB4];
	_ =	sdelay $0x3  }
0x34: {  	[smem:$0x3FB4] =	sst s10  }
0x35: {  	s10 =	sld [smem:$0x3FB3];
	_ =	sdelay $0x3  }
0x36: {  	p1 =	seq.s32 s10, $0x1;
	s10 =	sld [smem:$0x3FB4];
	_ =	sdelay $0x3  }
0x37: {  	[smem:$0x3FB4] =	sst s10  }
0x38: {  	s10 =	sld [smem:$0x3FB5]  }
0x39: {  	_ = 	snop;
	(pc) =	sbr.ind lr, $3  }
0x3a: {  	_ = 	snop  }
0x3b: {  	_ = 	snop  }
0x3c: {  	p2 =	seq.s32 s10, $0x1;
	s10 =	sld [smem:$0x3FB4]  }
0x3d: {  	_ =	shalt  }
0x3e: {  	_ =	shalt  }
0x3f: {  	_ =	shalt  }
0x40: {  	_ =	shalt  }
0x41: {  	_ =	shalt  }
0x42: {  	_ =	shalt  }
0x43: {  	_ =	shalt  }
0x44: {  	_ =	shalt  }
0x45: {  	_ =	shalt  }
0x46: {  	_ =	shalt  }
0x47: {  	_ =	shalt  }
0x48: {  	_ =	shalt  }
0x49: {  	_ =	shalt  }
0x4a: {  	_ =	shalt  }
0x4b: {  	_ =	shalt  }
0x4c: {  	_ =	shalt  }
0x4d: {  	_ =	shalt  }
0x4e: {  	_ =	shalt  }
0x4f: {  	_ =	shalt  }
0x50: {  	_ =	shalt  }
0x51: {  	_ =	shalt  }
0x52: {  	_ =	shalt  }
0x53: {  	_ =	shalt  }
0x54: {  	_ =	shalt  }
0x55: {  	_ =	shalt  }
0x56: {  	_ =	shalt  }
0x57: {  	_ =	shalt  }
0x58: {  	_ =	shalt  }
0x59: {  	_ =	shalt  }
0x5a: {  	_ =	shalt  }
0x5b: {  	_ =	shalt  }
0x5c: {  	_ =	shalt  }
0x5d: {  	_ =	shalt  }
0x5e: {  	_ =	shalt  }
0x5f: {  	_ =	shalt  }
0x60: {  	_ =	shalt  }
0x61: {  	_ =	shalt  }
0x62: {  	_ =	shalt  }
0x63: {  	_ =	shalt  }
0x64: {  	_ =	shalt  }
0x65: {  	_ =	shalt  }
0x66: {  	_ =	shalt  }
0x67: {  	_ =	shalt  }
0x68: {  	_ =	shalt  }
0x69: {  	_ =	shalt  }
0x6a: {  	_ =	shalt  }
0x6b: {  	_ =	shalt  }
0x6c: {  	_ =	shalt  }
0x6d: {  	_ =	shalt  }
0x6e: {  	_ =	shalt  }
0x6f: {  	_ =	shalt  }
0x70: {  	_ =	shalt  }
0x71: {  	_ =	shalt  }
0x72: {  	_ =	shalt  }
0x73: {  	_ =	shalt  }
0x74: {  	_ =	shalt  }
0x75: {  	_ =	shalt  }
0x76: {  	_ =	shalt  }
0x77: {  	_ =	shalt  }
0x78: {  	_ =	shalt  }
0x79: {  	_ =	shalt  }
0x7a: {  	_ =	shalt  }
0x7b: {  	_ =	shalt  }
0x7c: {  	_ =	shalt  }
0x7d: {  	_ =	shalt  }
0x7e: {  	_ =	shalt  }
0x7f: {  	_ =	shalt  }
0x80: {  	_ =	shalt  }
0x81: {  	_ =	shalt  }
0x82: {  	_ =	shalt  }
0x83: {  	_ =	shalt  }
0x84: {  	_ =	shalt  }
0x85: {  	_ =	shalt  }
0x86: {  	_ =	shalt  }
0x87: {  	_ =	shalt  }
.Lfunc_end0:
.L_simem_size_0:
called_computation.1_lowered:
.L_overlay_start_0:
0x88: {  	s2 =	sld [smem:$0x3FD9]  }
0x89: {  	s3 =	sld [smem:$0x3FFE];
	_ =	sdelay $0x1  }
0x8a: {  	s1 =	srdreg.scid  }
0x8b: {  	s0 =	sand.u32 $0x1, s1  }
0x8c: {  	s17 =	sshll.u32 s0, $0xA;
	s2 =	sadd.s32 s3, s2  }
0x8d: {  	s2 =	sadd.s32 s2, s17  }
0x8e: {  	[smem:$0x3FC0] =	sst s2  }
0x8f: {  	_ = 	snop  }
0x90: {  	(tm) =	ssettm $0x1  }
0x91: {  	s18 =	sld [smem:$0x3FFB];
	_ =	sdelay $0x3  }
0x92: {  	_ =	strace s18  }
0x93: {  	s2 =	sld [smem:$0x3FFC];
	_ =	sdelay $0x3  }
0x94: {  	_ =	strace s2  }
0x95: {  	s2 =	sld [smem:$0x3FFD];
	_ =	sdelay $0x3  }
0x96: {  	_ =	strace s2  }
0x97: {  	_ =	strace $0x8FFFFFFF  }
0x98: {  	s19 =	sld [smem:$0x3FDB];
	_ =	sdelay $0x1  }
0x99: {  	s20 =	simm.s32 $_scs_section_size  }
0x9a: {  	s4 =	simm.s32 $_size__tile_overlayer_lowered;
	s5 =	simm.s32 $_tile_overlayer_lowered  }
0x9b: {  	s6 =	simm.s32 $0x1BFF;
	s21 =	sshll.u32 s5, $0x1;
	s3 =	sadd.s32 s20, s19  }
0x9c: {  	s22 =	simm.s32 $0x0;
	s4 =	sshll.u32 s4, $0x1;
	s5 =	sadd.s32 s21, s3  }
0x9d: {  	[timem:s22], [sflag:s6] =	dma.local [hbm:s5], s4  }
0x9e: {  	_ =	swait.ge [sflag:s6], s4  }
0x9f: {  	s4 =	ssub.s32 $0x0, s4;
	[sflag:s6] =	ssyncset.done $0x0  }
0xa0: {  	[sflag:s6] =	ssyncadd.s32 s4;
	_ =	sdelay $0x1  }
0xa1: {  	s23 =	simm.s32 $0x1B8B  }
0xa2: {  	_ =	swait.ge [sflag:s23], $0x1  }
0xa3: {  	[sflag:s23] =	ssyncset.done $0x0  }
0xa4: {  	[sflag:s23] =	ssyncadd.s32 $0xFFFFFFFF  }
0xa5: {  	s4 =	sld [smem:$0x0]  }
0xa6: {  	s5 =	sand.u32 $0xFFFFFFFE, s1  }
0xa7: {  	p0 =	sne.s32 s1, s5  }
0xa8: {  	s5 =	sshll.u32 @p0 s5, $0xE  }
0xa9: {  	s5 =	sadd.s32 @p0 $0x11B8D, s5;
	s6 =	sshll.u32 @p0 s4, $0x11  }
0xaa: {  	s5 =	sor.u32 @p0 s6, s5  }
0xab: {  	[sflag:s5] =	ssyncadd.remote.s32 @p0 $0x1;
	_ =	sdelay $0x1  }
0xac: {  	s5 =	simm.s32 @p0 $0x1B8D  }
0xad: {  	_ =	swait.eq @p0 [sflag:s5], $0x1  }
0xae: {  	[sflag:s5] =	ssyncadd.s32 @p0 $0xFFFFFFFF  }
0xaf: {  	s6 =	sshll.u32 @!p0 s1, $0xE  }
0xb0: {  	s6 =	sor.u32 @!p0 $0x4000, s6;
	s5 =	simm.s32 @!p0 $0x1B8D  }
0xb1: {  	s4 =	sshll.u32 @!p0 s4, $0x11;
	s6 =	sadd.s32 @!p0 $0x11B8D, s6;
	_ =	swait.eq @!p0 [sflag:s5], $0x1  }
0xb2: {  	s4 =	sor.u32 @!p0 s4, s6;
	[sflag:s5] =	ssyncadd.s32 @!p0 $0xFFFFFFFF  }
0xb3: {  	s25 =	simm.s32 $0x1B8E;
	s24 =	sld [smem:$0x3FFE];
	[sflag:s4] =	ssyncadd.remote.s32 @!p0 $0x1  }
0xb4: {  	s26 =	simm.s32 $execute0_lowered;
	[smem:$0x3FD2] =	sst s25  }
0xb5: {  	s5 =	sshll.u32 s26, $0x1;
	_ =	strace $0x80000049;
	[dreg:$0x1] =	wrdreg $0xFFFFFFFF  }
0xb6: {  	s28 =	simm.s32 $_size_execute0_lowered;
	s3 =	sadd.s32 s3, s5;
	[dreg:$0x0] =	wrdreg $0x0  }
0xb7: {  	s5 =	sshll.u32 s28, $0x1;
	[dreg:$0x2] =	wrdreg s3  }
0xb8: {  	[dreg:$0x3] =	wrdreg s5  }
0xb9: {  	[dreg:$0x4] =	wrdreg $0xC0  }
0xba: {  	_ =	task [dreg:s22], $0x5FFFF  }
0xbb: {  	[dreg:$0x1] =	wrdreg $0xFFFFFFFF  }
0xbc: {  	[dreg:$0x0] =	wrdreg $0x60  }
0xbd: {  	[dreg:$0x2] =	wrdreg s24  }
0xbe: {  	[dreg:$0x3] =	wrdreg $0xA  }
0xbf: {  	_ =	task.clear_ibuf [dreg:s22], $0x4FFFF;
	_ =	strace $0x90000049  }
0xc0: {  	s29 =	simm.s32 $0xA;
	_ =	strace $0x8000004B  }
0xc1: {  	_ =	swait.ge [sflag:s29], $0x1  }
0xc2: {  	[sflag:s29] =	ssyncadd.s32 $0xFFFFFFFF  }
0xc3: {  	_ =	strace $0x9000004B  }
0xc4: {  	_ =	sfence  }
0xc5: {  	s30 =	sld [smem:$0x0];
	_ =	sdelay $0x2  }
0xc6: {  	s31 =	sshll.u32 s1, $0xD;
	s1 =	sshrl.u32 s1, $0x2  }
0xc7: {  	s4 =	sand.u32 $0x4000, s31;
	s1 =	sadd.s32 s1, s30  }
0xc8: {  	s0 =	sor.u32 s4, s0;
	s1 =	sshll.u32 s1, $0x11  }
0xc9: {  	s0 =	sor.u32 s1, s0  }
0xca: {  	s0 =	sadd.s32 $0x8F2B, s0  }
0xcb: {  	[sflag:s0] =	ssyncadd.remote.s32 $0x1  }
0xcc: {  	_ =	sfence.sel $0xFFFF  }
0xcd: {  	[dreg:$0x0] =	wrdreg $0xFFFFFFFF;
	(pc) =	sbr.abs _section_cstart, $3  }
0xce: {  	[dreg:$0x1] =	wrdreg $0xFFFFFFFF  }
0xcf: {  	_ =	task.clear_ibuf [dreg:s22], $0x2FFFF;
	_ =	strace $0x9FFFFFFF  }
0xd0: {  	(tm) =	ssettm $0x7FFFFFFF  }
0xd1: {  	_ =	shalt  }
tec
execute0_lowered:
.L_overlay_start_1:
0x0: {  	(tag) =	ssettag $0x1  }
0x1: {  	s0 =	rddreg [dreg:$0x0]  }
0x2: {  	s1 =	srdreg.scid;
	s3 =	stileid.u32  }
0x3: {  	s2 =	simm.s32 $0x0;
	s14 =	simm.s32 $0x200;
	s21 =	simm.s32 $0x3  }
0x4: {  	s9 =	simm.s32 $0x16A00;
	s10 =	simm.s32 $0x17200;
	s1 =	sand.u32 $0x1, s1  }
0x5: {  	s11 =	simm.s32 $0x17A00;
	s3 =	sshll.u32 s3, $0x8;
	s4 =	sshll.u32 s1, $0x7  }
0x6: {  	s12 =	simm.s32 $0x1;
	s13 =	simm.s32 $0x2;
	s4 =	sor.u32 s4, s3  }
0x7: {  	[smem:$0x7FF] =	sst s2;
	s6 =	sadd.s32 $0x83600, s0;
	s5 =	sshrl.u32 s4, $0x1  }
0x8: {  	s7 =	sadd.s32 $0x83700, s0;
	s4 =	sshll.u32 s4, $0x7;
	s5 =	sadd.s32 s5, s0  }
0x9: {  	_ =	strace $0x8000004A;
	s4 =	sadd.s32 s4, s0;
	s5 =	sadd.s32 $0x1C00, s5  }
0xa: {  	s1 =	ssub.s32 $0x2, s1;
	s28 =	sadd.s32 $0x103400, s4;
	[dreg:$0x2] =	wrdreg s5  }
0xb: {  	s3 =	sadd.s32 $0x83400, s0;
	s29 =	sadd.s32 $0x104400, s4;
	[dreg:$0x3] =	wrdreg s28  }
0xc: {  	s8 =	sshrl.u32 s1, $0x1;
	s30 =	sadd.s32 $0x105400, s4;
	[dreg:$0x4] =	wrdreg s29  }
0xd: {  	v2 =	vlaneseq.u32;
	s26 =	ssub.s32 s1, s8;
	s31 =	sadd.s32 $0x106400, s4;
	[dreg:$0x5] =	wrdreg s30  }
0xe: {  	vm0 =	vmmov $0xffff;
	v1 =	vshrl.u32 v2, $0x3;
	s5 =	sadd.s32 $0x83500, s0;
	[dreg:$0x6] =	wrdreg s31;
	s0 =	smax.u32 s26, $0x1  }
0xf: {  	s15 =	simm.s32 $0x4;
	s16 =	simm.s32 $0x0;
	v0 =	vand.u32 $0x7, v2;
	v2 =	vor.u32 $0x8, v2;
	v1 =	vmul.u32 $0x8, v1;
	[dreg:$0x7] =	wrdreg s0  }
.LBB2_1:
0x10: {  	s0 =	rddreg [dreg:$0x2];
	s25 =	simm.s32 $0x5  }
0x11: {  	[tilespmem:s2], [sflag:$0x5] =	stream.linear.gather [hbm4b:s0+s2], $0x200, $0x38;
	[tilespmem:$0x18200] =	vst v63  }
0x12: {  	_ =	swait.ge [sflag:s25], $0x200  }
0x13: {  	[sflag:s25] =	ssyncset.done $0x0  }
0x14: {  	[sflag:s25] =	ssyncadd.s32 $0xFFFFFE00  }
0x15: {  	v3 =	vld [tilespmem:$0x0];
	_ =	sdelay $0x4  }
0x16: {  	v4 =	vshll.u32 v3, $0x3  }
0x17: {  	v3 =	vand.u32 $0x7, v3;
	v4 =	vand.u32 $0xFFFFFFC0, v4  }
0x18: {  	v3 =	vor.u32 v3, v4  }
0x19: {  	v4 =	vperm.xlane v3, v0;
	_ =	sdelay $0x1  }
0x1a: {  	v4 =	vadd.s32 v1, v4;
	_ =	sdelay $0x4  }
0x1b: {  	[tilespmem:s14], [sflag:$0x3] =	stream.indirect_vreg.gather [hbm4b:s3+s2], $0x80, v4, vm0, $0xb8;
	[tilespmem:$0x18200] =	vst v63  }
0x1c: {  	s26 =	simm.s32 $0xA00;
	v3 =	vperm.xlane v3, v2  }
0x1d: {  	[tilespmem:s26], [sflag:$0x3] =	stream.indirect_vreg.gather [hbm4b:s5+s2], $0x80, v4, vm0, $0xb8;
	[tilespmem:$0x18200] =	vst v63  }
0x1e: {  	s29 =	simm.s32 $0x1200;
	v3 =	vadd.s32 v1, v3  }
0x1f: {  	[tilespmem:s29], [sflag:$0x3] =	stream.indirect_vreg.gather [hbm4b:s6+s2], $0x80, v4, vm0, $0xb8;
	[tilespmem:$0x18200] =	vst v63  }
0x20: {  	s30 =	simm.s32 $0x1A00  }
0x21: {  	[tilespmem:s30], [sflag:$0x3] =	stream.indirect_vreg.gather [hbm4b:s7+s2], $0x80, v4, vm0, $0xb8;
	[tilespmem:$0x18200] =	vst v63  }
0x22: {  	s31 =	simm.s32 $0x2200  }
0x23: {  	[tilespmem:s31], [sflag:$0x3] =	stream.indirect_vreg.gather [hbm4b:s3+s2], $0x80, v3, vm0, $0xb8;
	[tilespmem:$0x18200] =	vst v63  }
0x24: {  	s1 =	simm.s32 $0x2A00  }
0x25: {  	[tilespmem:s1], [sflag:$0x3] =	stream.indirect_vreg.gather [hbm4b:s5+s2], $0x80, v3, vm0, $0xb8;
	[tilespmem:$0x18200] =	vst v63  }
0x26: {  	s4 =	simm.s32 $0x3200  }
0x27: {  	[tilespmem:s4], [sflag:$0x3] =	stream.indirect_vreg.gather [hbm4b:s6+s2], $0x80, v3, vm0, $0xb8;
	[tilespmem:$0x18200] =	vst v63  }
0x28: {  	s8 =	simm.s32 $0x3A00  }
0x29: {  	[tilespmem:s8], [sflag:$0x3] =	stream.indirect_vreg.gather [hbm4b:s7+s2], $0x80, v3, vm0, $0xb8;
	[tilespmem:$0x18200] =	vst v63  }
0x2a: {  	v3 =	vld [tilespmem:$0x10];
	_ =	sdelay $0x4  }
0x2b: {  	v4 =	vshll.u32 v3, $0x3  }
0x2c: {  	v3 =	vand.u32 $0x7, v3;
	v4 =	vand.u32 $0xFFFFFFC0, v4  }
0x2d: {  	v3 =	vor.u32 v3, v4  }
0x2e: {  	v4 =	vperm.xlane v3, v0;
	_ =	sdelay $0x1  }
0x2f: {  	v4 =	vadd.s32 v1, v4;
	_ =	sdelay $0x3  }
0x30: {  	s17 =	simm.s32 $0x4200  }
0x31: {  	[tilespmem:s17], [sflag:$0x3] =	stream.indirect_vreg.gather [hbm4b:s3+s2], $0x80, v4, vm0, $0xb8;
	[tilespmem:$0x18200] =	vst v63  }
0x32: {  	s18 =	simm.s32 $0x4A00;
	v3 =	vperm.xlane v3, v2  }
0x33: {  	[tilespmem:s18], [sflag:$0x3] =	stream.indirect_vreg.gather [hbm4b:s5+s2], $0x80, v4, vm0, $0xb8;
	[tilespmem:$0x18200] =	vst v63  }
0x34: {  	s19 =	simm.s32 $0x5200;
	v3 =	vadd.s32 v1, v3  }
0x35: {  	[tilespmem:s19], [sflag:$0x3] =	stream.indirect_vreg.gather [hbm4b:s6+s2], $0x80, v4, vm0, $0xb8;
	[tilespmem:$0x18200] =	vst v63  }
0x36: {  	s20 =	simm.s32 $0x5A00  }
0x37: {  	[tilespmem:s20], [sflag:$0x3] =	stream.indirect_vreg.gather [hbm4b:s7+s2], $0x80, v4, vm0, $0xb8;
	[tilespmem:$0x18200] =	vst v63  }
0x38: {  	s22 =	simm.s32 $0x6200  }
0x39: {  	[tilespmem:s22], [sflag:$0x3] =	stream.indirect_vreg.gather [hbm4b:s3+s2], $0x80, v3, vm0, $0xb8;
	[tilespmem:$0x18200] =	vst v63  }
0x3a: {  	s23 =	simm.s32 $0x6A00  }
0x3b: {  	[tilespmem:s23], [sflag:$0x3] =	stream.indirect_vreg.gather [hbm4b:s5+s2], $0x80, v3, vm0, $0xb8;
	[tilespmem:$0x18200] =	vst v63  }
0x3c: {  	s24 =	simm.s32 $0x7200  }
0x3d: {  	[tilespmem:s24], [sflag:$0x3] =	stream.indirect_vreg.gather [hbm4b:s6+s2], $0x80, v3, vm0, $0xb8;
	[tilespmem:$0x18200] =	vst v63  }
0x3e: {  	s25 =	simm.s32 $0x7A00  }
0x3f: {  	[tilespmem:s25], [sflag:$0x3] =	stream.indirect_vreg.gather [hbm4b:s7+s2], $0x80, v3, vm0, $0xb8;
	[tilespmem:$0x18200] =	vst v63  }
0x40: {  	v3 =	vld [tilespmem:$0x80];
	_ =	sdelay $0x4  }
0x41: {  	v4 =	vshll.u32 v3, $0x3  }
0x42: {  	v3 =	vand.u32 $0x7, v3;
	v4 =	vand.u32 $0xFFFFFFC0, v4  }
0x43: {  	v3 =	vor.u32 v3, v4  }
0x44: {  	v4 =	vperm.xlane v3, v0;
	_ =	sdelay $0x1  }
0x45: {  	v4 =	vadd.s32 v1, v4;
	_ =	sdelay $0x3  }
0x46: {  	s26 =	simm.s32 $0x8200  }
0x47: {  	[tilespmem:s26], [sflag:$0x1] =	stream.indirect_vreg.gather [hbm4b:s3+s2], $0x80, v4, vm0, $0xb8;
	[tilespmem:$0x18200] =	vst v63  }
0x48: {  	s29 =	simm.s32 $0x8A00;
	v3 =	vperm.xlane v3, v2  }
0x49: {  	[tilespmem:s29], [sflag:$0x1] =	stream.indirect_vreg.gather [hbm4b:s5+s2], $0x80, v4, vm0, $0xb8;
	[tilespmem:$0x18200] =	vst v63  }
0x4a: {  	s30 =	simm.s32 $0x9200;
	v3 =	vadd.s32 v1, v3  }
0x4b: {  	[tilespmem:s30], [sflag:$0x1] =	stream.indirect_vreg.gather [hbm4b:s6+s2], $0x80, v4, vm0, $0xb8;
	[tilespmem:$0x18200] =	vst v63  }
0x4c: {  	s31 =	simm.s32 $0x9A00  }
0x4d: {  	[tilespmem:s31], [sflag:$0x1] =	stream.indirect_vreg.gather [hbm4b:s7+s2], $0x80, v4, vm0, $0xb8;
	[tilespmem:$0x18200] =	vst v63  }
0x4e: {  	s1 =	simm.s32 $0xA200  }
0x4f: {  	[tilespmem:s1], [sflag:$0x1] =	stream.indirect_vreg.gather [hbm4b:s3+s2], $0x80, v3, vm0, $0xb8;
	[tilespmem:$0x18200] =	vst v63  }
0x50: {  	s4 =	simm.s32 $0xAA00  }
0x51: {  	[tilespmem:s4], [sflag:$0x1] =	stream.indirect_vreg.gather [hbm4b:s5+s2], $0x80, v3, vm0, $0xb8;
	[tilespmem:$0x18200] =	vst v63  }
0x52: {  	s8 =	simm.s32 $0xB200  }
0x53: {  	[tilespmem:s8], [sflag:$0x1] =	stream.indirect_vreg.gather [hbm4b:s6+s2], $0x80, v3, vm0, $0xb8;
	[tilespmem:$0x18200] =	vst v63  }
0x54: {  	s17 =	simm.s32 $0xBA00  }
0x55: {  	[tilespmem:s17], [sflag:$0x1] =	stream.indirect_vreg.gather [hbm4b:s7+s2], $0x80, v3, vm0, $0xb8;
	[tilespmem:$0x18200] =	vst v63  }
0x56: {  	v3 =	vld [tilespmem:$0x90];
	_ =	sdelay $0x4  }
0x57: {  	v4 =	vshll.u32 v3, $0x3  }
0x58: {  	v3 =	vand.u32 $0x7, v3;
	v4 =	vand.u32 $0xFFFFFFC0, v4  }
0x59: {  	v3 =	vor.u32 v3, v4  }
0x5a: {  	v4 =	vperm.xlane v3, v0;
	_ =	sdelay $0x1  }
0x5b: {  	v4 =	vadd.s32 v1, v4;
	_ =	sdelay $0x3  }
0x5c: {  	s18 =	simm.s32 $0xC200  }
0x5d: {  	[tilespmem:s18], [sflag:$0x1] =	stream.indirect_vreg.gather [hbm4b:s3+s2], $0x80, v4, vm0, $0xb8;
	[tilespmem:$0x18200] =	vst v63  }
0x5e: {  	s19 =	simm.s32 $0xCA00;
	v3 =	vperm.xlane v3, v2  }
0x5f: {  	[tilespmem:s19], [sflag:$0x1] =	stream.indirect_vreg.gather [hbm4b:s5+s2], $0x80, v4, vm0, $0xb8;
	[tilespmem:$0x18200] =	vst v63  }
0x60: {  	s20 =	simm.s32 $0xD200;
	v3 =	vadd.s32 v1, v3  }
0x61: {  	[tilespmem:s20], [sflag:$0x1] =	stream.indirect_vreg.gather [hbm4b:s6+s2], $0x80, v4, vm0, $0xb8;
	[tilespmem:$0x18200] =	vst v63  }
0x62: {  	s22 =	simm.s32 $0xDA00  }
0x63: {  	[tilespmem:s22], [sflag:$0x1] =	stream.indirect_vreg.gather [hbm4b:s7+s2], $0x80, v4, vm0, $0xb8;
	[tilespmem:$0x18200] =	vst v63  }
0x64: {  	s23 =	simm.s32 $0xE200  }
0x65: {  	[tilespmem:s23], [sflag:$0x1] =	stream.indirect_vreg.gather [hbm4b:s3+s2], $0x80, v3, vm0, $0xb8;
	[tilespmem:$0x18200] =	vst v63  }
0x66: {  	s24 =	simm.s32 $0xEA00  }
0x67: {  	[tilespmem:s24], [sflag:$0x1] =	stream.indirect_vreg.gather [hbm4b:s5+s2], $0x80, v3, vm0, $0xb8;
	[tilespmem:$0x18200] =	vst v63  }
0x68: {  	s25 =	simm.s32 $0xF200  }
0x69: {  	[tilespmem:s25], [sflag:$0x1] =	stream.indirect_vreg.gather [hbm4b:s6+s2], $0x80, v3, vm0, $0xb8;
	[tilespmem:$0x18200] =	vst v63  }
0x6a: {  	s26 =	simm.s32 $0xFA00  }
0x6b: {  	[tilespmem:s26], [sflag:$0x1] =	stream.indirect_vreg.gather [hbm4b:s7+s2], $0x80, v3, vm0, $0xb8;
	[tilespmem:$0x18200] =	vst v63  }
0x6c: {  	_ =	swait.ge [sflag:s21], $0x8000  }
0x6d: {  	[sflag:s21] =	ssyncset.done $0x0  }
0x6e: {  	[sflag:s21] =	ssyncadd.s32 $0xFFFF8000  }
0x6f: {  	v3 =	vld [tilespmem:$0x100];
	_ =	sdelay $0x4  }
0x70: {  	v4 =	vshll.u32 v3, $0x3  }
0x71: {  	v3 =	vand.u32 $0x7, v3;
	v4 =	vand.u32 $0xFFFFFFC0, v4  }
0x72: {  	v3 =	vor.u32 v3, v4  }
0x73: {  	v4 =	vperm.xlane v3, v0;
	_ =	sdelay $0x1  }
0x74: {  	v4 =	vadd.s32 v1, v4;
	_ =	sdelay $0x3  }
0x75: {  	s29 =	simm.s32 $0x10200  }
0x76: {  	[tilespmem:s29], [sflag:$0x2] =	stream.indirect_vreg.gather [hbm4b:s3+s2], $0x80, v4, vm0, $0xb8;
	[tilespmem:$0x18200] =	vst v63  }
0x77: {  	s30 =	simm.s32 $0x10A00;
	v3 =	vperm.xlane v3, v2  }
0x78: {  	[tilespmem:s30], [sflag:$0x2] =	stream.indirect_vreg.gather [hbm4b:s5+s2], $0x80, v4, vm0, $0xb8;
	[tilespmem:$0x18200] =	vst v63  }
0x79: {  	s31 =	simm.s32 $0x11200;
	v3 =	vadd.s32 v1, v3  }
0x7a: {  	[tilespmem:s31], [sflag:$0x2] =	stream.indirect_vreg.gather [hbm4b:s6+s2], $0x80, v4, vm0, $0xb8;
	[tilespmem:$0x18200] =	vst v63  }
0x7b: {  	s1 =	simm.s32 $0x11A00  }
0x7c: {  	[tilespmem:s1], [sflag:$0x2] =	stream.indirect_vreg.gather [hbm4b:s7+s2], $0x80, v4, vm0, $0xb8;
	[tilespmem:$0x18200] =	vst v63  }
0x7d: {  	s4 =	simm.s32 $0x12200  }
0x7e: {  	[tilespmem:s4], [sflag:$0x2] =	stream.indirect_vreg.gather [hbm4b:s3+s2], $0x80, v3, vm0, $0xb8;
	[tilespmem:$0x18200] =	vst v63  }
0x7f: {  	s8 =	simm.s32 $0x12A00  }
0x80: {  	[tilespmem:s8], [sflag:$0x2] =	stream.indirect_vreg.gather [hbm4b:s5+s2], $0x80, v3, vm0, $0xb8;
	[tilespmem:$0x18200] =	vst v63  }
0x81: {  	s17 =	simm.s32 $0x13200  }
0x82: {  	[tilespmem:s17], [sflag:$0x2] =	stream.indirect_vreg.gather [hbm4b:s6+s2], $0x80, v3, vm0, $0xb8;
	[tilespmem:$0x18200] =	vst v63  }
0x83: {  	s18 =	simm.s32 $0x13A00  }
0x84: {  	[tilespmem:s18], [sflag:$0x2] =	stream.indirect_vreg.gather [hbm4b:s7+s2], $0x80, v3, vm0, $0xb8;
	[tilespmem:$0x18200] =	vst v63  }
0x85: {  	v3 =	vld [tilespmem:$0x110];
	_ =	sdelay $0x4  }
0x86: {  	v4 =	vshll.u32 v3, $0x3  }
0x87: {  	v3 =	vand.u32 $0x7, v3;
	v4 =	vand.u32 $0xFFFFFFC0, v4  }
0x88: {  	v3 =	vor.u32 v3, v4  }
0x89: {  	v4 =	vperm.xlane v3, v0;
	_ =	sdelay $0x1  }
0x8a: {  	v4 =	vadd.s32 v1, v4;
	_ =	sdelay $0x3  }
0x8b: {  	s19 =	simm.s32 $0x14200  }
0x8c: {  	[tilespmem:s19], [sflag:$0x2] =	stream.indirect_vreg.gather [hbm4b:s3+s2], $0x80, v4, vm0, $0xb8;
	[tilespmem:$0x18200] =	vst v63  }
0x8d: {  	s20 =	simm.s32 $0x14A00;
	v3 =	vperm.xlane v3, v2  }
0x8e: {  	[tilespmem:s20], [sflag:$0x2] =	stream.indirect_vreg.gather [hbm4b:s5+s2], $0x80, v4, vm0, $0xb8;
	[tilespmem:$0x18200] =	vst v63  }
0x8f: {  	s22 =	simm.s32 $0x15200;
	v3 =	vadd.s32 v1, v3  }
0x90: {  	[tilespmem:s22], [sflag:$0x2] =	stream.indirect_vreg.gather [hbm4b:s6+s2], $0x80, v4, vm0, $0xb8;
	[tilespmem:$0x18200] =	vst v63  }
0x91: {  	s23 =	simm.s32 $0x15A00  }
0x92: {  	[tilespmem:s23], [sflag:$0x2] =	stream.indirect_vreg.gather [hbm4b:s7+s2], $0x80, v4, vm0, $0xb8;
	[tilespmem:$0x18200] =	vst v63  }
0x93: {  	s24 =	simm.s32 $0x16200  }
0x94: {  	[tilespmem:s24], [sflag:$0x2] =	stream.indirect_vreg.gather [hbm4b:s3+s2], $0x80, v3, vm0, $0xb8;
	[tilespmem:$0x18200] =	vst v63  }
0x95: {  	_ = 	snop  }
0x96: {  	[tilespmem:s9], [sflag:$0x2] =	stream.indirect_vreg.gather [hbm4b:s5+s2], $0x80, v3, vm0, $0xb8;
	[tilespmem:$0x18200] =	vst v63  }
0x97: {  	s17 =	sand.u32 $0xC000, s2;
	s18 =	sand.u32 $0x3800, s2  }
0x98: {  	[tilespmem:s10], [sflag:$0x2] =	stream.indirect_vreg.gather [hbm4b:s6+s2], $0x80, v3, vm0, $0xb8;
	[tilespmem:$0x18200] =	vst v63  }
0x99: {  	s25 =	sand.u32 $0x700, s2;
	s17 =	sor.u32 s18, s17  }
0x9a: {  	[tilespmem:s11], [sflag:$0x2] =	stream.indirect_vreg.gather [hbm4b:s7+s2], $0x80, v3, vm0, $0xb8;
	[tilespmem:$0x18200] =	vst v63  }
0x9b: {  	s17 =	sor.u32 s25, s17;
	_ =	swait.ge [sflag:s12], $0x8000  }
0x9c: {  	s18 =	sor.u32 $0xE0, s17;
	[sflag:s12] =	ssyncset.done $0x0  }
0x9d: {  	s25 =	sshrl.u32 s18, $0x1;
	[sflag:s12] =	ssyncadd.s32 $0xFFFF8000  }
0x9e: {  	s26 =	sor.u32 $0x20, s17;
	v4 =	vld [tilespmem:s25+$0x200]  }
0x9f: {  	s26 =	sshrl.u32 s26, $0x1;
	v5 =	vld [tilespmem:s25+$0x8200]  }
0xa0: {  	s29 =	sor.u32 $0x40, s17;
	v7 =	vld [tilespmem:s26+$0x200]  }
0xa1: {  	s24 =	sshrl.u32 s29, $0x1;
	v8 =	vld [tilespmem:s26+$0x8200]  }
0xa2: {  	s30 =	sor.u32 $0x60, s17;
	v9 =	vld [tilespmem:s24+$0x200]  }
0xa3: {  	s22 =	sshrl.u32 s30, $0x1;
	v10 =	vld [tilespmem:s24+$0x8200]  }
0xa4: {  	s31 =	sor.u32 $0x80, s17;
	v3 =	vld [tilespmem:s22+$0x200]  }
0xa5: {  	s18 =	sshrl.u32 s31, $0x1;
	v6 =	vld [tilespmem:s22+$0x8200];
	v5 =	vadd.bf16 v5, v4  }
0xa6: {  	s28 =	sor.u32 $0xC0, s17;
	s19 =	sor.u32 $0xA0, s17;
	s17 =	sshrl.u32 s17, $0x1;
	v8 =	vadd.bf16 v8, v7;
	v4 =	vld [tilespmem:s18+$0x200]  }
0xa7: {  	s20 =	sshrl.u32 s19, $0x1;
	s19 =	sshrl.u32 s28, $0x1;
	s28 =	simm.s32 $0x0;
	v7 =	vld [tilespmem:s18+$0x8200];
	[tilespmem:s25+$0x200] =	vst v5  }
0xa8: {  	s23 =	simm.s32 $0x0;
	[tilespmem:s26+$0x200] =	vst v8;
	v8 =	vadd.bf16 v10, v9;
	v5 =	vld [tilespmem:s20+$0x200];
	s25 =	simm.s32 $0x800;
	s26 =	simm.s32 $0x100  }
.LBB2_2:
0xa9: {  	s29 =	sand.u32 $0xC000, s26;
	s30 =	sand.u32 $0x3800, s25;
	v9 =	vld [tilespmem:s20+$0x8200];
	s28 =	sadd.s32 $0x20, s28  }
0xaa: {  	s23 =	sadd.s32 $0x8, s23;
	s29 =	sor.u32 s30, s29;
	s30 =	sand.u32 $0x700, s28;
	[tilespmem:s24+$0x200] =	vst v8;
	v3 =	vadd.bf16 v6, v3;
	v6 =	vld [tilespmem:s19+$0x200]  }
0xab: {  	p0 =	slt.u32 s23, $0x7F8;
	s29 =	sor.u32 s30, s29;
	v8 =	vld [tilespmem:s19+$0x8200]  }
0xac: {  	s24 =	sor.u32 $0x20, s29;
	s30 =	sor.u32 $0x40, s29;
	s31 =	sor.u32 $0xE0, s29;
	v10 =	vld [tilespmem:s17+$0x200];
	[tilespmem:s22+$0x200] =	vst v3;
	v3 =	vadd.bf16 v7, v4  }
0xad: {  	s22 =	sor.u32 $0x60, s29;
	s0 =	sor.u32 $0x80, s29;
	s31 =	sshrl.u32 s31, $0x1;
	v4 =	vld [tilespmem:s17+$0x8200]  }
0xae: {  	s4 =	sor.u32 $0xA0, s29;
	s8 =	sor.u32 $0xC0, s29;
	s1 =	sshrl.u32 s24, $0x1;
	v7 =	vld [tilespmem:s31+$0x200];
	[tilespmem:s18+$0x200] =	vst v3;
	v3 =	vadd.bf16 v9, v5  }
0xaf: {  	s24 =	sshrl.u32 s30, $0x1;
	s22 =	sshrl.u32 s22, $0x1;
	s18 =	sshrl.u32 s0, $0x1;
	v5 =	vld [tilespmem:s31+$0x8200]  }
0xb0: {  	s8 =	sshrl.u32 s8, $0x1;
	s0 =	sshrl.u32 s29, $0x1;
	v9 =	vld [tilespmem:s1+$0x200];
	[tilespmem:s20+$0x200] =	vst v3;
	s20 =	sshrl.u32 s4, $0x1;
	v3 =	vadd.bf16 v8, v6  }
0xb1: {  	v8 =	vld [tilespmem:s1+$0x8200]  }
0xb2: {  	v11 =	vld [tilespmem:s24+$0x200];
	v4 =	vadd.bf16 v4, v10;
	[tilespmem:s19+$0x200] =	vst v3;
	s19 =	smov.u32 s8  }
0xb3: {  	v10 =	vld [tilespmem:s24+$0x8200]  }
.Ltmp0:
0xb4: {  	v3 =	vld [tilespmem:s22+$0x200];
	v5 =	vadd.bf16 v5, v7;
	[tilespmem:s17+$0x200] =	vst v4;
	s17 =	smov.u32 s0;
	(pc) =	sbr.rel @p0 .LBB2_2-.Ltmp0, $4  }
0xb5: {  	v6 =	vld [tilespmem:s22+$0x8200]  }
0xb6: {  	v8 =	vadd.bf16 v8, v9;
	v4 =	vld [tilespmem:s18+$0x200];
	[tilespmem:s31+$0x200] =	vst v5  }
0xb7: {  	v7 =	vld [tilespmem:s18+$0x8200]  }
0xb8: {  	s25 =	sadd.s32 $0x800, s25;
	s26 =	sadd.s32 $0x100, s26;
	[tilespmem:s1+$0x200] =	vst v8;
	v8 =	vadd.bf16 v10, v11;
	v5 =	vld [tilespmem:s20+$0x200]  }
0xb9: {  	v9 =	vld [tilespmem:s20+$0x8200]  }
0xba: {  	v10 =	vld [tilespmem:s19+$0x200]  }
0xbb: {  	v11 =	vld [tilespmem:s19+$0x8200]  }
0xbc: {  	v12 =	vld [tilespmem:s17+$0x200]  }
0xbd: {  	v13 =	vld [tilespmem:s17+$0x8200]  }
0xbe: {  	v3 =	vadd.bf16 v6, v3  }
0xbf: {  	[tilespmem:s24+$0x200] =	vst v8;
	v4 =	vadd.bf16 v7, v4  }
0xc0: {  	[tilespmem:s22+$0x200] =	vst v3;
	v3 =	vadd.bf16 v9, v5  }
0xc1: {  	[tilespmem:s18+$0x200] =	vst v4;
	v4 =	vadd.bf16 v11, v10  }
0xc2: {  	[tilespmem:s20+$0x200] =	vst v3;
	v3 =	vadd.bf16 v13, v12  }
0xc3: {  	[tilespmem:s19+$0x200] =	vst v4  }
0xc4: {  	[tilespmem:s17+$0x200] =	vst v3  }
0xc5: {  	v3 =	vld [tilespmem:$0x180];
	_ =	sdelay $0x4  }
0xc6: {  	v4 =	vshll.u32 v3, $0x3  }
0xc7: {  	v3 =	vand.u32 $0x7, v3;
	v4 =	vand.u32 $0xFFFFFFC0, v4  }
0xc8: {  	v3 =	vor.u32 v3, v4  }
0xc9: {  	v4 =	vperm.xlane v3, v0;
	_ =	sdelay $0x1  }
0xca: {  	v4 =	vadd.s32 v1, v4;
	_ =	sdelay $0x3  }
0xcb: {  	s0 =	simm.s32 $0x8200;
	s17 =	simm.s32 $0x0  }
0xcc: {  	[tilespmem:s0], [sflag:$0x1] =	stream.indirect_vreg.gather [hbm4b:s3+s17], $0x80, v4, vm0, $0xb8;
	[tilespmem:$0x18200] =	vst v63  }
0xcd: {  	s23 =	simm.s32 $0x8A00;
	v3 =	vperm.xlane v3, v2  }
0xce: {  	[tilespmem:s23], [sflag:$0x1] =	stream.indirect_vreg.gather [hbm4b:s5+s17], $0x80, v4, vm0, $0xb8;
	[tilespmem:$0x18200] =	vst v63  }
0xcf: {  	s24 =	simm.s32 $0x9200;
	v3 =	vadd.s32 v1, v3  }
0xd0: {  	[tilespmem:s24], [sflag:$0x1] =	stream.indirect_vreg.gather [hbm4b:s6+s17], $0x80, v4, vm0, $0xb8;
	[tilespmem:$0x18200] =	vst v63  }
0xd1: {  	s25 =	simm.s32 $0x9A00  }
0xd2: {  	[tilespmem:s25], [sflag:$0x1] =	stream.indirect_vreg.gather [hbm4b:s7+s17], $0x80, v4, vm0, $0xb8;
	[tilespmem:$0x18200] =	vst v63  }
0xd3: {  	s26 =	simm.s32 $0xA200  }
0xd4: {  	[tilespmem:s26], [sflag:$0x1] =	stream.indirect_vreg.gather [hbm4b:s3+s17], $0x80, v3, vm0, $0xb8;
	[tilespmem:$0x18200] =	vst v63  }
0xd5: {  	s29 =	simm.s32 $0xAA00  }
0xd6: {  	[tilespmem:s29], [sflag:$0x1] =	stream.indirect_vreg.gather [hbm4b:s5+s17], $0x80, v3, vm0, $0xb8;
	[tilespmem:$0x18200] =	vst v63  }
0xd7: {  	s30 =	simm.s32 $0xB200  }
0xd8: {  	[tilespmem:s30], [sflag:$0x1] =	stream.indirect_vreg.gather [hbm4b:s6+s17], $0x80, v3, vm0, $0xb8;
	[tilespmem:$0x18200] =	vst v63  }
0xd9: {  	s31 =	simm.s32 $0xBA00  }
0xda: {  	[tilespmem:s31], [sflag:$0x1] =	stream.indirect_vreg.gather [hbm4b:s7+s17], $0x80, v3, vm0, $0xb8;
	[tilespmem:$0x18200] =	vst v63  }
0xdb: {  	v3 =	vld [tilespmem:$0x190];
	_ =	sdelay $0x4  }
0xdc: {  	v4 =	vshll.u32 v3, $0x3  }
0xdd: {  	v3 =	vand.u32 $0x7, v3;
	v4 =	vand.u32 $0xFFFFFFC0, v4  }
0xde: {  	v3 =	vor.u32 v3, v4  }
0xdf: {  	v4 =	vperm.xlane v3, v0;
	_ =	sdelay $0x1  }
0xe0: {  	v4 =	vadd.s32 v1, v4;
	_ =	sdelay $0x3  }
0xe1: {  	s1 =	simm.s32 $0xC200  }
0xe2: {  	[tilespmem:s1], [sflag:$0x1] =	stream.indirect_vreg.gather [hbm4b:s3+s17], $0x80, v4, vm0, $0xb8;
	[tilespmem:$0x18200] =	vst v63  }
0xe3: {  	s4 =	simm.s32 $0xCA00;
	v3 =	vperm.xlane v3, v2  }
0xe4: {  	[tilespmem:s4], [sflag:$0x1] =	stream.indirect_vreg.gather [hbm4b:s5+s17], $0x80, v4, vm0, $0xb8;
	[tilespmem:$0x18200] =	vst v63  }
0xe5: {  	s8 =	simm.s32 $0xD200;
	v3 =	vadd.s32 v1, v3  }
0xe6: {  	[tilespmem:s8], [sflag:$0x1] =	stream.indirect_vreg.gather [hbm4b:s6+s17], $0x80, v4, vm0, $0xb8;
	[tilespmem:$0x18200] =	vst v63  }
0xe7: {  	s18 =	simm.s32 $0xDA00  }
0xe8: {  	[tilespmem:s18], [sflag:$0x1] =	stream.indirect_vreg.gather [hbm4b:s7+s17], $0x80, v4, vm0, $0xb8;
	[tilespmem:$0x18200] =	vst v63  }
0xe9: {  	s19 =	simm.s32 $0xE200  }
0xea: {  	[tilespmem:s19], [sflag:$0x1] =	stream.indirect_vreg.gather [hbm4b:s3+s17], $0x80, v3, vm0, $0xb8;
	[tilespmem:$0x18200] =	vst v63  }
0xeb: {  	s20 =	simm.s32 $0xEA00  }
0xec: {  	[tilespmem:s20], [sflag:$0x1] =	stream.indirect_vreg.gather [hbm4b:s5+s17], $0x80, v3, vm0, $0xb8;
	[tilespmem:$0x18200] =	vst v63  }
0xed: {  	s22 =	simm.s32 $0xF200;
	s24 =	sand.u32 $0xC000, s17;
	s1 =	sand.u32 $0x3800, s17  }
0xee: {  	[tilespmem:s22], [sflag:$0x1] =	stream.indirect_vreg.gather [hbm4b:s6+s17], $0x80, v3, vm0, $0xb8;
	[tilespmem:$0x18200] =	vst v63  }
0xef: {  	s23 =	simm.s32 $0xFA00;
	s25 =	sand.u32 $0x700, s17;
	s0 =	sor.u32 s1, s24  }
0xf0: {  	[tilespmem:s23], [sflag:$0x1] =	stream.indirect_vreg.gather [hbm4b:s7+s17], $0x80, v3, vm0, $0xb8;
	[tilespmem:$0x18200] =	vst v63  }
0xf1: {  	s0 =	sor.u32 s25, s0;
	_ =	swait.ge [sflag:s13], $0x8000  }
0xf2: {  	s1 =	sor.u32 $0xE0, s0;
	[sflag:s13] =	ssyncset.done $0x0  }
0xf3: {  	s1 =	sshrl.u32 s1, $0x1;
	[sflag:s13] =	ssyncadd.s32 $0xFFFF8000  }
0xf4: {  	s4 =	sor.u32 $0x20, s0;
	v4 =	vld [tilespmem:s1+$0x200]  }
0xf5: {  	s4 =	sshrl.u32 s4, $0x1;
	v5 =	vld [tilespmem:s1+$0x10200]  }
0xf6: {  	s8 =	sor.u32 $0x40, s0;
	v7 =	vld [tilespmem:s4+$0x200]  }
0xf7: {  	s25 =	sshrl.u32 s8, $0x1;
	v8 =	vld [tilespmem:s4+$0x10200]  }
0xf8: {  	s26 =	sor.u32 $0x60, s0;
	v9 =	vld [tilespmem:s25+$0x200]  }
0xf9: {  	s23 =	sshrl.u32 s26, $0x1;
	v10 =	vld [tilespmem:s25+$0x10200]  }
0xfa: {  	s29 =	sor.u32 $0x80, s0;
	v3 =	vld [tilespmem:s23+$0x200]  }
0xfb: {  	s19 =	sshrl.u32 s29, $0x1;
	v6 =	vld [tilespmem:s23+$0x10200];
	v5 =	vadd.bf16 v5, v4  }
0xfc: {  	s28 =	simm.s32 $0x100;
	s30 =	sor.u32 $0xA0, s0;
	v8 =	vadd.bf16 v8, v7;
	v4 =	vld [tilespmem:s19+$0x200]  }
0xfd: {  	s24 =	simm.s32 $0x0;
	s31 =	sor.u32 $0xC0, s0;
	s20 =	sshrl.u32 s30, $0x1;
	v7 =	vld [tilespmem:s19+$0x10200];
	[tilespmem:s1+$0x200] =	vst v5  }
0xfe: {  	s18 =	sshrl.u32 s0, $0x1;
	s22 =	sshrl.u32 s31, $0x1;
	s26 =	simm.s32 $0x800;
	[tilespmem:s4+$0x200] =	vst v8;
	v8 =	vadd.bf16 v10, v9;
	v5 =	vld [tilespmem:s20+$0x200]  }
.LBB2_4:
0xff: {  	s0 =	sand.u32 $0xC000, s28;
	s1 =	sand.u32 $0x3800, s26;
	v9 =	vld [tilespmem:s20+$0x10200];
	s17 =	sadd.s32 $0x20, s17  }
0x100: {  	s24 =	sadd.s32 $0x8, s24;
	s0 =	sor.u32 s1, s0;
	s1 =	sand.u32 $0x700, s17;
	[tilespmem:s25+$0x200] =	vst v8;
	v3 =	vadd.bf16 v6, v3;
	v6 =	vld [tilespmem:s22+$0x200]  }
0x101: {  	p0 =	slt.u32 s24, $0x7F8;
	s0 =	sor.u32 s1, s0;
	v8 =	vld [tilespmem:s22+$0x10200]  }
0x102: {  	s1 =	sor.u32 $0x20, s0;
	s4 =	sor.u32 $0x40, s0;
	s8 =	sor.u32 $0xE0, s0;
	v10 =	vld [tilespmem:s18+$0x200];
	[tilespmem:s23+$0x200] =	vst v3;
	v3 =	vadd.bf16 v7, v4  }
0x103: {  	s23 =	sor.u32 $0x60, s0;
	s29 =	sor.u32 $0x80, s0;
	s8 =	sshrl.u32 s8, $0x1;
	v4 =	vld [tilespmem:s18+$0x10200]  }
0x104: {  	s30 =	sor.u32 $0xA0, s0;
	s31 =	sor.u32 $0xC0, s0;
	s1 =	sshrl.u32 s1, $0x1;
	v7 =	vld [tilespmem:s8+$0x200];
	[tilespmem:s19+$0x200] =	vst v3;
	v3 =	vadd.bf16 v9, v5  }
0x105: {  	s25 =	sshrl.u32 s4, $0x1;
	s23 =	sshrl.u32 s23, $0x1;
	s19 =	sshrl.u32 s29, $0x1;
	v5 =	vld [tilespmem:s8+$0x10200]  }
0x106: {  	s0 =	sshrl.u32 s0, $0x1;
	s4 =	sshrl.u32 s31, $0x1;
	v9 =	vld [tilespmem:s1+$0x200];
	[tilespmem:s20+$0x200] =	vst v3;
	s20 =	sshrl.u32 s30, $0x1;
	v3 =	vadd.bf16 v8, v6  }
0x107: {  	v8 =	vld [tilespmem:s1+$0x10200]  }
0x108: {  	v11 =	vld [tilespmem:s25+$0x200];
	v4 =	vadd.bf16 v4, v10;
	[tilespmem:s22+$0x200] =	vst v3;
	s22 =	smov.u32 s4  }
0x109: {  	v10 =	vld [tilespmem:s25+$0x10200]  }
.Ltmp1:
0x10a: {  	v3 =	vld [tilespmem:s23+$0x200];
	v5 =	vadd.bf16 v5, v7;
	[tilespmem:s18+$0x200] =	vst v4;
	s18 =	smov.u32 s0;
	(pc) =	sbr.rel @p0 .LBB2_4-.Ltmp1, $4  }
0x10b: {  	v6 =	vld [tilespmem:s23+$0x10200]  }
0x10c: {  	v8 =	vadd.bf16 v8, v9;
	v4 =	vld [tilespmem:s19+$0x200];
	[tilespmem:s8+$0x200] =	vst v5  }
0x10d: {  	v7 =	vld [tilespmem:s19+$0x10200]  }
0x10e: {  	s26 =	sadd.s32 $0x800, s26;
	s28 =	sadd.s32 $0x100, s28;
	[tilespmem:s1+$0x200] =	vst v8;
	v8 =	vadd.bf16 v10, v11;
	v5 =	vld [tilespmem:s20+$0x200]  }
0x10f: {  	v9 =	vld [tilespmem:s20+$0x10200]  }
0x110: {  	v10 =	vld [tilespmem:s22+$0x200]  }
0x111: {  	v11 =	vld [tilespmem:s22+$0x10200]  }
0x112: {  	v12 =	vld [tilespmem:s18+$0x200]  }
0x113: {  	v13 =	vld [tilespmem:s18+$0x10200]  }
0x114: {  	v3 =	vadd.bf16 v6, v3  }
0x115: {  	[tilespmem:s25+$0x200] =	vst v8;
	v4 =	vadd.bf16 v7, v4  }
0x116: {  	[tilespmem:s23+$0x200] =	vst v3;
	v3 =	vadd.bf16 v9, v5  }
0x117: {  	[tilespmem:s19+$0x200] =	vst v4;
	v4 =	vadd.bf16 v11, v10  }
0x118: {  	[tilespmem:s20+$0x200] =	vst v3;
	v3 =	vadd.bf16 v13, v12  }
0x119: {  	[tilespmem:s22+$0x200] =	vst v4  }
0x11a: {  	[tilespmem:s18+$0x200] =	vst v3  }
0x11b: {  	v3 =	vld [tilespmem:$0xA0];
	_ =	sdelay $0x4  }
0x11c: {  	v4 =	vshll.u32 v3, $0x3  }
0x11d: {  	v3 =	vand.u32 $0x7, v3;
	v4 =	vand.u32 $0xFFFFFFC0, v4  }
0x11e: {  	v3 =	vor.u32 v3, v4  }
0x11f: {  	v4 =	vperm.xlane v3, v0;
	_ =	sdelay $0x1  }
0x120: {  	v4 =	vadd.s32 v1, v4;
	_ =	sdelay $0x3  }
0x121: {  	s17 =	simm.s32 $0x0;
	s0 =	simm.s32 $0x10200  }
0x122: {  	[tilespmem:s0], [sflag:$0x2] =	stream.indirect_vreg.gather [hbm4b:s3+s17], $0x80, v4, vm0, $0xb8;
	[tilespmem:$0x18200] =	vst v63  }
0x123: {  	s26 =	simm.s32 $0x10A00;
	v3 =	vperm.xlane v3, v2  }
0x124: {  	[tilespmem:s26], [sflag:$0x2] =	stream.indirect_vreg.gather [hbm4b:s5+s17], $0x80, v4, vm0, $0xb8;
	[tilespmem:$0x18200] =	vst v63  }
0x125: {  	s29 =	simm.s32 $0x11200;
	v3 =	vadd.s32 v1, v3  }
0x126: {  	[tilespmem:s29], [sflag:$0x2] =	stream.indirect_vreg.gather [hbm4b:s6+s17], $0x80, v4, vm0, $0xb8;
	[tilespmem:$0x18200] =	vst v63  }
0x127: {  	s30 =	simm.s32 $0x11A00  }
0x128: {  	[tilespmem:s30], [sflag:$0x2] =	stream.indirect_vreg.gather [hbm4b:s7+s17], $0x80, v4, vm0, $0xb8;
	[tilespmem:$0x18200] =	vst v63  }
0x129: {  	s31 =	simm.s32 $0x12200  }
0x12a: {  	[tilespmem:s31], [sflag:$0x2] =	stream.indirect_vreg.gather [hbm4b:s3+s17], $0x80, v3, vm0, $0xb8;
	[tilespmem:$0x18200] =	vst v63  }
0x12b: {  	s1 =	simm.s32 $0x12A00  }
0x12c: {  	[tilespmem:s1], [sflag:$0x2] =	stream.indirect_vreg.gather [hbm4b:s5+s17], $0x80, v3, vm0, $0xb8;
	[tilespmem:$0x18200] =	vst v63  }
0x12d: {  	s4 =	simm.s32 $0x13200  }
0x12e: {  	[tilespmem:s4], [sflag:$0x2] =	stream.indirect_vreg.gather [hbm4b:s6+s17], $0x80, v3, vm0, $0xb8;
	[tilespmem:$0x18200] =	vst v63  }
0x12f: {  	s8 =	simm.s32 $0x13A00  }
0x130: {  	[tilespmem:s8], [sflag:$0x2] =	stream.indirect_vreg.gather [hbm4b:s7+s17], $0x80, v3, vm0, $0xb8;
	[tilespmem:$0x18200] =	vst v63  }
0x131: {  	v3 =	vld [tilespmem:$0xB0];
	_ =	sdelay $0x4  }
0x132: {  	v4 =	vshll.u32 v3, $0x3  }
0x133: {  	v3 =	vand.u32 $0x7, v3;
	v4 =	vand.u32 $0xFFFFFFC0, v4  }
0x134: {  	v3 =	vor.u32 v3, v4  }
0x135: {  	v4 =	vperm.xlane v3, v0;
	_ =	sdelay $0x1  }
0x136: {  	v4 =	vadd.s32 v1, v4;
	_ =	sdelay $0x3  }
0x137: {  	s18 =	simm.s32 $0x14200  }
0x138: {  	[tilespmem:s18], [sflag:$0x2] =	stream.indirect_vreg.gather [hbm4b:s3+s17], $0x80, v4, vm0, $0xb8;
	[tilespmem:$0x18200] =	vst v63  }
0x139: {  	s19 =	simm.s32 $0x14A00;
	v3 =	vperm.xlane v3, v2  }
0x13a: {  	[tilespmem:s19], [sflag:$0x2] =	stream.indirect_vreg.gather [hbm4b:s5+s17], $0x80, v4, vm0, $0xb8;
	[tilespmem:$0x18200] =	vst v63  }
0x13b: {  	s20 =	simm.s32 $0x15200;
	v3 =	vadd.s32 v1, v3  }
0x13c: {  	[tilespmem:s20], [sflag:$0x2] =	stream.indirect_vreg.gather [hbm4b:s6+s17], $0x80, v4, vm0, $0xb8;
	[tilespmem:$0x18200] =	vst v63  }
0x13d: {  	s22 =	simm.s32 $0x15A00  }
0x13e: {  	[tilespmem:s22], [sflag:$0x2] =	stream.indirect_vreg.gather [hbm4b:s7+s17], $0x80, v4, vm0, $0xb8;
	[tilespmem:$0x18200] =	vst v63  }
0x13f: {  	s23 =	simm.s32 $0x16200  }
0x140: {  	[tilespmem:s23], [sflag:$0x2] =	stream.indirect_vreg.gather [hbm4b:s3+s17], $0x80, v3, vm0, $0xb8;
	[tilespmem:$0x18200] =	vst v63  }
0x141: {  	_ = 	snop  }
0x142: {  	[tilespmem:s9], [sflag:$0x2] =	stream.indirect_vreg.gather [hbm4b:s5+s17], $0x80, v3, vm0, $0xb8;
	[tilespmem:$0x18200] =	vst v63  }
0x143: {  	s24 =	sand.u32 $0xC000, s17;
	s1 =	sand.u32 $0x3800, s17  }
0x144: {  	[tilespmem:s10], [sflag:$0x2] =	stream.indirect_vreg.gather [hbm4b:s6+s17], $0x80, v3, vm0, $0xb8;
	[tilespmem:$0x18200] =	vst v63  }
0x145: {  	s25 =	sand.u32 $0x700, s17;
	s0 =	sor.u32 s1, s24  }
0x146: {  	[tilespmem:s11], [sflag:$0x2] =	stream.indirect_vreg.gather [hbm4b:s7+s17], $0x80, v3, vm0, $0xb8;
	[tilespmem:$0x18200] =	vst v63  }
0x147: {  	s0 =	sor.u32 s25, s0;
	_ =	swait.ge [sflag:s12], $0x8000  }
0x148: {  	s1 =	sor.u32 $0xE0, s0;
	[sflag:s12] =	ssyncset.done $0x0  }
0x149: {  	s1 =	sshrl.u32 s1, $0x1;
	[sflag:s12] =	ssyncadd.s32 $0xFFFF8000  }
0x14a: {  	s4 =	sor.u32 $0x20, s0;
	v4 =	vld [tilespmem:s1+$0x200]  }
0x14b: {  	s4 =	sshrl.u32 s4, $0x1;
	v5 =	vld [tilespmem:s1+$0x8200]  }
0x14c: {  	s8 =	sor.u32 $0x40, s0;
	v7 =	vld [tilespmem:s4+$0x200]  }
0x14d: {  	s25 =	sshrl.u32 s8, $0x1;
	v8 =	vld [tilespmem:s4+$0x8200]  }
0x14e: {  	s26 =	sor.u32 $0x60, s0;
	v9 =	vld [tilespmem:s25+$0x200]  }
0x14f: {  	s23 =	sshrl.u32 s26, $0x1;
	v10 =	vld [tilespmem:s25+$0x8200]  }
0x150: {  	s29 =	sor.u32 $0x80, s0;
	v3 =	vld [tilespmem:s23+$0x200]  }
0x151: {  	s19 =	sshrl.u32 s29, $0x1;
	v6 =	vld [tilespmem:s23+$0x8200];
	v5 =	vadd.bf16 v5, v4  }
0x152: {  	s28 =	simm.s32 $0x100;
	s30 =	sor.u32 $0xA0, s0;
	v8 =	vadd.bf16 v8, v7;
	v4 =	vld [tilespmem:s19+$0x200]  }
0x153: {  	s24 =	simm.s32 $0x0;
	s31 =	sor.u32 $0xC0, s0;
	s20 =	sshrl.u32 s30, $0x1;
	v7 =	vld [tilespmem:s19+$0x8200];
	[tilespmem:s1+$0x200] =	vst v5  }
0x154: {  	s18 =	sshrl.u32 s0, $0x1;
	s22 =	sshrl.u32 s31, $0x1;
	s26 =	simm.s32 $0x800;
	[tilespmem:s4+$0x200] =	vst v8;
	v8 =	vadd.bf16 v10, v9;
	v5 =	vld [tilespmem:s20+$0x200]  }
.LBB2_6:
0x155: {  	s0 =	sand.u32 $0xC000, s28;
	s1 =	sand.u32 $0x3800, s26;
	v9 =	vld [tilespmem:s20+$0x8200];
	s17 =	sadd.s32 $0x20, s17  }
0x156: {  	s24 =	sadd.s32 $0x8, s24;
	s0 =	sor.u32 s1, s0;
	s1 =	sand.u32 $0x700, s17;
	[tilespmem:s25+$0x200] =	vst v8;
	v3 =	vadd.bf16 v6, v3;
	v6 =	vld [tilespmem:s22+$0x200]  }
0x157: {  	p0 =	slt.u32 s24, $0x7F8;
	s0 =	sor.u32 s1, s0;
	v8 =	vld [tilespmem:s22+$0x8200]  }
0x158: {  	s1 =	sor.u32 $0x20, s0;
	s4 =	sor.u32 $0x40, s0;
	s8 =	sor.u32 $0xE0, s0;
	v10 =	vld [tilespmem:s18+$0x200];
	[tilespmem:s23+$0x200] =	vst v3;
	v3 =	vadd.bf16 v7, v4  }
0x159: {  	s23 =	sor.u32 $0x60, s0;
	s29 =	sor.u32 $0x80, s0;
	s8 =	sshrl.u32 s8, $0x1;
	v4 =	vld [tilespmem:s18+$0x8200]  }
0x15a: {  	s30 =	sor.u32 $0xA0, s0;
	s31 =	sor.u32 $0xC0, s0;
	s1 =	sshrl.u32 s1, $0x1;
	v7 =	vld [tilespmem:s8+$0x200];
	[tilespmem:s19+$0x200] =	vst v3;
	v3 =	vadd.bf16 v9, v5  }
0x15b: {  	s25 =	sshrl.u32 s4, $0x1;
	s23 =	sshrl.u32 s23, $0x1;
	s19 =	sshrl.u32 s29, $0x1;
	v5 =	vld [tilespmem:s8+$0x8200]  }
0x15c: {  	s0 =	sshrl.u32 s0, $0x1;
	s4 =	sshrl.u32 s31, $0x1;
	v9 =	vld [tilespmem:s1+$0x200];
	[tilespmem:s20+$0x200] =	vst v3;
	s20 =	sshrl.u32 s30, $0x1;
	v3 =	vadd.bf16 v8, v6  }
0x15d: {  	v8 =	vld [tilespmem:s1+$0x8200]  }
0x15e: {  	v11 =	vld [tilespmem:s25+$0x200];
	v4 =	vadd.bf16 v4, v10;
	[tilespmem:s22+$0x200] =	vst v3;
	s22 =	smov.u32 s4  }
0x15f: {  	v10 =	vld [tilespmem:s25+$0x8200]  }
.Ltmp2:
0x160: {  	v3 =	vld [tilespmem:s23+$0x200];
	v5 =	vadd.bf16 v5, v7;
	[tilespmem:s18+$0x200] =	vst v4;
	s18 =	smov.u32 s0;
	(pc) =	sbr.rel @p0 .LBB2_6-.Ltmp2, $4  }
0x161: {  	v6 =	vld [tilespmem:s23+$0x8200]  }
0x162: {  	v8 =	vadd.bf16 v8, v9;
	v4 =	vld [tilespmem:s19+$0x200];
	[tilespmem:s8+$0x200] =	vst v5  }
0x163: {  	v7 =	vld [tilespmem:s19+$0x8200]  }
0x164: {  	s26 =	sadd.s32 $0x800, s26;
	s28 =	sadd.s32 $0x100, s28;
	[tilespmem:s1+$0x200] =	vst v8;
	v8 =	vadd.bf16 v10, v11;
	v5 =	vld [tilespmem:s20+$0x200]  }
0x165: {  	v9 =	vld [tilespmem:s20+$0x8200]  }
0x166: {  	v10 =	vld [tilespmem:s22+$0x200]  }
0x167: {  	v11 =	vld [tilespmem:s22+$0x8200]  }
0x168: {  	v12 =	vld [tilespmem:s18+$0x200]  }
0x169: {  	v13 =	vld [tilespmem:s18+$0x8200]  }
0x16a: {  	v3 =	vadd.bf16 v6, v3  }
0x16b: {  	[tilespmem:s25+$0x200] =	vst v8;
	v4 =	vadd.bf16 v7, v4  }
0x16c: {  	[tilespmem:s23+$0x200] =	vst v3;
	v3 =	vadd.bf16 v9, v5  }
0x16d: {  	[tilespmem:s19+$0x200] =	vst v4;
	v4 =	vadd.bf16 v11, v10  }
0x16e: {  	[tilespmem:s20+$0x200] =	vst v3;
	v3 =	vadd.bf16 v13, v12  }
0x16f: {  	[tilespmem:s22+$0x200] =	vst v4  }
0x170: {  	[tilespmem:s18+$0x200] =	vst v3  }
0x171: {  	s17 =	simm.s32 $0x0;
	s0 =	rddreg [dreg:$0x3]  }
0x172: {  	[hbm4b:s0+s17] =	stream.linear.scatter [tilespmem:s14], [sflag:$0x4], $0x8000, $0x38;
	[tilespmem:$0x18200] =	vst v63  }
0x173: {  	_ =	swait.ge [sflag:s15], $0x8000  }
0x174: {  	[sflag:s15] =	ssyncset.done $0x0  }
0x175: {  	[sflag:s15] =	ssyncadd.s32 $0xFFFF8000  }
0x176: {  	v3 =	vld [tilespmem:$0x20];
	_ =	sdelay $0x4  }
0x177: {  	v4 =	vshll.u32 v3, $0x3  }
0x178: {  	v3 =	vand.u32 $0x7, v3;
	v4 =	vand.u32 $0xFFFFFFC0, v4  }
0x179: {  	v3 =	vor.u32 v3, v4  }
0x17a: {  	v4 =	vperm.xlane v3, v0;
	_ =	sdelay $0x1  }
0x17b: {  	v4 =	vadd.s32 v1, v4;
	_ =	sdelay $0x4  }
0x17c: {  	[tilespmem:s14], [sflag:$0x3] =	stream.indirect_vreg.gather [hbm4b:s3+s17], $0x80, v4, vm0, $0xb8;
	[tilespmem:$0x18200] =	vst v63  }
0x17d: {  	s20 =	simm.s32 $0xA00;
	v3 =	vperm.xlane v3, v2  }
0x17e: {  	[tilespmem:s20], [sflag:$0x3] =	stream.indirect_vreg.gather [hbm4b:s5+s17], $0x80, v4, vm0, $0xb8;
	[tilespmem:$0x18200] =	vst v63  }
0x17f: {  	s22 =	simm.s32 $0x1200;
	v3 =	vadd.s32 v1, v3  }
0x180: {  	[tilespmem:s22], [sflag:$0x3] =	stream.indirect_vreg.gather [hbm4b:s6+s17], $0x80, v4, vm0, $0xb8;
	[tilespmem:$0x18200] =	vst v63  }
0x181: {  	s23 =	simm.s32 $0x1A00  }
0x182: {  	[tilespmem:s23], [sflag:$0x3] =	stream.indirect_vreg.gather [hbm4b:s7+s17], $0x80, v4, vm0, $0xb8;
	[tilespmem:$0x18200] =	vst v63  }
0x183: {  	s24 =	simm.s32 $0x2200  }
0x184: {  	[tilespmem:s24], [sflag:$0x3] =	stream.indirect_vreg.gather [hbm4b:s3+s17], $0x80, v3, vm0, $0xb8;
	[tilespmem:$0x18200] =	vst v63  }
0x185: {  	s25 =	simm.s32 $0x2A00  }
0x186: {  	[tilespmem:s25], [sflag:$0x3] =	stream.indirect_vreg.gather [hbm4b:s5+s17], $0x80, v3, vm0, $0xb8;
	[tilespmem:$0x18200] =	vst v63  }
0x187: {  	s26 =	simm.s32 $0x3200  }
0x188: {  	[tilespmem:s26], [sflag:$0x3] =	stream.indirect_vreg.gather [hbm4b:s6+s17], $0x80, v3, vm0, $0xb8;
	[tilespmem:$0x18200] =	vst v63  }
0x189: {  	s29 =	simm.s32 $0x3A00  }
0x18a: {  	[tilespmem:s29], [sflag:$0x3] =	stream.indirect_vreg.gather [hbm4b:s7+s17], $0x80, v3, vm0, $0xb8;
	[tilespmem:$0x18200] =	vst v63  }
0x18b: {  	v3 =	vld [tilespmem:$0x30];
	_ =	sdelay $0x4  }
0x18c: {  	v4 =	vshll.u32 v3, $0x3  }
0x18d: {  	v3 =	vand.u32 $0x7, v3;
	v4 =	vand.u32 $0xFFFFFFC0, v4  }
0x18e: {  	v3 =	vor.u32 v3, v4  }
0x18f: {  	v4 =	vperm.xlane v3, v0;
	_ =	sdelay $0x1  }
0x190: {  	v4 =	vadd.s32 v1, v4;
	_ =	sdelay $0x3  }
0x191: {  	s30 =	simm.s32 $0x4200  }
0x192: {  	[tilespmem:s30], [sflag:$0x3] =	stream.indirect_vreg.gather [hbm4b:s3+s17], $0x80, v4, vm0, $0xb8;
	[tilespmem:$0x18200] =	vst v63  }
0x193: {  	s31 =	simm.s32 $0x4A00;
	v3 =	vperm.xlane v3, v2  }
0x194: {  	[tilespmem:s31], [sflag:$0x3] =	stream.indirect_vreg.gather [hbm4b:s5+s17], $0x80, v4, vm0, $0xb8;
	[tilespmem:$0x18200] =	vst v63  }
0x195: {  	s1 =	simm.s32 $0x5200;
	v3 =	vadd.s32 v1, v3  }
0x196: {  	[tilespmem:s1], [sflag:$0x3] =	stream.indirect_vreg.gather [hbm4b:s6+s17], $0x80, v4, vm0, $0xb8;
	[tilespmem:$0x18200] =	vst v63  }
0x197: {  	s4 =	simm.s32 $0x5A00  }
0x198: {  	[tilespmem:s4], [sflag:$0x3] =	stream.indirect_vreg.gather [hbm4b:s7+s17], $0x80, v4, vm0, $0xb8;
	[tilespmem:$0x18200] =	vst v63  }
0x199: {  	s8 =	simm.s32 $0x6200  }
0x19a: {  	[tilespmem:s8], [sflag:$0x3] =	stream.indirect_vreg.gather [hbm4b:s3+s17], $0x80, v3, vm0, $0xb8;
	[tilespmem:$0x18200] =	vst v63  }
0x19b: {  	s18 =	simm.s32 $0x6A00  }
0x19c: {  	[tilespmem:s18], [sflag:$0x3] =	stream.indirect_vreg.gather [hbm4b:s5+s17], $0x80, v3, vm0, $0xb8;
	[tilespmem:$0x18200] =	vst v63  }
0x19d: {  	s19 =	simm.s32 $0x7200  }
0x19e: {  	[tilespmem:s19], [sflag:$0x3] =	stream.indirect_vreg.gather [hbm4b:s6+s17], $0x80, v3, vm0, $0xb8;
	[tilespmem:$0x18200] =	vst v63  }
0x19f: {  	s20 =	simm.s32 $0x7A00  }
0x1a0: {  	[tilespmem:s20], [sflag:$0x3] =	stream.indirect_vreg.gather [hbm4b:s7+s17], $0x80, v3, vm0, $0xb8;
	[tilespmem:$0x18200] =	vst v63  }
0x1a1: {  	_ =	swait.ge [sflag:s21], $0x8000  }
0x1a2: {  	[sflag:s21] =	ssyncset.done $0x0  }
0x1a3: {  	[sflag:s21] =	ssyncadd.s32 $0xFFFF8000  }
0x1a4: {  	v3 =	vld [tilespmem:$0x120];
	_ =	sdelay $0x4  }
0x1a5: {  	v4 =	vshll.u32 v3, $0x3  }
0x1a6: {  	v3 =	vand.u32 $0x7, v3;
	v4 =	vand.u32 $0xFFFFFFC0, v4  }
0x1a7: {  	v3 =	vor.u32 v3, v4  }
0x1a8: {  	v4 =	vperm.xlane v3, v0;
	_ =	sdelay $0x1  }
0x1a9: {  	v4 =	vadd.s32 v1, v4;
	_ =	sdelay $0x3  }
0x1aa: {  	s22 =	simm.s32 $0x8200  }
0x1ab: {  	[tilespmem:s22], [sflag:$0x1] =	stream.indirect_vreg.gather [hbm4b:s3+s17], $0x80, v4, vm0, $0xb8;
	[tilespmem:$0x18200] =	vst v63  }
0x1ac: {  	s23 =	simm.s32 $0x8A00;
	v3 =	vperm.xlane v3, v2  }
0x1ad: {  	[tilespmem:s23], [sflag:$0x1] =	stream.indirect_vreg.gather [hbm4b:s5+s17], $0x80, v4, vm0, $0xb8;
	[tilespmem:$0x18200] =	vst v63  }
0x1ae: {  	s24 =	simm.s32 $0x9200;
	v3 =	vadd.s32 v1, v3  }
0x1af: {  	[tilespmem:s24], [sflag:$0x1] =	stream.indirect_vreg.gather [hbm4b:s6+s17], $0x80, v4, vm0, $0xb8;
	[tilespmem:$0x18200] =	vst v63  }
0x1b0: {  	s25 =	simm.s32 $0x9A00  }
0x1b1: {  	[tilespmem:s25], [sflag:$0x1] =	stream.indirect_vreg.gather [hbm4b:s7+s17], $0x80, v4, vm0, $0xb8;
	[tilespmem:$0x18200] =	vst v63  }
0x1b2: {  	s26 =	simm.s32 $0xA200  }
0x1b3: {  	[tilespmem:s26], [sflag:$0x1] =	stream.indirect_vreg.gather [hbm4b:s3+s17], $0x80, v3, vm0, $0xb8;
	[tilespmem:$0x18200] =	vst v63  }
0x1b4: {  	s29 =	simm.s32 $0xAA00  }
0x1b5: {  	[tilespmem:s29], [sflag:$0x1] =	stream.indirect_vreg.gather [hbm4b:s5+s17], $0x80, v3, vm0, $0xb8;
	[tilespmem:$0x18200] =	vst v63  }
0x1b6: {  	s30 =	simm.s32 $0xB200  }
0x1b7: {  	[tilespmem:s30], [sflag:$0x1] =	stream.indirect_vreg.gather [hbm4b:s6+s17], $0x80, v3, vm0, $0xb8;
	[tilespmem:$0x18200] =	vst v63  }
0x1b8: {  	s31 =	simm.s32 $0xBA00  }
0x1b9: {  	[tilespmem:s31], [sflag:$0x1] =	stream.indirect_vreg.gather [hbm4b:s7+s17], $0x80, v3, vm0, $0xb8;
	[tilespmem:$0x18200] =	vst v63  }
0x1ba: {  	v3 =	vld [tilespmem:$0x130];
	_ =	sdelay $0x4  }
0x1bb: {  	v4 =	vshll.u32 v3, $0x3  }
0x1bc: {  	v3 =	vand.u32 $0x7, v3;
	v4 =	vand.u32 $0xFFFFFFC0, v4  }
0x1bd: {  	v3 =	vor.u32 v3, v4  }
0x1be: {  	v4 =	vperm.xlane v3, v0;
	_ =	sdelay $0x1  }
0x1bf: {  	v4 =	vadd.s32 v1, v4;
	_ =	sdelay $0x3  }
0x1c0: {  	s1 =	simm.s32 $0xC200  }
0x1c1: {  	[tilespmem:s1], [sflag:$0x1] =	stream.indirect_vreg.gather [hbm4b:s3+s17], $0x80, v4, vm0, $0xb8;
	[tilespmem:$0x18200] =	vst v63  }
0x1c2: {  	s4 =	simm.s32 $0xCA00;
	v3 =	vperm.xlane v3, v2  }
0x1c3: {  	[tilespmem:s4], [sflag:$0x1] =	stream.indirect_vreg.gather [hbm4b:s5+s17], $0x80, v4, vm0, $0xb8;
	[tilespmem:$0x18200] =	vst v63  }
0x1c4: {  	s8 =	simm.s32 $0xD200;
	v3 =	vadd.s32 v1, v3  }
0x1c5: {  	[tilespmem:s8], [sflag:$0x1] =	stream.indirect_vreg.gather [hbm4b:s6+s17], $0x80, v4, vm0, $0xb8;
	[tilespmem:$0x18200] =	vst v63  }
0x1c6: {  	s18 =	simm.s32 $0xDA00  }
0x1c7: {  	[tilespmem:s18], [sflag:$0x1] =	stream.indirect_vreg.gather [hbm4b:s7+s17], $0x80, v4, vm0, $0xb8;
	[tilespmem:$0x18200] =	vst v63  }
0x1c8: {  	s19 =	simm.s32 $0xE200  }
0x1c9: {  	[tilespmem:s19], [sflag:$0x1] =	stream.indirect_vreg.gather [hbm4b:s3+s17], $0x80, v3, vm0, $0xb8;
	[tilespmem:$0x18200] =	vst v63  }
0x1ca: {  	s20 =	simm.s32 $0xEA00  }
0x1cb: {  	[tilespmem:s20], [sflag:$0x1] =	stream.indirect_vreg.gather [hbm4b:s5+s17], $0x80, v3, vm0, $0xb8;
	[tilespmem:$0x18200] =	vst v63  }
0x1cc: {  	s22 =	simm.s32 $0xF200;
	s24 =	sand.u32 $0xC000, s17;
	s1 =	sand.u32 $0x3800, s17  }
0x1cd: {  	[tilespmem:s22], [sflag:$0x1] =	stream.indirect_vreg.gather [hbm4b:s6+s17], $0x80, v3, vm0, $0xb8;
	[tilespmem:$0x18200] =	vst v63  }
0x1ce: {  	s23 =	simm.s32 $0xFA00;
	s25 =	sand.u32 $0x700, s17;
	s0 =	sor.u32 s1, s24  }
0x1cf: {  	[tilespmem:s23], [sflag:$0x1] =	stream.indirect_vreg.gather [hbm4b:s7+s17], $0x80, v3, vm0, $0xb8;
	[tilespmem:$0x18200] =	vst v63  }
0x1d0: {  	s0 =	sor.u32 s25, s0;
	_ =	swait.ge [sflag:s13], $0x8000  }
0x1d1: {  	s1 =	sor.u32 $0xE0, s0;
	[sflag:s13] =	ssyncset.done $0x0  }
0x1d2: {  	s1 =	sshrl.u32 s1, $0x1;
	[sflag:s13] =	ssyncadd.s32 $0xFFFF8000  }
0x1d3: {  	s4 =	sor.u32 $0x20, s0;
	v4 =	vld [tilespmem:s1+$0x200]  }
0x1d4: {  	s4 =	sshrl.u32 s4, $0x1;
	v5 =	vld [tilespmem:s1+$0x10200]  }
0x1d5: {  	s8 =	sor.u32 $0x40, s0;
	v7 =	vld [tilespmem:s4+$0x200]  }
0x1d6: {  	s25 =	sshrl.u32 s8, $0x1;
	v8 =	vld [tilespmem:s4+$0x10200]  }
0x1d7: {  	s26 =	sor.u32 $0x60, s0;
	v9 =	vld [tilespmem:s25+$0x200]  }
0x1d8: {  	s23 =	sshrl.u32 s26, $0x1;
	v10 =	vld [tilespmem:s25+$0x10200]  }
0x1d9: {  	s29 =	sor.u32 $0x80, s0;
	v3 =	vld [tilespmem:s23+$0x200]  }
0x1da: {  	s19 =	sshrl.u32 s29, $0x1;
	v6 =	vld [tilespmem:s23+$0x10200];
	v5 =	vadd.bf16 v5, v4  }
0x1db: {  	s28 =	simm.s32 $0x100;
	s30 =	sor.u32 $0xA0, s0;
	v8 =	vadd.bf16 v8, v7;
	v4 =	vld [tilespmem:s19+$0x200]  }
0x1dc: {  	s24 =	simm.s32 $0x0;
	s31 =	sor.u32 $0xC0, s0;
	s20 =	sshrl.u32 s30, $0x1;
	v7 =	vld [tilespmem:s19+$0x10200];
	[tilespmem:s1+$0x200] =	vst v5  }
0x1dd: {  	s18 =	sshrl.u32 s0, $0x1;
	s22 =	sshrl.u32 s31, $0x1;
	s26 =	simm.s32 $0x800;
	[tilespmem:s4+$0x200] =	vst v8;
	v8 =	vadd.bf16 v10, v9;
	v5 =	vld [tilespmem:s20+$0x200]  }
.LBB2_8:
0x1de: {  	s0 =	sand.u32 $0xC000, s28;
	s1 =	sand.u32 $0x3800, s26;
	v9 =	vld [tilespmem:s20+$0x10200];
	s17 =	sadd.s32 $0x20, s17  }
0x1df: {  	s24 =	sadd.s32 $0x8, s24;
	s0 =	sor.u32 s1, s0;
	s1 =	sand.u32 $0x700, s17;
	[tilespmem:s25+$0x200] =	vst v8;
	v3 =	vadd.bf16 v6, v3;
	v6 =	vld [tilespmem:s22+$0x200]  }
0x1e0: {  	p0 =	slt.u32 s24, $0x7F8;
	s0 =	sor.u32 s1, s0;
	v8 =	vld [tilespmem:s22+$0x10200]  }
0x1e1: {  	s1 =	sor.u32 $0x20, s0;
	s4 =	sor.u32 $0x40, s0;
	s8 =	sor.u32 $0xE0, s0;
	v10 =	vld [tilespmem:s18+$0x200];
	[tilespmem:s23+$0x200] =	vst v3;
	v3 =	vadd.bf16 v7, v4  }
0x1e2: {  	s23 =	sor.u32 $0x60, s0;
	s29 =	sor.u32 $0x80, s0;
	s8 =	sshrl.u32 s8, $0x1;
	v4 =	vld [tilespmem:s18+$0x10200]  }
0x1e3: {  	s30 =	sor.u32 $0xA0, s0;
	s31 =	sor.u32 $0xC0, s0;
	s1 =	sshrl.u32 s1, $0x1;
	v7 =	vld [tilespmem:s8+$0x200];
	[tilespmem:s19+$0x200] =	vst v3;
	v3 =	vadd.bf16 v9, v5  }
0x1e4: {  	s25 =	sshrl.u32 s4, $0x1;
	s23 =	sshrl.u32 s23, $0x1;
	s19 =	sshrl.u32 s29, $0x1;
	v5 =	vld [tilespmem:s8+$0x10200]  }
0x1e5: {  	s0 =	sshrl.u32 s0, $0x1;
	s4 =	sshrl.u32 s31, $0x1;
	v9 =	vld [tilespmem:s1+$0x200];
	[tilespmem:s20+$0x200] =	vst v3;
	s20 =	sshrl.u32 s30, $0x1;
	v3 =	vadd.bf16 v8, v6  }
0x1e6: {  	v8 =	vld [tilespmem:s1+$0x10200]  }
0x1e7: {  	v11 =	vld [tilespmem:s25+$0x200];
	v4 =	vadd.bf16 v4, v10;
	[tilespmem:s22+$0x200] =	vst v3;
	s22 =	smov.u32 s4  }
0x1e8: {  	v10 =	vld [tilespmem:s25+$0x10200]  }
.Ltmp3:
0x1e9: {  	v3 =	vld [tilespmem:s23+$0x200];
	v5 =	vadd.bf16 v5, v7;
	[tilespmem:s18+$0x200] =	vst v4;
	s18 =	smov.u32 s0;
	(pc) =	sbr.rel @p0 .LBB2_8-.Ltmp3, $4  }
0x1ea: {  	v6 =	vld [tilespmem:s23+$0x10200]  }
0x1eb: {  	v8 =	vadd.bf16 v8, v9;
	v4 =	vld [tilespmem:s19+$0x200];
	[tilespmem:s8+$0x200] =	vst v5  }
0x1ec: {  	v7 =	vld [tilespmem:s19+$0x10200]  }
0x1ed: {  	s26 =	sadd.s32 $0x800, s26;
	s28 =	sadd.s32 $0x100, s28;
	[tilespmem:s1+$0x200] =	vst v8;
	v8 =	vadd.bf16 v10, v11;
	v5 =	vld [tilespmem:s20+$0x200]  }
0x1ee: {  	v9 =	vld [tilespmem:s20+$0x10200]  }
0x1ef: {  	v10 =	vld [tilespmem:s22+$0x200]  }
0x1f0: {  	v11 =	vld [tilespmem:s22+$0x10200]  }
0x1f1: {  	v12 =	vld [tilespmem:s18+$0x200]  }
0x1f2: {  	v13 =	vld [tilespmem:s18+$0x10200]  }
0x1f3: {  	v3 =	vadd.bf16 v6, v3  }
0x1f4: {  	[tilespmem:s25+$0x200] =	vst v8;
	v4 =	vadd.bf16 v7, v4  }
0x1f5: {  	[tilespmem:s23+$0x200] =	vst v3;
	v3 =	vadd.bf16 v9, v5  }
0x1f6: {  	[tilespmem:s19+$0x200] =	vst v4;
	v4 =	vadd.bf16 v11, v10  }
0x1f7: {  	[tilespmem:s20+$0x200] =	vst v3;
	v3 =	vadd.bf16 v13, v12  }
0x1f8: {  	[tilespmem:s22+$0x200] =	vst v4  }
0x1f9: {  	[tilespmem:s18+$0x200] =	vst v3  }
0x1fa: {  	v3 =	vld [tilespmem:$0x1A0];
	_ =	sdelay $0x4  }
0x1fb: {  	v4 =	vshll.u32 v3, $0x3  }
0x1fc: {  	v3 =	vand.u32 $0x7, v3;
	v4 =	vand.u32 $0xFFFFFFC0, v4  }
0x1fd: {  	v3 =	vor.u32 v3, v4  }
0x1fe: {  	v4 =	vperm.xlane v3, v0;
	_ =	sdelay $0x1  }
0x1ff: {  	v4 =	vadd.s32 v1, v4;
	_ =	sdelay $0x3  }
0x200: {  	s17 =	simm.s32 $0x0;
	s0 =	simm.s32 $0x10200  }
0x201: {  	[tilespmem:s0], [sflag:$0x2] =	stream.indirect_vreg.gather [hbm4b:s3+s17], $0x80, v4, vm0, $0xb8;
	[tilespmem:$0x18200] =	vst v63  }
0x202: {  	s26 =	simm.s32 $0x10A00;
	v3 =	vperm.xlane v3, v2  }
0x203: {  	[tilespmem:s26], [sflag:$0x2] =	stream.indirect_vreg.gather [hbm4b:s5+s17], $0x80, v4, vm0, $0xb8;
	[tilespmem:$0x18200] =	vst v63  }
0x204: {  	s29 =	simm.s32 $0x11200;
	v3 =	vadd.s32 v1, v3  }
0x205: {  	[tilespmem:s29], [sflag:$0x2] =	stream.indirect_vreg.gather [hbm4b:s6+s17], $0x80, v4, vm0, $0xb8;
	[tilespmem:$0x18200] =	vst v63  }
0x206: {  	s30 =	simm.s32 $0x11A00  }
0x207: {  	[tilespmem:s30], [sflag:$0x2] =	stream.indirect_vreg.gather [hbm4b:s7+s17], $0x80, v4, vm0, $0xb8;
	[tilespmem:$0x18200] =	vst v63  }
0x208: {  	s31 =	simm.s32 $0x12200  }
0x209: {  	[tilespmem:s31], [sflag:$0x2] =	stream.indirect_vreg.gather [hbm4b:s3+s17], $0x80, v3, vm0, $0xb8;
	[tilespmem:$0x18200] =	vst v63  }
0x20a: {  	s1 =	simm.s32 $0x12A00  }
0x20b: {  	[tilespmem:s1], [sflag:$0x2] =	stream.indirect_vreg.gather [hbm4b:s5+s17], $0x80, v3, vm0, $0xb8;
	[tilespmem:$0x18200] =	vst v63  }
0x20c: {  	s4 =	simm.s32 $0x13200  }
0x20d: {  	[tilespmem:s4], [sflag:$0x2] =	stream.indirect_vreg.gather [hbm4b:s6+s17], $0x80, v3, vm0, $0xb8;
	[tilespmem:$0x18200] =	vst v63  }
0x20e: {  	s8 =	simm.s32 $0x13A00  }
0x20f: {  	[tilespmem:s8], [sflag:$0x2] =	stream.indirect_vreg.gather [hbm4b:s7+s17], $0x80, v3, vm0, $0xb8;
	[tilespmem:$0x18200] =	vst v63  }
0x210: {  	v3 =	vld [tilespmem:$0x1B0];
	_ =	sdelay $0x4  }
0x211: {  	v4 =	vshll.u32 v3, $0x3  }
0x212: {  	v3 =	vand.u32 $0x7, v3;
	v4 =	vand.u32 $0xFFFFFFC0, v4  }
0x213: {  	v3 =	vor.u32 v3, v4  }
0x214: {  	v4 =	vperm.xlane v3, v0;
	_ =	sdelay $0x1  }
0x215: {  	v4 =	vadd.s32 v1, v4;
	_ =	sdelay $0x3  }
0x216: {  	s18 =	simm.s32 $0x14200  }
0x217: {  	[tilespmem:s18], [sflag:$0x2] =	stream.indirect_vreg.gather [hbm4b:s3+s17], $0x80, v4, vm0, $0xb8;
	[tilespmem:$0x18200] =	vst v63  }
0x218: {  	s19 =	simm.s32 $0x14A00;
	v3 =	vperm.xlane v3, v2  }
0x219: {  	[tilespmem:s19], [sflag:$0x2] =	stream.indirect_vreg.gather [hbm4b:s5+s17], $0x80, v4, vm0, $0xb8;
	[tilespmem:$0x18200] =	vst v63  }
0x21a: {  	s20 =	simm.s32 $0x15200;
	v3 =	vadd.s32 v1, v3  }
0x21b: {  	[tilespmem:s20], [sflag:$0x2] =	stream.indirect_vreg.gather [hbm4b:s6+s17], $0x80, v4, vm0, $0xb8;
	[tilespmem:$0x18200] =	vst v63  }
0x21c: {  	s22 =	simm.s32 $0x15A00  }
0x21d: {  	[tilespmem:s22], [sflag:$0x2] =	stream.indirect_vreg.gather [hbm4b:s7+s17], $0x80, v4, vm0, $0xb8;
	[tilespmem:$0x18200] =	vst v63  }
0x21e: {  	s23 =	simm.s32 $0x16200  }
0x21f: {  	[tilespmem:s23], [sflag:$0x2] =	stream.indirect_vreg.gather [hbm4b:s3+s17], $0x80, v3, vm0, $0xb8;
	[tilespmem:$0x18200] =	vst v63  }
0x220: {  	_ = 	snop  }
0x221: {  	[tilespmem:s9], [sflag:$0x2] =	stream.indirect_vreg.gather [hbm4b:s5+s17], $0x80, v3, vm0, $0xb8;
	[tilespmem:$0x18200] =	vst v63  }
0x222: {  	s24 =	sand.u32 $0xC000, s17;
	s1 =	sand.u32 $0x3800, s17  }
0x223: {  	[tilespmem:s10], [sflag:$0x2] =	stream.indirect_vreg.gather [hbm4b:s6+s17], $0x80, v3, vm0, $0xb8;
	[tilespmem:$0x18200] =	vst v63  }
0x224: {  	s25 =	sand.u32 $0x700, s17;
	s0 =	sor.u32 s1, s24  }
0x225: {  	[tilespmem:s11], [sflag:$0x2] =	stream.indirect_vreg.gather [hbm4b:s7+s17], $0x80, v3, vm0, $0xb8;
	[tilespmem:$0x18200] =	vst v63  }
0x226: {  	s0 =	sor.u32 s25, s0;
	_ =	swait.ge [sflag:s12], $0x8000  }
0x227: {  	s1 =	sor.u32 $0xE0, s0;
	[sflag:s12] =	ssyncset.done $0x0  }
0x228: {  	s1 =	sshrl.u32 s1, $0x1;
	[sflag:s12] =	ssyncadd.s32 $0xFFFF8000  }
0x229: {  	s4 =	sor.u32 $0x20, s0;
	v4 =	vld [tilespmem:s1+$0x200]  }
0x22a: {  	s4 =	sshrl.u32 s4, $0x1;
	v5 =	vld [tilespmem:s1+$0x8200]  }
0x22b: {  	s8 =	sor.u32 $0x40, s0;
	v7 =	vld [tilespmem:s4+$0x200]  }
0x22c: {  	s25 =	sshrl.u32 s8, $0x1;
	v8 =	vld [tilespmem:s4+$0x8200]  }
0x22d: {  	s26 =	sor.u32 $0x60, s0;
	v9 =	vld [tilespmem:s25+$0x200]  }
0x22e: {  	s23 =	sshrl.u32 s26, $0x1;
	v10 =	vld [tilespmem:s25+$0x8200]  }
0x22f: {  	s29 =	sor.u32 $0x80, s0;
	v3 =	vld [tilespmem:s23+$0x200]  }
0x230: {  	s19 =	sshrl.u32 s29, $0x1;
	v6 =	vld [tilespmem:s23+$0x8200];
	v5 =	vadd.bf16 v5, v4  }
0x231: {  	s28 =	simm.s32 $0x100;
	s30 =	sor.u32 $0xA0, s0;
	v8 =	vadd.bf16 v8, v7;
	v4 =	vld [tilespmem:s19+$0x200]  }
0x232: {  	s24 =	simm.s32 $0x0;
	s31 =	sor.u32 $0xC0, s0;
	s20 =	sshrl.u32 s30, $0x1;
	v7 =	vld [tilespmem:s19+$0x8200];
	[tilespmem:s1+$0x200] =	vst v5  }
0x233: {  	s18 =	sshrl.u32 s0, $0x1;
	s22 =	sshrl.u32 s31, $0x1;
	s26 =	simm.s32 $0x800;
	[tilespmem:s4+$0x200] =	vst v8;
	v8 =	vadd.bf16 v10, v9;
	v5 =	vld [tilespmem:s20+$0x200]  }
.LBB2_10:
0x234: {  	s0 =	sand.u32 $0xC000, s28;
	s1 =	sand.u32 $0x3800, s26;
	v9 =	vld [tilespmem:s20+$0x8200];
	s17 =	sadd.s32 $0x20, s17  }
0x235: {  	s24 =	sadd.s32 $0x8, s24;
	s0 =	sor.u32 s1, s0;
	s1 =	sand.u32 $0x700, s17;
	[tilespmem:s25+$0x200] =	vst v8;
	v3 =	vadd.bf16 v6, v3;
	v6 =	vld [tilespmem:s22+$0x200]  }
0x236: {  	p0 =	slt.u32 s24, $0x7F8;
	s0 =	sor.u32 s1, s0;
	v8 =	vld [tilespmem:s22+$0x8200]  }
0x237: {  	s1 =	sor.u32 $0x20, s0;
	s4 =	sor.u32 $0x40, s0;
	s8 =	sor.u32 $0xE0, s0;
	v10 =	vld [tilespmem:s18+$0x200];
	[tilespmem:s23+$0x200] =	vst v3;
	v3 =	vadd.bf16 v7, v4  }
0x238: {  	s23 =	sor.u32 $0x60, s0;
	s29 =	sor.u32 $0x80, s0;
	s8 =	sshrl.u32 s8, $0x1;
	v4 =	vld [tilespmem:s18+$0x8200]  }
0x239: {  	s30 =	sor.u32 $0xA0, s0;
	s31 =	sor.u32 $0xC0, s0;
	s1 =	sshrl.u32 s1, $0x1;
	v7 =	vld [tilespmem:s8+$0x200];
	[tilespmem:s19+$0x200] =	vst v3;
	v3 =	vadd.bf16 v9, v5  }
0x23a: {  	s25 =	sshrl.u32 s4, $0x1;
	s23 =	sshrl.u32 s23, $0x1;
	s19 =	sshrl.u32 s29, $0x1;
	v5 =	vld [tilespmem:s8+$0x8200]  }
0x23b: {  	s0 =	sshrl.u32 s0, $0x1;
	s4 =	sshrl.u32 s31, $0x1;
	v9 =	vld [tilespmem:s1+$0x200];
	[tilespmem:s20+$0x200] =	vst v3;
	s20 =	sshrl.u32 s30, $0x1;
	v3 =	vadd.bf16 v8, v6  }
0x23c: {  	v8 =	vld [tilespmem:s1+$0x8200]  }
0x23d: {  	v11 =	vld [tilespmem:s25+$0x200];
	v4 =	vadd.bf16 v4, v10;
	[tilespmem:s22+$0x200] =	vst v3;
	s22 =	smov.u32 s4  }
0x23e: {  	v10 =	vld [tilespmem:s25+$0x8200]  }
.Ltmp4:
0x23f: {  	v3 =	vld [tilespmem:s23+$0x200];
	v5 =	vadd.bf16 v5, v7;
	[tilespmem:s18+$0x200] =	vst v4;
	s18 =	smov.u32 s0;
	(pc) =	sbr.rel @p0 .LBB2_10-.Ltmp4, $4  }
0x240: {  	v6 =	vld [tilespmem:s23+$0x8200]  }
0x241: {  	v8 =	vadd.bf16 v8, v9;
	v4 =	vld [tilespmem:s19+$0x200];
	[tilespmem:s8+$0x200] =	vst v5  }
0x242: {  	v7 =	vld [tilespmem:s19+$0x8200]  }
0x243: {  	s26 =	sadd.s32 $0x800, s26;
	s28 =	sadd.s32 $0x100, s28;
	[tilespmem:s1+$0x200] =	vst v8;
	v8 =	vadd.bf16 v10, v11;
	v5 =	vld [tilespmem:s20+$0x200]  }
0x244: {  	v9 =	vld [tilespmem:s20+$0x8200]  }
0x245: {  	v10 =	vld [tilespmem:s22+$0x200]  }
0x246: {  	v11 =	vld [tilespmem:s22+$0x8200]  }
0x247: {  	v12 =	vld [tilespmem:s18+$0x200]  }
0x248: {  	v13 =	vld [tilespmem:s18+$0x8200]  }
0x249: {  	v3 =	vadd.bf16 v6, v3  }
0x24a: {  	[tilespmem:s25+$0x200] =	vst v8;
	v4 =	vadd.bf16 v7, v4  }
0x24b: {  	[tilespmem:s23+$0x200] =	vst v3;
	v3 =	vadd.bf16 v9, v5  }
0x24c: {  	[tilespmem:s19+$0x200] =	vst v4;
	v4 =	vadd.bf16 v11, v10  }
0x24d: {  	[tilespmem:s20+$0x200] =	vst v3;
	v3 =	vadd.bf16 v13, v12  }
0x24e: {  	[tilespmem:s22+$0x200] =	vst v4  }
0x24f: {  	[tilespmem:s18+$0x200] =	vst v3  }
0x250: {  	v3 =	vld [tilespmem:$0xC0];
	_ =	sdelay $0x4  }
0x251: {  	v4 =	vshll.u32 v3, $0x3  }
0x252: {  	v3 =	vand.u32 $0x7, v3;
	v4 =	vand.u32 $0xFFFFFFC0, v4  }
0x253: {  	v3 =	vor.u32 v3, v4  }
0x254: {  	v4 =	vperm.xlane v3, v0;
	_ =	sdelay $0x1  }
0x255: {  	v4 =	vadd.s32 v1, v4;
	_ =	sdelay $0x3  }
0x256: {  	s17 =	simm.s32 $0x0;
	s0 =	simm.s32 $0x8200  }
0x257: {  	[tilespmem:s0], [sflag:$0x1] =	stream.indirect_vreg.gather [hbm4b:s3+s17], $0x80, v4, vm0, $0xb8;
	[tilespmem:$0x18200] =	vst v63  }
0x258: {  	s23 =	simm.s32 $0x8A00;
	v3 =	vperm.xlane v3, v2  }
0x259: {  	[tilespmem:s23], [sflag:$0x1] =	stream.indirect_vreg.gather [hbm4b:s5+s17], $0x80, v4, vm0, $0xb8;
	[tilespmem:$0x18200] =	vst v63  }
0x25a: {  	s24 =	simm.s32 $0x9200;
	v3 =	vadd.s32 v1, v3  }
0x25b: {  	[tilespmem:s24], [sflag:$0x1] =	stream.indirect_vreg.gather [hbm4b:s6+s17], $0x80, v4, vm0, $0xb8;
	[tilespmem:$0x18200] =	vst v63  }
0x25c: {  	s25 =	simm.s32 $0x9A00  }
0x25d: {  	[tilespmem:s25], [sflag:$0x1] =	stream.indirect_vreg.gather [hbm4b:s7+s17], $0x80, v4, vm0, $0xb8;
	[tilespmem:$0x18200] =	vst v63  }
0x25e: {  	s26 =	simm.s32 $0xA200  }
0x25f: {  	[tilespmem:s26], [sflag:$0x1] =	stream.indirect_vreg.gather [hbm4b:s3+s17], $0x80, v3, vm0, $0xb8;
	[tilespmem:$0x18200] =	vst v63  }
0x260: {  	s29 =	simm.s32 $0xAA00  }
0x261: {  	[tilespmem:s29], [sflag:$0x1] =	stream.indirect_vreg.gather [hbm4b:s5+s17], $0x80, v3, vm0, $0xb8;
	[tilespmem:$0x18200] =	vst v63  }
0x262: {  	s30 =	simm.s32 $0xB200  }
0x263: {  	[tilespmem:s30], [sflag:$0x1] =	stream.indirect_vreg.gather [hbm4b:s6+s17], $0x80, v3, vm0, $0xb8;
	[tilespmem:$0x18200] =	vst v63  }
0x264: {  	s31 =	simm.s32 $0xBA00  }
0x265: {  	[tilespmem:s31], [sflag:$0x1] =	stream.indirect_vreg.gather [hbm4b:s7+s17], $0x80, v3, vm0, $0xb8;
	[tilespmem:$0x18200] =	vst v63  }
0x266: {  	v3 =	vld [tilespmem:$0xD0];
	_ =	sdelay $0x4  }
0x267: {  	v4 =	vshll.u32 v3, $0x3  }
0x268: {  	v3 =	vand.u32 $0x7, v3;
	v4 =	vand.u32 $0xFFFFFFC0, v4  }
0x269: {  	v3 =	vor.u32 v3, v4  }
0x26a: {  	v4 =	vperm.xlane v3, v0;
	_ =	sdelay $0x1  }
0x26b: {  	v4 =	vadd.s32 v1, v4;
	_ =	sdelay $0x3  }
0x26c: {  	s1 =	simm.s32 $0xC200  }
0x26d: {  	[tilespmem:s1], [sflag:$0x1] =	stream.indirect_vreg.gather [hbm4b:s3+s17], $0x80, v4, vm0, $0xb8;
	[tilespmem:$0x18200] =	vst v63  }
0x26e: {  	s4 =	simm.s32 $0xCA00;
	v3 =	vperm.xlane v3, v2  }
0x26f: {  	[tilespmem:s4], [sflag:$0x1] =	stream.indirect_vreg.gather [hbm4b:s5+s17], $0x80, v4, vm0, $0xb8;
	[tilespmem:$0x18200] =	vst v63  }
0x270: {  	s8 =	simm.s32 $0xD200;
	v3 =	vadd.s32 v1, v3  }
0x271: {  	[tilespmem:s8], [sflag:$0x1] =	stream.indirect_vreg.gather [hbm4b:s6+s17], $0x80, v4, vm0, $0xb8;
	[tilespmem:$0x18200] =	vst v63  }
0x272: {  	s18 =	simm.s32 $0xDA00  }
0x273: {  	[tilespmem:s18], [sflag:$0x1] =	stream.indirect_vreg.gather [hbm4b:s7+s17], $0x80, v4, vm0, $0xb8;
	[tilespmem:$0x18200] =	vst v63  }
0x274: {  	s19 =	simm.s32 $0xE200  }
0x275: {  	[tilespmem:s19], [sflag:$0x1] =	stream.indirect_vreg.gather [hbm4b:s3+s17], $0x80, v3, vm0, $0xb8;
	[tilespmem:$0x18200] =	vst v63  }
0x276: {  	s20 =	simm.s32 $0xEA00  }
0x277: {  	[tilespmem:s20], [sflag:$0x1] =	stream.indirect_vreg.gather [hbm4b:s5+s17], $0x80, v3, vm0, $0xb8;
	[tilespmem:$0x18200] =	vst v63  }
0x278: {  	s22 =	simm.s32 $0xF200;
	s24 =	sand.u32 $0xC000, s17;
	s1 =	sand.u32 $0x3800, s17  }
0x279: {  	[tilespmem:s22], [sflag:$0x1] =	stream.indirect_vreg.gather [hbm4b:s6+s17], $0x80, v3, vm0, $0xb8;
	[tilespmem:$0x18200] =	vst v63  }
0x27a: {  	s23 =	simm.s32 $0xFA00;
	s25 =	sand.u32 $0x700, s17;
	s0 =	sor.u32 s1, s24  }
0x27b: {  	[tilespmem:s23], [sflag:$0x1] =	stream.indirect_vreg.gather [hbm4b:s7+s17], $0x80, v3, vm0, $0xb8;
	[tilespmem:$0x18200] =	vst v63  }
0x27c: {  	s0 =	sor.u32 s25, s0;
	_ =	swait.ge [sflag:s13], $0x8000  }
0x27d: {  	s1 =	sor.u32 $0xE0, s0;
	[sflag:s13] =	ssyncset.done $0x0  }
0x27e: {  	s1 =	sshrl.u32 s1, $0x1;
	[sflag:s13] =	ssyncadd.s32 $0xFFFF8000  }
0x27f: {  	s4 =	sor.u32 $0x20, s0;
	v4 =	vld [tilespmem:s1+$0x200]  }
0x280: {  	s4 =	sshrl.u32 s4, $0x1;
	v5 =	vld [tilespmem:s1+$0x10200]  }
0x281: {  	s8 =	sor.u32 $0x40, s0;
	v7 =	vld [tilespmem:s4+$0x200]  }
0x282: {  	s25 =	sshrl.u32 s8, $0x1;
	v8 =	vld [tilespmem:s4+$0x10200]  }
0x283: {  	s26 =	sor.u32 $0x60, s0;
	v9 =	vld [tilespmem:s25+$0x200]  }
0x284: {  	s23 =	sshrl.u32 s26, $0x1;
	v10 =	vld [tilespmem:s25+$0x10200]  }
0x285: {  	s29 =	sor.u32 $0x80, s0;
	v3 =	vld [tilespmem:s23+$0x200]  }
0x286: {  	s19 =	sshrl.u32 s29, $0x1;
	v6 =	vld [tilespmem:s23+$0x10200];
	v5 =	vadd.bf16 v5, v4  }
0x287: {  	s28 =	simm.s32 $0x100;
	s30 =	sor.u32 $0xA0, s0;
	v8 =	vadd.bf16 v8, v7;
	v4 =	vld [tilespmem:s19+$0x200]  }
0x288: {  	s24 =	simm.s32 $0x0;
	s31 =	sor.u32 $0xC0, s0;
	s20 =	sshrl.u32 s30, $0x1;
	v7 =	vld [tilespmem:s19+$0x10200];
	[tilespmem:s1+$0x200] =	vst v5  }
0x289: {  	s18 =	sshrl.u32 s0, $0x1;
	s22 =	sshrl.u32 s31, $0x1;
	s26 =	simm.s32 $0x800;
	[tilespmem:s4+$0x200] =	vst v8;
	v8 =	vadd.bf16 v10, v9;
	v5 =	vld [tilespmem:s20+$0x200]  }
.LBB2_12:
0x28a: {  	s0 =	sand.u32 $0xC000, s28;
	s1 =	sand.u32 $0x3800, s26;
	v9 =	vld [tilespmem:s20+$0x10200];
	s17 =	sadd.s32 $0x20, s17  }
0x28b: {  	s24 =	sadd.s32 $0x8, s24;
	s0 =	sor.u32 s1, s0;
	s1 =	sand.u32 $0x700, s17;
	[tilespmem:s25+$0x200] =	vst v8;
	v3 =	vadd.bf16 v6, v3;
	v6 =	vld [tilespmem:s22+$0x200]  }
0x28c: {  	p0 =	slt.u32 s24, $0x7F8;
	s0 =	sor.u32 s1, s0;
	v8 =	vld [tilespmem:s22+$0x10200]  }
0x28d: {  	s1 =	sor.u32 $0x20, s0;
	s4 =	sor.u32 $0x40, s0;
	s8 =	sor.u32 $0xE0, s0;
	v10 =	vld [tilespmem:s18+$0x200];
	[tilespmem:s23+$0x200] =	vst v3;
	v3 =	vadd.bf16 v7, v4  }
0x28e: {  	s23 =	sor.u32 $0x60, s0;
	s29 =	sor.u32 $0x80, s0;
	s8 =	sshrl.u32 s8, $0x1;
	v4 =	vld [tilespmem:s18+$0x10200]  }
0x28f: {  	s30 =	sor.u32 $0xA0, s0;
	s31 =	sor.u32 $0xC0, s0;
	s1 =	sshrl.u32 s1, $0x1;
	v7 =	vld [tilespmem:s8+$0x200];
	[tilespmem:s19+$0x200] =	vst v3;
	v3 =	vadd.bf16 v9, v5  }
0x290: {  	s25 =	sshrl.u32 s4, $0x1;
	s23 =	sshrl.u32 s23, $0x1;
	s19 =	sshrl.u32 s29, $0x1;
	v5 =	vld [tilespmem:s8+$0x10200]  }
0x291: {  	s0 =	sshrl.u32 s0, $0x1;
	s4 =	sshrl.u32 s31, $0x1;
	v9 =	vld [tilespmem:s1+$0x200];
	[tilespmem:s20+$0x200] =	vst v3;
	s20 =	sshrl.u32 s30, $0x1;
	v3 =	vadd.bf16 v8, v6  }
0x292: {  	v8 =	vld [tilespmem:s1+$0x10200]  }
0x293: {  	v11 =	vld [tilespmem:s25+$0x200];
	v4 =	vadd.bf16 v4, v10;
	[tilespmem:s22+$0x200] =	vst v3;
	s22 =	smov.u32 s4  }
0x294: {  	v10 =	vld [tilespmem:s25+$0x10200]  }
.Ltmp5:
0x295: {  	v3 =	vld [tilespmem:s23+$0x200];
	v5 =	vadd.bf16 v5, v7;
	[tilespmem:s18+$0x200] =	vst v4;
	s18 =	smov.u32 s0;
	(pc) =	sbr.rel @p0 .LBB2_12-.Ltmp5, $4  }
0x296: {  	v6 =	vld [tilespmem:s23+$0x10200]  }
0x297: {  	v8 =	vadd.bf16 v8, v9;
	v4 =	vld [tilespmem:s19+$0x200];
	[tilespmem:s8+$0x200] =	vst v5  }
0x298: {  	v7 =	vld [tilespmem:s19+$0x10200]  }
0x299: {  	s26 =	sadd.s32 $0x800, s26;
	s28 =	sadd.s32 $0x100, s28;
	[tilespmem:s1+$0x200] =	vst v8;
	v8 =	vadd.bf16 v10, v11;
	v5 =	vld [tilespmem:s20+$0x200]  }
0x29a: {  	v9 =	vld [tilespmem:s20+$0x10200]  }
0x29b: {  	v10 =	vld [tilespmem:s22+$0x200]  }
0x29c: {  	v11 =	vld [tilespmem:s22+$0x10200]  }
0x29d: {  	v12 =	vld [tilespmem:s18+$0x200]  }
0x29e: {  	v13 =	vld [tilespmem:s18+$0x10200]  }
0x29f: {  	v3 =	vadd.bf16 v6, v3  }
0x2a0: {  	[tilespmem:s25+$0x200] =	vst v8;
	v4 =	vadd.bf16 v7, v4  }
0x2a1: {  	[tilespmem:s23+$0x200] =	vst v3;
	v3 =	vadd.bf16 v9, v5  }
0x2a2: {  	[tilespmem:s19+$0x200] =	vst v4;
	v4 =	vadd.bf16 v11, v10  }
0x2a3: {  	[tilespmem:s20+$0x200] =	vst v3;
	v3 =	vadd.bf16 v13, v12  }
0x2a4: {  	[tilespmem:s22+$0x200] =	vst v4  }
0x2a5: {  	[tilespmem:s18+$0x200] =	vst v3  }
0x2a6: {  	s17 =	simm.s32 $0x0;
	s0 =	rddreg [dreg:$0x4]  }
0x2a7: {  	[hbm4b:s0+s17] =	stream.linear.scatter [tilespmem:s14], [sflag:$0x4], $0x8000, $0x38;
	[tilespmem:$0x18200] =	vst v63  }
0x2a8: {  	_ =	swait.ge [sflag:s15], $0x8000  }
0x2a9: {  	[sflag:s15] =	ssyncset.done $0x0  }
0x2aa: {  	[sflag:s15] =	ssyncadd.s32 $0xFFFF8000  }
0x2ab: {  	v3 =	vld [tilespmem:$0x40];
	_ =	sdelay $0x4  }
0x2ac: {  	v4 =	vshll.u32 v3, $0x3  }
0x2ad: {  	v3 =	vand.u32 $0x7, v3;
	v4 =	vand.u32 $0xFFFFFFC0, v4  }
0x2ae: {  	v3 =	vor.u32 v3, v4  }
0x2af: {  	v4 =	vperm.xlane v3, v0;
	_ =	sdelay $0x1  }
0x2b0: {  	v4 =	vadd.s32 v1, v4;
	_ =	sdelay $0x4  }
0x2b1: {  	[tilespmem:s14], [sflag:$0x3] =	stream.indirect_vreg.gather [hbm4b:s3+s17], $0x80, v4, vm0, $0xb8;
	[tilespmem:$0x18200] =	vst v63  }
0x2b2: {  	s24 =	simm.s32 $0xA00;
	v3 =	vperm.xlane v3, v2  }
0x2b3: {  	[tilespmem:s24], [sflag:$0x3] =	stream.indirect_vreg.gather [hbm4b:s5+s17], $0x80, v4, vm0, $0xb8;
	[tilespmem:$0x18200] =	vst v63  }
0x2b4: {  	s25 =	simm.s32 $0x1200;
	v3 =	vadd.s32 v1, v3  }
0x2b5: {  	[tilespmem:s25], [sflag:$0x3] =	stream.indirect_vreg.gather [hbm4b:s6+s17], $0x80, v4, vm0, $0xb8;
	[tilespmem:$0x18200] =	vst v63  }
0x2b6: {  	s26 =	simm.s32 $0x1A00  }
0x2b7: {  	[tilespmem:s26], [sflag:$0x3] =	stream.indirect_vreg.gather [hbm4b:s7+s17], $0x80, v4, vm0, $0xb8;
	[tilespmem:$0x18200] =	vst v63  }
0x2b8: {  	s29 =	simm.s32 $0x2200  }
0x2b9: {  	[tilespmem:s29], [sflag:$0x3] =	stream.indirect_vreg.gather [hbm4b:s3+s17], $0x80, v3, vm0, $0xb8;
	[tilespmem:$0x18200] =	vst v63  }
0x2ba: {  	s30 =	simm.s32 $0x2A00  }
0x2bb: {  	[tilespmem:s30], [sflag:$0x3] =	stream.indirect_vreg.gather [hbm4b:s5+s17], $0x80, v3, vm0, $0xb8;
	[tilespmem:$0x18200] =	vst v63  }
0x2bc: {  	s31 =	simm.s32 $0x3200  }
0x2bd: {  	[tilespmem:s31], [sflag:$0x3] =	stream.indirect_vreg.gather [hbm4b:s6+s17], $0x80, v3, vm0, $0xb8;
	[tilespmem:$0x18200] =	vst v63  }
0x2be: {  	s1 =	simm.s32 $0x3A00  }
0x2bf: {  	[tilespmem:s1], [sflag:$0x3] =	stream.indirect_vreg.gather [hbm4b:s7+s17], $0x80, v3, vm0, $0xb8;
	[tilespmem:$0x18200] =	vst v63  }
0x2c0: {  	v3 =	vld [tilespmem:$0x50];
	_ =	sdelay $0x4  }
0x2c1: {  	v4 =	vshll.u32 v3, $0x3  }
0x2c2: {  	v3 =	vand.u32 $0x7, v3;
	v4 =	vand.u32 $0xFFFFFFC0, v4  }
0x2c3: {  	v3 =	vor.u32 v3, v4  }
0x2c4: {  	v4 =	vperm.xlane v3, v0;
	_ =	sdelay $0x1  }
0x2c5: {  	v4 =	vadd.s32 v1, v4;
	_ =	sdelay $0x3  }
0x2c6: {  	s4 =	simm.s32 $0x4200  }
0x2c7: {  	[tilespmem:s4], [sflag:$0x3] =	stream.indirect_vreg.gather [hbm4b:s3+s17], $0x80, v4, vm0, $0xb8;
	[tilespmem:$0x18200] =	vst v63  }
0x2c8: {  	s8 =	simm.s32 $0x4A00;
	v3 =	vperm.xlane v3, v2  }
0x2c9: {  	[tilespmem:s8], [sflag:$0x3] =	stream.indirect_vreg.gather [hbm4b:s5+s17], $0x80, v4, vm0, $0xb8;
	[tilespmem:$0x18200] =	vst v63  }
0x2ca: {  	s18 =	simm.s32 $0x5200;
	v3 =	vadd.s32 v1, v3  }
0x2cb: {  	[tilespmem:s18], [sflag:$0x3] =	stream.indirect_vreg.gather [hbm4b:s6+s17], $0x80, v4, vm0, $0xb8;
	[tilespmem:$0x18200] =	vst v63  }
0x2cc: {  	s19 =	simm.s32 $0x5A00  }
0x2cd: {  	[tilespmem:s19], [sflag:$0x3] =	stream.indirect_vreg.gather [hbm4b:s7+s17], $0x80, v4, vm0, $0xb8;
	[tilespmem:$0x18200] =	vst v63  }
0x2ce: {  	s20 =	simm.s32 $0x6200  }
0x2cf: {  	[tilespmem:s20], [sflag:$0x3] =	stream.indirect_vreg.gather [hbm4b:s3+s17], $0x80, v3, vm0, $0xb8;
	[tilespmem:$0x18200] =	vst v63  }
0x2d0: {  	s22 =	simm.s32 $0x6A00  }
0x2d1: {  	[tilespmem:s22], [sflag:$0x3] =	stream.indirect_vreg.gather [hbm4b:s5+s17], $0x80, v3, vm0, $0xb8;
	[tilespmem:$0x18200] =	vst v63  }
0x2d2: {  	s23 =	simm.s32 $0x7200  }
0x2d3: {  	[tilespmem:s23], [sflag:$0x3] =	stream.indirect_vreg.gather [hbm4b:s6+s17], $0x80, v3, vm0, $0xb8;
	[tilespmem:$0x18200] =	vst v63  }
0x2d4: {  	s24 =	simm.s32 $0x7A00  }
0x2d5: {  	[tilespmem:s24], [sflag:$0x3] =	stream.indirect_vreg.gather [hbm4b:s7+s17], $0x80, v3, vm0, $0xb8;
	[tilespmem:$0x18200] =	vst v63  }
0x2d6: {  	_ =	swait.ge [sflag:s21], $0x8000  }
0x2d7: {  	[sflag:s21] =	ssyncset.done $0x0  }
0x2d8: {  	[sflag:s21] =	ssyncadd.s32 $0xFFFF8000  }
0x2d9: {  	v3 =	vld [tilespmem:$0x140];
	_ =	sdelay $0x4  }
0x2da: {  	v4 =	vshll.u32 v3, $0x3  }
0x2db: {  	v3 =	vand.u32 $0x7, v3;
	v4 =	vand.u32 $0xFFFFFFC0, v4  }
0x2dc: {  	v3 =	vor.u32 v3, v4  }
0x2dd: {  	v4 =	vperm.xlane v3, v0;
	_ =	sdelay $0x1  }
0x2de: {  	v4 =	vadd.s32 v1, v4;
	_ =	sdelay $0x3  }
0x2df: {  	s25 =	simm.s32 $0x10200  }
0x2e0: {  	[tilespmem:s25], [sflag:$0x2] =	stream.indirect_vreg.gather [hbm4b:s3+s17], $0x80, v4, vm0, $0xb8;
	[tilespmem:$0x18200] =	vst v63  }
0x2e1: {  	s26 =	simm.s32 $0x10A00;
	v3 =	vperm.xlane v3, v2  }
0x2e2: {  	[tilespmem:s26], [sflag:$0x2] =	stream.indirect_vreg.gather [hbm4b:s5+s17], $0x80, v4, vm0, $0xb8;
	[tilespmem:$0x18200] =	vst v63  }
0x2e3: {  	s29 =	simm.s32 $0x11200;
	v3 =	vadd.s32 v1, v3  }
0x2e4: {  	[tilespmem:s29], [sflag:$0x2] =	stream.indirect_vreg.gather [hbm4b:s6+s17], $0x80, v4, vm0, $0xb8;
	[tilespmem:$0x18200] =	vst v63  }
0x2e5: {  	s30 =	simm.s32 $0x11A00  }
0x2e6: {  	[tilespmem:s30], [sflag:$0x2] =	stream.indirect_vreg.gather [hbm4b:s7+s17], $0x80, v4, vm0, $0xb8;
	[tilespmem:$0x18200] =	vst v63  }
0x2e7: {  	s31 =	simm.s32 $0x12200  }
0x2e8: {  	[tilespmem:s31], [sflag:$0x2] =	stream.indirect_vreg.gather [hbm4b:s3+s17], $0x80, v3, vm0, $0xb8;
	[tilespmem:$0x18200] =	vst v63  }
0x2e9: {  	s1 =	simm.s32 $0x12A00  }
0x2ea: {  	[tilespmem:s1], [sflag:$0x2] =	stream.indirect_vreg.gather [hbm4b:s5+s17], $0x80, v3, vm0, $0xb8;
	[tilespmem:$0x18200] =	vst v63  }
0x2eb: {  	s4 =	simm.s32 $0x13200  }
0x2ec: {  	[tilespmem:s4], [sflag:$0x2] =	stream.indirect_vreg.gather [hbm4b:s6+s17], $0x80, v3, vm0, $0xb8;
	[tilespmem:$0x18200] =	vst v63  }
0x2ed: {  	s8 =	simm.s32 $0x13A00  }
0x2ee: {  	[tilespmem:s8], [sflag:$0x2] =	stream.indirect_vreg.gather [hbm4b:s7+s17], $0x80, v3, vm0, $0xb8;
	[tilespmem:$0x18200] =	vst v63  }
0x2ef: {  	v3 =	vld [tilespmem:$0x150];
	_ =	sdelay $0x4  }
0x2f0: {  	v4 =	vshll.u32 v3, $0x3  }
0x2f1: {  	v3 =	vand.u32 $0x7, v3;
	v4 =	vand.u32 $0xFFFFFFC0, v4  }
0x2f2: {  	v3 =	vor.u32 v3, v4  }
0x2f3: {  	v4 =	vperm.xlane v3, v0;
	_ =	sdelay $0x1  }
0x2f4: {  	v4 =	vadd.s32 v1, v4;
	_ =	sdelay $0x3  }
0x2f5: {  	s18 =	simm.s32 $0x14200  }
0x2f6: {  	[tilespmem:s18], [sflag:$0x2] =	stream.indirect_vreg.gather [hbm4b:s3+s17], $0x80, v4, vm0, $0xb8;
	[tilespmem:$0x18200] =	vst v63  }
0x2f7: {  	s19 =	simm.s32 $0x14A00;
	v3 =	vperm.xlane v3, v2  }
0x2f8: {  	[tilespmem:s19], [sflag:$0x2] =	stream.indirect_vreg.gather [hbm4b:s5+s17], $0x80, v4, vm0, $0xb8;
	[tilespmem:$0x18200] =	vst v63  }
0x2f9: {  	s20 =	simm.s32 $0x15200;
	v3 =	vadd.s32 v1, v3  }
0x2fa: {  	[tilespmem:s20], [sflag:$0x2] =	stream.indirect_vreg.gather [hbm4b:s6+s17], $0x80, v4, vm0, $0xb8;
	[tilespmem:$0x18200] =	vst v63  }
0x2fb: {  	s22 =	simm.s32 $0x15A00  }
0x2fc: {  	[tilespmem:s22], [sflag:$0x2] =	stream.indirect_vreg.gather [hbm4b:s7+s17], $0x80, v4, vm0, $0xb8;
	[tilespmem:$0x18200] =	vst v63  }
0x2fd: {  	s23 =	simm.s32 $0x16200  }
0x2fe: {  	[tilespmem:s23], [sflag:$0x2] =	stream.indirect_vreg.gather [hbm4b:s3+s17], $0x80, v3, vm0, $0xb8;
	[tilespmem:$0x18200] =	vst v63  }
0x2ff: {  	_ = 	snop  }
0x300: {  	[tilespmem:s9], [sflag:$0x2] =	stream.indirect_vreg.gather [hbm4b:s5+s17], $0x80, v3, vm0, $0xb8;
	[tilespmem:$0x18200] =	vst v63  }
0x301: {  	s24 =	sand.u32 $0xC000, s17;
	s1 =	sand.u32 $0x3800, s17  }
0x302: {  	[tilespmem:s10], [sflag:$0x2] =	stream.indirect_vreg.gather [hbm4b:s6+s17], $0x80, v3, vm0, $0xb8;
	[tilespmem:$0x18200] =	vst v63  }
0x303: {  	s25 =	sand.u32 $0x700, s17;
	s0 =	sor.u32 s1, s24  }
0x304: {  	[tilespmem:s11], [sflag:$0x2] =	stream.indirect_vreg.gather [hbm4b:s7+s17], $0x80, v3, vm0, $0xb8;
	[tilespmem:$0x18200] =	vst v63  }
0x305: {  	s0 =	sor.u32 s25, s0;
	_ =	swait.ge [sflag:s12], $0x8000  }
0x306: {  	s1 =	sor.u32 $0xE0, s0;
	[sflag:s12] =	ssyncset.done $0x0  }
0x307: {  	s1 =	sshrl.u32 s1, $0x1;
	[sflag:s12] =	ssyncadd.s32 $0xFFFF8000  }
0x308: {  	s4 =	sor.u32 $0x20, s0;
	v4 =	vld [tilespmem:s1+$0x200]  }
0x309: {  	s4 =	sshrl.u32 s4, $0x1;
	v5 =	vld [tilespmem:s1+$0x8200]  }
0x30a: {  	s8 =	sor.u32 $0x40, s0;
	v7 =	vld [tilespmem:s4+$0x200]  }
0x30b: {  	s25 =	sshrl.u32 s8, $0x1;
	v8 =	vld [tilespmem:s4+$0x8200]  }
0x30c: {  	s26 =	sor.u32 $0x60, s0;
	v9 =	vld [tilespmem:s25+$0x200]  }
0x30d: {  	s23 =	sshrl.u32 s26, $0x1;
	v10 =	vld [tilespmem:s25+$0x8200]  }
0x30e: {  	s29 =	sor.u32 $0x80, s0;
	v3 =	vld [tilespmem:s23+$0x200]  }
0x30f: {  	s19 =	sshrl.u32 s29, $0x1;
	v6 =	vld [tilespmem:s23+$0x8200];
	v5 =	vadd.bf16 v5, v4  }
0x310: {  	s28 =	simm.s32 $0x100;
	s30 =	sor.u32 $0xA0, s0;
	v8 =	vadd.bf16 v8, v7;
	v4 =	vld [tilespmem:s19+$0x200]  }
0x311: {  	s24 =	simm.s32 $0x0;
	s31 =	sor.u32 $0xC0, s0;
	s20 =	sshrl.u32 s30, $0x1;
	v7 =	vld [tilespmem:s19+$0x8200];
	[tilespmem:s1+$0x200] =	vst v5  }
0x312: {  	s18 =	sshrl.u32 s0, $0x1;
	s22 =	sshrl.u32 s31, $0x1;
	s26 =	simm.s32 $0x800;
	[tilespmem:s4+$0x200] =	vst v8;
	v8 =	vadd.bf16 v10, v9;
	v5 =	vld [tilespmem:s20+$0x200]  }
.LBB2_14:
0x313: {  	s0 =	sand.u32 $0xC000, s28;
	s1 =	sand.u32 $0x3800, s26;
	v9 =	vld [tilespmem:s20+$0x8200];
	s17 =	sadd.s32 $0x20, s17  }
0x314: {  	s24 =	sadd.s32 $0x8, s24;
	s0 =	sor.u32 s1, s0;
	s1 =	sand.u32 $0x700, s17;
	[tilespmem:s25+$0x200] =	vst v8;
	v3 =	vadd.bf16 v6, v3;
	v6 =	vld [tilespmem:s22+$0x200]  }
0x315: {  	p0 =	slt.u32 s24, $0x7F8;
	s0 =	sor.u32 s1, s0;
	v8 =	vld [tilespmem:s22+$0x8200]  }
0x316: {  	s1 =	sor.u32 $0x20, s0;
	s4 =	sor.u32 $0x40, s0;
	s8 =	sor.u32 $0xE0, s0;
	v10 =	vld [tilespmem:s18+$0x200];
	[tilespmem:s23+$0x200] =	vst v3;
	v3 =	vadd.bf16 v7, v4  }
0x317: {  	s23 =	sor.u32 $0x60, s0;
	s29 =	sor.u32 $0x80, s0;
	s8 =	sshrl.u32 s8, $0x1;
	v4 =	vld [tilespmem:s18+$0x8200]  }
0x318: {  	s30 =	sor.u32 $0xA0, s0;
	s31 =	sor.u32 $0xC0, s0;
	s1 =	sshrl.u32 s1, $0x1;
	v7 =	vld [tilespmem:s8+$0x200];
	[tilespmem:s19+$0x200] =	vst v3;
	v3 =	vadd.bf16 v9, v5  }
0x319: {  	s25 =	sshrl.u32 s4, $0x1;
	s23 =	sshrl.u32 s23, $0x1;
	s19 =	sshrl.u32 s29, $0x1;
	v5 =	vld [tilespmem:s8+$0x8200]  }
0x31a: {  	s0 =	sshrl.u32 s0, $0x1;
	s4 =	sshrl.u32 s31, $0x1;
	v9 =	vld [tilespmem:s1+$0x200];
	[tilespmem:s20+$0x200] =	vst v3;
	s20 =	sshrl.u32 s30, $0x1;
	v3 =	vadd.bf16 v8, v6  }
0x31b: {  	v8 =	vld [tilespmem:s1+$0x8200]  }
0x31c: {  	v11 =	vld [tilespmem:s25+$0x200];
	v4 =	vadd.bf16 v4, v10;
	[tilespmem:s22+$0x200] =	vst v3;
	s22 =	smov.u32 s4  }
0x31d: {  	v10 =	vld [tilespmem:s25+$0x8200]  }
.Ltmp6:
0x31e: {  	v3 =	vld [tilespmem:s23+$0x200];
	v5 =	vadd.bf16 v5, v7;
	[tilespmem:s18+$0x200] =	vst v4;
	s18 =	smov.u32 s0;
	(pc) =	sbr.rel @p0 .LBB2_14-.Ltmp6, $4  }
0x31f: {  	v6 =	vld [tilespmem:s23+$0x8200]  }
0x320: {  	v8 =	vadd.bf16 v8, v9;
	v4 =	vld [tilespmem:s19+$0x200];
	[tilespmem:s8+$0x200] =	vst v5  }
0x321: {  	v7 =	vld [tilespmem:s19+$0x8200]  }
0x322: {  	s26 =	sadd.s32 $0x800, s26;
	s28 =	sadd.s32 $0x100, s28;
	[tilespmem:s1+$0x200] =	vst v8;
	v8 =	vadd.bf16 v10, v11;
	v5 =	vld [tilespmem:s20+$0x200]  }
0x323: {  	v9 =	vld [tilespmem:s20+$0x8200]  }
0x324: {  	v10 =	vld [tilespmem:s22+$0x200]  }
0x325: {  	v11 =	vld [tilespmem:s22+$0x8200]  }
0x326: {  	v12 =	vld [tilespmem:s18+$0x200]  }
0x327: {  	v13 =	vld [tilespmem:s18+$0x8200]  }
0x328: {  	v3 =	vadd.bf16 v6, v3  }
0x329: {  	[tilespmem:s25+$0x200] =	vst v8;
	v4 =	vadd.bf16 v7, v4  }
0x32a: {  	[tilespmem:s23+$0x200] =	vst v3;
	v3 =	vadd.bf16 v9, v5  }
0x32b: {  	[tilespmem:s19+$0x200] =	vst v4;
	v4 =	vadd.bf16 v11, v10  }
0x32c: {  	[tilespmem:s20+$0x200] =	vst v3;
	v3 =	vadd.bf16 v13, v12  }
0x32d: {  	[tilespmem:s22+$0x200] =	vst v4  }
0x32e: {  	[tilespmem:s18+$0x200] =	vst v3  }
0x32f: {  	v3 =	vld [tilespmem:$0x1C0];
	_ =	sdelay $0x4  }
0x330: {  	v4 =	vshll.u32 v3, $0x3  }
0x331: {  	v3 =	vand.u32 $0x7, v3;
	v4 =	vand.u32 $0xFFFFFFC0, v4  }
0x332: {  	v3 =	vor.u32 v3, v4  }
0x333: {  	v4 =	vperm.xlane v3, v0;
	_ =	sdelay $0x1  }
0x334: {  	v4 =	vadd.s32 v1, v4;
	_ =	sdelay $0x3  }
0x335: {  	s17 =	simm.s32 $0x0;
	s0 =	simm.s32 $0x8200  }
0x336: {  	[tilespmem:s0], [sflag:$0x1] =	stream.indirect_vreg.gather [hbm4b:s3+s17], $0x80, v4, vm0, $0xb8;
	[tilespmem:$0x18200] =	vst v63  }
0x337: {  	s23 =	simm.s32 $0x8A00;
	v3 =	vperm.xlane v3, v2  }
0x338: {  	[tilespmem:s23], [sflag:$0x1] =	stream.indirect_vreg.gather [hbm4b:s5+s17], $0x80, v4, vm0, $0xb8;
	[tilespmem:$0x18200] =	vst v63  }
0x339: {  	s24 =	simm.s32 $0x9200;
	v3 =	vadd.s32 v1, v3  }
0x33a: {  	[tilespmem:s24], [sflag:$0x1] =	stream.indirect_vreg.gather [hbm4b:s6+s17], $0x80, v4, vm0, $0xb8;
	[tilespmem:$0x18200] =	vst v63  }
0x33b: {  	s25 =	simm.s32 $0x9A00  }
0x33c: {  	[tilespmem:s25], [sflag:$0x1] =	stream.indirect_vreg.gather [hbm4b:s7+s17], $0x80, v4, vm0, $0xb8;
	[tilespmem:$0x18200] =	vst v63  }
0x33d: {  	s26 =	simm.s32 $0xA200  }
0x33e: {  	[tilespmem:s26], [sflag:$0x1] =	stream.indirect_vreg.gather [hbm4b:s3+s17], $0x80, v3, vm0, $0xb8;
	[tilespmem:$0x18200] =	vst v63  }
0x33f: {  	s29 =	simm.s32 $0xAA00  }
0x340: {  	[tilespmem:s29], [sflag:$0x1] =	stream.indirect_vreg.gather [hbm4b:s5+s17], $0x80, v3, vm0, $0xb8;
	[tilespmem:$0x18200] =	vst v63  }
0x341: {  	s30 =	simm.s32 $0xB200  }
0x342: {  	[tilespmem:s30], [sflag:$0x1] =	stream.indirect_vreg.gather [hbm4b:s6+s17], $0x80, v3, vm0, $0xb8;
	[tilespmem:$0x18200] =	vst v63  }
0x343: {  	s31 =	simm.s32 $0xBA00  }
0x344: {  	[tilespmem:s31], [sflag:$0x1] =	stream.indirect_vreg.gather [hbm4b:s7+s17], $0x80, v3, vm0, $0xb8;
	[tilespmem:$0x18200] =	vst v63  }
0x345: {  	v3 =	vld [tilespmem:$0x1D0];
	_ =	sdelay $0x4  }
0x346: {  	v4 =	vshll.u32 v3, $0x3  }
0x347: {  	v3 =	vand.u32 $0x7, v3;
	v4 =	vand.u32 $0xFFFFFFC0, v4  }
0x348: {  	v3 =	vor.u32 v3, v4  }
0x349: {  	v4 =	vperm.xlane v3, v0;
	_ =	sdelay $0x1  }
0x34a: {  	v4 =	vadd.s32 v1, v4;
	_ =	sdelay $0x3  }
0x34b: {  	s1 =	simm.s32 $0xC200  }
0x34c: {  	[tilespmem:s1], [sflag:$0x1] =	stream.indirect_vreg.gather [hbm4b:s3+s17], $0x80, v4, vm0, $0xb8;
	[tilespmem:$0x18200] =	vst v63  }
0x34d: {  	s4 =	simm.s32 $0xCA00;
	v3 =	vperm.xlane v3, v2  }
0x34e: {  	[tilespmem:s4], [sflag:$0x1] =	stream.indirect_vreg.gather [hbm4b:s5+s17], $0x80, v4, vm0, $0xb8;
	[tilespmem:$0x18200] =	vst v63  }
0x34f: {  	s8 =	simm.s32 $0xD200;
	v3 =	vadd.s32 v1, v3  }
0x350: {  	[tilespmem:s8], [sflag:$0x1] =	stream.indirect_vreg.gather [hbm4b:s6+s17], $0x80, v4, vm0, $0xb8;
	[tilespmem:$0x18200] =	vst v63  }
0x351: {  	s18 =	simm.s32 $0xDA00  }
0x352: {  	[tilespmem:s18], [sflag:$0x1] =	stream.indirect_vreg.gather [hbm4b:s7+s17], $0x80, v4, vm0, $0xb8;
	[tilespmem:$0x18200] =	vst v63  }
0x353: {  	s19 =	simm.s32 $0xE200  }
0x354: {  	[tilespmem:s19], [sflag:$0x1] =	stream.indirect_vreg.gather [hbm4b:s3+s17], $0x80, v3, vm0, $0xb8;
	[tilespmem:$0x18200] =	vst v63  }
0x355: {  	s20 =	simm.s32 $0xEA00  }
0x356: {  	[tilespmem:s20], [sflag:$0x1] =	stream.indirect_vreg.gather [hbm4b:s5+s17], $0x80, v3, vm0, $0xb8;
	[tilespmem:$0x18200] =	vst v63  }
0x357: {  	s22 =	simm.s32 $0xF200;
	s24 =	sand.u32 $0xC000, s17;
	s1 =	sand.u32 $0x3800, s17  }
0x358: {  	[tilespmem:s22], [sflag:$0x1] =	stream.indirect_vreg.gather [hbm4b:s6+s17], $0x80, v3, vm0, $0xb8;
	[tilespmem:$0x18200] =	vst v63  }
0x359: {  	s23 =	simm.s32 $0xFA00;
	s25 =	sand.u32 $0x700, s17;
	s0 =	sor.u32 s1, s24  }
0x35a: {  	[tilespmem:s23], [sflag:$0x1] =	stream.indirect_vreg.gather [hbm4b:s7+s17], $0x80, v3, vm0, $0xb8;
	[tilespmem:$0x18200] =	vst v63  }
0x35b: {  	s0 =	sor.u32 s25, s0;
	_ =	swait.ge [sflag:s13], $0x8000  }
0x35c: {  	s1 =	sor.u32 $0xE0, s0;
	[sflag:s13] =	ssyncset.done $0x0  }
0x35d: {  	s1 =	sshrl.u32 s1, $0x1;
	[sflag:s13] =	ssyncadd.s32 $0xFFFF8000  }
0x35e: {  	s4 =	sor.u32 $0x20, s0;
	v4 =	vld [tilespmem:s1+$0x200]  }
0x35f: {  	s4 =	sshrl.u32 s4, $0x1;
	v5 =	vld [tilespmem:s1+$0x10200]  }
0x360: {  	s8 =	sor.u32 $0x40, s0;
	v7 =	vld [tilespmem:s4+$0x200]  }
0x361: {  	s25 =	sshrl.u32 s8, $0x1;
	v8 =	vld [tilespmem:s4+$0x10200]  }
0x362: {  	s26 =	sor.u32 $0x60, s0;
	v9 =	vld [tilespmem:s25+$0x200]  }
0x363: {  	s23 =	sshrl.u32 s26, $0x1;
	v10 =	vld [tilespmem:s25+$0x10200]  }
0x364: {  	s29 =	sor.u32 $0x80, s0;
	v3 =	vld [tilespmem:s23+$0x200]  }
0x365: {  	s19 =	sshrl.u32 s29, $0x1;
	v6 =	vld [tilespmem:s23+$0x10200];
	v5 =	vadd.bf16 v5, v4  }
0x366: {  	s28 =	simm.s32 $0x100;
	s30 =	sor.u32 $0xA0, s0;
	v8 =	vadd.bf16 v8, v7;
	v4 =	vld [tilespmem:s19+$0x200]  }
0x367: {  	s24 =	simm.s32 $0x0;
	s31 =	sor.u32 $0xC0, s0;
	s20 =	sshrl.u32 s30, $0x1;
	v7 =	vld [tilespmem:s19+$0x10200];
	[tilespmem:s1+$0x200] =	vst v5  }
0x368: {  	s18 =	sshrl.u32 s0, $0x1;
	s22 =	sshrl.u32 s31, $0x1;
	s26 =	simm.s32 $0x800;
	[tilespmem:s4+$0x200] =	vst v8;
	v8 =	vadd.bf16 v10, v9;
	v5 =	vld [tilespmem:s20+$0x200]  }
.LBB2_16:
0x369: {  	s0 =	sand.u32 $0xC000, s28;
	s1 =	sand.u32 $0x3800, s26;
	v9 =	vld [tilespmem:s20+$0x10200];
	s17 =	sadd.s32 $0x20, s17  }
0x36a: {  	s24 =	sadd.s32 $0x8, s24;
	s0 =	sor.u32 s1, s0;
	s1 =	sand.u32 $0x700, s17;
	[tilespmem:s25+$0x200] =	vst v8;
	v3 =	vadd.bf16 v6, v3;
	v6 =	vld [tilespmem:s22+$0x200]  }
0x36b: {  	p0 =	slt.u32 s24, $0x7F8;
	s0 =	sor.u32 s1, s0;
	v8 =	vld [tilespmem:s22+$0x10200]  }
0x36c: {  	s1 =	sor.u32 $0x20, s0;
	s4 =	sor.u32 $0x40, s0;
	s8 =	sor.u32 $0xE0, s0;
	v10 =	vld [tilespmem:s18+$0x200];
	[tilespmem:s23+$0x200] =	vst v3;
	v3 =	vadd.bf16 v7, v4  }
0x36d: {  	s23 =	sor.u32 $0x60, s0;
	s29 =	sor.u32 $0x80, s0;
	s8 =	sshrl.u32 s8, $0x1;
	v4 =	vld [tilespmem:s18+$0x10200]  }
0x36e: {  	s30 =	sor.u32 $0xA0, s0;
	s31 =	sor.u32 $0xC0, s0;
	s1 =	sshrl.u32 s1, $0x1;
	v7 =	vld [tilespmem:s8+$0x200];
	[tilespmem:s19+$0x200] =	vst v3;
	v3 =	vadd.bf16 v9, v5  }
0x36f: {  	s25 =	sshrl.u32 s4, $0x1;
	s23 =	sshrl.u32 s23, $0x1;
	s19 =	sshrl.u32 s29, $0x1;
	v5 =	vld [tilespmem:s8+$0x10200]  }
0x370: {  	s0 =	sshrl.u32 s0, $0x1;
	s4 =	sshrl.u32 s31, $0x1;
	v9 =	vld [tilespmem:s1+$0x200];
	[tilespmem:s20+$0x200] =	vst v3;
	s20 =	sshrl.u32 s30, $0x1;
	v3 =	vadd.bf16 v8, v6  }
0x371: {  	v8 =	vld [tilespmem:s1+$0x10200]  }
0x372: {  	v11 =	vld [tilespmem:s25+$0x200];
	v4 =	vadd.bf16 v4, v10;
	[tilespmem:s22+$0x200] =	vst v3;
	s22 =	smov.u32 s4  }
0x373: {  	v10 =	vld [tilespmem:s25+$0x10200]  }
.Ltmp7:
0x374: {  	v3 =	vld [tilespmem:s23+$0x200];
	v5 =	vadd.bf16 v5, v7;
	[tilespmem:s18+$0x200] =	vst v4;
	s18 =	smov.u32 s0;
	(pc) =	sbr.rel @p0 .LBB2_16-.Ltmp7, $4  }
0x375: {  	v6 =	vld [tilespmem:s23+$0x10200]  }
0x376: {  	v8 =	vadd.bf16 v8, v9;
	v4 =	vld [tilespmem:s19+$0x200];
	[tilespmem:s8+$0x200] =	vst v5  }
0x377: {  	v7 =	vld [tilespmem:s19+$0x10200]  }
0x378: {  	s26 =	sadd.s32 $0x800, s26;
	s28 =	sadd.s32 $0x100, s28;
	[tilespmem:s1+$0x200] =	vst v8;
	v8 =	vadd.bf16 v10, v11;
	v5 =	vld [tilespmem:s20+$0x200]  }
0x379: {  	v9 =	vld [tilespmem:s20+$0x10200]  }
0x37a: {  	v10 =	vld [tilespmem:s22+$0x200]  }
0x37b: {  	v11 =	vld [tilespmem:s22+$0x10200]  }
0x37c: {  	v12 =	vld [tilespmem:s18+$0x200]  }
0x37d: {  	v13 =	vld [tilespmem:s18+$0x10200]  }
0x37e: {  	v3 =	vadd.bf16 v6, v3  }
0x37f: {  	[tilespmem:s25+$0x200] =	vst v8;
	v4 =	vadd.bf16 v7, v4  }
0x380: {  	[tilespmem:s23+$0x200] =	vst v3;
	v3 =	vadd.bf16 v9, v5  }
0x381: {  	[tilespmem:s19+$0x200] =	vst v4;
	v4 =	vadd.bf16 v11, v10  }
0x382: {  	[tilespmem:s20+$0x200] =	vst v3;
	v3 =	vadd.bf16 v13, v12  }
0x383: {  	[tilespmem:s22+$0x200] =	vst v4  }
0x384: {  	[tilespmem:s18+$0x200] =	vst v3  }
0x385: {  	v3 =	vld [tilespmem:$0xE0];
	_ =	sdelay $0x4  }
0x386: {  	v4 =	vshll.u32 v3, $0x3  }
0x387: {  	v3 =	vand.u32 $0x7, v3;
	v4 =	vand.u32 $0xFFFFFFC0, v4  }
0x388: {  	v3 =	vor.u32 v3, v4  }
0x389: {  	v4 =	vperm.xlane v3, v0;
	_ =	sdelay $0x1  }
0x38a: {  	v4 =	vadd.s32 v1, v4;
	_ =	sdelay $0x3  }
0x38b: {  	s17 =	simm.s32 $0x0;
	s0 =	simm.s32 $0x10200  }
0x38c: {  	[tilespmem:s0], [sflag:$0x2] =	stream.indirect_vreg.gather [hbm4b:s3+s17], $0x80, v4, vm0, $0xb8;
	[tilespmem:$0x18200] =	vst v63  }
0x38d: {  	s26 =	simm.s32 $0x10A00;
	v3 =	vperm.xlane v3, v2  }
0x38e: {  	[tilespmem:s26], [sflag:$0x2] =	stream.indirect_vreg.gather [hbm4b:s5+s17], $0x80, v4, vm0, $0xb8;
	[tilespmem:$0x18200] =	vst v63  }
0x38f: {  	s29 =	simm.s32 $0x11200;
	v3 =	vadd.s32 v1, v3  }
0x390: {  	[tilespmem:s29], [sflag:$0x2] =	stream.indirect_vreg.gather [hbm4b:s6+s17], $0x80, v4, vm0, $0xb8;
	[tilespmem:$0x18200] =	vst v63  }
0x391: {  	s30 =	simm.s32 $0x11A00  }
0x392: {  	[tilespmem:s30], [sflag:$0x2] =	stream.indirect_vreg.gather [hbm4b:s7+s17], $0x80, v4, vm0, $0xb8;
	[tilespmem:$0x18200] =	vst v63  }
0x393: {  	s31 =	simm.s32 $0x12200  }
0x394: {  	[tilespmem:s31], [sflag:$0x2] =	stream.indirect_vreg.gather [hbm4b:s3+s17], $0x80, v3, vm0, $0xb8;
	[tilespmem:$0x18200] =	vst v63  }
0x395: {  	s1 =	simm.s32 $0x12A00  }
0x396: {  	[tilespmem:s1], [sflag:$0x2] =	stream.indirect_vreg.gather [hbm4b:s5+s17], $0x80, v3, vm0, $0xb8;
	[tilespmem:$0x18200] =	vst v63  }
0x397: {  	s4 =	simm.s32 $0x13200  }
0x398: {  	[tilespmem:s4], [sflag:$0x2] =	stream.indirect_vreg.gather [hbm4b:s6+s17], $0x80, v3, vm0, $0xb8;
	[tilespmem:$0x18200] =	vst v63  }
0x399: {  	s8 =	simm.s32 $0x13A00  }
0x39a: {  	[tilespmem:s8], [sflag:$0x2] =	stream.indirect_vreg.gather [hbm4b:s7+s17], $0x80, v3, vm0, $0xb8;
	[tilespmem:$0x18200] =	vst v63  }
0x39b: {  	v3 =	vld [tilespmem:$0xF0];
	_ =	sdelay $0x4  }
0x39c: {  	v4 =	vshll.u32 v3, $0x3  }
0x39d: {  	v3 =	vand.u32 $0x7, v3;
	v4 =	vand.u32 $0xFFFFFFC0, v4  }
0x39e: {  	v3 =	vor.u32 v3, v4  }
0x39f: {  	v4 =	vperm.xlane v3, v0;
	_ =	sdelay $0x1  }
0x3a0: {  	v4 =	vadd.s32 v1, v4;
	_ =	sdelay $0x3  }
0x3a1: {  	s18 =	simm.s32 $0x14200  }
0x3a2: {  	[tilespmem:s18], [sflag:$0x2] =	stream.indirect_vreg.gather [hbm4b:s3+s17], $0x80, v4, vm0, $0xb8;
	[tilespmem:$0x18200] =	vst v63  }
0x3a3: {  	s19 =	simm.s32 $0x14A00;
	v3 =	vperm.xlane v3, v2  }
0x3a4: {  	[tilespmem:s19], [sflag:$0x2] =	stream.indirect_vreg.gather [hbm4b:s5+s17], $0x80, v4, vm0, $0xb8;
	[tilespmem:$0x18200] =	vst v63  }
0x3a5: {  	s20 =	simm.s32 $0x15200;
	v3 =	vadd.s32 v1, v3  }
0x3a6: {  	[tilespmem:s20], [sflag:$0x2] =	stream.indirect_vreg.gather [hbm4b:s6+s17], $0x80, v4, vm0, $0xb8;
	[tilespmem:$0x18200] =	vst v63  }
0x3a7: {  	s22 =	simm.s32 $0x15A00  }
0x3a8: {  	[tilespmem:s22], [sflag:$0x2] =	stream.indirect_vreg.gather [hbm4b:s7+s17], $0x80, v4, vm0, $0xb8;
	[tilespmem:$0x18200] =	vst v63  }
0x3a9: {  	s23 =	simm.s32 $0x16200  }
0x3aa: {  	[tilespmem:s23], [sflag:$0x2] =	stream.indirect_vreg.gather [hbm4b:s3+s17], $0x80, v3, vm0, $0xb8;
	[tilespmem:$0x18200] =	vst v63  }
0x3ab: {  	_ = 	snop  }
0x3ac: {  	[tilespmem:s9], [sflag:$0x2] =	stream.indirect_vreg.gather [hbm4b:s5+s17], $0x80, v3, vm0, $0xb8;
	[tilespmem:$0x18200] =	vst v63  }
0x3ad: {  	s24 =	sand.u32 $0xC000, s17;
	s1 =	sand.u32 $0x3800, s17  }
0x3ae: {  	[tilespmem:s10], [sflag:$0x2] =	stream.indirect_vreg.gather [hbm4b:s6+s17], $0x80, v3, vm0, $0xb8;
	[tilespmem:$0x18200] =	vst v63  }
0x3af: {  	s25 =	sand.u32 $0x700, s17;
	s0 =	sor.u32 s1, s24  }
0x3b0: {  	[tilespmem:s11], [sflag:$0x2] =	stream.indirect_vreg.gather [hbm4b:s7+s17], $0x80, v3, vm0, $0xb8;
	[tilespmem:$0x18200] =	vst v63  }
0x3b1: {  	s0 =	sor.u32 s25, s0;
	_ =	swait.ge [sflag:s12], $0x8000  }
0x3b2: {  	s1 =	sor.u32 $0xE0, s0;
	[sflag:s12] =	ssyncset.done $0x0  }
0x3b3: {  	s1 =	sshrl.u32 s1, $0x1;
	[sflag:s12] =	ssyncadd.s32 $0xFFFF8000  }
0x3b4: {  	s4 =	sor.u32 $0x20, s0;
	v4 =	vld [tilespmem:s1+$0x200]  }
0x3b5: {  	s4 =	sshrl.u32 s4, $0x1;
	v5 =	vld [tilespmem:s1+$0x8200]  }
0x3b6: {  	s8 =	sor.u32 $0x40, s0;
	v7 =	vld [tilespmem:s4+$0x200]  }
0x3b7: {  	s25 =	sshrl.u32 s8, $0x1;
	v8 =	vld [tilespmem:s4+$0x8200]  }
0x3b8: {  	s26 =	sor.u32 $0x60, s0;
	v9 =	vld [tilespmem:s25+$0x200]  }
0x3b9: {  	s23 =	sshrl.u32 s26, $0x1;
	v10 =	vld [tilespmem:s25+$0x8200]  }
0x3ba: {  	s29 =	sor.u32 $0x80, s0;
	v3 =	vld [tilespmem:s23+$0x200]  }
0x3bb: {  	s19 =	sshrl.u32 s29, $0x1;
	v6 =	vld [tilespmem:s23+$0x8200];
	v5 =	vadd.bf16 v5, v4  }
0x3bc: {  	s28 =	simm.s32 $0x100;
	s30 =	sor.u32 $0xA0, s0;
	v8 =	vadd.bf16 v8, v7;
	v4 =	vld [tilespmem:s19+$0x200]  }
0x3bd: {  	s24 =	simm.s32 $0x0;
	s31 =	sor.u32 $0xC0, s0;
	s20 =	sshrl.u32 s30, $0x1;
	v7 =	vld [tilespmem:s19+$0x8200];
	[tilespmem:s1+$0x200] =	vst v5  }
0x3be: {  	s18 =	sshrl.u32 s0, $0x1;
	s22 =	sshrl.u32 s31, $0x1;
	s26 =	simm.s32 $0x800;
	[tilespmem:s4+$0x200] =	vst v8;
	v8 =	vadd.bf16 v10, v9;
	v5 =	vld [tilespmem:s20+$0x200]  }
.LBB2_18:
0x3bf: {  	s0 =	sand.u32 $0xC000, s28;
	s1 =	sand.u32 $0x3800, s26;
	v9 =	vld [tilespmem:s20+$0x8200];
	s17 =	sadd.s32 $0x20, s17  }
0x3c0: {  	s24 =	sadd.s32 $0x8, s24;
	s0 =	sor.u32 s1, s0;
	s1 =	sand.u32 $0x700, s17;
	[tilespmem:s25+$0x200] =	vst v8;
	v3 =	vadd.bf16 v6, v3;
	v6 =	vld [tilespmem:s22+$0x200]  }
0x3c1: {  	p0 =	slt.u32 s24, $0x7F8;
	s0 =	sor.u32 s1, s0;
	v8 =	vld [tilespmem:s22+$0x8200]  }
0x3c2: {  	s1 =	sor.u32 $0x20, s0;
	s4 =	sor.u32 $0x40, s0;
	s8 =	sor.u32 $0xE0, s0;
	v10 =	vld [tilespmem:s18+$0x200];
	[tilespmem:s23+$0x200] =	vst v3;
	v3 =	vadd.bf16 v7, v4  }
0x3c3: {  	s23 =	sor.u32 $0x60, s0;
	s29 =	sor.u32 $0x80, s0;
	s8 =	sshrl.u32 s8, $0x1;
	v4 =	vld [tilespmem:s18+$0x8200]  }
0x3c4: {  	s30 =	sor.u32 $0xA0, s0;
	s31 =	sor.u32 $0xC0, s0;
	s1 =	sshrl.u32 s1, $0x1;
	v7 =	vld [tilespmem:s8+$0x200];
	[tilespmem:s19+$0x200] =	vst v3;
	v3 =	vadd.bf16 v9, v5  }
0x3c5: {  	s25 =	sshrl.u32 s4, $0x1;
	s23 =	sshrl.u32 s23, $0x1;
	s19 =	sshrl.u32 s29, $0x1;
	v5 =	vld [tilespmem:s8+$0x8200]  }
0x3c6: {  	s0 =	sshrl.u32 s0, $0x1;
	s4 =	sshrl.u32 s31, $0x1;
	v9 =	vld [tilespmem:s1+$0x200];
	[tilespmem:s20+$0x200] =	vst v3;
	s20 =	sshrl.u32 s30, $0x1;
	v3 =	vadd.bf16 v8, v6  }
0x3c7: {  	v8 =	vld [tilespmem:s1+$0x8200]  }
0x3c8: {  	v11 =	vld [tilespmem:s25+$0x200];
	v4 =	vadd.bf16 v4, v10;
	[tilespmem:s22+$0x200] =	vst v3;
	s22 =	smov.u32 s4  }
0x3c9: {  	v10 =	vld [tilespmem:s25+$0x8200]  }
.Ltmp8:
0x3ca: {  	v3 =	vld [tilespmem:s23+$0x200];
	v5 =	vadd.bf16 v5, v7;
	[tilespmem:s18+$0x200] =	vst v4;
	s18 =	smov.u32 s0;
	(pc) =	sbr.rel @p0 .LBB2_18-.Ltmp8, $4  }
0x3cb: {  	v6 =	vld [tilespmem:s23+$0x8200]  }
0x3cc: {  	v8 =	vadd.bf16 v8, v9;
	v4 =	vld [tilespmem:s19+$0x200];
	[tilespmem:s8+$0x200] =	vst v5  }
0x3cd: {  	v7 =	vld [tilespmem:s19+$0x8200]  }
0x3ce: {  	s26 =	sadd.s32 $0x800, s26;
	s28 =	sadd.s32 $0x100, s28;
	[tilespmem:s1+$0x200] =	vst v8;
	v8 =	vadd.bf16 v10, v11;
	v5 =	vld [tilespmem:s20+$0x200]  }
0x3cf: {  	v9 =	vld [tilespmem:s20+$0x8200]  }
0x3d0: {  	v10 =	vld [tilespmem:s22+$0x200]  }
0x3d1: {  	v11 =	vld [tilespmem:s22+$0x8200]  }
0x3d2: {  	v12 =	vld [tilespmem:s18+$0x200]  }
0x3d3: {  	v13 =	vld [tilespmem:s18+$0x8200]  }
0x3d4: {  	v3 =	vadd.bf16 v6, v3  }
0x3d5: {  	[tilespmem:s25+$0x200] =	vst v8;
	v4 =	vadd.bf16 v7, v4  }
0x3d6: {  	[tilespmem:s23+$0x200] =	vst v3;
	v3 =	vadd.bf16 v9, v5  }
0x3d7: {  	[tilespmem:s19+$0x200] =	vst v4;
	v4 =	vadd.bf16 v11, v10  }
0x3d8: {  	[tilespmem:s20+$0x200] =	vst v3;
	v3 =	vadd.bf16 v13, v12  }
0x3d9: {  	[tilespmem:s22+$0x200] =	vst v4  }
0x3da: {  	[tilespmem:s18+$0x200] =	vst v3  }
0x3db: {  	s17 =	simm.s32 $0x0;
	s0 =	rddreg [dreg:$0x5]  }
0x3dc: {  	[hbm4b:s0+s17] =	stream.linear.scatter [tilespmem:s14], [sflag:$0x4], $0x8000, $0x38;
	[tilespmem:$0x18200] =	vst v63  }
0x3dd: {  	_ =	swait.ge [sflag:s15], $0x8000  }
0x3de: {  	[sflag:s15] =	ssyncset.done $0x0  }
0x3df: {  	[sflag:s15] =	ssyncadd.s32 $0xFFFF8000  }
0x3e0: {  	v3 =	vld [tilespmem:$0x60];
	_ =	sdelay $0x4  }
0x3e1: {  	v4 =	vshll.u32 v3, $0x3  }
0x3e2: {  	v3 =	vand.u32 $0x7, v3;
	v4 =	vand.u32 $0xFFFFFFC0, v4  }
0x3e3: {  	v3 =	vor.u32 v3, v4  }
0x3e4: {  	v4 =	vperm.xlane v3, v0;
	_ =	sdelay $0x1  }
0x3e5: {  	v4 =	vadd.s32 v1, v4;
	_ =	sdelay $0x4  }
0x3e6: {  	[tilespmem:s14], [sflag:$0x3] =	stream.indirect_vreg.gather [hbm4b:s3+s17], $0x80, v4, vm0, $0xb8;
	[tilespmem:$0x18200] =	vst v63  }
0x3e7: {  	s20 =	simm.s32 $0xA00;
	v3 =	vperm.xlane v3, v2  }
0x3e8: {  	[tilespmem:s20], [sflag:$0x3] =	stream.indirect_vreg.gather [hbm4b:s5+s17], $0x80, v4, vm0, $0xb8;
	[tilespmem:$0x18200] =	vst v63  }
0x3e9: {  	s22 =	simm.s32 $0x1200;
	v3 =	vadd.s32 v1, v3  }
0x3ea: {  	[tilespmem:s22], [sflag:$0x3] =	stream.indirect_vreg.gather [hbm4b:s6+s17], $0x80, v4, vm0, $0xb8;
	[tilespmem:$0x18200] =	vst v63  }
0x3eb: {  	s23 =	simm.s32 $0x1A00  }
0x3ec: {  	[tilespmem:s23], [sflag:$0x3] =	stream.indirect_vreg.gather [hbm4b:s7+s17], $0x80, v4, vm0, $0xb8;
	[tilespmem:$0x18200] =	vst v63  }
0x3ed: {  	s24 =	simm.s32 $0x2200  }
0x3ee: {  	[tilespmem:s24], [sflag:$0x3] =	stream.indirect_vreg.gather [hbm4b:s3+s17], $0x80, v3, vm0, $0xb8;
	[tilespmem:$0x18200] =	vst v63  }
0x3ef: {  	s25 =	simm.s32 $0x2A00  }
0x3f0: {  	[tilespmem:s25], [sflag:$0x3] =	stream.indirect_vreg.gather [hbm4b:s5+s17], $0x80, v3, vm0, $0xb8;
	[tilespmem:$0x18200] =	vst v63  }
0x3f1: {  	s26 =	simm.s32 $0x3200  }
0x3f2: {  	[tilespmem:s26], [sflag:$0x3] =	stream.indirect_vreg.gather [hbm4b:s6+s17], $0x80, v3, vm0, $0xb8;
	[tilespmem:$0x18200] =	vst v63  }
0x3f3: {  	s29 =	simm.s32 $0x3A00  }
0x3f4: {  	[tilespmem:s29], [sflag:$0x3] =	stream.indirect_vreg.gather [hbm4b:s7+s17], $0x80, v3, vm0, $0xb8;
	[tilespmem:$0x18200] =	vst v63  }
0x3f5: {  	v3 =	vld [tilespmem:$0x70];
	_ =	sdelay $0x4  }
0x3f6: {  	v4 =	vshll.u32 v3, $0x3  }
0x3f7: {  	v3 =	vand.u32 $0x7, v3;
	v4 =	vand.u32 $0xFFFFFFC0, v4  }
0x3f8: {  	v3 =	vor.u32 v3, v4  }
0x3f9: {  	v4 =	vperm.xlane v3, v0;
	_ =	sdelay $0x1  }
0x3fa: {  	v4 =	vadd.s32 v1, v4;
	_ =	sdelay $0x3  }
0x3fb: {  	s30 =	simm.s32 $0x4200  }
0x3fc: {  	[tilespmem:s30], [sflag:$0x3] =	stream.indirect_vreg.gather [hbm4b:s3+s17], $0x80, v4, vm0, $0xb8;
	[tilespmem:$0x18200] =	vst v63  }
0x3fd: {  	s31 =	simm.s32 $0x4A00;
	v3 =	vperm.xlane v3, v2  }
0x3fe: {  	[tilespmem:s31], [sflag:$0x3] =	stream.indirect_vreg.gather [hbm4b:s5+s17], $0x80, v4, vm0, $0xb8;
	[tilespmem:$0x18200] =	vst v63  }
0x3ff: {  	s1 =	simm.s32 $0x5200;
	v3 =	vadd.s32 v1, v3  }
0x400: {  	[tilespmem:s1], [sflag:$0x3] =	stream.indirect_vreg.gather [hbm4b:s6+s17], $0x80, v4, vm0, $0xb8;
	[tilespmem:$0x18200] =	vst v63  }
0x401: {  	s4 =	simm.s32 $0x5A00  }
0x402: {  	[tilespmem:s4], [sflag:$0x3] =	stream.indirect_vreg.gather [hbm4b:s7+s17], $0x80, v4, vm0, $0xb8;
	[tilespmem:$0x18200] =	vst v63  }
0x403: {  	s8 =	simm.s32 $0x6200  }
0x404: {  	[tilespmem:s8], [sflag:$0x3] =	stream.indirect_vreg.gather [hbm4b:s3+s17], $0x80, v3, vm0, $0xb8;
	[tilespmem:$0x18200] =	vst v63  }
0x405: {  	s18 =	simm.s32 $0x6A00  }
0x406: {  	[tilespmem:s18], [sflag:$0x3] =	stream.indirect_vreg.gather [hbm4b:s5+s17], $0x80, v3, vm0, $0xb8;
	[tilespmem:$0x18200] =	vst v63  }
0x407: {  	s19 =	simm.s32 $0x7200  }
0x408: {  	[tilespmem:s19], [sflag:$0x3] =	stream.indirect_vreg.gather [hbm4b:s6+s17], $0x80, v3, vm0, $0xb8;
	[tilespmem:$0x18200] =	vst v63  }
0x409: {  	s20 =	simm.s32 $0x7A00  }
0x40a: {  	[tilespmem:s20], [sflag:$0x3] =	stream.indirect_vreg.gather [hbm4b:s7+s17], $0x80, v3, vm0, $0xb8;
	[tilespmem:$0x18200] =	vst v63  }
0x40b: {  	_ =	swait.ge [sflag:s21], $0x8000  }
0x40c: {  	[sflag:s21] =	ssyncset.done $0x0  }
0x40d: {  	[sflag:s21] =	ssyncadd.s32 $0xFFFF8000  }
0x40e: {  	v3 =	vld [tilespmem:$0x160];
	_ =	sdelay $0x4  }
0x40f: {  	v4 =	vshll.u32 v3, $0x3  }
0x410: {  	v3 =	vand.u32 $0x7, v3;
	v4 =	vand.u32 $0xFFFFFFC0, v4  }
0x411: {  	v3 =	vor.u32 v3, v4  }
0x412: {  	v4 =	vperm.xlane v3, v0;
	_ =	sdelay $0x1  }
0x413: {  	v4 =	vadd.s32 v1, v4;
	_ =	sdelay $0x3  }
0x414: {  	s22 =	simm.s32 $0x8200  }
0x415: {  	[tilespmem:s22], [sflag:$0x1] =	stream.indirect_vreg.gather [hbm4b:s3+s17], $0x80, v4, vm0, $0xb8;
	[tilespmem:$0x18200] =	vst v63  }
0x416: {  	s23 =	simm.s32 $0x8A00;
	v3 =	vperm.xlane v3, v2  }
0x417: {  	[tilespmem:s23], [sflag:$0x1] =	stream.indirect_vreg.gather [hbm4b:s5+s17], $0x80, v4, vm0, $0xb8;
	[tilespmem:$0x18200] =	vst v63  }
0x418: {  	s24 =	simm.s32 $0x9200;
	v3 =	vadd.s32 v1, v3  }
0x419: {  	[tilespmem:s24], [sflag:$0x1] =	stream.indirect_vreg.gather [hbm4b:s6+s17], $0x80, v4, vm0, $0xb8;
	[tilespmem:$0x18200] =	vst v63  }
0x41a: {  	s25 =	simm.s32 $0x9A00  }
0x41b: {  	[tilespmem:s25], [sflag:$0x1] =	stream.indirect_vreg.gather [hbm4b:s7+s17], $0x80, v4, vm0, $0xb8;
	[tilespmem:$0x18200] =	vst v63  }
0x41c: {  	s26 =	simm.s32 $0xA200  }
0x41d: {  	[tilespmem:s26], [sflag:$0x1] =	stream.indirect_vreg.gather [hbm4b:s3+s17], $0x80, v3, vm0, $0xb8;
	[tilespmem:$0x18200] =	vst v63  }
0x41e: {  	s29 =	simm.s32 $0xAA00  }
0x41f: {  	[tilespmem:s29], [sflag:$0x1] =	stream.indirect_vreg.gather [hbm4b:s5+s17], $0x80, v3, vm0, $0xb8;
	[tilespmem:$0x18200] =	vst v63  }
0x420: {  	s30 =	simm.s32 $0xB200  }
0x421: {  	[tilespmem:s30], [sflag:$0x1] =	stream.indirect_vreg.gather [hbm4b:s6+s17], $0x80, v3, vm0, $0xb8;
	[tilespmem:$0x18200] =	vst v63  }
0x422: {  	s31 =	simm.s32 $0xBA00  }
0x423: {  	[tilespmem:s31], [sflag:$0x1] =	stream.indirect_vreg.gather [hbm4b:s7+s17], $0x80, v3, vm0, $0xb8;
	[tilespmem:$0x18200] =	vst v63  }
0x424: {  	v3 =	vld [tilespmem:$0x170];
	_ =	sdelay $0x4  }
0x425: {  	v4 =	vshll.u32 v3, $0x3  }
0x426: {  	v3 =	vand.u32 $0x7, v3;
	v4 =	vand.u32 $0xFFFFFFC0, v4  }
0x427: {  	v3 =	vor.u32 v3, v4  }
0x428: {  	v4 =	vperm.xlane v3, v0;
	_ =	sdelay $0x1  }
0x429: {  	v4 =	vadd.s32 v1, v4;
	_ =	sdelay $0x3  }
0x42a: {  	s1 =	simm.s32 $0xC200  }
0x42b: {  	[tilespmem:s1], [sflag:$0x1] =	stream.indirect_vreg.gather [hbm4b:s3+s17], $0x80, v4, vm0, $0xb8;
	[tilespmem:$0x18200] =	vst v63  }
0x42c: {  	s4 =	simm.s32 $0xCA00;
	v3 =	vperm.xlane v3, v2  }
0x42d: {  	[tilespmem:s4], [sflag:$0x1] =	stream.indirect_vreg.gather [hbm4b:s5+s17], $0x80, v4, vm0, $0xb8;
	[tilespmem:$0x18200] =	vst v63  }
0x42e: {  	s8 =	simm.s32 $0xD200;
	v3 =	vadd.s32 v1, v3  }
0x42f: {  	[tilespmem:s8], [sflag:$0x1] =	stream.indirect_vreg.gather [hbm4b:s6+s17], $0x80, v4, vm0, $0xb8;
	[tilespmem:$0x18200] =	vst v63  }
0x430: {  	s18 =	simm.s32 $0xDA00  }
0x431: {  	[tilespmem:s18], [sflag:$0x1] =	stream.indirect_vreg.gather [hbm4b:s7+s17], $0x80, v4, vm0, $0xb8;
	[tilespmem:$0x18200] =	vst v63  }
0x432: {  	s19 =	simm.s32 $0xE200  }
0x433: {  	[tilespmem:s19], [sflag:$0x1] =	stream.indirect_vreg.gather [hbm4b:s3+s17], $0x80, v3, vm0, $0xb8;
	[tilespmem:$0x18200] =	vst v63  }
0x434: {  	s20 =	simm.s32 $0xEA00  }
0x435: {  	[tilespmem:s20], [sflag:$0x1] =	stream.indirect_vreg.gather [hbm4b:s5+s17], $0x80, v3, vm0, $0xb8;
	[tilespmem:$0x18200] =	vst v63  }
0x436: {  	s22 =	simm.s32 $0xF200;
	s24 =	sand.u32 $0xC000, s17;
	s1 =	sand.u32 $0x3800, s17  }
0x437: {  	[tilespmem:s22], [sflag:$0x1] =	stream.indirect_vreg.gather [hbm4b:s6+s17], $0x80, v3, vm0, $0xb8;
	[tilespmem:$0x18200] =	vst v63  }
0x438: {  	s23 =	simm.s32 $0xFA00;
	s25 =	sand.u32 $0x700, s17;
	s0 =	sor.u32 s1, s24  }
0x439: {  	[tilespmem:s23], [sflag:$0x1] =	stream.indirect_vreg.gather [hbm4b:s7+s17], $0x80, v3, vm0, $0xb8;
	[tilespmem:$0x18200] =	vst v63  }
0x43a: {  	s0 =	sor.u32 s25, s0;
	_ =	swait.ge [sflag:s13], $0x8000  }
0x43b: {  	s1 =	sor.u32 $0xE0, s0;
	[sflag:s13] =	ssyncset.done $0x0  }
0x43c: {  	s1 =	sshrl.u32 s1, $0x1;
	[sflag:s13] =	ssyncadd.s32 $0xFFFF8000  }
0x43d: {  	s4 =	sor.u32 $0x20, s0;
	v4 =	vld [tilespmem:s1+$0x200]  }
0x43e: {  	s4 =	sshrl.u32 s4, $0x1;
	v5 =	vld [tilespmem:s1+$0x10200]  }
0x43f: {  	s8 =	sor.u32 $0x40, s0;
	v7 =	vld [tilespmem:s4+$0x200]  }
0x440: {  	s25 =	sshrl.u32 s8, $0x1;
	v8 =	vld [tilespmem:s4+$0x10200]  }
0x441: {  	s26 =	sor.u32 $0x60, s0;
	v9 =	vld [tilespmem:s25+$0x200]  }
0x442: {  	s23 =	sshrl.u32 s26, $0x1;
	v10 =	vld [tilespmem:s25+$0x10200]  }
0x443: {  	s29 =	sor.u32 $0x80, s0;
	v3 =	vld [tilespmem:s23+$0x200]  }
0x444: {  	s19 =	sshrl.u32 s29, $0x1;
	v6 =	vld [tilespmem:s23+$0x10200];
	v5 =	vadd.bf16 v5, v4  }
0x445: {  	s28 =	simm.s32 $0x100;
	s30 =	sor.u32 $0xA0, s0;
	v8 =	vadd.bf16 v8, v7;
	v4 =	vld [tilespmem:s19+$0x200]  }
0x446: {  	s24 =	simm.s32 $0x0;
	s31 =	sor.u32 $0xC0, s0;
	s20 =	sshrl.u32 s30, $0x1;
	v7 =	vld [tilespmem:s19+$0x10200];
	[tilespmem:s1+$0x200] =	vst v5  }
0x447: {  	s18 =	sshrl.u32 s0, $0x1;
	s22 =	sshrl.u32 s31, $0x1;
	s26 =	simm.s32 $0x800;
	[tilespmem:s4+$0x200] =	vst v8;
	v8 =	vadd.bf16 v10, v9;
	v5 =	vld [tilespmem:s20+$0x200]  }
.LBB2_20:
0x448: {  	s0 =	sand.u32 $0xC000, s28;
	s1 =	sand.u32 $0x3800, s26;
	v9 =	vld [tilespmem:s20+$0x10200];
	s17 =	sadd.s32 $0x20, s17  }
0x449: {  	s24 =	sadd.s32 $0x8, s24;
	s0 =	sor.u32 s1, s0;
	s1 =	sand.u32 $0x700, s17;
	[tilespmem:s25+$0x200] =	vst v8;
	v3 =	vadd.bf16 v6, v3;
	v6 =	vld [tilespmem:s22+$0x200]  }
0x44a: {  	p0 =	slt.u32 s24, $0x7F8;
	s0 =	sor.u32 s1, s0;
	v8 =	vld [tilespmem:s22+$0x10200]  }
0x44b: {  	s1 =	sor.u32 $0x20, s0;
	s4 =	sor.u32 $0x40, s0;
	s8 =	sor.u32 $0xE0, s0;
	v10 =	vld [tilespmem:s18+$0x200];
	[tilespmem:s23+$0x200] =	vst v3;
	v3 =	vadd.bf16 v7, v4  }
0x44c: {  	s23 =	sor.u32 $0x60, s0;
	s29 =	sor.u32 $0x80, s0;
	s8 =	sshrl.u32 s8, $0x1;
	v4 =	vld [tilespmem:s18+$0x10200]  }
0x44d: {  	s30 =	sor.u32 $0xA0, s0;
	s31 =	sor.u32 $0xC0, s0;
	s1 =	sshrl.u32 s1, $0x1;
	v7 =	vld [tilespmem:s8+$0x200];
	[tilespmem:s19+$0x200] =	vst v3;
	v3 =	vadd.bf16 v9, v5  }
0x44e: {  	s25 =	sshrl.u32 s4, $0x1;
	s23 =	sshrl.u32 s23, $0x1;
	s19 =	sshrl.u32 s29, $0x1;
	v5 =	vld [tilespmem:s8+$0x10200]  }
0x44f: {  	s0 =	sshrl.u32 s0, $0x1;
	s4 =	sshrl.u32 s31, $0x1;
	v9 =	vld [tilespmem:s1+$0x200];
	[tilespmem:s20+$0x200] =	vst v3;
	s20 =	sshrl.u32 s30, $0x1;
	v3 =	vadd.bf16 v8, v6  }
0x450: {  	v8 =	vld [tilespmem:s1+$0x10200]  }
0x451: {  	v11 =	vld [tilespmem:s25+$0x200];
	v4 =	vadd.bf16 v4, v10;
	[tilespmem:s22+$0x200] =	vst v3;
	s22 =	smov.u32 s4  }
0x452: {  	v10 =	vld [tilespmem:s25+$0x10200]  }
.Ltmp9:
0x453: {  	v3 =	vld [tilespmem:s23+$0x200];
	v5 =	vadd.bf16 v5, v7;
	[tilespmem:s18+$0x200] =	vst v4;
	s18 =	smov.u32 s0;
	(pc) =	sbr.rel @p0 .LBB2_20-.Ltmp9, $4  }
0x454: {  	v6 =	vld [tilespmem:s23+$0x10200]  }
0x455: {  	v8 =	vadd.bf16 v8, v9;
	v4 =	vld [tilespmem:s19+$0x200];
	[tilespmem:s8+$0x200] =	vst v5  }
0x456: {  	v7 =	vld [tilespmem:s19+$0x10200]  }
0x457: {  	s26 =	sadd.s32 $0x800, s26;
	s28 =	sadd.s32 $0x100, s28;
	[tilespmem:s1+$0x200] =	vst v8;
	v8 =	vadd.bf16 v10, v11;
	v5 =	vld [tilespmem:s20+$0x200]  }
0x458: {  	v9 =	vld [tilespmem:s20+$0x10200]  }
0x459: {  	v10 =	vld [tilespmem:s22+$0x200]  }
0x45a: {  	v11 =	vld [tilespmem:s22+$0x10200]  }
0x45b: {  	v12 =	vld [tilespmem:s18+$0x200]  }
0x45c: {  	v13 =	vld [tilespmem:s18+$0x10200]  }
0x45d: {  	v3 =	vadd.bf16 v6, v3  }
0x45e: {  	[tilespmem:s25+$0x200] =	vst v8;
	v4 =	vadd.bf16 v7, v4  }
0x45f: {  	[tilespmem:s23+$0x200] =	vst v3;
	v3 =	vadd.bf16 v9, v5  }
0x460: {  	[tilespmem:s19+$0x200] =	vst v4;
	v4 =	vadd.bf16 v11, v10  }
0x461: {  	[tilespmem:s20+$0x200] =	vst v3;
	v3 =	vadd.bf16 v13, v12  }
0x462: {  	[tilespmem:s22+$0x200] =	vst v4  }
0x463: {  	[tilespmem:s18+$0x200] =	vst v3  }
0x464: {  	v3 =	vld [tilespmem:$0x1E0];
	_ =	sdelay $0x4  }
0x465: {  	v4 =	vshll.u32 v3, $0x3  }
0x466: {  	v3 =	vand.u32 $0x7, v3;
	v4 =	vand.u32 $0xFFFFFFC0, v4  }
0x467: {  	v3 =	vor.u32 v3, v4  }
0x468: {  	v4 =	vperm.xlane v3, v0;
	_ =	sdelay $0x1  }
0x469: {  	v4 =	vadd.s32 v1, v4;
	_ =	sdelay $0x3  }
0x46a: {  	s17 =	simm.s32 $0x0;
	s0 =	simm.s32 $0x10200  }
0x46b: {  	[tilespmem:s0], [sflag:$0x2] =	stream.indirect_vreg.gather [hbm4b:s3+s17], $0x80, v4, vm0, $0xb8;
	[tilespmem:$0x18200] =	vst v63  }
0x46c: {  	s26 =	simm.s32 $0x10A00;
	v3 =	vperm.xlane v3, v2  }
0x46d: {  	[tilespmem:s26], [sflag:$0x2] =	stream.indirect_vreg.gather [hbm4b:s5+s17], $0x80, v4, vm0, $0xb8;
	[tilespmem:$0x18200] =	vst v63  }
0x46e: {  	s29 =	simm.s32 $0x11200;
	v3 =	vadd.s32 v1, v3  }
0x46f: {  	[tilespmem:s29], [sflag:$0x2] =	stream.indirect_vreg.gather [hbm4b:s6+s17], $0x80, v4, vm0, $0xb8;
	[tilespmem:$0x18200] =	vst v63  }
0x470: {  	s30 =	simm.s32 $0x11A00  }
0x471: {  	[tilespmem:s30], [sflag:$0x2] =	stream.indirect_vreg.gather [hbm4b:s7+s17], $0x80, v4, vm0, $0xb8;
	[tilespmem:$0x18200] =	vst v63  }
0x472: {  	s31 =	simm.s32 $0x12200  }
0x473: {  	[tilespmem:s31], [sflag:$0x2] =	stream.indirect_vreg.gather [hbm4b:s3+s17], $0x80, v3, vm0, $0xb8;
	[tilespmem:$0x18200] =	vst v63  }
0x474: {  	s1 =	simm.s32 $0x12A00  }
0x475: {  	[tilespmem:s1], [sflag:$0x2] =	stream.indirect_vreg.gather [hbm4b:s5+s17], $0x80, v3, vm0, $0xb8;
	[tilespmem:$0x18200] =	vst v63  }
0x476: {  	s4 =	simm.s32 $0x13200  }
0x477: {  	[tilespmem:s4], [sflag:$0x2] =	stream.indirect_vreg.gather [hbm4b:s6+s17], $0x80, v3, vm0, $0xb8;
	[tilespmem:$0x18200] =	vst v63  }
0x478: {  	s8 =	simm.s32 $0x13A00  }
0x479: {  	[tilespmem:s8], [sflag:$0x2] =	stream.indirect_vreg.gather [hbm4b:s7+s17], $0x80, v3, vm0, $0xb8;
	[tilespmem:$0x18200] =	vst v63  }
0x47a: {  	v3 =	vld [tilespmem:$0x1F0];
	_ =	sdelay $0x4  }
0x47b: {  	v4 =	vshll.u32 v3, $0x3  }
0x47c: {  	v3 =	vand.u32 $0x7, v3;
	v4 =	vand.u32 $0xFFFFFFC0, v4  }
0x47d: {  	v3 =	vor.u32 v3, v4  }
0x47e: {  	v4 =	vperm.xlane v3, v0;
	_ =	sdelay $0x1  }
0x47f: {  	v4 =	vadd.s32 v1, v4;
	_ =	sdelay $0x3  }
0x480: {  	s18 =	simm.s32 $0x14200  }
0x481: {  	[tilespmem:s18], [sflag:$0x2] =	stream.indirect_vreg.gather [hbm4b:s3+s17], $0x80, v4, vm0, $0xb8;
	[tilespmem:$0x18200] =	vst v63  }
0x482: {  	s19 =	simm.s32 $0x14A00;
	v3 =	vperm.xlane v3, v2  }
0x483: {  	[tilespmem:s19], [sflag:$0x2] =	stream.indirect_vreg.gather [hbm4b:s5+s17], $0x80, v4, vm0, $0xb8;
	[tilespmem:$0x18200] =	vst v63  }
0x484: {  	s20 =	simm.s32 $0x15200;
	v3 =	vadd.s32 v1, v3  }
0x485: {  	[tilespmem:s20], [sflag:$0x2] =	stream.indirect_vreg.gather [hbm4b:s6+s17], $0x80, v4, vm0, $0xb8;
	[tilespmem:$0x18200] =	vst v63  }
0x486: {  	s22 =	simm.s32 $0x15A00  }
0x487: {  	[tilespmem:s22], [sflag:$0x2] =	stream.indirect_vreg.gather [hbm4b:s7+s17], $0x80, v4, vm0, $0xb8;
	[tilespmem:$0x18200] =	vst v63  }
0x488: {  	s23 =	simm.s32 $0x16200  }
0x489: {  	[tilespmem:s23], [sflag:$0x2] =	stream.indirect_vreg.gather [hbm4b:s3+s17], $0x80, v3, vm0, $0xb8;
	[tilespmem:$0x18200] =	vst v63  }
0x48a: {  	_ = 	snop  }
0x48b: {  	[tilespmem:s9], [sflag:$0x2] =	stream.indirect_vreg.gather [hbm4b:s5+s17], $0x80, v3, vm0, $0xb8;
	[tilespmem:$0x18200] =	vst v63  }
0x48c: {  	s24 =	sand.u32 $0xC000, s17;
	s1 =	sand.u32 $0x3800, s17  }
0x48d: {  	[tilespmem:s10], [sflag:$0x2] =	stream.indirect_vreg.gather [hbm4b:s6+s17], $0x80, v3, vm0, $0xb8;
	[tilespmem:$0x18200] =	vst v63  }
0x48e: {  	s25 =	sand.u32 $0x700, s17;
	s0 =	sor.u32 s1, s24  }
0x48f: {  	[tilespmem:s11], [sflag:$0x2] =	stream.indirect_vreg.gather [hbm4b:s7+s17], $0x80, v3, vm0, $0xb8;
	[tilespmem:$0x18200] =	vst v63  }
0x490: {  	s0 =	sor.u32 s25, s0;
	_ =	swait.ge [sflag:s12], $0x8000  }
0x491: {  	s1 =	sor.u32 $0xE0, s0;
	[sflag:s12] =	ssyncset.done $0x0  }
0x492: {  	s1 =	sshrl.u32 s1, $0x1;
	[sflag:s12] =	ssyncadd.s32 $0xFFFF8000  }
0x493: {  	s4 =	sor.u32 $0x20, s0;
	v4 =	vld [tilespmem:s1+$0x200]  }
0x494: {  	s4 =	sshrl.u32 s4, $0x1;
	v5 =	vld [tilespmem:s1+$0x8200]  }
0x495: {  	s8 =	sor.u32 $0x40, s0;
	v7 =	vld [tilespmem:s4+$0x200]  }
0x496: {  	s25 =	sshrl.u32 s8, $0x1;
	v8 =	vld [tilespmem:s4+$0x8200]  }
0x497: {  	s26 =	sor.u32 $0x60, s0;
	v9 =	vld [tilespmem:s25+$0x200]  }
0x498: {  	s23 =	sshrl.u32 s26, $0x1;
	v10 =	vld [tilespmem:s25+$0x8200]  }
0x499: {  	s29 =	sor.u32 $0x80, s0;
	v3 =	vld [tilespmem:s23+$0x200]  }
0x49a: {  	s19 =	sshrl.u32 s29, $0x1;
	v6 =	vld [tilespmem:s23+$0x8200];
	v5 =	vadd.bf16 v5, v4  }
0x49b: {  	s28 =	simm.s32 $0x100;
	s30 =	sor.u32 $0xA0, s0;
	v8 =	vadd.bf16 v8, v7;
	v4 =	vld [tilespmem:s19+$0x200]  }
0x49c: {  	s24 =	simm.s32 $0x0;
	s31 =	sor.u32 $0xC0, s0;
	s22 =	sshrl.u32 s30, $0x1;
	v7 =	vld [tilespmem:s19+$0x8200];
	[tilespmem:s1+$0x200] =	vst v5  }
0x49d: {  	s18 =	sshrl.u32 s0, $0x1;
	s20 =	sshrl.u32 s31, $0x1;
	s26 =	simm.s32 $0x800;
	[tilespmem:s4+$0x200] =	vst v8;
	v8 =	vadd.bf16 v10, v9;
	v5 =	vld [tilespmem:s22+$0x200]  }
.LBB2_22:
0x49e: {  	s0 =	sand.u32 $0xC000, s28;
	s1 =	sand.u32 $0x3800, s26;
	v9 =	vld [tilespmem:s22+$0x8200];
	s17 =	sadd.s32 $0x20, s17  }
0x49f: {  	s24 =	sadd.s32 $0x8, s24;
	s0 =	sor.u32 s1, s0;
	s1 =	sand.u32 $0x700, s17;
	[tilespmem:s25+$0x200] =	vst v8;
	v3 =	vadd.bf16 v6, v3;
	v6 =	vld [tilespmem:s20+$0x200]  }
0x4a0: {  	p0 =	slt.u32 s24, $0x7F8;
	s0 =	sor.u32 s1, s0;
	v8 =	vld [tilespmem:s20+$0x8200]  }
0x4a1: {  	s1 =	sor.u32 $0x20, s0;
	s4 =	sor.u32 $0x40, s0;
	s8 =	sor.u32 $0xE0, s0;
	v10 =	vld [tilespmem:s18+$0x200];
	[tilespmem:s23+$0x200] =	vst v3;
	v3 =	vadd.bf16 v7, v4  }
0x4a2: {  	s23 =	sor.u32 $0x60, s0;
	s29 =	sor.u32 $0x80, s0;
	s8 =	sshrl.u32 s8, $0x1;
	v4 =	vld [tilespmem:s18+$0x8200]  }
0x4a3: {  	s30 =	sor.u32 $0xA0, s0;
	s31 =	sor.u32 $0xC0, s0;
	s1 =	sshrl.u32 s1, $0x1;
	v7 =	vld [tilespmem:s8+$0x200];
	[tilespmem:s19+$0x200] =	vst v3;
	v3 =	vadd.bf16 v9, v5  }
0x4a4: {  	s25 =	sshrl.u32 s4, $0x1;
	s23 =	sshrl.u32 s23, $0x1;
	s19 =	sshrl.u32 s29, $0x1;
	v5 =	vld [tilespmem:s8+$0x8200]  }
0x4a5: {  	s0 =	sshrl.u32 s0, $0x1;
	s4 =	sshrl.u32 s31, $0x1;
	v9 =	vld [tilespmem:s1+$0x200];
	[tilespmem:s22+$0x200] =	vst v3;
	s22 =	sshrl.u32 s30, $0x1;
	v3 =	vadd.bf16 v8, v6  }
0x4a6: {  	v8 =	vld [tilespmem:s1+$0x8200]  }
0x4a7: {  	v11 =	vld [tilespmem:s25+$0x200];
	v4 =	vadd.bf16 v4, v10;
	[tilespmem:s20+$0x200] =	vst v3;
	s20 =	smov.u32 s4  }
0x4a8: {  	v10 =	vld [tilespmem:s25+$0x8200]  }
.Ltmp10:
0x4a9: {  	v3 =	vld [tilespmem:s23+$0x200];
	v5 =	vadd.bf16 v5, v7;
	[tilespmem:s18+$0x200] =	vst v4;
	s18 =	smov.u32 s0;
	(pc) =	sbr.rel @p0 .LBB2_22-.Ltmp10, $4  }
0x4aa: {  	v6 =	vld [tilespmem:s23+$0x8200]  }
0x4ab: {  	v8 =	vadd.bf16 v8, v9;
	v4 =	vld [tilespmem:s19+$0x200];
	[tilespmem:s8+$0x200] =	vst v5  }
0x4ac: {  	v7 =	vld [tilespmem:s19+$0x8200]  }
0x4ad: {  	s26 =	sadd.s32 $0x800, s26;
	s28 =	sadd.s32 $0x100, s28;
	[tilespmem:s1+$0x200] =	vst v8;
	v8 =	vadd.bf16 v10, v11;
	v5 =	vld [tilespmem:s22+$0x200]  }
0x4ae: {  	v9 =	vld [tilespmem:s22+$0x8200]  }
0x4af: {  	v10 =	vld [tilespmem:s20+$0x200]  }
0x4b0: {  	v11 =	vld [tilespmem:s20+$0x8200]  }
0x4b1: {  	v12 =	vld [tilespmem:s18+$0x200]  }
0x4b2: {  	v13 =	vld [tilespmem:s18+$0x8200]  }
0x4b3: {  	v3 =	vadd.bf16 v6, v3  }
0x4b4: {  	[tilespmem:s25+$0x200] =	vst v8;
	v4 =	vadd.bf16 v7, v4  }
0x4b5: {  	[tilespmem:s23+$0x200] =	vst v3;
	v3 =	vadd.bf16 v9, v5  }
0x4b6: {  	[tilespmem:s19+$0x200] =	vst v4;
	v4 =	vadd.bf16 v11, v10  }
0x4b7: {  	s17 =	simm.s32 $0x0;
	[tilespmem:s22+$0x200] =	vst v3;
	v3 =	vadd.bf16 v13, v12  }
0x4b8: {  	s0 =	sand.u32 $0xC000, s17;
	s1 =	sand.u32 $0x3800, s17;
	[tilespmem:s20+$0x200] =	vst v4  }
0x4b9: {  	s25 =	sand.u32 $0x700, s17;
	s0 =	sor.u32 s1, s0;
	[tilespmem:s18+$0x200] =	vst v3  }
0x4ba: {  	s0 =	sor.u32 s25, s0;
	_ =	swait.ge [sflag:s13], $0x8000  }
0x4bb: {  	s1 =	sor.u32 $0xE0, s0;
	[sflag:s13] =	ssyncset.done $0x0  }
0x4bc: {  	s1 =	sshrl.u32 s1, $0x1;
	[sflag:s13] =	ssyncadd.s32 $0xFFFF8000  }
0x4bd: {  	s4 =	sor.u32 $0x20, s0;
	v4 =	vld [tilespmem:s1+$0x200]  }
0x4be: {  	s4 =	sshrl.u32 s4, $0x1;
	v5 =	vld [tilespmem:s1+$0x10200]  }
0x4bf: {  	s8 =	sor.u32 $0x40, s0;
	v7 =	vld [tilespmem:s4+$0x200]  }
0x4c0: {  	s25 =	sshrl.u32 s8, $0x1;
	v8 =	vld [tilespmem:s4+$0x10200]  }
0x4c1: {  	s26 =	sor.u32 $0x60, s0;
	v9 =	vld [tilespmem:s25+$0x200]  }
0x4c2: {  	s23 =	sshrl.u32 s26, $0x1;
	v10 =	vld [tilespmem:s25+$0x10200]  }
0x4c3: {  	s29 =	sor.u32 $0x80, s0;
	v3 =	vld [tilespmem:s23+$0x200]  }
0x4c4: {  	s19 =	sshrl.u32 s29, $0x1;
	v6 =	vld [tilespmem:s23+$0x10200];
	v5 =	vadd.bf16 v5, v4  }
0x4c5: {  	s24 =	simm.s32 $0x0;
	s30 =	sor.u32 $0xA0, s0;
	v8 =	vadd.bf16 v8, v7;
	v4 =	vld [tilespmem:s19+$0x200]  }
0x4c6: {  	s28 =	simm.s32 $0x100;
	s31 =	sor.u32 $0xC0, s0;
	s20 =	sshrl.u32 s30, $0x1;
	v7 =	vld [tilespmem:s19+$0x10200];
	[tilespmem:s1+$0x200] =	vst v5  }
0x4c7: {  	s26 =	simm.s32 $0x800;
	s22 =	sshrl.u32 s31, $0x1;
	s18 =	sshrl.u32 s0, $0x1;
	[tilespmem:s4+$0x200] =	vst v8;
	v8 =	vadd.bf16 v10, v9;
	v5 =	vld [tilespmem:s20+$0x200]  }
.LBB2_24:
0x4c8: {  	s0 =	sand.u32 $0xC000, s28;
	s1 =	sand.u32 $0x3800, s26;
	v9 =	vld [tilespmem:s20+$0x10200];
	s17 =	sadd.s32 $0x20, s17  }
0x4c9: {  	s24 =	sadd.s32 $0x8, s24;
	s0 =	sor.u32 s1, s0;
	s1 =	sand.u32 $0x700, s17;
	[tilespmem:s25+$0x200] =	vst v8;
	v3 =	vadd.bf16 v6, v3;
	v6 =	vld [tilespmem:s22+$0x200]  }
0x4ca: {  	p0 =	slt.u32 s24, $0x7F8;
	s0 =	sor.u32 s1, s0;
	v8 =	vld [tilespmem:s22+$0x10200]  }
0x4cb: {  	s1 =	sor.u32 $0x20, s0;
	s4 =	sor.u32 $0x40, s0;
	s8 =	sor.u32 $0xE0, s0;
	v10 =	vld [tilespmem:s18+$0x200];
	[tilespmem:s23+$0x200] =	vst v3;
	v3 =	vadd.bf16 v7, v4  }
0x4cc: {  	s23 =	sor.u32 $0x60, s0;
	s29 =	sor.u32 $0x80, s0;
	s8 =	sshrl.u32 s8, $0x1;
	v4 =	vld [tilespmem:s18+$0x10200]  }
0x4cd: {  	s30 =	sor.u32 $0xA0, s0;
	s31 =	sor.u32 $0xC0, s0;
	s1 =	sshrl.u32 s1, $0x1;
	v7 =	vld [tilespmem:s8+$0x200];
	[tilespmem:s19+$0x200] =	vst v3;
	v3 =	vadd.bf16 v9, v5  }
0x4ce: {  	s25 =	sshrl.u32 s4, $0x1;
	s23 =	sshrl.u32 s23, $0x1;
	s19 =	sshrl.u32 s29, $0x1;
	v5 =	vld [tilespmem:s8+$0x10200]  }
0x4cf: {  	s0 =	sshrl.u32 s0, $0x1;
	s4 =	sshrl.u32 s31, $0x1;
	v9 =	vld [tilespmem:s1+$0x200];
	[tilespmem:s20+$0x200] =	vst v3;
	s20 =	sshrl.u32 s30, $0x1;
	v3 =	vadd.bf16 v8, v6  }
0x4d0: {  	v8 =	vld [tilespmem:s1+$0x10200]  }
0x4d1: {  	v11 =	vld [tilespmem:s25+$0x200];
	v4 =	vadd.bf16 v4, v10;
	[tilespmem:s22+$0x200] =	vst v3;
	s22 =	smov.u32 s4  }
0x4d2: {  	v10 =	vld [tilespmem:s25+$0x10200]  }
.Ltmp11:
0x4d3: {  	v3 =	vld [tilespmem:s23+$0x200];
	v5 =	vadd.bf16 v5, v7;
	[tilespmem:s18+$0x200] =	vst v4;
	s18 =	smov.u32 s0;
	(pc) =	sbr.rel @p0 .LBB2_24-.Ltmp11, $4  }
0x4d4: {  	v6 =	vld [tilespmem:s23+$0x10200]  }
0x4d5: {  	v8 =	vadd.bf16 v8, v9;
	v4 =	vld [tilespmem:s19+$0x200];
	[tilespmem:s8+$0x200] =	vst v5  }
0x4d6: {  	v7 =	vld [tilespmem:s19+$0x10200]  }
0x4d7: {  	s26 =	sadd.s32 $0x800, s26;
	s28 =	sadd.s32 $0x100, s28;
	[tilespmem:s1+$0x200] =	vst v8;
	v8 =	vadd.bf16 v10, v11;
	v5 =	vld [tilespmem:s20+$0x200]  }
0x4d8: {  	v9 =	vld [tilespmem:s20+$0x10200]  }
0x4d9: {  	v10 =	vld [tilespmem:s22+$0x200]  }
0x4da: {  	v11 =	vld [tilespmem:s22+$0x10200]  }
0x4db: {  	v12 =	vld [tilespmem:s18+$0x200]  }
0x4dc: {  	v13 =	vld [tilespmem:s18+$0x10200]  }
0x4dd: {  	v3 =	vadd.bf16 v6, v3  }
0x4de: {  	[tilespmem:s25+$0x200] =	vst v8;
	v4 =	vadd.bf16 v7, v4  }
0x4df: {  	[tilespmem:s23+$0x200] =	vst v3;
	v3 =	vadd.bf16 v9, v5  }
0x4e0: {  	[tilespmem:s19+$0x200] =	vst v4;
	v63 =	vadd.bf16 v11, v10  }
0x4e1: {  	[tilespmem:s20+$0x200] =	vst v3;
	v3 =	vadd.bf16 v13, v12  }
0x4e2: {  	[tilespmem:s22+$0x200] =	vst v63  }
0x4e3: {  	[tilespmem:s18+$0x200] =	vst v3  }
0x4e4: {  	s0 =	rddreg [dreg:$0x6]  }
0x4e5: {  	[hbm4b:s0+s2] =	stream.linear.scatter [tilespmem:s14], [sflag:$0x4], $0x8000, $0x38;
	[tilespmem:$0x18200] =	vst v63  }
0x4e6: {  	_ =	swait.ge [sflag:s15], $0x8000  }
0x4e7: {  	s16 =	sadd.s32 $0x1, s16;
	s31 =	rddreg [dreg:$0x7]  }
0x4e8: {  	p0 =	sne.s32 s16, s31  }
.Ltmp12:
0x4e9: {  	_ = 	snop;
	(pc) =	sbr.rel @p0 .LBB2_1-.Ltmp12, $3  }
0x4ea: {  	_ =	sdelay $0x1  }
0x4eb: {  	[sflag:s15] =	ssyncset.done $0x0  }
0x4ec: {  	[sflag:s15] =	ssyncadd.s32 $0xFFFF8000  }
0x4ed: {  	_ =	sfence.sel $0x180000  }
0x4ee: {  	[bflag:$0x0] =	sbarrier.arrive $0xFFFF  }
0x4ef: {  	_ =	strace $0x9000004A  }
0x4f0: {  	s0 =	stileid.u32;
	[bflag:$0x2] =	sbarrier.arrive $0xFFFF  }
0x4f1: {  	p0 =	sne.s32 s0, $0x0;
	s0 =	rddreg [dreg:$0x1]  }
0x4f2: {  	s0 =	sadd.s32 @!p0 $0x100000, s0  }
0x4f3: {  	[sflag:s0] =	ssyncadd.tile.s32 @!p0 $0x1;
	_ =	shalt  }
.Lfunc_end2:
_tile_overlayer_lowered:
.L_overlay_start_2:
0x4f4: {  	(tag) =	ssettag $0x2  }
0x4f5: {  	s0 =	rddreg [dreg:$0x0];
	s2 =	stileid.u32  }
0x4f6: {  	s1 =	rddreg [dreg:$0x1];
	p0 =	sne.s32 s2, $0x0  }
0x4f7: {  	s3 =	rddreg [dreg:$0x2];
	[bflag:$0x3] =	sbarrier.arrive $0xFFFF;
	s2 =	simm.s32 @!p0 $0x1C05  }
0x4f8: {  	[timem:s3], [sflag:s2] =	dma.local @!p0 [hbm:s0], s1  }
0x4f9: {  	s0 =	simm.s32 @!p0 $0x5  }
0x4fa: {  	_ =	swait.ge @!p0 [sflag:s0], s1  }
0x4fb: {  	s1 =	ssub.s32 @!p0 $0x0, s1;
	[sflag:s0] =	ssyncset.done @!p0 $0x0  }
0x4fc: {  	[sflag:s0] =	ssyncadd.s32 @!p0 s1  }
0x4fd: {  	[bflag:$0x3] =	sbarrier.arrive $0xFFFF  }
0x4fe: {  	_ =	shalt  }

// kernel: kernel.9.cloned.1.call-start
scs
__scs_entry_jumppad:
0x0: {  	(pc) =	sbr.rel $0x88, $3  }
0x1: {  	(tag) =	ssettag $0x0;
	lr =	simm.s32 $0x1  }
0x2: {  	[smem:$0x3F99] =	sst lr;
	_ =	strace $0xD0000000  }
0x3: {  	_ = 	snop  }
0x4: {  	_ = 	snop  }
0x5: {  	_ = 	snop  }
0x6: {  	_ = 	snop  }
0x7: {  	_ = 	snop  }
__scs_overlays_trampoline_lowered:
0x8: {  	[smem:$0x3FA8] =	sst s0  }
0x9: {  	[smem:$0x3FA9] =	sst s1  }
0xa: {  	[smem:$0x3FAA] =	sst s2  }
0xb: {  	[smem:$0x3FAB] =	sst s3  }
0xc: {  	[smem:$0x3FAC] =	sst s4  }
0xd: {  	[smem:$0x3FAD] =	sst s5  }
0xe: {  	[smem:$0x3FAE] =	sst s6  }
0xf: {  	[smem:$0x3FAF] =	sst s7  }
0x10: {  	[smem:$0x3FB0] =	sst s8  }
0x11: {  	[smem:$0x3FB1] =	sst s9;
	s0 =	simm.s32 @!p0 $0x0  }
0x12: {  	s1 =	sld [smem:$0x3F97];
	s0 =	simm.s32 @p0 $0x1  }
0x13: {  	[smem:$0x3FB2] =	sst s0;
	s0 =	simm.s32 @!p1 $0x0  }
0x14: {  	s2 =	sld [smem:$0x3F96];
	s0 =	simm.s32 @p1 $0x1  }
0x15: {  	[smem:$0x3FB3] =	sst s0;
	s0 =	simm.s32 @!p2 $0x0  }
0x16: {  	s3 =	sld [smem:$0x3FDB];
	s0 =	simm.s32 @p2 $0x1  }
0x17: {  	s4 =	simm.s32 $0x1BF5;
	[smem:$0x3FB5] =	sst s0  }
0x18: {  	s0 =	sld [smem:$0x3F98];
	_ =	swait.ge [sflag:s4], $0x0  }
0x19: {  	s7 =	sld [smem:$0x3F99]  }
0x1a: {  	s8 =	sadd.s32 $0xFFFFE003, lr  }
0x1b: {  	s9 =	sadd.s32 $0xFFFFFEF7, lr;
	s5 =	simm.s32 $0xFFFFFFFF;
	p2 =	slt.u32 s8, $0xFFFFF086  }
0x1c: {  	p1 =	slt.u32 s9, $0xF7A;
	s5 =	simm.s32 @!p2 $0x0  }
0x1d: {  	s5 =	simm.s32 @p1 $0x1;
	p0 =	seq.s32 s7, s2  }
0x1e: {  	s7 =	smul.u32 @!p0 $0xF7A, s2;
	p2 =	seq.s32 @!p0 s5, $0x0  }
0x1f: {  	s9 =	smul.u32 $0xF7A, s1;
	s8 =	simm.s32 @!p0 $0x1BF5;
	p2 =	por !p2, p0  }
0x20: {  	[sflag:s8] =	ssyncset.s32 @!p0 $0xFFFFF086;
	s6 =	sadd.s32 @!p0 s3, s7;
	s7 =	simm.s32 @!p0 $0x108  }
0x21: {  	s3 =	sadd.s32 s3, s9;
	s6 =	sadd.s32 @!p0 $0x88, s6;
	s7 =	simm.s32 @p2 $0x1082  }
0x22: {  	[simem:s7], [sflag:s8] =	dma.local @!p0 [hbm:s6], $0xF7A  }
0x23: {  	s9 =	sor.u32 $0xD0000000, s2;
	s6 =	simm.s32 $0x108;
	_ =	swait.ge @!p0 [sflag:s8], $0x0  }
0x24: {  	s3 =	sadd.s32 $0x88, s3;
	s6 =	simm.s32 @!p1 $0x1082;
	[sflag:s4] =	ssyncset.s32 $0xFFFFF086  }
0x25: {  	[simem:s6], [sflag:s4] =	dma.local [hbm:s3], $0xF7A  }
0x26: {  	[smem:$0x3F99] =	sst s1;
	(tag) =	ssettag s2;
	_ =	strace s9  }
0x27: {  	s1 =	sld [smem:$0x3FA9]  }
0x28: {  	s2 =	sld [smem:$0x3FAA]  }
0x29: {  	s4 =	sld [smem:$0x3FAC]  }
0x2a: {  	p0 =	seq.s32 s5, $0x0;
	s5 =	sld [smem:$0x3FAD]  }
0x2b: {  	s6 =	sld [smem:$0x3FAE]  }
0x2c: {  	s7 =	sld [smem:$0x3FAF]  }
0x2d: {  	s3 =	simm.s32 $0x108;
	s8 =	sld [smem:$0x3FB0]  }
0x2e: {  	s3 =	simm.s32 @!p0 $0x1082;
	s9 =	sld [smem:$0x3FB1]  }
0x2f: {  	lr =	sadd.s32 s0, s3;
	s0 =	sld [smem:$0x3FA8]  }
0x30: {  	s3 =	sld [smem:$0x3FAB]  }
0x31: {  	[smem:$0x3FB4] =	sst s10  }
0x32: {  	s10 =	sld [smem:$0x3FB2];
	_ =	sdelay $0x3  }
0x33: {  	p0 =	seq.s32 s10, $0x1;
	s10 =	sld [smem:$0x3FB4];
	_ =	sdelay $0x3  }
0x34: {  	[smem:$0x3FB4] =	sst s10  }
0x35: {  	s10 =	sld [smem:$0x3FB3];
	_ =	sdelay $0x3  }
0x36: {  	p1 =	seq.s32 s10, $0x1;
	s10 =	sld [smem:$0x3FB4];
	_ =	sdelay $0x3  }
0x37: {  	[smem:$0x3FB4] =	sst s10  }
0x38: {  	s10 =	sld [smem:$0x3FB5]  }
0x39: {  	_ = 	snop;
	(pc) =	sbr.ind lr, $3  }
0x3a: {  	_ = 	snop  }
0x3b: {  	_ = 	snop  }
0x3c: {  	p2 =	seq.s32 s10, $0x1;
	s10 =	sld [smem:$0x3FB4]  }
0x3d: {  	_ =	shalt  }
0x3e: {  	_ =	shalt  }
0x3f: {  	_ =	shalt  }
0x40: {  	_ =	shalt  }
0x41: {  	_ =	shalt  }
0x42: {  	_ =	shalt  }
0x43: {  	_ =	shalt  }
0x44: {  	_ =	shalt  }
0x45: {  	_ =	shalt  }
0x46: {  	_ =	shalt  }
0x47: {  	_ =	shalt  }
0x48: {  	_ =	shalt  }
0x49: {  	_ =	shalt  }
0x4a: {  	_ =	shalt  }
0x4b: {  	_ =	shalt  }
0x4c: {  	_ =	shalt  }
0x4d: {  	_ =	shalt  }
0x4e: {  	_ =	shalt  }
0x4f: {  	_ =	shalt  }
0x50: {  	_ =	shalt  }
0x51: {  	_ =	shalt  }
0x52: {  	_ =	shalt  }
0x53: {  	_ =	shalt  }
0x54: {  	_ =	shalt  }
0x55: {  	_ =	shalt  }
0x56: {  	_ =	shalt  }
0x57: {  	_ =	shalt  }
0x58: {  	_ =	shalt  }
0x59: {  	_ =	shalt  }
0x5a: {  	_ =	shalt  }
0x5b: {  	_ =	shalt  }
0x5c: {  	_ =	shalt  }
0x5d: {  	_ =	shalt  }
0x5e: {  	_ =	shalt  }
0x5f: {  	_ =	shalt  }
0x60: {  	_ =	shalt  }
0x61: {  	_ =	shalt  }
0x62: {  	_ =	shalt  }
0x63: {  	_ =	shalt  }
0x64: {  	_ =	shalt  }
0x65: {  	_ =	shalt  }
0x66: {  	_ =	shalt  }
0x67: {  	_ =	shalt  }
0x68: {  	_ =	shalt  }
0x69: {  	_ =	shalt  }
0x6a: {  	_ =	shalt  }
0x6b: {  	_ =	shalt  }
0x6c: {  	_ =	shalt  }
0x6d: {  	_ =	shalt  }
0x6e: {  	_ =	shalt  }
0x6f: {  	_ =	shalt  }
0x70: {  	_ =	shalt  }
0x71: {  	_ =	shalt  }
0x72: {  	_ =	shalt  }
0x73: {  	_ =	shalt  }
0x74: {  	_ =	shalt  }
0x75: {  	_ =	shalt  }
0x76: {  	_ =	shalt  }
0x77: {  	_ =	shalt  }
0x78: {  	_ =	shalt  }
0x79: {  	_ =	shalt  }
0x7a: {  	_ =	shalt  }
0x7b: {  	_ =	shalt  }
0x7c: {  	_ =	shalt  }
0x7d: {  	_ =	shalt  }
0x7e: {  	_ =	shalt  }
0x7f: {  	_ =	shalt  }
0x80: {  	_ =	shalt  }
0x81: {  	_ =	shalt  }
0x82: {  	_ =	shalt  }
0x83: {  	_ =	shalt  }
0x84: {  	_ =	shalt  }
0x85: {  	_ =	shalt  }
0x86: {  	_ =	shalt  }
0x87: {  	_ =	shalt  }
.Lfunc_end0:
.L_simem_size_0:
called_computation_lowered:
.L_overlay_start_0:
0x88: {  	s2 =	sld [smem:$0x3FD9]  }
0x89: {  	s3 =	sld [smem:$0x3FFE];
	_ =	sdelay $0x1  }
0x8a: {  	s1 =	srdreg.scid  }
0x8b: {  	s0 =	sand.u32 $0x1, s1  }
0x8c: {  	s17 =	sshll.u32 s0, $0xA;
	s2 =	sadd.s32 s3, s2  }
0x8d: {  	s2 =	sadd.s32 s2, s17  }
0x8e: {  	[smem:$0x3FC0] =	sst s2  }
0x8f: {  	_ = 	snop  }
0x90: {  	s2 =	sld [smem:$0x3FD0];
	(tm) =	ssettm $0x1  }
0x91: {  	s18 =	sld [smem:$0x3FFB];
	_ =	sdelay $0x3  }
0x92: {  	_ =	strace s18  }
0x93: {  	s3 =	sld [smem:$0x3FFC];
	_ =	sdelay $0x3  }
0x94: {  	_ =	strace s3  }
0x95: {  	s3 =	sld [smem:$0x3FFD];
	_ =	sdelay $0x3  }
0x96: {  	_ =	strace s3  }
0x97: {  	_ =	strace $0x8FFFFFFF  }
0x98: {  	s19 =	sld [smem:$0x3FDB];
	_ =	sdelay $0x1  }
0x99: {  	s4 =	simm.s32 $_scs_section_size  }
0x9a: {  	s5 =	simm.s32 $_size__tile_overlayer_lowered;
	s6 =	simm.s32 $_tile_overlayer_lowered  }
0x9b: {  	s22 =	simm.s32 $0x1BFF;
	s21 =	sshll.u32 s6, $0x1;
	s3 =	sadd.s32 s4, s19  }
0x9c: {  	s7 =	simm.s32 $0x0;
	s20 =	sshll.u32 s5, $0x1;
	s5 =	sadd.s32 s21, s3  }
0x9d: {  	[timem:s7], [sflag:s22] =	dma.local [hbm:s5], s20  }
0x9e: {  	_ =	swait.ge [sflag:s22], s20  }
0x9f: {  	s4 =	ssub.s32 $0x0, s20;
	[sflag:s22] =	ssyncset.done $0x0  }
0xa0: {  	[sflag:s22] =	ssyncadd.s32 s4;
	_ =	sdelay $0x1  }
0xa1: {  	s23 =	simm.s32 $0x1B8B  }
0xa2: {  	_ =	swait.ge [sflag:s23], $0x1  }
0xa3: {  	[sflag:s23] =	ssyncset.done $0x0  }
0xa4: {  	s25 =	simm.s32 $0x1B8E;
	s24 =	sld [smem:$0x3FFE];
	[sflag:s23] =	ssyncadd.s32 $0xFFFFFFFF  }
0xa5: {  	s26 =	simm.s32 $execute0_lowered;
	[smem:$0x3FD2] =	sst s25  }
0xa6: {  	s5 =	sshll.u32 s26, $0x1;
	_ =	strace $0x80000046;
	[dreg:$0x1] =	wrdreg $0xFFFFFFFF  }
0xa7: {  	s28 =	simm.s32 $_size_execute0_lowered;
	s3 =	sadd.s32 s3, s5;
	[dreg:$0x0] =	wrdreg $0x0  }
0xa8: {  	s5 =	sshll.u32 s28, $0x1;
	[dreg:$0x2] =	wrdreg s3  }
0xa9: {  	[dreg:$0x3] =	wrdreg s5  }
0xaa: {  	[dreg:$0x4] =	wrdreg $0xC0  }
0xab: {  	_ =	task [dreg:s7], $0x5FFFF  }
0xac: {  	[dreg:$0x1] =	wrdreg $0xFFFFFFFF  }
0xad: {  	[dreg:$0x0] =	wrdreg $0x60  }
0xae: {  	[dreg:$0x2] =	wrdreg s2  }
0xaf: {  	[dreg:$0x3] =	wrdreg s24  }
0xb0: {  	[dreg:$0x4] =	wrdreg $0x9  }
0xb1: {  	_ =	task.clear_ibuf [dreg:s7], $0x5FFFF;
	_ =	strace $0x90000046  }
0xb2: {  	s29 =	simm.s32 $0x9;
	_ =	strace $0x80000048  }
0xb3: {  	_ =	swait.ge [sflag:s29], $0x1  }
0xb4: {  	[sflag:s29] =	ssyncadd.s32 $0xFFFFFFFF  }
0xb5: {  	_ =	strace $0x90000048  }
0xb6: {  	_ =	sfence  }
0xb7: {  	s30 =	sld [smem:$0x0];
	_ =	sdelay $0x2  }
0xb8: {  	s31 =	sshll.u32 s1, $0xD;
	s1 =	sshrl.u32 s1, $0x2  }
0xb9: {  	s3 =	sand.u32 $0x4000, s31;
	s1 =	sadd.s32 s1, s30  }
0xba: {  	s0 =	sor.u32 s3, s0;
	s1 =	sshll.u32 s1, $0x11  }
0xbb: {  	s0 =	sor.u32 s1, s0  }
0xbc: {  	s0 =	sadd.s32 $0x8F2B, s0  }
0xbd: {  	[sflag:s0] =	ssyncadd.remote.s32 $0x1  }
0xbe: {  	_ =	sfence.sel $0xFFFF  }
0xbf: {  	[dreg:$0x0] =	wrdreg $0xFFFFFFFF;
	(pc) =	sbr.abs _section_cstart, $3  }
0xc0: {  	[dreg:$0x1] =	wrdreg $0xFFFFFFFF  }
0xc1: {  	_ =	task.clear_ibuf [dreg:s7], $0x2FFFF;
	_ =	strace $0x9FFFFFFF  }
0xc2: {  	(tm) =	ssettm $0x7FFFFFFF  }
0xc3: {  	_ =	shalt  }
tec
execute0_lowered:
.L_overlay_start_1:
0x0: {  	(tag) =	ssettag $0x1  }
0x1: {  	s1 =	rddreg [dreg:$0x0]  }
0x2: {  	s0 =	rddreg [dreg:$0x1];
	s2 =	srdreg.scid  }
0x3: {  	s3 =	simm.s32 $0x0;
	s4 =	stileid.u32;
	s14 =	simm.s32 $0x200  }
0x4: {  	s21 =	simm.s32 $0x3;
	s9 =	simm.s32 $0x16A00;
	s10 =	simm.s32 $0x17200  }
0x5: {  	s11 =	simm.s32 $0x17A00;
	s12 =	simm.s32 $0x1;
	s2 =	sand.u32 $0x1, s2  }
0x6: {  	s4 =	sshll.u32 s4, $0x8;
	s5 =	sshll.u32 s2, $0x7;
	s2 =	ssub.s32 $0x2, s2  }
0x7: {  	[smem:$0x7FF] =	sst s3;
	s4 =	sor.u32 s5, s4;
	s6 =	sshrl.u32 s2, $0x1  }
0x8: {  	_ =	strace $0x80000047;
	s5 =	sshrl.u32 s4, $0x1;
	s2 =	ssub.s32 s2, s6  }
0x9: {  	s4 =	sshll.u32 s4, $0x7;
	s5 =	sadd.s32 s5, s0;
	s31 =	smax.u32 s2, $0x1  }
0xa: {  	s0 =	sadd.s32 s4, s0;
	s26 =	sadd.s32 $0x2C00, s5;
	[dreg:$0x8] =	wrdreg s31  }
0xb: {  	s13 =	simm.s32 $0x2;
	s28 =	sadd.s32 $0x3400, s0;
	[dreg:$0x3] =	wrdreg s26  }
0xc: {  	s15 =	simm.s32 $0x4;
	s29 =	sadd.s32 $0x4400, s0;
	[dreg:$0x4] =	wrdreg s28  }
0xd: {  	v2 =	vlaneseq.u32;
	s16 =	simm.s32 $0x0;
	s30 =	sadd.s32 $0x5400, s0;
	[dreg:$0x5] =	wrdreg s29  }
0xe: {  	vm0 =	vmmov $0xffff;
	s7 =	sadd.s32 $0x300, s1;
	v1 =	vshrl.u32 v2, $0x3;
	s0 =	sadd.s32 $0x6400, s0;
	[dreg:$0x6] =	wrdreg s30  }
0xf: {  	v0 =	vand.u32 $0x7, v2;
	v2 =	vor.u32 $0x8, v2;
	v1 =	vmul.u32 $0x8, v1;
	s6 =	sadd.s32 $0x200, s1;
	s5 =	sadd.s32 $0x100, s1;
	[dreg:$0x7] =	wrdreg s0  }
.LBB2_1:
0x10: {  	s0 =	rddreg [dreg:$0x3];
	s25 =	simm.s32 $0x5  }
0x11: {  	[tilespmem:s3], [sflag:$0x5] =	stream.linear.gather [hbm4b:s0+s3], $0x200, $0x38;
	[tilespmem:$0x18200] =	vst v63  }
0x12: {  	_ =	swait.ge [sflag:s25], $0x200  }
0x13: {  	[sflag:s25] =	ssyncset.done $0x0  }
0x14: {  	[sflag:s25] =	ssyncadd.s32 $0xFFFFFE00  }
0x15: {  	v3 =	vld [tilespmem:$0x0];
	_ =	sdelay $0x4  }
0x16: {  	v4 =	vshll.u32 v3, $0x3  }
0x17: {  	v3 =	vand.u32 $0x7, v3;
	v4 =	vand.u32 $0xFFFFFFC0, v4  }
0x18: {  	v3 =	vor.u32 v3, v4  }
0x19: {  	v4 =	vperm.xlane v3, v0;
	_ =	sdelay $0x1  }
0x1a: {  	v4 =	vadd.s32 v1, v4;
	_ =	sdelay $0x4  }
0x1b: {  	[tilespmem:s14], [sflag:$0x3] =	stream.indirect_vreg.gather [hbm4b:s1+s3], $0x80, v4, vm0, $0xb8;
	[tilespmem:$0x18200] =	vst v63  }
0x1c: {  	s26 =	simm.s32 $0xA00;
	v3 =	vperm.xlane v3, v2  }
0x1d: {  	[tilespmem:s26], [sflag:$0x3] =	stream.indirect_vreg.gather [hbm4b:s5+s3], $0x80, v4, vm0, $0xb8;
	[tilespmem:$0x18200] =	vst v63  }
0x1e: {  	s29 =	simm.s32 $0x1200;
	v3 =	vadd.s32 v1, v3  }
0x1f: {  	[tilespmem:s29], [sflag:$0x3] =	stream.indirect_vreg.gather [hbm4b:s6+s3], $0x80, v4, vm0, $0xb8;
	[tilespmem:$0x18200] =	vst v63  }
0x20: {  	s30 =	simm.s32 $0x1A00  }
0x21: {  	[tilespmem:s30], [sflag:$0x3] =	stream.indirect_vreg.gather [hbm4b:s7+s3], $0x80, v4, vm0, $0xb8;
	[tilespmem:$0x18200] =	vst v63  }
0x22: {  	s31 =	simm.s32 $0x2200  }
0x23: {  	[tilespmem:s31], [sflag:$0x3] =	stream.indirect_vreg.gather [hbm4b:s1+s3], $0x80, v3, vm0, $0xb8;
	[tilespmem:$0x18200] =	vst v63  }
0x24: {  	s2 =	simm.s32 $0x2A00  }
0x25: {  	[tilespmem:s2], [sflag:$0x3] =	stream.indirect_vreg.gather [hbm4b:s5+s3], $0x80, v3, vm0, $0xb8;
	[tilespmem:$0x18200] =	vst v63  }
0x26: {  	s4 =	simm.s32 $0x3200  }
0x27: {  	[tilespmem:s4], [sflag:$0x3] =	stream.indirect_vreg.gather [hbm4b:s6+s3], $0x80, v3, vm0, $0xb8;
	[tilespmem:$0x18200] =	vst v63  }
0x28: {  	s8 =	simm.s32 $0x3A00  }
0x29: {  	[tilespmem:s8], [sflag:$0x3] =	stream.indirect_vreg.gather [hbm4b:s7+s3], $0x80, v3, vm0, $0xb8;
	[tilespmem:$0x18200] =	vst v63  }
0x2a: {  	v3 =	vld [tilespmem:$0x10];
	_ =	sdelay $0x4  }
0x2b: {  	v4 =	vshll.u32 v3, $0x3  }
0x2c: {  	v3 =	vand.u32 $0x7, v3;
	v4 =	vand.u32 $0xFFFFFFC0, v4  }
0x2d: {  	v3 =	vor.u32 v3, v4  }
0x2e: {  	v4 =	vperm.xlane v3, v0;
	_ =	sdelay $0x1  }
0x2f: {  	v4 =	vadd.s32 v1, v4;
	_ =	sdelay $0x3  }
0x30: {  	s17 =	simm.s32 $0x4200  }
0x31: {  	[tilespmem:s17], [sflag:$0x3] =	stream.indirect_vreg.gather [hbm4b:s1+s3], $0x80, v4, vm0, $0xb8;
	[tilespmem:$0x18200] =	vst v63  }
0x32: {  	s18 =	simm.s32 $0x4A00;
	v3 =	vperm.xlane v3, v2  }
0x33: {  	[tilespmem:s18], [sflag:$0x3] =	stream.indirect_vreg.gather [hbm4b:s5+s3], $0x80, v4, vm0, $0xb8;
	[tilespmem:$0x18200] =	vst v63  }
0x34: {  	s19 =	simm.s32 $0x5200;
	v3 =	vadd.s32 v1, v3  }
0x35: {  	[tilespmem:s19], [sflag:$0x3] =	stream.indirect_vreg.gather [hbm4b:s6+s3], $0x80, v4, vm0, $0xb8;
	[tilespmem:$0x18200] =	vst v63  }
0x36: {  	s20 =	simm.s32 $0x5A00  }
0x37: {  	[tilespmem:s20], [sflag:$0x3] =	stream.indirect_vreg.gather [hbm4b:s7+s3], $0x80, v4, vm0, $0xb8;
	[tilespmem:$0x18200] =	vst v63  }
0x38: {  	s22 =	simm.s32 $0x6200  }
0x39: {  	[tilespmem:s22], [sflag:$0x3] =	stream.indirect_vreg.gather [hbm4b:s1+s3], $0x80, v3, vm0, $0xb8;
	[tilespmem:$0x18200] =	vst v63  }
0x3a: {  	s23 =	simm.s32 $0x6A00  }
0x3b: {  	[tilespmem:s23], [sflag:$0x3] =	stream.indirect_vreg.gather [hbm4b:s5+s3], $0x80, v3, vm0, $0xb8;
	[tilespmem:$0x18200] =	vst v63  }
0x3c: {  	s24 =	simm.s32 $0x7200  }
0x3d: {  	[tilespmem:s24], [sflag:$0x3] =	stream.indirect_vreg.gather [hbm4b:s6+s3], $0x80, v3, vm0, $0xb8;
	[tilespmem:$0x18200] =	vst v63  }
0x3e: {  	s25 =	simm.s32 $0x7A00  }
0x3f: {  	[tilespmem:s25], [sflag:$0x3] =	stream.indirect_vreg.gather [hbm4b:s7+s3], $0x80, v3, vm0, $0xb8;
	[tilespmem:$0x18200] =	vst v63  }
0x40: {  	v3 =	vld [tilespmem:$0x80];
	_ =	sdelay $0x4  }
0x41: {  	v4 =	vshll.u32 v3, $0x3  }
0x42: {  	v3 =	vand.u32 $0x7, v3;
	v4 =	vand.u32 $0xFFFFFFC0, v4  }
0x43: {  	v3 =	vor.u32 v3, v4  }
0x44: {  	v4 =	vperm.xlane v3, v0;
	_ =	sdelay $0x1  }
0x45: {  	v4 =	vadd.s32 v1, v4;
	_ =	sdelay $0x3  }
0x46: {  	s26 =	simm.s32 $0x8200  }
0x47: {  	[tilespmem:s26], [sflag:$0x1] =	stream.indirect_vreg.gather [hbm4b:s1+s3], $0x80, v4, vm0, $0xb8;
	[tilespmem:$0x18200] =	vst v63  }
0x48: {  	s29 =	simm.s32 $0x8A00;
	v3 =	vperm.xlane v3, v2  }
0x49: {  	[tilespmem:s29], [sflag:$0x1] =	stream.indirect_vreg.gather [hbm4b:s5+s3], $0x80, v4, vm0, $0xb8;
	[tilespmem:$0x18200] =	vst v63  }
0x4a: {  	s30 =	simm.s32 $0x9200;
	v3 =	vadd.s32 v1, v3  }
0x4b: {  	[tilespmem:s30], [sflag:$0x1] =	stream.indirect_vreg.gather [hbm4b:s6+s3], $0x80, v4, vm0, $0xb8;
	[tilespmem:$0x18200] =	vst v63  }
0x4c: {  	s31 =	simm.s32 $0x9A00  }
0x4d: {  	[tilespmem:s31], [sflag:$0x1] =	stream.indirect_vreg.gather [hbm4b:s7+s3], $0x80, v4, vm0, $0xb8;
	[tilespmem:$0x18200] =	vst v63  }
0x4e: {  	s2 =	simm.s32 $0xA200  }
0x4f: {  	[tilespmem:s2], [sflag:$0x1] =	stream.indirect_vreg.gather [hbm4b:s1+s3], $0x80, v3, vm0, $0xb8;
	[tilespmem:$0x18200] =	vst v63  }
0x50: {  	s4 =	simm.s32 $0xAA00  }
0x51: {  	[tilespmem:s4], [sflag:$0x1] =	stream.indirect_vreg.gather [hbm4b:s5+s3], $0x80, v3, vm0, $0xb8;
	[tilespmem:$0x18200] =	vst v63  }
0x52: {  	s8 =	simm.s32 $0xB200  }
0x53: {  	[tilespmem:s8], [sflag:$0x1] =	stream.indirect_vreg.gather [hbm4b:s6+s3], $0x80, v3, vm0, $0xb8;
	[tilespmem:$0x18200] =	vst v63  }
0x54: {  	s17 =	simm.s32 $0xBA00  }
0x55: {  	[tilespmem:s17], [sflag:$0x1] =	stream.indirect_vreg.gather [hbm4b:s7+s3], $0x80, v3, vm0, $0xb8;
	[tilespmem:$0x18200] =	vst v63  }
0x56: {  	v3 =	vld [tilespmem:$0x90];
	_ =	sdelay $0x4  }
0x57: {  	v4 =	vshll.u32 v3, $0x3  }
0x58: {  	v3 =	vand.u32 $0x7, v3;
	v4 =	vand.u32 $0xFFFFFFC0, v4  }
0x59: {  	v3 =	vor.u32 v3, v4  }
0x5a: {  	v4 =	vperm.xlane v3, v0;
	_ =	sdelay $0x1  }
0x5b: {  	v4 =	vadd.s32 v1, v4;
	_ =	sdelay $0x3  }
0x5c: {  	s18 =	simm.s32 $0xC200  }
0x5d: {  	[tilespmem:s18], [sflag:$0x1] =	stream.indirect_vreg.gather [hbm4b:s1+s3], $0x80, v4, vm0, $0xb8;
	[tilespmem:$0x18200] =	vst v63  }
0x5e: {  	s19 =	simm.s32 $0xCA00;
	v3 =	vperm.xlane v3, v2  }
0x5f: {  	[tilespmem:s19], [sflag:$0x1] =	stream.indirect_vreg.gather [hbm4b:s5+s3], $0x80, v4, vm0, $0xb8;
	[tilespmem:$0x18200] =	vst v63  }
0x60: {  	s20 =	simm.s32 $0xD200;
	v3 =	vadd.s32 v1, v3  }
0x61: {  	[tilespmem:s20], [sflag:$0x1] =	stream.indirect_vreg.gather [hbm4b:s6+s3], $0x80, v4, vm0, $0xb8;
	[tilespmem:$0x18200] =	vst v63  }
0x62: {  	s22 =	simm.s32 $0xDA00  }
0x63: {  	[tilespmem:s22], [sflag:$0x1] =	stream.indirect_vreg.gather [hbm4b:s7+s3], $0x80, v4, vm0, $0xb8;
	[tilespmem:$0x18200] =	vst v63  }
0x64: {  	s23 =	simm.s32 $0xE200  }
0x65: {  	[tilespmem:s23], [sflag:$0x1] =	stream.indirect_vreg.gather [hbm4b:s1+s3], $0x80, v3, vm0, $0xb8;
	[tilespmem:$0x18200] =	vst v63  }
0x66: {  	s24 =	simm.s32 $0xEA00  }
0x67: {  	[tilespmem:s24], [sflag:$0x1] =	stream.indirect_vreg.gather [hbm4b:s5+s3], $0x80, v3, vm0, $0xb8;
	[tilespmem:$0x18200] =	vst v63  }
0x68: {  	s25 =	simm.s32 $0xF200  }
0x69: {  	[tilespmem:s25], [sflag:$0x1] =	stream.indirect_vreg.gather [hbm4b:s6+s3], $0x80, v3, vm0, $0xb8;
	[tilespmem:$0x18200] =	vst v63  }
0x6a: {  	s26 =	simm.s32 $0xFA00  }
0x6b: {  	[tilespmem:s26], [sflag:$0x1] =	stream.indirect_vreg.gather [hbm4b:s7+s3], $0x80, v3, vm0, $0xb8;
	[tilespmem:$0x18200] =	vst v63  }
0x6c: {  	_ =	swait.ge [sflag:s21], $0x8000  }
0x6d: {  	[sflag:s21] =	ssyncset.done $0x0  }
0x6e: {  	[sflag:s21] =	ssyncadd.s32 $0xFFFF8000  }
0x6f: {  	v3 =	vld [tilespmem:$0x100];
	_ =	sdelay $0x4  }
0x70: {  	v4 =	vshll.u32 v3, $0x3  }
0x71: {  	v3 =	vand.u32 $0x7, v3;
	v4 =	vand.u32 $0xFFFFFFC0, v4  }
0x72: {  	v3 =	vor.u32 v3, v4  }
0x73: {  	v4 =	vperm.xlane v3, v0;
	_ =	sdelay $0x1  }
0x74: {  	v4 =	vadd.s32 v1, v4;
	_ =	sdelay $0x3  }
0x75: {  	s29 =	simm.s32 $0x10200  }
0x76: {  	[tilespmem:s29], [sflag:$0x2] =	stream.indirect_vreg.gather [hbm4b:s1+s3], $0x80, v4, vm0, $0xb8;
	[tilespmem:$0x18200] =	vst v63  }
0x77: {  	s30 =	simm.s32 $0x10A00;
	v3 =	vperm.xlane v3, v2  }
0x78: {  	[tilespmem:s30], [sflag:$0x2] =	stream.indirect_vreg.gather [hbm4b:s5+s3], $0x80, v4, vm0, $0xb8;
	[tilespmem:$0x18200] =	vst v63  }
0x79: {  	s31 =	simm.s32 $0x11200;
	v3 =	vadd.s32 v1, v3  }
0x7a: {  	[tilespmem:s31], [sflag:$0x2] =	stream.indirect_vreg.gather [hbm4b:s6+s3], $0x80, v4, vm0, $0xb8;
	[tilespmem:$0x18200] =	vst v63  }
0x7b: {  	s2 =	simm.s32 $0x11A00  }
0x7c: {  	[tilespmem:s2], [sflag:$0x2] =	stream.indirect_vreg.gather [hbm4b:s7+s3], $0x80, v4, vm0, $0xb8;
	[tilespmem:$0x18200] =	vst v63  }
0x7d: {  	s4 =	simm.s32 $0x12200  }
0x7e: {  	[tilespmem:s4], [sflag:$0x2] =	stream.indirect_vreg.gather [hbm4b:s1+s3], $0x80, v3, vm0, $0xb8;
	[tilespmem:$0x18200] =	vst v63  }
0x7f: {  	s8 =	simm.s32 $0x12A00  }
0x80: {  	[tilespmem:s8], [sflag:$0x2] =	stream.indirect_vreg.gather [hbm4b:s5+s3], $0x80, v3, vm0, $0xb8;
	[tilespmem:$0x18200] =	vst v63  }
0x81: {  	s17 =	simm.s32 $0x13200  }
0x82: {  	[tilespmem:s17], [sflag:$0x2] =	stream.indirect_vreg.gather [hbm4b:s6+s3], $0x80, v3, vm0, $0xb8;
	[tilespmem:$0x18200] =	vst v63  }
0x83: {  	s18 =	simm.s32 $0x13A00  }
0x84: {  	[tilespmem:s18], [sflag:$0x2] =	stream.indirect_vreg.gather [hbm4b:s7+s3], $0x80, v3, vm0, $0xb8;
	[tilespmem:$0x18200] =	vst v63  }
0x85: {  	v3 =	vld [tilespmem:$0x110];
	_ =	sdelay $0x4  }
0x86: {  	v4 =	vshll.u32 v3, $0x3  }
0x87: {  	v3 =	vand.u32 $0x7, v3;
	v4 =	vand.u32 $0xFFFFFFC0, v4  }
0x88: {  	v3 =	vor.u32 v3, v4  }
0x89: {  	v4 =	vperm.xlane v3, v0;
	_ =	sdelay $0x1  }
0x8a: {  	v4 =	vadd.s32 v1, v4;
	_ =	sdelay $0x3  }
0x8b: {  	s19 =	simm.s32 $0x14200  }
0x8c: {  	[tilespmem:s19], [sflag:$0x2] =	stream.indirect_vreg.gather [hbm4b:s1+s3], $0x80, v4, vm0, $0xb8;
	[tilespmem:$0x18200] =	vst v63  }
0x8d: {  	s20 =	simm.s32 $0x14A00;
	v3 =	vperm.xlane v3, v2  }
0x8e: {  	[tilespmem:s20], [sflag:$0x2] =	stream.indirect_vreg.gather [hbm4b:s5+s3], $0x80, v4, vm0, $0xb8;
	[tilespmem:$0x18200] =	vst v63  }
0x8f: {  	s22 =	simm.s32 $0x15200;
	v3 =	vadd.s32 v1, v3  }
0x90: {  	[tilespmem:s22], [sflag:$0x2] =	stream.indirect_vreg.gather [hbm4b:s6+s3], $0x80, v4, vm0, $0xb8;
	[tilespmem:$0x18200] =	vst v63  }
0x91: {  	s23 =	simm.s32 $0x15A00  }
0x92: {  	[tilespmem:s23], [sflag:$0x2] =	stream.indirect_vreg.gather [hbm4b:s7+s3], $0x80, v4, vm0, $0xb8;
	[tilespmem:$0x18200] =	vst v63  }
0x93: {  	s24 =	simm.s32 $0x16200  }
0x94: {  	[tilespmem:s24], [sflag:$0x2] =	stream.indirect_vreg.gather [hbm4b:s1+s3], $0x80, v3, vm0, $0xb8;
	[tilespmem:$0x18200] =	vst v63  }
0x95: {  	_ = 	snop  }
0x96: {  	[tilespmem:s9], [sflag:$0x2] =	stream.indirect_vreg.gather [hbm4b:s5+s3], $0x80, v3, vm0, $0xb8;
	[tilespmem:$0x18200] =	vst v63  }
0x97: {  	s17 =	sand.u32 $0xC000, s3;
	s18 =	sand.u32 $0x3800, s3  }
0x98: {  	[tilespmem:s10], [sflag:$0x2] =	stream.indirect_vreg.gather [hbm4b:s6+s3], $0x80, v3, vm0, $0xb8;
	[tilespmem:$0x18200] =	vst v63  }
0x99: {  	s25 =	sand.u32 $0x700, s3;
	s17 =	sor.u32 s18, s17  }
0x9a: {  	[tilespmem:s11], [sflag:$0x2] =	stream.indirect_vreg.gather [hbm4b:s7+s3], $0x80, v3, vm0, $0xb8;
	[tilespmem:$0x18200] =	vst v63  }
0x9b: {  	s17 =	sor.u32 s25, s17;
	_ =	swait.ge [sflag:s12], $0x8000  }
0x9c: {  	s18 =	sor.u32 $0xE0, s17;
	[sflag:s12] =	ssyncset.done $0x0  }
0x9d: {  	s25 =	sshrl.u32 s18, $0x1;
	[sflag:s12] =	ssyncadd.s32 $0xFFFF8000  }
0x9e: {  	s26 =	sor.u32 $0x20, s17;
	v4 =	vld [tilespmem:s25+$0x200]  }
0x9f: {  	s26 =	sshrl.u32 s26, $0x1;
	v5 =	vld [tilespmem:s25+$0x8200]  }
0xa0: {  	s29 =	sor.u32 $0x40, s17;
	v7 =	vld [tilespmem:s26+$0x200]  }
0xa1: {  	s24 =	sshrl.u32 s29, $0x1;
	v8 =	vld [tilespmem:s26+$0x8200]  }
0xa2: {  	s30 =	sor.u32 $0x60, s17;
	v9 =	vld [tilespmem:s24+$0x200]  }
0xa3: {  	s22 =	sshrl.u32 s30, $0x1;
	v10 =	vld [tilespmem:s24+$0x8200]  }
0xa4: {  	s31 =	sor.u32 $0x80, s17;
	v3 =	vld [tilespmem:s22+$0x200]  }
0xa5: {  	s18 =	sshrl.u32 s31, $0x1;
	v6 =	vld [tilespmem:s22+$0x8200];
	v5 =	vadd.bf16 v5, v4  }
0xa6: {  	s28 =	sor.u32 $0xC0, s17;
	s19 =	sor.u32 $0xA0, s17;
	s17 =	sshrl.u32 s17, $0x1;
	v8 =	vadd.bf16 v8, v7;
	v4 =	vld [tilespmem:s18+$0x200]  }
0xa7: {  	s20 =	sshrl.u32 s19, $0x1;
	s19 =	sshrl.u32 s28, $0x1;
	s28 =	simm.s32 $0x0;
	v7 =	vld [tilespmem:s18+$0x8200];
	[tilespmem:s25+$0x200] =	vst v5  }
0xa8: {  	s23 =	simm.s32 $0x0;
	[tilespmem:s26+$0x200] =	vst v8;
	v8 =	vadd.bf16 v10, v9;
	v5 =	vld [tilespmem:s20+$0x200];
	s25 =	simm.s32 $0x800;
	s26 =	simm.s32 $0x100  }
.LBB2_2:
0xa9: {  	s29 =	sand.u32 $0xC000, s26;
	s30 =	sand.u32 $0x3800, s25;
	v9 =	vld [tilespmem:s20+$0x8200];
	s28 =	sadd.s32 $0x20, s28  }
0xaa: {  	s23 =	sadd.s32 $0x8, s23;
	s29 =	sor.u32 s30, s29;
	s30 =	sand.u32 $0x700, s28;
	[tilespmem:s24+$0x200] =	vst v8;
	v3 =	vadd.bf16 v6, v3;
	v6 =	vld [tilespmem:s19+$0x200]  }
0xab: {  	p0 =	slt.u32 s23, $0x7F8;
	s29 =	sor.u32 s30, s29;
	v8 =	vld [tilespmem:s19+$0x8200]  }
0xac: {  	s24 =	sor.u32 $0x20, s29;
	s30 =	sor.u32 $0x40, s29;
	s31 =	sor.u32 $0xE0, s29;
	v10 =	vld [tilespmem:s17+$0x200];
	[tilespmem:s22+$0x200] =	vst v3;
	v3 =	vadd.bf16 v7, v4  }
0xad: {  	s22 =	sor.u32 $0x60, s29;
	s0 =	sor.u32 $0x80, s29;
	s31 =	sshrl.u32 s31, $0x1;
	v4 =	vld [tilespmem:s17+$0x8200]  }
0xae: {  	s4 =	sor.u32 $0xA0, s29;
	s8 =	sor.u32 $0xC0, s29;
	s2 =	sshrl.u32 s24, $0x1;
	v7 =	vld [tilespmem:s31+$0x200];
	[tilespmem:s18+$0x200] =	vst v3;
	v3 =	vadd.bf16 v9, v5  }
0xaf: {  	s24 =	sshrl.u32 s30, $0x1;
	s22 =	sshrl.u32 s22, $0x1;
	s18 =	sshrl.u32 s0, $0x1;
	v5 =	vld [tilespmem:s31+$0x8200]  }
0xb0: {  	s8 =	sshrl.u32 s8, $0x1;
	s0 =	sshrl.u32 s29, $0x1;
	v9 =	vld [tilespmem:s2+$0x200];
	[tilespmem:s20+$0x200] =	vst v3;
	s20 =	sshrl.u32 s4, $0x1;
	v3 =	vadd.bf16 v8, v6  }
0xb1: {  	v8 =	vld [tilespmem:s2+$0x8200]  }
0xb2: {  	v11 =	vld [tilespmem:s24+$0x200];
	v4 =	vadd.bf16 v4, v10;
	[tilespmem:s19+$0x200] =	vst v3;
	s19 =	smov.u32 s8  }
0xb3: {  	v10 =	vld [tilespmem:s24+$0x8200]  }
.Ltmp0:
0xb4: {  	v3 =	vld [tilespmem:s22+$0x200];
	v5 =	vadd.bf16 v5, v7;
	[tilespmem:s17+$0x200] =	vst v4;
	s17 =	smov.u32 s0;
	(pc) =	sbr.rel @p0 .LBB2_2-.Ltmp0, $4  }
0xb5: {  	v6 =	vld [tilespmem:s22+$0x8200]  }
0xb6: {  	v8 =	vadd.bf16 v8, v9;
	v4 =	vld [tilespmem:s18+$0x200];
	[tilespmem:s31+$0x200] =	vst v5  }
0xb7: {  	v7 =	vld [tilespmem:s18+$0x8200]  }
0xb8: {  	s25 =	sadd.s32 $0x800, s25;
	s26 =	sadd.s32 $0x100, s26;
	[tilespmem:s2+$0x200] =	vst v8;
	v8 =	vadd.bf16 v10, v11;
	v5 =	vld [tilespmem:s20+$0x200]  }
0xb9: {  	v9 =	vld [tilespmem:s20+$0x8200]  }
0xba: {  	v10 =	vld [tilespmem:s19+$0x200]  }
0xbb: {  	v11 =	vld [tilespmem:s19+$0x8200]  }
0xbc: {  	v12 =	vld [tilespmem:s17+$0x200]  }
0xbd: {  	v13 =	vld [tilespmem:s17+$0x8200]  }
0xbe: {  	v3 =	vadd.bf16 v6, v3  }
0xbf: {  	[tilespmem:s24+$0x200] =	vst v8;
	v4 =	vadd.bf16 v7, v4  }
0xc0: {  	[tilespmem:s22+$0x200] =	vst v3;
	v3 =	vadd.bf16 v9, v5  }
0xc1: {  	[tilespmem:s18+$0x200] =	vst v4;
	v4 =	vadd.bf16 v11, v10  }
0xc2: {  	[tilespmem:s20+$0x200] =	vst v3;
	v3 =	vadd.bf16 v13, v12  }
0xc3: {  	[tilespmem:s19+$0x200] =	vst v4  }
0xc4: {  	[tilespmem:s17+$0x200] =	vst v3  }
0xc5: {  	v3 =	vld [tilespmem:$0x180];
	_ =	sdelay $0x4  }
0xc6: {  	v4 =	vshll.u32 v3, $0x3  }
0xc7: {  	v3 =	vand.u32 $0x7, v3;
	v4 =	vand.u32 $0xFFFFFFC0, v4  }
0xc8: {  	v3 =	vor.u32 v3, v4  }
0xc9: {  	v4 =	vperm.xlane v3, v0;
	_ =	sdelay $0x1  }
0xca: {  	v4 =	vadd.s32 v1, v4;
	_ =	sdelay $0x3  }
0xcb: {  	s0 =	simm.s32 $0x8200;
	s17 =	simm.s32 $0x0  }
0xcc: {  	[tilespmem:s0], [sflag:$0x1] =	stream.indirect_vreg.gather [hbm4b:s1+s17], $0x80, v4, vm0, $0xb8;
	[tilespmem:$0x18200] =	vst v63  }
0xcd: {  	s23 =	simm.s32 $0x8A00;
	v3 =	vperm.xlane v3, v2  }
0xce: {  	[tilespmem:s23], [sflag:$0x1] =	stream.indirect_vreg.gather [hbm4b:s5+s17], $0x80, v4, vm0, $0xb8;
	[tilespmem:$0x18200] =	vst v63  }
0xcf: {  	s24 =	simm.s32 $0x9200;
	v3 =	vadd.s32 v1, v3  }
0xd0: {  	[tilespmem:s24], [sflag:$0x1] =	stream.indirect_vreg.gather [hbm4b:s6+s17], $0x80, v4, vm0, $0xb8;
	[tilespmem:$0x18200] =	vst v63  }
0xd1: {  	s25 =	simm.s32 $0x9A00  }
0xd2: {  	[tilespmem:s25], [sflag:$0x1] =	stream.indirect_vreg.gather [hbm4b:s7+s17], $0x80, v4, vm0, $0xb8;
	[tilespmem:$0x18200] =	vst v63  }
0xd3: {  	s26 =	simm.s32 $0xA200  }
0xd4: {  	[tilespmem:s26], [sflag:$0x1] =	stream.indirect_vreg.gather [hbm4b:s1+s17], $0x80, v3, vm0, $0xb8;
	[tilespmem:$0x18200] =	vst v63  }
0xd5: {  	s29 =	simm.s32 $0xAA00  }
0xd6: {  	[tilespmem:s29], [sflag:$0x1] =	stream.indirect_vreg.gather [hbm4b:s5+s17], $0x80, v3, vm0, $0xb8;
	[tilespmem:$0x18200] =	vst v63  }
0xd7: {  	s30 =	simm.s32 $0xB200  }
0xd8: {  	[tilespmem:s30], [sflag:$0x1] =	stream.indirect_vreg.gather [hbm4b:s6+s17], $0x80, v3, vm0, $0xb8;
	[tilespmem:$0x18200] =	vst v63  }
0xd9: {  	s31 =	simm.s32 $0xBA00  }
0xda: {  	[tilespmem:s31], [sflag:$0x1] =	stream.indirect_vreg.gather [hbm4b:s7+s17], $0x80, v3, vm0, $0xb8;
	[tilespmem:$0x18200] =	vst v63  }
0xdb: {  	v3 =	vld [tilespmem:$0x190];
	_ =	sdelay $0x4  }
0xdc: {  	v4 =	vshll.u32 v3, $0x3  }
0xdd: {  	v3 =	vand.u32 $0x7, v3;
	v4 =	vand.u32 $0xFFFFFFC0, v4  }
0xde: {  	v3 =	vor.u32 v3, v4  }
0xdf: {  	v4 =	vperm.xlane v3, v0;
	_ =	sdelay $0x1  }
0xe0: {  	v4 =	vadd.s32 v1, v4;
	_ =	sdelay $0x3  }
0xe1: {  	s2 =	simm.s32 $0xC200  }
0xe2: {  	[tilespmem:s2], [sflag:$0x1] =	stream.indirect_vreg.gather [hbm4b:s1+s17], $0x80, v4, vm0, $0xb8;
	[tilespmem:$0x18200] =	vst v63  }
0xe3: {  	s4 =	simm.s32 $0xCA00;
	v3 =	vperm.xlane v3, v2  }
0xe4: {  	[tilespmem:s4], [sflag:$0x1] =	stream.indirect_vreg.gather [hbm4b:s5+s17], $0x80, v4, vm0, $0xb8;
	[tilespmem:$0x18200] =	vst v63  }
0xe5: {  	s8 =	simm.s32 $0xD200;
	v3 =	vadd.s32 v1, v3  }
0xe6: {  	[tilespmem:s8], [sflag:$0x1] =	stream.indirect_vreg.gather [hbm4b:s6+s17], $0x80, v4, vm0, $0xb8;
	[tilespmem:$0x18200] =	vst v63  }
0xe7: {  	s18 =	simm.s32 $0xDA00  }
0xe8: {  	[tilespmem:s18], [sflag:$0x1] =	stream.indirect_vreg.gather [hbm4b:s7+s17], $0x80, v4, vm0, $0xb8;
	[tilespmem:$0x18200] =	vst v63  }
0xe9: {  	s19 =	simm.s32 $0xE200  }
0xea: {  	[tilespmem:s19], [sflag:$0x1] =	stream.indirect_vreg.gather [hbm4b:s1+s17], $0x80, v3, vm0, $0xb8;
	[tilespmem:$0x18200] =	vst v63  }
0xeb: {  	s20 =	simm.s32 $0xEA00  }
0xec: {  	[tilespmem:s20], [sflag:$0x1] =	stream.indirect_vreg.gather [hbm4b:s5+s17], $0x80, v3, vm0, $0xb8;
	[tilespmem:$0x18200] =	vst v63  }
0xed: {  	s22 =	simm.s32 $0xF200;
	s24 =	sand.u32 $0xC000, s17;
	s2 =	sand.u32 $0x3800, s17  }
0xee: {  	[tilespmem:s22], [sflag:$0x1] =	stream.indirect_vreg.gather [hbm4b:s6+s17], $0x80, v3, vm0, $0xb8;
	[tilespmem:$0x18200] =	vst v63  }
0xef: {  	s23 =	simm.s32 $0xFA00;
	s25 =	sand.u32 $0x700, s17;
	s0 =	sor.u32 s2, s24  }
0xf0: {  	[tilespmem:s23], [sflag:$0x1] =	stream.indirect_vreg.gather [hbm4b:s7+s17], $0x80, v3, vm0, $0xb8;
	[tilespmem:$0x18200] =	vst v63  }
0xf1: {  	s0 =	sor.u32 s25, s0;
	_ =	swait.ge [sflag:s13], $0x8000  }
0xf2: {  	s2 =	sor.u32 $0xE0, s0;
	[sflag:s13] =	ssyncset.done $0x0  }
0xf3: {  	s2 =	sshrl.u32 s2, $0x1;
	[sflag:s13] =	ssyncadd.s32 $0xFFFF8000  }
0xf4: {  	s4 =	sor.u32 $0x20, s0;
	v4 =	vld [tilespmem:s2+$0x200]  }
0xf5: {  	s4 =	sshrl.u32 s4, $0x1;
	v5 =	vld [tilespmem:s2+$0x10200]  }
0xf6: {  	s8 =	sor.u32 $0x40, s0;
	v7 =	vld [tilespmem:s4+$0x200]  }
0xf7: {  	s25 =	sshrl.u32 s8, $0x1;
	v8 =	vld [tilespmem:s4+$0x10200]  }
0xf8: {  	s26 =	sor.u32 $0x60, s0;
	v9 =	vld [tilespmem:s25+$0x200]  }
0xf9: {  	s23 =	sshrl.u32 s26, $0x1;
	v10 =	vld [tilespmem:s25+$0x10200]  }
0xfa: {  	s29 =	sor.u32 $0x80, s0;
	v3 =	vld [tilespmem:s23+$0x200]  }
0xfb: {  	s19 =	sshrl.u32 s29, $0x1;
	v6 =	vld [tilespmem:s23+$0x10200];
	v5 =	vadd.bf16 v5, v4  }
0xfc: {  	s28 =	simm.s32 $0x100;
	s30 =	sor.u32 $0xA0, s0;
	v8 =	vadd.bf16 v8, v7;
	v4 =	vld [tilespmem:s19+$0x200]  }
0xfd: {  	s24 =	simm.s32 $0x0;
	s31 =	sor.u32 $0xC0, s0;
	s20 =	sshrl.u32 s30, $0x1;
	v7 =	vld [tilespmem:s19+$0x10200];
	[tilespmem:s2+$0x200] =	vst v5  }
0xfe: {  	s18 =	sshrl.u32 s0, $0x1;
	s22 =	sshrl.u32 s31, $0x1;
	s26 =	simm.s32 $0x800;
	[tilespmem:s4+$0x200] =	vst v8;
	v8 =	vadd.bf16 v10, v9;
	v5 =	vld [tilespmem:s20+$0x200]  }
.LBB2_4:
0xff: {  	s0 =	sand.u32 $0xC000, s28;
	s2 =	sand.u32 $0x3800, s26;
	v9 =	vld [tilespmem:s20+$0x10200];
	s17 =	sadd.s32 $0x20, s17  }
0x100: {  	s24 =	sadd.s32 $0x8, s24;
	s0 =	sor.u32 s2, s0;
	s2 =	sand.u32 $0x700, s17;
	[tilespmem:s25+$0x200] =	vst v8;
	v3 =	vadd.bf16 v6, v3;
	v6 =	vld [tilespmem:s22+$0x200]  }
0x101: {  	p0 =	slt.u32 s24, $0x7F8;
	s0 =	sor.u32 s2, s0;
	v8 =	vld [tilespmem:s22+$0x10200]  }
0x102: {  	s2 =	sor.u32 $0x20, s0;
	s4 =	sor.u32 $0x40, s0;
	s8 =	sor.u32 $0xE0, s0;
	v10 =	vld [tilespmem:s18+$0x200];
	[tilespmem:s23+$0x200] =	vst v3;
	v3 =	vadd.bf16 v7, v4  }
0x103: {  	s23 =	sor.u32 $0x60, s0;
	s29 =	sor.u32 $0x80, s0;
	s8 =	sshrl.u32 s8, $0x1;
	v4 =	vld [tilespmem:s18+$0x10200]  }
0x104: {  	s30 =	sor.u32 $0xA0, s0;
	s31 =	sor.u32 $0xC0, s0;
	s2 =	sshrl.u32 s2, $0x1;
	v7 =	vld [tilespmem:s8+$0x200];
	[tilespmem:s19+$0x200] =	vst v3;
	v3 =	vadd.bf16 v9, v5  }
0x105: {  	s25 =	sshrl.u32 s4, $0x1;
	s23 =	sshrl.u32 s23, $0x1;
	s19 =	sshrl.u32 s29, $0x1;
	v5 =	vld [tilespmem:s8+$0x10200]  }
0x106: {  	s0 =	sshrl.u32 s0, $0x1;
	s4 =	sshrl.u32 s31, $0x1;
	v9 =	vld [tilespmem:s2+$0x200];
	[tilespmem:s20+$0x200] =	vst v3;
	s20 =	sshrl.u32 s30, $0x1;
	v3 =	vadd.bf16 v8, v6  }
0x107: {  	v8 =	vld [tilespmem:s2+$0x10200]  }
0x108: {  	v11 =	vld [tilespmem:s25+$0x200];
	v4 =	vadd.bf16 v4, v10;
	[tilespmem:s22+$0x200] =	vst v3;
	s22 =	smov.u32 s4  }
0x109: {  	v10 =	vld [tilespmem:s25+$0x10200]  }
.Ltmp1:
0x10a: {  	v3 =	vld [tilespmem:s23+$0x200];
	v5 =	vadd.bf16 v5, v7;
	[tilespmem:s18+$0x200] =	vst v4;
	s18 =	smov.u32 s0;
	(pc) =	sbr.rel @p0 .LBB2_4-.Ltmp1, $4  }
0x10b: {  	v6 =	vld [tilespmem:s23+$0x10200]  }
0x10c: {  	v8 =	vadd.bf16 v8, v9;
	v4 =	vld [tilespmem:s19+$0x200];
	[tilespmem:s8+$0x200] =	vst v5  }
0x10d: {  	v7 =	vld [tilespmem:s19+$0x10200]  }
0x10e: {  	s26 =	sadd.s32 $0x800, s26;
	s28 =	sadd.s32 $0x100, s28;
	[tilespmem:s2+$0x200] =	vst v8;
	v8 =	vadd.bf16 v10, v11;
	v5 =	vld [tilespmem:s20+$0x200]  }
0x10f: {  	v9 =	vld [tilespmem:s20+$0x10200]  }
0x110: {  	v10 =	vld [tilespmem:s22+$0x200]  }
0x111: {  	v11 =	vld [tilespmem:s22+$0x10200]  }
0x112: {  	v12 =	vld [tilespmem:s18+$0x200]  }
0x113: {  	v13 =	vld [tilespmem:s18+$0x10200]  }
0x114: {  	v3 =	vadd.bf16 v6, v3  }
0x115: {  	[tilespmem:s25+$0x200] =	vst v8;
	v4 =	vadd.bf16 v7, v4  }
0x116: {  	[tilespmem:s23+$0x200] =	vst v3;
	v3 =	vadd.bf16 v9, v5  }
0x117: {  	[tilespmem:s19+$0x200] =	vst v4;
	v4 =	vadd.bf16 v11, v10  }
0x118: {  	[tilespmem:s20+$0x200] =	vst v3;
	v3 =	vadd.bf16 v13, v12  }
0x119: {  	[tilespmem:s22+$0x200] =	vst v4  }
0x11a: {  	[tilespmem:s18+$0x200] =	vst v3  }
0x11b: {  	v3 =	vld [tilespmem:$0xA0];
	_ =	sdelay $0x4  }
0x11c: {  	v4 =	vshll.u32 v3, $0x3  }
0x11d: {  	v3 =	vand.u32 $0x7, v3;
	v4 =	vand.u32 $0xFFFFFFC0, v4  }
0x11e: {  	v3 =	vor.u32 v3, v4  }
0x11f: {  	v4 =	vperm.xlane v3, v0;
	_ =	sdelay $0x1  }
0x120: {  	v4 =	vadd.s32 v1, v4;
	_ =	sdelay $0x3  }
0x121: {  	s17 =	simm.s32 $0x0;
	s0 =	simm.s32 $0x10200  }
0x122: {  	[tilespmem:s0], [sflag:$0x2] =	stream.indirect_vreg.gather [hbm4b:s1+s17], $0x80, v4, vm0, $0xb8;
	[tilespmem:$0x18200] =	vst v63  }
0x123: {  	s26 =	simm.s32 $0x10A00;
	v3 =	vperm.xlane v3, v2  }
0x124: {  	[tilespmem:s26], [sflag:$0x2] =	stream.indirect_vreg.gather [hbm4b:s5+s17], $0x80, v4, vm0, $0xb8;
	[tilespmem:$0x18200] =	vst v63  }
0x125: {  	s29 =	simm.s32 $0x11200;
	v3 =	vadd.s32 v1, v3  }
0x126: {  	[tilespmem:s29], [sflag:$0x2] =	stream.indirect_vreg.gather [hbm4b:s6+s17], $0x80, v4, vm0, $0xb8;
	[tilespmem:$0x18200] =	vst v63  }
0x127: {  	s30 =	simm.s32 $0x11A00  }
0x128: {  	[tilespmem:s30], [sflag:$0x2] =	stream.indirect_vreg.gather [hbm4b:s7+s17], $0x80, v4, vm0, $0xb8;
	[tilespmem:$0x18200] =	vst v63  }
0x129: {  	s31 =	simm.s32 $0x12200  }
0x12a: {  	[tilespmem:s31], [sflag:$0x2] =	stream.indirect_vreg.gather [hbm4b:s1+s17], $0x80, v3, vm0, $0xb8;
	[tilespmem:$0x18200] =	vst v63  }
0x12b: {  	s2 =	simm.s32 $0x12A00  }
0x12c: {  	[tilespmem:s2], [sflag:$0x2] =	stream.indirect_vreg.gather [hbm4b:s5+s17], $0x80, v3, vm0, $0xb8;
	[tilespmem:$0x18200] =	vst v63  }
0x12d: {  	s4 =	simm.s32 $0x13200  }
0x12e: {  	[tilespmem:s4], [sflag:$0x2] =	stream.indirect_vreg.gather [hbm4b:s6+s17], $0x80, v3, vm0, $0xb8;
	[tilespmem:$0x18200] =	vst v63  }
0x12f: {  	s8 =	simm.s32 $0x13A00  }
0x130: {  	[tilespmem:s8], [sflag:$0x2] =	stream.indirect_vreg.gather [hbm4b:s7+s17], $0x80, v3, vm0, $0xb8;
	[tilespmem:$0x18200] =	vst v63  }
0x131: {  	v3 =	vld [tilespmem:$0xB0];
	_ =	sdelay $0x4  }
0x132: {  	v4 =	vshll.u32 v3, $0x3  }
0x133: {  	v3 =	vand.u32 $0x7, v3;
	v4 =	vand.u32 $0xFFFFFFC0, v4  }
0x134: {  	v3 =	vor.u32 v3, v4  }
0x135: {  	v4 =	vperm.xlane v3, v0;
	_ =	sdelay $0x1  }
0x136: {  	v4 =	vadd.s32 v1, v4;
	_ =	sdelay $0x3  }
0x137: {  	s18 =	simm.s32 $0x14200  }
0x138: {  	[tilespmem:s18], [sflag:$0x2] =	stream.indirect_vreg.gather [hbm4b:s1+s17], $0x80, v4, vm0, $0xb8;
	[tilespmem:$0x18200] =	vst v63  }
0x139: {  	s19 =	simm.s32 $0x14A00;
	v3 =	vperm.xlane v3, v2  }
0x13a: {  	[tilespmem:s19], [sflag:$0x2] =	stream.indirect_vreg.gather [hbm4b:s5+s17], $0x80, v4, vm0, $0xb8;
	[tilespmem:$0x18200] =	vst v63  }
0x13b: {  	s20 =	simm.s32 $0x15200;
	v3 =	vadd.s32 v1, v3  }
0x13c: {  	[tilespmem:s20], [sflag:$0x2] =	stream.indirect_vreg.gather [hbm4b:s6+s17], $0x80, v4, vm0, $0xb8;
	[tilespmem:$0x18200] =	vst v63  }
0x13d: {  	s22 =	simm.s32 $0x15A00  }
0x13e: {  	[tilespmem:s22], [sflag:$0x2] =	stream.indirect_vreg.gather [hbm4b:s7+s17], $0x80, v4, vm0, $0xb8;
	[tilespmem:$0x18200] =	vst v63  }
0x13f: {  	s23 =	simm.s32 $0x16200  }
0x140: {  	[tilespmem:s23], [sflag:$0x2] =	stream.indirect_vreg.gather [hbm4b:s1+s17], $0x80, v3, vm0, $0xb8;
	[tilespmem:$0x18200] =	vst v63  }
0x141: {  	_ = 	snop  }
0x142: {  	[tilespmem:s9], [sflag:$0x2] =	stream.indirect_vreg.gather [hbm4b:s5+s17], $0x80, v3, vm0, $0xb8;
	[tilespmem:$0x18200] =	vst v63  }
0x143: {  	s24 =	sand.u32 $0xC000, s17;
	s2 =	sand.u32 $0x3800, s17  }
0x144: {  	[tilespmem:s10], [sflag:$0x2] =	stream.indirect_vreg.gather [hbm4b:s6+s17], $0x80, v3, vm0, $0xb8;
	[tilespmem:$0x18200] =	vst v63  }
0x145: {  	s25 =	sand.u32 $0x700, s17;
	s0 =	sor.u32 s2, s24  }
0x146: {  	[tilespmem:s11], [sflag:$0x2] =	stream.indirect_vreg.gather [hbm4b:s7+s17], $0x80, v3, vm0, $0xb8;
	[tilespmem:$0x18200] =	vst v63  }
0x147: {  	s0 =	sor.u32 s25, s0;
	_ =	swait.ge [sflag:s12], $0x8000  }
0x148: {  	s2 =	sor.u32 $0xE0, s0;
	[sflag:s12] =	ssyncset.done $0x0  }
0x149: {  	s2 =	sshrl.u32 s2, $0x1;
	[sflag:s12] =	ssyncadd.s32 $0xFFFF8000  }
0x14a: {  	s4 =	sor.u32 $0x20, s0;
	v4 =	vld [tilespmem:s2+$0x200]  }
0x14b: {  	s4 =	sshrl.u32 s4, $0x1;
	v5 =	vld [tilespmem:s2+$0x8200]  }
0x14c: {  	s8 =	sor.u32 $0x40, s0;
	v7 =	vld [tilespmem:s4+$0x200]  }
0x14d: {  	s25 =	sshrl.u32 s8, $0x1;
	v8 =	vld [tilespmem:s4+$0x8200]  }
0x14e: {  	s26 =	sor.u32 $0x60, s0;
	v9 =	vld [tilespmem:s25+$0x200]  }
0x14f: {  	s23 =	sshrl.u32 s26, $0x1;
	v10 =	vld [tilespmem:s25+$0x8200]  }
0x150: {  	s29 =	sor.u32 $0x80, s0;
	v3 =	vld [tilespmem:s23+$0x200]  }
0x151: {  	s19 =	sshrl.u32 s29, $0x1;
	v6 =	vld [tilespmem:s23+$0x8200];
	v5 =	vadd.bf16 v5, v4  }
0x152: {  	s28 =	simm.s32 $0x100;
	s30 =	sor.u32 $0xA0, s0;
	v8 =	vadd.bf16 v8, v7;
	v4 =	vld [tilespmem:s19+$0x200]  }
0x153: {  	s24 =	simm.s32 $0x0;
	s31 =	sor.u32 $0xC0, s0;
	s20 =	sshrl.u32 s30, $0x1;
	v7 =	vld [tilespmem:s19+$0x8200];
	[tilespmem:s2+$0x200] =	vst v5  }
0x154: {  	s18 =	sshrl.u32 s0, $0x1;
	s22 =	sshrl.u32 s31, $0x1;
	s26 =	simm.s32 $0x800;
	[tilespmem:s4+$0x200] =	vst v8;
	v8 =	vadd.bf16 v10, v9;
	v5 =	vld [tilespmem:s20+$0x200]  }
.LBB2_6:
0x155: {  	s0 =	sand.u32 $0xC000, s28;
	s2 =	sand.u32 $0x3800, s26;
	v9 =	vld [tilespmem:s20+$0x8200];
	s17 =	sadd.s32 $0x20, s17  }
0x156: {  	s24 =	sadd.s32 $0x8, s24;
	s0 =	sor.u32 s2, s0;
	s2 =	sand.u32 $0x700, s17;
	[tilespmem:s25+$0x200] =	vst v8;
	v3 =	vadd.bf16 v6, v3;
	v6 =	vld [tilespmem:s22+$0x200]  }
0x157: {  	p0 =	slt.u32 s24, $0x7F8;
	s0 =	sor.u32 s2, s0;
	v8 =	vld [tilespmem:s22+$0x8200]  }
0x158: {  	s2 =	sor.u32 $0x20, s0;
	s4 =	sor.u32 $0x40, s0;
	s8 =	sor.u32 $0xE0, s0;
	v10 =	vld [tilespmem:s18+$0x200];
	[tilespmem:s23+$0x200] =	vst v3;
	v3 =	vadd.bf16 v7, v4  }
0x159: {  	s23 =	sor.u32 $0x60, s0;
	s29 =	sor.u32 $0x80, s0;
	s8 =	sshrl.u32 s8, $0x1;
	v4 =	vld [tilespmem:s18+$0x8200]  }
0x15a: {  	s30 =	sor.u32 $0xA0, s0;
	s31 =	sor.u32 $0xC0, s0;
	s2 =	sshrl.u32 s2, $0x1;
	v7 =	vld [tilespmem:s8+$0x200];
	[tilespmem:s19+$0x200] =	vst v3;
	v3 =	vadd.bf16 v9, v5  }
0x15b: {  	s25 =	sshrl.u32 s4, $0x1;
	s23 =	sshrl.u32 s23, $0x1;
	s19 =	sshrl.u32 s29, $0x1;
	v5 =	vld [tilespmem:s8+$0x8200]  }
0x15c: {  	s0 =	sshrl.u32 s0, $0x1;
	s4 =	sshrl.u32 s31, $0x1;
	v9 =	vld [tilespmem:s2+$0x200];
	[tilespmem:s20+$0x200] =	vst v3;
	s20 =	sshrl.u32 s30, $0x1;
	v3 =	vadd.bf16 v8, v6  }
0x15d: {  	v8 =	vld [tilespmem:s2+$0x8200]  }
0x15e: {  	v11 =	vld [tilespmem:s25+$0x200];
	v4 =	vadd.bf16 v4, v10;
	[tilespmem:s22+$0x200] =	vst v3;
	s22 =	smov.u32 s4  }
0x15f: {  	v10 =	vld [tilespmem:s25+$0x8200]  }
.Ltmp2:
0x160: {  	v3 =	vld [tilespmem:s23+$0x200];
	v5 =	vadd.bf16 v5, v7;
	[tilespmem:s18+$0x200] =	vst v4;
	s18 =	smov.u32 s0;
	(pc) =	sbr.rel @p0 .LBB2_6-.Ltmp2, $4  }
0x161: {  	v6 =	vld [tilespmem:s23+$0x8200]  }
0x162: {  	v8 =	vadd.bf16 v8, v9;
	v4 =	vld [tilespmem:s19+$0x200];
	[tilespmem:s8+$0x200] =	vst v5  }
0x163: {  	v7 =	vld [tilespmem:s19+$0x8200]  }
0x164: {  	s26 =	sadd.s32 $0x800, s26;
	s28 =	sadd.s32 $0x100, s28;
	[tilespmem:s2+$0x200] =	vst v8;
	v8 =	vadd.bf16 v10, v11;
	v5 =	vld [tilespmem:s20+$0x200]  }
0x165: {  	v9 =	vld [tilespmem:s20+$0x8200]  }
0x166: {  	v10 =	vld [tilespmem:s22+$0x200]  }
0x167: {  	v11 =	vld [tilespmem:s22+$0x8200]  }
0x168: {  	v12 =	vld [tilespmem:s18+$0x200]  }
0x169: {  	v13 =	vld [tilespmem:s18+$0x8200]  }
0x16a: {  	v3 =	vadd.bf16 v6, v3  }
0x16b: {  	[tilespmem:s25+$0x200] =	vst v8;
	v4 =	vadd.bf16 v7, v4  }
0x16c: {  	[tilespmem:s23+$0x200] =	vst v3;
	v3 =	vadd.bf16 v9, v5  }
0x16d: {  	[tilespmem:s19+$0x200] =	vst v4;
	v4 =	vadd.bf16 v11, v10  }
0x16e: {  	[tilespmem:s20+$0x200] =	vst v3;
	v3 =	vadd.bf16 v13, v12  }
0x16f: {  	[tilespmem:s22+$0x200] =	vst v4  }
0x170: {  	[tilespmem:s18+$0x200] =	vst v3  }
0x171: {  	s17 =	simm.s32 $0x0;
	s0 =	rddreg [dreg:$0x4]  }
0x172: {  	[hbm4b:s0+s17] =	stream.linear.scatter [tilespmem:s14], [sflag:$0x4], $0x8000, $0x38;
	[tilespmem:$0x18200] =	vst v63  }
0x173: {  	_ =	swait.ge [sflag:s15], $0x8000  }
0x174: {  	[sflag:s15] =	ssyncset.done $0x0  }
0x175: {  	[sflag:s15] =	ssyncadd.s32 $0xFFFF8000  }
0x176: {  	v3 =	vld [tilespmem:$0x20];
	_ =	sdelay $0x4  }
0x177: {  	v4 =	vshll.u32 v3, $0x3  }
0x178: {  	v3 =	vand.u32 $0x7, v3;
	v4 =	vand.u32 $0xFFFFFFC0, v4  }
0x179: {  	v3 =	vor.u32 v3, v4  }
0x17a: {  	v4 =	vperm.xlane v3, v0;
	_ =	sdelay $0x1  }
0x17b: {  	v4 =	vadd.s32 v1, v4;
	_ =	sdelay $0x4  }
0x17c: {  	[tilespmem:s14], [sflag:$0x3] =	stream.indirect_vreg.gather [hbm4b:s1+s17], $0x80, v4, vm0, $0xb8;
	[tilespmem:$0x18200] =	vst v63  }
0x17d: {  	s20 =	simm.s32 $0xA00;
	v3 =	vperm.xlane v3, v2  }
0x17e: {  	[tilespmem:s20], [sflag:$0x3] =	stream.indirect_vreg.gather [hbm4b:s5+s17], $0x80, v4, vm0, $0xb8;
	[tilespmem:$0x18200] =	vst v63  }
0x17f: {  	s22 =	simm.s32 $0x1200;
	v3 =	vadd.s32 v1, v3  }
0x180: {  	[tilespmem:s22], [sflag:$0x3] =	stream.indirect_vreg.gather [hbm4b:s6+s17], $0x80, v4, vm0, $0xb8;
	[tilespmem:$0x18200] =	vst v63  }
0x181: {  	s23 =	simm.s32 $0x1A00  }
0x182: {  	[tilespmem:s23], [sflag:$0x3] =	stream.indirect_vreg.gather [hbm4b:s7+s17], $0x80, v4, vm0, $0xb8;
	[tilespmem:$0x18200] =	vst v63  }
0x183: {  	s24 =	simm.s32 $0x2200  }
0x184: {  	[tilespmem:s24], [sflag:$0x3] =	stream.indirect_vreg.gather [hbm4b:s1+s17], $0x80, v3, vm0, $0xb8;
	[tilespmem:$0x18200] =	vst v63  }
0x185: {  	s25 =	simm.s32 $0x2A00  }
0x186: {  	[tilespmem:s25], [sflag:$0x3] =	stream.indirect_vreg.gather [hbm4b:s5+s17], $0x80, v3, vm0, $0xb8;
	[tilespmem:$0x18200] =	vst v63  }
0x187: {  	s26 =	simm.s32 $0x3200  }
0x188: {  	[tilespmem:s26], [sflag:$0x3] =	stream.indirect_vreg.gather [hbm4b:s6+s17], $0x80, v3, vm0, $0xb8;
	[tilespmem:$0x18200] =	vst v63  }
0x189: {  	s29 =	simm.s32 $0x3A00  }
0x18a: {  	[tilespmem:s29], [sflag:$0x3] =	stream.indirect_vreg.gather [hbm4b:s7+s17], $0x80, v3, vm0, $0xb8;
	[tilespmem:$0x18200] =	vst v63  }
0x18b: {  	v3 =	vld [tilespmem:$0x30];
	_ =	sdelay $0x4  }
0x18c: {  	v4 =	vshll.u32 v3, $0x3  }
0x18d: {  	v3 =	vand.u32 $0x7, v3;
	v4 =	vand.u32 $0xFFFFFFC0, v4  }
0x18e: {  	v3 =	vor.u32 v3, v4  }
0x18f: {  	v4 =	vperm.xlane v3, v0;
	_ =	sdelay $0x1  }
0x190: {  	v4 =	vadd.s32 v1, v4;
	_ =	sdelay $0x3  }
0x191: {  	s30 =	simm.s32 $0x4200  }
0x192: {  	[tilespmem:s30], [sflag:$0x3] =	stream.indirect_vreg.gather [hbm4b:s1+s17], $0x80, v4, vm0, $0xb8;
	[tilespmem:$0x18200] =	vst v63  }
0x193: {  	s31 =	simm.s32 $0x4A00;
	v3 =	vperm.xlane v3, v2  }
0x194: {  	[tilespmem:s31], [sflag:$0x3] =	stream.indirect_vreg.gather [hbm4b:s5+s17], $0x80, v4, vm0, $0xb8;
	[tilespmem:$0x18200] =	vst v63  }
0x195: {  	s2 =	simm.s32 $0x5200;
	v3 =	vadd.s32 v1, v3  }
0x196: {  	[tilespmem:s2], [sflag:$0x3] =	stream.indirect_vreg.gather [hbm4b:s6+s17], $0x80, v4, vm0, $0xb8;
	[tilespmem:$0x18200] =	vst v63  }
0x197: {  	s4 =	simm.s32 $0x5A00  }
0x198: {  	[tilespmem:s4], [sflag:$0x3] =	stream.indirect_vreg.gather [hbm4b:s7+s17], $0x80, v4, vm0, $0xb8;
	[tilespmem:$0x18200] =	vst v63  }
0x199: {  	s8 =	simm.s32 $0x6200  }
0x19a: {  	[tilespmem:s8], [sflag:$0x3] =	stream.indirect_vreg.gather [hbm4b:s1+s17], $0x80, v3, vm0, $0xb8;
	[tilespmem:$0x18200] =	vst v63  }
0x19b: {  	s18 =	simm.s32 $0x6A00  }
0x19c: {  	[tilespmem:s18], [sflag:$0x3] =	stream.indirect_vreg.gather [hbm4b:s5+s17], $0x80, v3, vm0, $0xb8;
	[tilespmem:$0x18200] =	vst v63  }
0x19d: {  	s19 =	simm.s32 $0x7200  }
0x19e: {  	[tilespmem:s19], [sflag:$0x3] =	stream.indirect_vreg.gather [hbm4b:s6+s17], $0x80, v3, vm0, $0xb8;
	[tilespmem:$0x18200] =	vst v63  }
0x19f: {  	s20 =	simm.s32 $0x7A00  }
0x1a0: {  	[tilespmem:s20], [sflag:$0x3] =	stream.indirect_vreg.gather [hbm4b:s7+s17], $0x80, v3, vm0, $0xb8;
	[tilespmem:$0x18200] =	vst v63  }
0x1a1: {  	_ =	swait.ge [sflag:s21], $0x8000  }
0x1a2: {  	[sflag:s21] =	ssyncset.done $0x0  }
0x1a3: {  	[sflag:s21] =	ssyncadd.s32 $0xFFFF8000  }
0x1a4: {  	v3 =	vld [tilespmem:$0x120];
	_ =	sdelay $0x4  }
0x1a5: {  	v4 =	vshll.u32 v3, $0x3  }
0x1a6: {  	v3 =	vand.u32 $0x7, v3;
	v4 =	vand.u32 $0xFFFFFFC0, v4  }
0x1a7: {  	v3 =	vor.u32 v3, v4  }
0x1a8: {  	v4 =	vperm.xlane v3, v0;
	_ =	sdelay $0x1  }
0x1a9: {  	v4 =	vadd.s32 v1, v4;
	_ =	sdelay $0x3  }
0x1aa: {  	s22 =	simm.s32 $0x8200  }
0x1ab: {  	[tilespmem:s22], [sflag:$0x1] =	stream.indirect_vreg.gather [hbm4b:s1+s17], $0x80, v4, vm0, $0xb8;
	[tilespmem:$0x18200] =	vst v63  }
0x1ac: {  	s23 =	simm.s32 $0x8A00;
	v3 =	vperm.xlane v3, v2  }
0x1ad: {  	[tilespmem:s23], [sflag:$0x1] =	stream.indirect_vreg.gather [hbm4b:s5+s17], $0x80, v4, vm0, $0xb8;
	[tilespmem:$0x18200] =	vst v63  }
0x1ae: {  	s24 =	simm.s32 $0x9200;
	v3 =	vadd.s32 v1, v3  }
0x1af: {  	[tilespmem:s24], [sflag:$0x1] =	stream.indirect_vreg.gather [hbm4b:s6+s17], $0x80, v4, vm0, $0xb8;
	[tilespmem:$0x18200] =	vst v63  }
0x1b0: {  	s25 =	simm.s32 $0x9A00  }
0x1b1: {  	[tilespmem:s25], [sflag:$0x1] =	stream.indirect_vreg.gather [hbm4b:s7+s17], $0x80, v4, vm0, $0xb8;
	[tilespmem:$0x18200] =	vst v63  }
0x1b2: {  	s26 =	simm.s32 $0xA200  }
0x1b3: {  	[tilespmem:s26], [sflag:$0x1] =	stream.indirect_vreg.gather [hbm4b:s1+s17], $0x80, v3, vm0, $0xb8;
	[tilespmem:$0x18200] =	vst v63  }
0x1b4: {  	s29 =	simm.s32 $0xAA00  }
0x1b5: {  	[tilespmem:s29], [sflag:$0x1] =	stream.indirect_vreg.gather [hbm4b:s5+s17], $0x80, v3, vm0, $0xb8;
	[tilespmem:$0x18200] =	vst v63  }
0x1b6: {  	s30 =	simm.s32 $0xB200  }
0x1b7: {  	[tilespmem:s30], [sflag:$0x1] =	stream.indirect_vreg.gather [hbm4b:s6+s17], $0x80, v3, vm0, $0xb8;
	[tilespmem:$0x18200] =	vst v63  }
0x1b8: {  	s31 =	simm.s32 $0xBA00  }
0x1b9: {  	[tilespmem:s31], [sflag:$0x1] =	stream.indirect_vreg.gather [hbm4b:s7+s17], $0x80, v3, vm0, $0xb8;
	[tilespmem:$0x18200] =	vst v63  }
0x1ba: {  	v3 =	vld [tilespmem:$0x130];
	_ =	sdelay $0x4  }
0x1bb: {  	v4 =	vshll.u32 v3, $0x3  }
0x1bc: {  	v3 =	vand.u32 $0x7, v3;
	v4 =	vand.u32 $0xFFFFFFC0, v4  }
0x1bd: {  	v3 =	vor.u32 v3, v4  }
0x1be: {  	v4 =	vperm.xlane v3, v0;
	_ =	sdelay $0x1  }
0x1bf: {  	v4 =	vadd.s32 v1, v4;
	_ =	sdelay $0x3  }
0x1c0: {  	s2 =	simm.s32 $0xC200  }
0x1c1: {  	[tilespmem:s2], [sflag:$0x1] =	stream.indirect_vreg.gather [hbm4b:s1+s17], $0x80, v4, vm0, $0xb8;
	[tilespmem:$0x18200] =	vst v63  }
0x1c2: {  	s4 =	simm.s32 $0xCA00;
	v3 =	vperm.xlane v3, v2  }
0x1c3: {  	[tilespmem:s4], [sflag:$0x1] =	stream.indirect_vreg.gather [hbm4b:s5+s17], $0x80, v4, vm0, $0xb8;
	[tilespmem:$0x18200] =	vst v63  }
0x1c4: {  	s8 =	simm.s32 $0xD200;
	v3 =	vadd.s32 v1, v3  }
0x1c5: {  	[tilespmem:s8], [sflag:$0x1] =	stream.indirect_vreg.gather [hbm4b:s6+s17], $0x80, v4, vm0, $0xb8;
	[tilespmem:$0x18200] =	vst v63  }
0x1c6: {  	s18 =	simm.s32 $0xDA00  }
0x1c7: {  	[tilespmem:s18], [sflag:$0x1] =	stream.indirect_vreg.gather [hbm4b:s7+s17], $0x80, v4, vm0, $0xb8;
	[tilespmem:$0x18200] =	vst v63  }
0x1c8: {  	s19 =	simm.s32 $0xE200  }
0x1c9: {  	[tilespmem:s19], [sflag:$0x1] =	stream.indirect_vreg.gather [hbm4b:s1+s17], $0x80, v3, vm0, $0xb8;
	[tilespmem:$0x18200] =	vst v63  }
0x1ca: {  	s20 =	simm.s32 $0xEA00  }
0x1cb: {  	[tilespmem:s20], [sflag:$0x1] =	stream.indirect_vreg.gather [hbm4b:s5+s17], $0x80, v3, vm0, $0xb8;
	[tilespmem:$0x18200] =	vst v63  }
0x1cc: {  	s22 =	simm.s32 $0xF200;
	s24 =	sand.u32 $0xC000, s17;
	s2 =	sand.u32 $0x3800, s17  }
0x1cd: {  	[tilespmem:s22], [sflag:$0x1] =	stream.indirect_vreg.gather [hbm4b:s6+s17], $0x80, v3, vm0, $0xb8;
	[tilespmem:$0x18200] =	vst v63  }
0x1ce: {  	s23 =	simm.s32 $0xFA00;
	s25 =	sand.u32 $0x700, s17;
	s0 =	sor.u32 s2, s24  }
0x1cf: {  	[tilespmem:s23], [sflag:$0x1] =	stream.indirect_vreg.gather [hbm4b:s7+s17], $0x80, v3, vm0, $0xb8;
	[tilespmem:$0x18200] =	vst v63  }
0x1d0: {  	s0 =	sor.u32 s25, s0;
	_ =	swait.ge [sflag:s13], $0x8000  }
0x1d1: {  	s2 =	sor.u32 $0xE0, s0;
	[sflag:s13] =	ssyncset.done $0x0  }
0x1d2: {  	s2 =	sshrl.u32 s2, $0x1;
	[sflag:s13] =	ssyncadd.s32 $0xFFFF8000  }
0x1d3: {  	s4 =	sor.u32 $0x20, s0;
	v4 =	vld [tilespmem:s2+$0x200]  }
0x1d4: {  	s4 =	sshrl.u32 s4, $0x1;
	v5 =	vld [tilespmem:s2+$0x10200]  }
0x1d5: {  	s8 =	sor.u32 $0x40, s0;
	v7 =	vld [tilespmem:s4+$0x200]  }
0x1d6: {  	s25 =	sshrl.u32 s8, $0x1;
	v8 =	vld [tilespmem:s4+$0x10200]  }
0x1d7: {  	s26 =	sor.u32 $0x60, s0;
	v9 =	vld [tilespmem:s25+$0x200]  }
0x1d8: {  	s23 =	sshrl.u32 s26, $0x1;
	v10 =	vld [tilespmem:s25+$0x10200]  }
0x1d9: {  	s29 =	sor.u32 $0x80, s0;
	v3 =	vld [tilespmem:s23+$0x200]  }
0x1da: {  	s19 =	sshrl.u32 s29, $0x1;
	v6 =	vld [tilespmem:s23+$0x10200];
	v5 =	vadd.bf16 v5, v4  }
0x1db: {  	s28 =	simm.s32 $0x100;
	s30 =	sor.u32 $0xA0, s0;
	v8 =	vadd.bf16 v8, v7;
	v4 =	vld [tilespmem:s19+$0x200]  }
0x1dc: {  	s24 =	simm.s32 $0x0;
	s31 =	sor.u32 $0xC0, s0;
	s20 =	sshrl.u32 s30, $0x1;
	v7 =	vld [tilespmem:s19+$0x10200];
	[tilespmem:s2+$0x200] =	vst v5  }
0x1dd: {  	s18 =	sshrl.u32 s0, $0x1;
	s22 =	sshrl.u32 s31, $0x1;
	s26 =	simm.s32 $0x800;
	[tilespmem:s4+$0x200] =	vst v8;
	v8 =	vadd.bf16 v10, v9;
	v5 =	vld [tilespmem:s20+$0x200]  }
.LBB2_8:
0x1de: {  	s0 =	sand.u32 $0xC000, s28;
	s2 =	sand.u32 $0x3800, s26;
	v9 =	vld [tilespmem:s20+$0x10200];
	s17 =	sadd.s32 $0x20, s17  }
0x1df: {  	s24 =	sadd.s32 $0x8, s24;
	s0 =	sor.u32 s2, s0;
	s2 =	sand.u32 $0x700, s17;
	[tilespmem:s25+$0x200] =	vst v8;
	v3 =	vadd.bf16 v6, v3;
	v6 =	vld [tilespmem:s22+$0x200]  }
0x1e0: {  	p0 =	slt.u32 s24, $0x7F8;
	s0 =	sor.u32 s2, s0;
	v8 =	vld [tilespmem:s22+$0x10200]  }
0x1e1: {  	s2 =	sor.u32 $0x20, s0;
	s4 =	sor.u32 $0x40, s0;
	s8 =	sor.u32 $0xE0, s0;
	v10 =	vld [tilespmem:s18+$0x200];
	[tilespmem:s23+$0x200] =	vst v3;
	v3 =	vadd.bf16 v7, v4  }
0x1e2: {  	s23 =	sor.u32 $0x60, s0;
	s29 =	sor.u32 $0x80, s0;
	s8 =	sshrl.u32 s8, $0x1;
	v4 =	vld [tilespmem:s18+$0x10200]  }
0x1e3: {  	s30 =	sor.u32 $0xA0, s0;
	s31 =	sor.u32 $0xC0, s0;
	s2 =	sshrl.u32 s2, $0x1;
	v7 =	vld [tilespmem:s8+$0x200];
	[tilespmem:s19+$0x200] =	vst v3;
	v3 =	vadd.bf16 v9, v5  }
0x1e4: {  	s25 =	sshrl.u32 s4, $0x1;
	s23 =	sshrl.u32 s23, $0x1;
	s19 =	sshrl.u32 s29, $0x1;
	v5 =	vld [tilespmem:s8+$0x10200]  }
0x1e5: {  	s0 =	sshrl.u32 s0, $0x1;
	s4 =	sshrl.u32 s31, $0x1;
	v9 =	vld [tilespmem:s2+$0x200];
	[tilespmem:s20+$0x200] =	vst v3;
	s20 =	sshrl.u32 s30, $0x1;
	v3 =	vadd.bf16 v8, v6  }
0x1e6: {  	v8 =	vld [tilespmem:s2+$0x10200]  }
0x1e7: {  	v11 =	vld [tilespmem:s25+$0x200];
	v4 =	vadd.bf16 v4, v10;
	[tilespmem:s22+$0x200] =	vst v3;
	s22 =	smov.u32 s4  }
0x1e8: {  	v10 =	vld [tilespmem:s25+$0x10200]  }
.Ltmp3:
0x1e9: {  	v3 =	vld [tilespmem:s23+$0x200];
	v5 =	vadd.bf16 v5, v7;
	[tilespmem:s18+$0x200] =	vst v4;
	s18 =	smov.u32 s0;
	(pc) =	sbr.rel @p0 .LBB2_8-.Ltmp3, $4  }
0x1ea: {  	v6 =	vld [tilespmem:s23+$0x10200]  }
0x1eb: {  	v8 =	vadd.bf16 v8, v9;
	v4 =	vld [tilespmem:s19+$0x200];
	[tilespmem:s8+$0x200] =	vst v5  }
0x1ec: {  	v7 =	vld [tilespmem:s19+$0x10200]  }
0x1ed: {  	s26 =	sadd.s32 $0x800, s26;
	s28 =	sadd.s32 $0x100, s28;
	[tilespmem:s2+$0x200] =	vst v8;
	v8 =	vadd.bf16 v10, v11;
	v5 =	vld [tilespmem:s20+$0x200]  }
0x1ee: {  	v9 =	vld [tilespmem:s20+$0x10200]  }
0x1ef: {  	v10 =	vld [tilespmem:s22+$0x200]  }
0x1f0: {  	v11 =	vld [tilespmem:s22+$0x10200]  }
0x1f1: {  	v12 =	vld [tilespmem:s18+$0x200]  }
0x1f2: {  	v13 =	vld [tilespmem:s18+$0x10200]  }
0x1f3: {  	v3 =	vadd.bf16 v6, v3  }
0x1f4: {  	[tilespmem:s25+$0x200] =	vst v8;
	v4 =	vadd.bf16 v7, v4  }
0x1f5: {  	[tilespmem:s23+$0x200] =	vst v3;
	v3 =	vadd.bf16 v9, v5  }
0x1f6: {  	[tilespmem:s19+$0x200] =	vst v4;
	v4 =	vadd.bf16 v11, v10  }
0x1f7: {  	[tilespmem:s20+$0x200] =	vst v3;
	v3 =	vadd.bf16 v13, v12  }
0x1f8: {  	[tilespmem:s22+$0x200] =	vst v4  }
0x1f9: {  	[tilespmem:s18+$0x200] =	vst v3  }
0x1fa: {  	v3 =	vld [tilespmem:$0x1A0];
	_ =	sdelay $0x4  }
0x1fb: {  	v4 =	vshll.u32 v3, $0x3  }
0x1fc: {  	v3 =	vand.u32 $0x7, v3;
	v4 =	vand.u32 $0xFFFFFFC0, v4  }
0x1fd: {  	v3 =	vor.u32 v3, v4  }
0x1fe: {  	v4 =	vperm.xlane v3, v0;
	_ =	sdelay $0x1  }
0x1ff: {  	v4 =	vadd.s32 v1, v4;
	_ =	sdelay $0x3  }
0x200: {  	s17 =	simm.s32 $0x0;
	s0 =	simm.s32 $0x10200  }
0x201: {  	[tilespmem:s0], [sflag:$0x2] =	stream.indirect_vreg.gather [hbm4b:s1+s17], $0x80, v4, vm0, $0xb8;
	[tilespmem:$0x18200] =	vst v63  }
0x202: {  	s26 =	simm.s32 $0x10A00;
	v3 =	vperm.xlane v3, v2  }
0x203: {  	[tilespmem:s26], [sflag:$0x2] =	stream.indirect_vreg.gather [hbm4b:s5+s17], $0x80, v4, vm0, $0xb8;
	[tilespmem:$0x18200] =	vst v63  }
0x204: {  	s29 =	simm.s32 $0x11200;
	v3 =	vadd.s32 v1, v3  }
0x205: {  	[tilespmem:s29], [sflag:$0x2] =	stream.indirect_vreg.gather [hbm4b:s6+s17], $0x80, v4, vm0, $0xb8;
	[tilespmem:$0x18200] =	vst v63  }
0x206: {  	s30 =	simm.s32 $0x11A00  }
0x207: {  	[tilespmem:s30], [sflag:$0x2] =	stream.indirect_vreg.gather [hbm4b:s7+s17], $0x80, v4, vm0, $0xb8;
	[tilespmem:$0x18200] =	vst v63  }
0x208: {  	s31 =	simm.s32 $0x12200  }
0x209: {  	[tilespmem:s31], [sflag:$0x2] =	stream.indirect_vreg.gather [hbm4b:s1+s17], $0x80, v3, vm0, $0xb8;
	[tilespmem:$0x18200] =	vst v63  }
0x20a: {  	s2 =	simm.s32 $0x12A00  }
0x20b: {  	[tilespmem:s2], [sflag:$0x2] =	stream.indirect_vreg.gather [hbm4b:s5+s17], $0x80, v3, vm0, $0xb8;
	[tilespmem:$0x18200] =	vst v63  }
0x20c: {  	s4 =	simm.s32 $0x13200  }
0x20d: {  	[tilespmem:s4], [sflag:$0x2] =	stream.indirect_vreg.gather [hbm4b:s6+s17], $0x80, v3, vm0, $0xb8;
	[tilespmem:$0x18200] =	vst v63  }
0x20e: {  	s8 =	simm.s32 $0x13A00  }
0x20f: {  	[tilespmem:s8], [sflag:$0x2] =	stream.indirect_vreg.gather [hbm4b:s7+s17], $0x80, v3, vm0, $0xb8;
	[tilespmem:$0x18200] =	vst v63  }
0x210: {  	v3 =	vld [tilespmem:$0x1B0];
	_ =	sdelay $0x4  }
0x211: {  	v4 =	vshll.u32 v3, $0x3  }
0x212: {  	v3 =	vand.u32 $0x7, v3;
	v4 =	vand.u32 $0xFFFFFFC0, v4  }
0x213: {  	v3 =	vor.u32 v3, v4  }
0x214: {  	v4 =	vperm.xlane v3, v0;
	_ =	sdelay $0x1  }
0x215: {  	v4 =	vadd.s32 v1, v4;
	_ =	sdelay $0x3  }
0x216: {  	s18 =	simm.s32 $0x14200  }
0x217: {  	[tilespmem:s18], [sflag:$0x2] =	stream.indirect_vreg.gather [hbm4b:s1+s17], $0x80, v4, vm0, $0xb8;
	[tilespmem:$0x18200] =	vst v63  }
0x218: {  	s19 =	simm.s32 $0x14A00;
	v3 =	vperm.xlane v3, v2  }
0x219: {  	[tilespmem:s19], [sflag:$0x2] =	stream.indirect_vreg.gather [hbm4b:s5+s17], $0x80, v4, vm0, $0xb8;
	[tilespmem:$0x18200] =	vst v63  }
0x21a: {  	s20 =	simm.s32 $0x15200;
	v3 =	vadd.s32 v1, v3  }
0x21b: {  	[tilespmem:s20], [sflag:$0x2] =	stream.indirect_vreg.gather [hbm4b:s6+s17], $0x80, v4, vm0, $0xb8;
	[tilespmem:$0x18200] =	vst v63  }
0x21c: {  	s22 =	simm.s32 $0x15A00  }
0x21d: {  	[tilespmem:s22], [sflag:$0x2] =	stream.indirect_vreg.gather [hbm4b:s7+s17], $0x80, v4, vm0, $0xb8;
	[tilespmem:$0x18200] =	vst v63  }
0x21e: {  	s23 =	simm.s32 $0x16200  }
0x21f: {  	[tilespmem:s23], [sflag:$0x2] =	stream.indirect_vreg.gather [hbm4b:s1+s17], $0x80, v3, vm0, $0xb8;
	[tilespmem:$0x18200] =	vst v63  }
0x220: {  	_ = 	snop  }
0x221: {  	[tilespmem:s9], [sflag:$0x2] =	stream.indirect_vreg.gather [hbm4b:s5+s17], $0x80, v3, vm0, $0xb8;
	[tilespmem:$0x18200] =	vst v63  }
0x222: {  	s24 =	sand.u32 $0xC000, s17;
	s2 =	sand.u32 $0x3800, s17  }
0x223: {  	[tilespmem:s10], [sflag:$0x2] =	stream.indirect_vreg.gather [hbm4b:s6+s17], $0x80, v3, vm0, $0xb8;
	[tilespmem:$0x18200] =	vst v63  }
0x224: {  	s25 =	sand.u32 $0x700, s17;
	s0 =	sor.u32 s2, s24  }
0x225: {  	[tilespmem:s11], [sflag:$0x2] =	stream.indirect_vreg.gather [hbm4b:s7+s17], $0x80, v3, vm0, $0xb8;
	[tilespmem:$0x18200] =	vst v63  }
0x226: {  	s0 =	sor.u32 s25, s0;
	_ =	swait.ge [sflag:s12], $0x8000  }
0x227: {  	s2 =	sor.u32 $0xE0, s0;
	[sflag:s12] =	ssyncset.done $0x0  }
0x228: {  	s2 =	sshrl.u32 s2, $0x1;
	[sflag:s12] =	ssyncadd.s32 $0xFFFF8000  }
0x229: {  	s4 =	sor.u32 $0x20, s0;
	v4 =	vld [tilespmem:s2+$0x200]  }
0x22a: {  	s4 =	sshrl.u32 s4, $0x1;
	v5 =	vld [tilespmem:s2+$0x8200]  }
0x22b: {  	s8 =	sor.u32 $0x40, s0;
	v7 =	vld [tilespmem:s4+$0x200]  }
0x22c: {  	s25 =	sshrl.u32 s8, $0x1;
	v8 =	vld [tilespmem:s4+$0x8200]  }
0x22d: {  	s26 =	sor.u32 $0x60, s0;
	v9 =	vld [tilespmem:s25+$0x200]  }
0x22e: {  	s23 =	sshrl.u32 s26, $0x1;
	v10 =	vld [tilespmem:s25+$0x8200]  }
0x22f: {  	s29 =	sor.u32 $0x80, s0;
	v3 =	vld [tilespmem:s23+$0x200]  }
0x230: {  	s19 =	sshrl.u32 s29, $0x1;
	v6 =	vld [tilespmem:s23+$0x8200];
	v5 =	vadd.bf16 v5, v4  }
0x231: {  	s28 =	simm.s32 $0x100;
	s30 =	sor.u32 $0xA0, s0;
	v8 =	vadd.bf16 v8, v7;
	v4 =	vld [tilespmem:s19+$0x200]  }
0x232: {  	s24 =	simm.s32 $0x0;
	s31 =	sor.u32 $0xC0, s0;
	s20 =	sshrl.u32 s30, $0x1;
	v7 =	vld [tilespmem:s19+$0x8200];
	[tilespmem:s2+$0x200] =	vst v5  }
0x233: {  	s18 =	sshrl.u32 s0, $0x1;
	s22 =	sshrl.u32 s31, $0x1;
	s26 =	simm.s32 $0x800;
	[tilespmem:s4+$0x200] =	vst v8;
	v8 =	vadd.bf16 v10, v9;
	v5 =	vld [tilespmem:s20+$0x200]  }
.LBB2_10:
0x234: {  	s0 =	sand.u32 $0xC000, s28;
	s2 =	sand.u32 $0x3800, s26;
	v9 =	vld [tilespmem:s20+$0x8200];
	s17 =	sadd.s32 $0x20, s17  }
0x235: {  	s24 =	sadd.s32 $0x8, s24;
	s0 =	sor.u32 s2, s0;
	s2 =	sand.u32 $0x700, s17;
	[tilespmem:s25+$0x200] =	vst v8;
	v3 =	vadd.bf16 v6, v3;
	v6 =	vld [tilespmem:s22+$0x200]  }
0x236: {  	p0 =	slt.u32 s24, $0x7F8;
	s0 =	sor.u32 s2, s0;
	v8 =	vld [tilespmem:s22+$0x8200]  }
0x237: {  	s2 =	sor.u32 $0x20, s0;
	s4 =	sor.u32 $0x40, s0;
	s8 =	sor.u32 $0xE0, s0;
	v10 =	vld [tilespmem:s18+$0x200];
	[tilespmem:s23+$0x200] =	vst v3;
	v3 =	vadd.bf16 v7, v4  }
0x238: {  	s23 =	sor.u32 $0x60, s0;
	s29 =	sor.u32 $0x80, s0;
	s8 =	sshrl.u32 s8, $0x1;
	v4 =	vld [tilespmem:s18+$0x8200]  }
0x239: {  	s30 =	sor.u32 $0xA0, s0;
	s31 =	sor.u32 $0xC0, s0;
	s2 =	sshrl.u32 s2, $0x1;
	v7 =	vld [tilespmem:s8+$0x200];
	[tilespmem:s19+$0x200] =	vst v3;
	v3 =	vadd.bf16 v9, v5  }
0x23a: {  	s25 =	sshrl.u32 s4, $0x1;
	s23 =	sshrl.u32 s23, $0x1;
	s19 =	sshrl.u32 s29, $0x1;
	v5 =	vld [tilespmem:s8+$0x8200]  }
0x23b: {  	s0 =	sshrl.u32 s0, $0x1;
	s4 =	sshrl.u32 s31, $0x1;
	v9 =	vld [tilespmem:s2+$0x200];
	[tilespmem:s20+$0x200] =	vst v3;
	s20 =	sshrl.u32 s30, $0x1;
	v3 =	vadd.bf16 v8, v6  }
0x23c: {  	v8 =	vld [tilespmem:s2+$0x8200]  }
0x23d: {  	v11 =	vld [tilespmem:s25+$0x200];
	v4 =	vadd.bf16 v4, v10;
	[tilespmem:s22+$0x200] =	vst v3;
	s22 =	smov.u32 s4  }
0x23e: {  	v10 =	vld [tilespmem:s25+$0x8200]  }
.Ltmp4:
0x23f: {  	v3 =	vld [tilespmem:s23+$0x200];
	v5 =	vadd.bf16 v5, v7;
	[tilespmem:s18+$0x200] =	vst v4;
	s18 =	smov.u32 s0;
	(pc) =	sbr.rel @p0 .LBB2_10-.Ltmp4, $4  }
0x240: {  	v6 =	vld [tilespmem:s23+$0x8200]  }
0x241: {  	v8 =	vadd.bf16 v8, v9;
	v4 =	vld [tilespmem:s19+$0x200];
	[tilespmem:s8+$0x200] =	vst v5  }
0x242: {  	v7 =	vld [tilespmem:s19+$0x8200]  }
0x243: {  	s26 =	sadd.s32 $0x800, s26;
	s28 =	sadd.s32 $0x100, s28;
	[tilespmem:s2+$0x200] =	vst v8;
	v8 =	vadd.bf16 v10, v11;
	v5 =	vld [tilespmem:s20+$0x200]  }
0x244: {  	v9 =	vld [tilespmem:s20+$0x8200]  }
0x245: {  	v10 =	vld [tilespmem:s22+$0x200]  }
0x246: {  	v11 =	vld [tilespmem:s22+$0x8200]  }
0x247: {  	v12 =	vld [tilespmem:s18+$0x200]  }
0x248: {  	v13 =	vld [tilespmem:s18+$0x8200]  }
0x249: {  	v3 =	vadd.bf16 v6, v3  }
0x24a: {  	[tilespmem:s25+$0x200] =	vst v8;
	v4 =	vadd.bf16 v7, v4  }
0x24b: {  	[tilespmem:s23+$0x200] =	vst v3;
	v3 =	vadd.bf16 v9, v5  }
0x24c: {  	[tilespmem:s19+$0x200] =	vst v4;
	v4 =	vadd.bf16 v11, v10  }
0x24d: {  	[tilespmem:s20+$0x200] =	vst v3;
	v3 =	vadd.bf16 v13, v12  }
0x24e: {  	[tilespmem:s22+$0x200] =	vst v4  }
0x24f: {  	[tilespmem:s18+$0x200] =	vst v3  }
0x250: {  	v3 =	vld [tilespmem:$0xC0];
	_ =	sdelay $0x4  }
0x251: {  	v4 =	vshll.u32 v3, $0x3  }
0x252: {  	v3 =	vand.u32 $0x7, v3;
	v4 =	vand.u32 $0xFFFFFFC0, v4  }
0x253: {  	v3 =	vor.u32 v3, v4  }
0x254: {  	v4 =	vperm.xlane v3, v0;
	_ =	sdelay $0x1  }
0x255: {  	v4 =	vadd.s32 v1, v4;
	_ =	sdelay $0x3  }
0x256: {  	s17 =	simm.s32 $0x0;
	s0 =	simm.s32 $0x8200  }
0x257: {  	[tilespmem:s0], [sflag:$0x1] =	stream.indirect_vreg.gather [hbm4b:s1+s17], $0x80, v4, vm0, $0xb8;
	[tilespmem:$0x18200] =	vst v63  }
0x258: {  	s23 =	simm.s32 $0x8A00;
	v3 =	vperm.xlane v3, v2  }
0x259: {  	[tilespmem:s23], [sflag:$0x1] =	stream.indirect_vreg.gather [hbm4b:s5+s17], $0x80, v4, vm0, $0xb8;
	[tilespmem:$0x18200] =	vst v63  }
0x25a: {  	s24 =	simm.s32 $0x9200;
	v3 =	vadd.s32 v1, v3  }
0x25b: {  	[tilespmem:s24], [sflag:$0x1] =	stream.indirect_vreg.gather [hbm4b:s6+s17], $0x80, v4, vm0, $0xb8;
	[tilespmem:$0x18200] =	vst v63  }
0x25c: {  	s25 =	simm.s32 $0x9A00  }
0x25d: {  	[tilespmem:s25], [sflag:$0x1] =	stream.indirect_vreg.gather [hbm4b:s7+s17], $0x80, v4, vm0, $0xb8;
	[tilespmem:$0x18200] =	vst v63  }
0x25e: {  	s26 =	simm.s32 $0xA200  }
0x25f: {  	[tilespmem:s26], [sflag:$0x1] =	stream.indirect_vreg.gather [hbm4b:s1+s17], $0x80, v3, vm0, $0xb8;
	[tilespmem:$0x18200] =	vst v63  }
0x260: {  	s29 =	simm.s32 $0xAA00  }
0x261: {  	[tilespmem:s29], [sflag:$0x1] =	stream.indirect_vreg.gather [hbm4b:s5+s17], $0x80, v3, vm0, $0xb8;
	[tilespmem:$0x18200] =	vst v63  }
0x262: {  	s30 =	simm.s32 $0xB200  }
0x263: {  	[tilespmem:s30], [sflag:$0x1] =	stream.indirect_vreg.gather [hbm4b:s6+s17], $0x80, v3, vm0, $0xb8;
	[tilespmem:$0x18200] =	vst v63  }
0x264: {  	s31 =	simm.s32 $0xBA00  }
0x265: {  	[tilespmem:s31], [sflag:$0x1] =	stream.indirect_vreg.gather [hbm4b:s7+s17], $0x80, v3, vm0, $0xb8;
	[tilespmem:$0x18200] =	vst v63  }
0x266: {  	v3 =	vld [tilespmem:$0xD0];
	_ =	sdelay $0x4  }
0x267: {  	v4 =	vshll.u32 v3, $0x3  }
0x268: {  	v3 =	vand.u32 $0x7, v3;
	v4 =	vand.u32 $0xFFFFFFC0, v4  }
0x269: {  	v3 =	vor.u32 v3, v4  }
0x26a: {  	v4 =	vperm.xlane v3, v0;
	_ =	sdelay $0x1  }
0x26b: {  	v4 =	vadd.s32 v1, v4;
	_ =	sdelay $0x3  }
0x26c: {  	s2 =	simm.s32 $0xC200  }
0x26d: {  	[tilespmem:s2], [sflag:$0x1] =	stream.indirect_vreg.gather [hbm4b:s1+s17], $0x80, v4, vm0, $0xb8;
	[tilespmem:$0x18200] =	vst v63  }
0x26e: {  	s4 =	simm.s32 $0xCA00;
	v3 =	vperm.xlane v3, v2  }
0x26f: {  	[tilespmem:s4], [sflag:$0x1] =	stream.indirect_vreg.gather [hbm4b:s5+s17], $0x80, v4, vm0, $0xb8;
	[tilespmem:$0x18200] =	vst v63  }
0x270: {  	s8 =	simm.s32 $0xD200;
	v3 =	vadd.s32 v1, v3  }
0x271: {  	[tilespmem:s8], [sflag:$0x1] =	stream.indirect_vreg.gather [hbm4b:s6+s17], $0x80, v4, vm0, $0xb8;
	[tilespmem:$0x18200] =	vst v63  }
0x272: {  	s18 =	simm.s32 $0xDA00  }
0x273: {  	[tilespmem:s18], [sflag:$0x1] =	stream.indirect_vreg.gather [hbm4b:s7+s17], $0x80, v4, vm0, $0xb8;
	[tilespmem:$0x18200] =	vst v63  }
0x274: {  	s19 =	simm.s32 $0xE200  }
0x275: {  	[tilespmem:s19], [sflag:$0x1] =	stream.indirect_vreg.gather [hbm4b:s1+s17], $0x80, v3, vm0, $0xb8;
	[tilespmem:$0x18200] =	vst v63  }
0x276: {  	s20 =	simm.s32 $0xEA00  }
0x277: {  	[tilespmem:s20], [sflag:$0x1] =	stream.indirect_vreg.gather [hbm4b:s5+s17], $0x80, v3, vm0, $0xb8;
	[tilespmem:$0x18200] =	vst v63  }
0x278: {  	s22 =	simm.s32 $0xF200;
	s24 =	sand.u32 $0xC000, s17;
	s2 =	sand.u32 $0x3800, s17  }
0x279: {  	[tilespmem:s22], [sflag:$0x1] =	stream.indirect_vreg.gather [hbm4b:s6+s17], $0x80, v3, vm0, $0xb8;
	[tilespmem:$0x18200] =	vst v63  }
0x27a: {  	s23 =	simm.s32 $0xFA00;
	s25 =	sand.u32 $0x700, s17;
	s0 =	sor.u32 s2, s24  }
0x27b: {  	[tilespmem:s23], [sflag:$0x1] =	stream.indirect_vreg.gather [hbm4b:s7+s17], $0x80, v3, vm0, $0xb8;
	[tilespmem:$0x18200] =	vst v63  }
0x27c: {  	s0 =	sor.u32 s25, s0;
	_ =	swait.ge [sflag:s13], $0x8000  }
0x27d: {  	s2 =	sor.u32 $0xE0, s0;
	[sflag:s13] =	ssyncset.done $0x0  }
0x27e: {  	s2 =	sshrl.u32 s2, $0x1;
	[sflag:s13] =	ssyncadd.s32 $0xFFFF8000  }
0x27f: {  	s4 =	sor.u32 $0x20, s0;
	v4 =	vld [tilespmem:s2+$0x200]  }
0x280: {  	s4 =	sshrl.u32 s4, $0x1;
	v5 =	vld [tilespmem:s2+$0x10200]  }
0x281: {  	s8 =	sor.u32 $0x40, s0;
	v7 =	vld [tilespmem:s4+$0x200]  }
0x282: {  	s25 =	sshrl.u32 s8, $0x1;
	v8 =	vld [tilespmem:s4+$0x10200]  }
0x283: {  	s26 =	sor.u32 $0x60, s0;
	v9 =	vld [tilespmem:s25+$0x200]  }
0x284: {  	s23 =	sshrl.u32 s26, $0x1;
	v10 =	vld [tilespmem:s25+$0x10200]  }
0x285: {  	s29 =	sor.u32 $0x80, s0;
	v3 =	vld [tilespmem:s23+$0x200]  }
0x286: {  	s19 =	sshrl.u32 s29, $0x1;
	v6 =	vld [tilespmem:s23+$0x10200];
	v5 =	vadd.bf16 v5, v4  }
0x287: {  	s28 =	simm.s32 $0x100;
	s30 =	sor.u32 $0xA0, s0;
	v8 =	vadd.bf16 v8, v7;
	v4 =	vld [tilespmem:s19+$0x200]  }
0x288: {  	s24 =	simm.s32 $0x0;
	s31 =	sor.u32 $0xC0, s0;
	s20 =	sshrl.u32 s30, $0x1;
	v7 =	vld [tilespmem:s19+$0x10200];
	[tilespmem:s2+$0x200] =	vst v5  }
0x289: {  	s18 =	sshrl.u32 s0, $0x1;
	s22 =	sshrl.u32 s31, $0x1;
	s26 =	simm.s32 $0x800;
	[tilespmem:s4+$0x200] =	vst v8;
	v8 =	vadd.bf16 v10, v9;
	v5 =	vld [tilespmem:s20+$0x200]  }
.LBB2_12:
0x28a: {  	s0 =	sand.u32 $0xC000, s28;
	s2 =	sand.u32 $0x3800, s26;
	v9 =	vld [tilespmem:s20+$0x10200];
	s17 =	sadd.s32 $0x20, s17  }
0x28b: {  	s24 =	sadd.s32 $0x8, s24;
	s0 =	sor.u32 s2, s0;
	s2 =	sand.u32 $0x700, s17;
	[tilespmem:s25+$0x200] =	vst v8;
	v3 =	vadd.bf16 v6, v3;
	v6 =	vld [tilespmem:s22+$0x200]  }
0x28c: {  	p0 =	slt.u32 s24, $0x7F8;
	s0 =	sor.u32 s2, s0;
	v8 =	vld [tilespmem:s22+$0x10200]  }
0x28d: {  	s2 =	sor.u32 $0x20, s0;
	s4 =	sor.u32 $0x40, s0;
	s8 =	sor.u32 $0xE0, s0;
	v10 =	vld [tilespmem:s18+$0x200];
	[tilespmem:s23+$0x200] =	vst v3;
	v3 =	vadd.bf16 v7, v4  }
0x28e: {  	s23 =	sor.u32 $0x60, s0;
	s29 =	sor.u32 $0x80, s0;
	s8 =	sshrl.u32 s8, $0x1;
	v4 =	vld [tilespmem:s18+$0x10200]  }
0x28f: {  	s30 =	sor.u32 $0xA0, s0;
	s31 =	sor.u32 $0xC0, s0;
	s2 =	sshrl.u32 s2, $0x1;
	v7 =	vld [tilespmem:s8+$0x200];
	[tilespmem:s19+$0x200] =	vst v3;
	v3 =	vadd.bf16 v9, v5  }
0x290: {  	s25 =	sshrl.u32 s4, $0x1;
	s23 =	sshrl.u32 s23, $0x1;
	s19 =	sshrl.u32 s29, $0x1;
	v5 =	vld [tilespmem:s8+$0x10200]  }
0x291: {  	s0 =	sshrl.u32 s0, $0x1;
	s4 =	sshrl.u32 s31, $0x1;
	v9 =	vld [tilespmem:s2+$0x200];
	[tilespmem:s20+$0x200] =	vst v3;
	s20 =	sshrl.u32 s30, $0x1;
	v3 =	vadd.bf16 v8, v6  }
0x292: {  	v8 =	vld [tilespmem:s2+$0x10200]  }
0x293: {  	v11 =	vld [tilespmem:s25+$0x200];
	v4 =	vadd.bf16 v4, v10;
	[tilespmem:s22+$0x200] =	vst v3;
	s22 =	smov.u32 s4  }
0x294: {  	v10 =	vld [tilespmem:s25+$0x10200]  }
.Ltmp5:
0x295: {  	v3 =	vld [tilespmem:s23+$0x200];
	v5 =	vadd.bf16 v5, v7;
	[tilespmem:s18+$0x200] =	vst v4;
	s18 =	smov.u32 s0;
	(pc) =	sbr.rel @p0 .LBB2_12-.Ltmp5, $4  }
0x296: {  	v6 =	vld [tilespmem:s23+$0x10200]  }
0x297: {  	v8 =	vadd.bf16 v8, v9;
	v4 =	vld [tilespmem:s19+$0x200];
	[tilespmem:s8+$0x200] =	vst v5  }
0x298: {  	v7 =	vld [tilespmem:s19+$0x10200]  }
0x299: {  	s26 =	sadd.s32 $0x800, s26;
	s28 =	sadd.s32 $0x100, s28;
	[tilespmem:s2+$0x200] =	vst v8;
	v8 =	vadd.bf16 v10, v11;
	v5 =	vld [tilespmem:s20+$0x200]  }
0x29a: {  	v9 =	vld [tilespmem:s20+$0x10200]  }
0x29b: {  	v10 =	vld [tilespmem:s22+$0x200]  }
0x29c: {  	v11 =	vld [tilespmem:s22+$0x10200]  }
0x29d: {  	v12 =	vld [tilespmem:s18+$0x200]  }
0x29e: {  	v13 =	vld [tilespmem:s18+$0x10200]  }
0x29f: {  	v3 =	vadd.bf16 v6, v3  }
0x2a0: {  	[tilespmem:s25+$0x200] =	vst v8;
	v4 =	vadd.bf16 v7, v4  }
0x2a1: {  	[tilespmem:s23+$0x200] =	vst v3;
	v3 =	vadd.bf16 v9, v5  }
0x2a2: {  	[tilespmem:s19+$0x200] =	vst v4;
	v4 =	vadd.bf16 v11, v10  }
0x2a3: {  	[tilespmem:s20+$0x200] =	vst v3;
	v3 =	vadd.bf16 v13, v12  }
0x2a4: {  	[tilespmem:s22+$0x200] =	vst v4  }
0x2a5: {  	[tilespmem:s18+$0x200] =	vst v3  }
0x2a6: {  	s17 =	simm.s32 $0x0;
	s0 =	rddreg [dreg:$0x5]  }
0x2a7: {  	[hbm4b:s0+s17] =	stream.linear.scatter [tilespmem:s14], [sflag:$0x4], $0x8000, $0x38;
	[tilespmem:$0x18200] =	vst v63  }
0x2a8: {  	_ =	swait.ge [sflag:s15], $0x8000  }
0x2a9: {  	[sflag:s15] =	ssyncset.done $0x0  }
0x2aa: {  	[sflag:s15] =	ssyncadd.s32 $0xFFFF8000  }
0x2ab: {  	v3 =	vld [tilespmem:$0x40];
	_ =	sdelay $0x4  }
0x2ac: {  	v4 =	vshll.u32 v3, $0x3  }
0x2ad: {  	v3 =	vand.u32 $0x7, v3;
	v4 =	vand.u32 $0xFFFFFFC0, v4  }
0x2ae: {  	v3 =	vor.u32 v3, v4  }
0x2af: {  	v4 =	vperm.xlane v3, v0;
	_ =	sdelay $0x1  }
0x2b0: {  	v4 =	vadd.s32 v1, v4;
	_ =	sdelay $0x4  }
0x2b1: {  	[tilespmem:s14], [sflag:$0x3] =	stream.indirect_vreg.gather [hbm4b:s1+s17], $0x80, v4, vm0, $0xb8;
	[tilespmem:$0x18200] =	vst v63  }
0x2b2: {  	s24 =	simm.s32 $0xA00;
	v3 =	vperm.xlane v3, v2  }
0x2b3: {  	[tilespmem:s24], [sflag:$0x3] =	stream.indirect_vreg.gather [hbm4b:s5+s17], $0x80, v4, vm0, $0xb8;
	[tilespmem:$0x18200] =	vst v63  }
0x2b4: {  	s25 =	simm.s32 $0x1200;
	v3 =	vadd.s32 v1, v3  }
0x2b5: {  	[tilespmem:s25], [sflag:$0x3] =	stream.indirect_vreg.gather [hbm4b:s6+s17], $0x80, v4, vm0, $0xb8;
	[tilespmem:$0x18200] =	vst v63  }
0x2b6: {  	s26 =	simm.s32 $0x1A00  }
0x2b7: {  	[tilespmem:s26], [sflag:$0x3] =	stream.indirect_vreg.gather [hbm4b:s7+s17], $0x80, v4, vm0, $0xb8;
	[tilespmem:$0x18200] =	vst v63  }
0x2b8: {  	s29 =	simm.s32 $0x2200  }
0x2b9: {  	[tilespmem:s29], [sflag:$0x3] =	stream.indirect_vreg.gather [hbm4b:s1+s17], $0x80, v3, vm0, $0xb8;
	[tilespmem:$0x18200] =	vst v63  }
0x2ba: {  	s30 =	simm.s32 $0x2A00  }
0x2bb: {  	[tilespmem:s30], [sflag:$0x3] =	stream.indirect_vreg.gather [hbm4b:s5+s17], $0x80, v3, vm0, $0xb8;
	[tilespmem:$0x18200] =	vst v63  }
0x2bc: {  	s31 =	simm.s32 $0x3200  }
0x2bd: {  	[tilespmem:s31], [sflag:$0x3] =	stream.indirect_vreg.gather [hbm4b:s6+s17], $0x80, v3, vm0, $0xb8;
	[tilespmem:$0x18200] =	vst v63  }
0x2be: {  	s2 =	simm.s32 $0x3A00  }
0x2bf: {  	[tilespmem:s2], [sflag:$0x3] =	stream.indirect_vreg.gather [hbm4b:s7+s17], $0x80, v3, vm0, $0xb8;
	[tilespmem:$0x18200] =	vst v63  }
0x2c0: {  	v3 =	vld [tilespmem:$0x50];
	_ =	sdelay $0x4  }
0x2c1: {  	v4 =	vshll.u32 v3, $0x3  }
0x2c2: {  	v3 =	vand.u32 $0x7, v3;
	v4 =	vand.u32 $0xFFFFFFC0, v4  }
0x2c3: {  	v3 =	vor.u32 v3, v4  }
0x2c4: {  	v4 =	vperm.xlane v3, v0;
	_ =	sdelay $0x1  }
0x2c5: {  	v4 =	vadd.s32 v1, v4;
	_ =	sdelay $0x3  }
0x2c6: {  	s4 =	simm.s32 $0x4200  }
0x2c7: {  	[tilespmem:s4], [sflag:$0x3] =	stream.indirect_vreg.gather [hbm4b:s1+s17], $0x80, v4, vm0, $0xb8;
	[tilespmem:$0x18200] =	vst v63  }
0x2c8: {  	s8 =	simm.s32 $0x4A00;
	v3 =	vperm.xlane v3, v2  }
0x2c9: {  	[tilespmem:s8], [sflag:$0x3] =	stream.indirect_vreg.gather [hbm4b:s5+s17], $0x80, v4, vm0, $0xb8;
	[tilespmem:$0x18200] =	vst v63  }
0x2ca: {  	s18 =	simm.s32 $0x5200;
	v3 =	vadd.s32 v1, v3  }
0x2cb: {  	[tilespmem:s18], [sflag:$0x3] =	stream.indirect_vreg.gather [hbm4b:s6+s17], $0x80, v4, vm0, $0xb8;
	[tilespmem:$0x18200] =	vst v63  }
0x2cc: {  	s19 =	simm.s32 $0x5A00  }
0x2cd: {  	[tilespmem:s19], [sflag:$0x3] =	stream.indirect_vreg.gather [hbm4b:s7+s17], $0x80, v4, vm0, $0xb8;
	[tilespmem:$0x18200] =	vst v63  }
0x2ce: {  	s20 =	simm.s32 $0x6200  }
0x2cf: {  	[tilespmem:s20], [sflag:$0x3] =	stream.indirect_vreg.gather [hbm4b:s1+s17], $0x80, v3, vm0, $0xb8;
	[tilespmem:$0x18200] =	vst v63  }
0x2d0: {  	s22 =	simm.s32 $0x6A00  }
0x2d1: {  	[tilespmem:s22], [sflag:$0x3] =	stream.indirect_vreg.gather [hbm4b:s5+s17], $0x80, v3, vm0, $0xb8;
	[tilespmem:$0x18200] =	vst v63  }
0x2d2: {  	s23 =	simm.s32 $0x7200  }
0x2d3: {  	[tilespmem:s23], [sflag:$0x3] =	stream.indirect_vreg.gather [hbm4b:s6+s17], $0x80, v3, vm0, $0xb8;
	[tilespmem:$0x18200] =	vst v63  }
0x2d4: {  	s24 =	simm.s32 $0x7A00  }
0x2d5: {  	[tilespmem:s24], [sflag:$0x3] =	stream.indirect_vreg.gather [hbm4b:s7+s17], $0x80, v3, vm0, $0xb8;
	[tilespmem:$0x18200] =	vst v63  }
0x2d6: {  	_ =	swait.ge [sflag:s21], $0x8000  }
0x2d7: {  	[sflag:s21] =	ssyncset.done $0x0  }
0x2d8: {  	[sflag:s21] =	ssyncadd.s32 $0xFFFF8000  }
0x2d9: {  	v3 =	vld [tilespmem:$0x140];
	_ =	sdelay $0x4  }
0x2da: {  	v4 =	vshll.u32 v3, $0x3  }
0x2db: {  	v3 =	vand.u32 $0x7, v3;
	v4 =	vand.u32 $0xFFFFFFC0, v4  }
0x2dc: {  	v3 =	vor.u32 v3, v4  }
0x2dd: {  	v4 =	vperm.xlane v3, v0;
	_ =	sdelay $0x1  }
0x2de: {  	v4 =	vadd.s32 v1, v4;
	_ =	sdelay $0x3  }
0x2df: {  	s25 =	simm.s32 $0x10200  }
0x2e0: {  	[tilespmem:s25], [sflag:$0x2] =	stream.indirect_vreg.gather [hbm4b:s1+s17], $0x80, v4, vm0, $0xb8;
	[tilespmem:$0x18200] =	vst v63  }
0x2e1: {  	s26 =	simm.s32 $0x10A00;
	v3 =	vperm.xlane v3, v2  }
0x2e2: {  	[tilespmem:s26], [sflag:$0x2] =	stream.indirect_vreg.gather [hbm4b:s5+s17], $0x80, v4, vm0, $0xb8;
	[tilespmem:$0x18200] =	vst v63  }
0x2e3: {  	s29 =	simm.s32 $0x11200;
	v3 =	vadd.s32 v1, v3  }
0x2e4: {  	[tilespmem:s29], [sflag:$0x2] =	stream.indirect_vreg.gather [hbm4b:s6+s17], $0x80, v4, vm0, $0xb8;
	[tilespmem:$0x18200] =	vst v63  }
0x2e5: {  	s30 =	simm.s32 $0x11A00  }
0x2e6: {  	[tilespmem:s30], [sflag:$0x2] =	stream.indirect_vreg.gather [hbm4b:s7+s17], $0x80, v4, vm0, $0xb8;
	[tilespmem:$0x18200] =	vst v63  }
0x2e7: {  	s31 =	simm.s32 $0x12200  }
0x2e8: {  	[tilespmem:s31], [sflag:$0x2] =	stream.indirect_vreg.gather [hbm4b:s1+s17], $0x80, v3, vm0, $0xb8;
	[tilespmem:$0x18200] =	vst v63  }
0x2e9: {  	s2 =	simm.s32 $0x12A00  }
0x2ea: {  	[tilespmem:s2], [sflag:$0x2] =	stream.indirect_vreg.gather [hbm4b:s5+s17], $0x80, v3, vm0, $0xb8;
	[tilespmem:$0x18200] =	vst v63  }
0x2eb: {  	s4 =	simm.s32 $0x13200  }
0x2ec: {  	[tilespmem:s4], [sflag:$0x2] =	stream.indirect_vreg.gather [hbm4b:s6+s17], $0x80, v3, vm0, $0xb8;
	[tilespmem:$0x18200] =	vst v63  }
0x2ed: {  	s8 =	simm.s32 $0x13A00  }
0x2ee: {  	[tilespmem:s8], [sflag:$0x2] =	stream.indirect_vreg.gather [hbm4b:s7+s17], $0x80, v3, vm0, $0xb8;
	[tilespmem:$0x18200] =	vst v63  }
0x2ef: {  	v3 =	vld [tilespmem:$0x150];
	_ =	sdelay $0x4  }
0x2f0: {  	v4 =	vshll.u32 v3, $0x3  }
0x2f1: {  	v3 =	vand.u32 $0x7, v3;
	v4 =	vand.u32 $0xFFFFFFC0, v4  }
0x2f2: {  	v3 =	vor.u32 v3, v4  }
0x2f3: {  	v4 =	vperm.xlane v3, v0;
	_ =	sdelay $0x1  }
0x2f4: {  	v4 =	vadd.s32 v1, v4;
	_ =	sdelay $0x3  }
0x2f5: {  	s18 =	simm.s32 $0x14200  }
0x2f6: {  	[tilespmem:s18], [sflag:$0x2] =	stream.indirect_vreg.gather [hbm4b:s1+s17], $0x80, v4, vm0, $0xb8;
	[tilespmem:$0x18200] =	vst v63  }
0x2f7: {  	s19 =	simm.s32 $0x14A00;
	v3 =	vperm.xlane v3, v2  }
0x2f8: {  	[tilespmem:s19], [sflag:$0x2] =	stream.indirect_vreg.gather [hbm4b:s5+s17], $0x80, v4, vm0, $0xb8;
	[tilespmem:$0x18200] =	vst v63  }
0x2f9: {  	s20 =	simm.s32 $0x15200;
	v3 =	vadd.s32 v1, v3  }
0x2fa: {  	[tilespmem:s20], [sflag:$0x2] =	stream.indirect_vreg.gather [hbm4b:s6+s17], $0x80, v4, vm0, $0xb8;
	[tilespmem:$0x18200] =	vst v63  }
0x2fb: {  	s22 =	simm.s32 $0x15A00  }
0x2fc: {  	[tilespmem:s22], [sflag:$0x2] =	stream.indirect_vreg.gather [hbm4b:s7+s17], $0x80, v4, vm0, $0xb8;
	[tilespmem:$0x18200] =	vst v63  }
0x2fd: {  	s23 =	simm.s32 $0x16200  }
0x2fe: {  	[tilespmem:s23], [sflag:$0x2] =	stream.indirect_vreg.gather [hbm4b:s1+s17], $0x80, v3, vm0, $0xb8;
	[tilespmem:$0x18200] =	vst v63  }
0x2ff: {  	_ = 	snop  }
0x300: {  	[tilespmem:s9], [sflag:$0x2] =	stream.indirect_vreg.gather [hbm4b:s5+s17], $0x80, v3, vm0, $0xb8;
	[tilespmem:$0x18200] =	vst v63  }
0x301: {  	s24 =	sand.u32 $0xC000, s17;
	s2 =	sand.u32 $0x3800, s17  }
0x302: {  	[tilespmem:s10], [sflag:$0x2] =	stream.indirect_vreg.gather [hbm4b:s6+s17], $0x80, v3, vm0, $0xb8;
	[tilespmem:$0x18200] =	vst v63  }
0x303: {  	s25 =	sand.u32 $0x700, s17;
	s0 =	sor.u32 s2, s24  }
0x304: {  	[tilespmem:s11], [sflag:$0x2] =	stream.indirect_vreg.gather [hbm4b:s7+s17], $0x80, v3, vm0, $0xb8;
	[tilespmem:$0x18200] =	vst v63  }
0x305: {  	s0 =	sor.u32 s25, s0;
	_ =	swait.ge [sflag:s12], $0x8000  }
0x306: {  	s2 =	sor.u32 $0xE0, s0;
	[sflag:s12] =	ssyncset.done $0x0  }
0x307: {  	s2 =	sshrl.u32 s2, $0x1;
	[sflag:s12] =	ssyncadd.s32 $0xFFFF8000  }
0x308: {  	s4 =	sor.u32 $0x20, s0;
	v4 =	vld [tilespmem:s2+$0x200]  }
0x309: {  	s4 =	sshrl.u32 s4, $0x1;
	v5 =	vld [tilespmem:s2+$0x8200]  }
0x30a: {  	s8 =	sor.u32 $0x40, s0;
	v7 =	vld [tilespmem:s4+$0x200]  }
0x30b: {  	s25 =	sshrl.u32 s8, $0x1;
	v8 =	vld [tilespmem:s4+$0x8200]  }
0x30c: {  	s26 =	sor.u32 $0x60, s0;
	v9 =	vld [tilespmem:s25+$0x200]  }
0x30d: {  	s23 =	sshrl.u32 s26, $0x1;
	v10 =	vld [tilespmem:s25+$0x8200]  }
0x30e: {  	s29 =	sor.u32 $0x80, s0;
	v3 =	vld [tilespmem:s23+$0x200]  }
0x30f: {  	s19 =	sshrl.u32 s29, $0x1;
	v6 =	vld [tilespmem:s23+$0x8200];
	v5 =	vadd.bf16 v5, v4  }
0x310: {  	s28 =	simm.s32 $0x100;
	s30 =	sor.u32 $0xA0, s0;
	v8 =	vadd.bf16 v8, v7;
	v4 =	vld [tilespmem:s19+$0x200]  }
0x311: {  	s24 =	simm.s32 $0x0;
	s31 =	sor.u32 $0xC0, s0;
	s20 =	sshrl.u32 s30, $0x1;
	v7 =	vld [tilespmem:s19+$0x8200];
	[tilespmem:s2+$0x200] =	vst v5  }
0x312: {  	s18 =	sshrl.u32 s0, $0x1;
	s22 =	sshrl.u32 s31, $0x1;
	s26 =	simm.s32 $0x800;
	[tilespmem:s4+$0x200] =	vst v8;
	v8 =	vadd.bf16 v10, v9;
	v5 =	vld [tilespmem:s20+$0x200]  }
.LBB2_14:
0x313: {  	s0 =	sand.u32 $0xC000, s28;
	s2 =	sand.u32 $0x3800, s26;
	v9 =	vld [tilespmem:s20+$0x8200];
	s17 =	sadd.s32 $0x20, s17  }
0x314: {  	s24 =	sadd.s32 $0x8, s24;
	s0 =	sor.u32 s2, s0;
	s2 =	sand.u32 $0x700, s17;
	[tilespmem:s25+$0x200] =	vst v8;
	v3 =	vadd.bf16 v6, v3;
	v6 =	vld [tilespmem:s22+$0x200]  }
0x315: {  	p0 =	slt.u32 s24, $0x7F8;
	s0 =	sor.u32 s2, s0;
	v8 =	vld [tilespmem:s22+$0x8200]  }
0x316: {  	s2 =	sor.u32 $0x20, s0;
	s4 =	sor.u32 $0x40, s0;
	s8 =	sor.u32 $0xE0, s0;
	v10 =	vld [tilespmem:s18+$0x200];
	[tilespmem:s23+$0x200] =	vst v3;
	v3 =	vadd.bf16 v7, v4  }
0x317: {  	s23 =	sor.u32 $0x60, s0;
	s29 =	sor.u32 $0x80, s0;
	s8 =	sshrl.u32 s8, $0x1;
	v4 =	vld [tilespmem:s18+$0x8200]  }
0x318: {  	s30 =	sor.u32 $0xA0, s0;
	s31 =	sor.u32 $0xC0, s0;
	s2 =	sshrl.u32 s2, $0x1;
	v7 =	vld [tilespmem:s8+$0x200];
	[tilespmem:s19+$0x200] =	vst v3;
	v3 =	vadd.bf16 v9, v5  }
0x319: {  	s25 =	sshrl.u32 s4, $0x1;
	s23 =	sshrl.u32 s23, $0x1;
	s19 =	sshrl.u32 s29, $0x1;
	v5 =	vld [tilespmem:s8+$0x8200]  }
0x31a: {  	s0 =	sshrl.u32 s0, $0x1;
	s4 =	sshrl.u32 s31, $0x1;
	v9 =	vld [tilespmem:s2+$0x200];
	[tilespmem:s20+$0x200] =	vst v3;
	s20 =	sshrl.u32 s30, $0x1;
	v3 =	vadd.bf16 v8, v6  }
0x31b: {  	v8 =	vld [tilespmem:s2+$0x8200]  }
0x31c: {  	v11 =	vld [tilespmem:s25+$0x200];
	v4 =	vadd.bf16 v4, v10;
	[tilespmem:s22+$0x200] =	vst v3;
	s22 =	smov.u32 s4  }
0x31d: {  	v10 =	vld [tilespmem:s25+$0x8200]  }
.Ltmp6:
0x31e: {  	v3 =	vld [tilespmem:s23+$0x200];
	v5 =	vadd.bf16 v5, v7;
	[tilespmem:s18+$0x200] =	vst v4;
	s18 =	smov.u32 s0;
	(pc) =	sbr.rel @p0 .LBB2_14-.Ltmp6, $4  }
0x31f: {  	v6 =	vld [tilespmem:s23+$0x8200]  }
0x320: {  	v8 =	vadd.bf16 v8, v9;
	v4 =	vld [tilespmem:s19+$0x200];
	[tilespmem:s8+$0x200] =	vst v5  }
0x321: {  	v7 =	vld [tilespmem:s19+$0x8200]  }
0x322: {  	s26 =	sadd.s32 $0x800, s26;
	s28 =	sadd.s32 $0x100, s28;
	[tilespmem:s2+$0x200] =	vst v8;
	v8 =	vadd.bf16 v10, v11;
	v5 =	vld [tilespmem:s20+$0x200]  }
0x323: {  	v9 =	vld [tilespmem:s20+$0x8200]  }
0x324: {  	v10 =	vld [tilespmem:s22+$0x200]  }
0x325: {  	v11 =	vld [tilespmem:s22+$0x8200]  }
0x326: {  	v12 =	vld [tilespmem:s18+$0x200]  }
0x327: {  	v13 =	vld [tilespmem:s18+$0x8200]  }
0x328: {  	v3 =	vadd.bf16 v6, v3  }
0x329: {  	[tilespmem:s25+$0x200] =	vst v8;
	v4 =	vadd.bf16 v7, v4  }
0x32a: {  	[tilespmem:s23+$0x200] =	vst v3;
	v3 =	vadd.bf16 v9, v5  }
0x32b: {  	[tilespmem:s19+$0x200] =	vst v4;
	v4 =	vadd.bf16 v11, v10  }
0x32c: {  	[tilespmem:s20+$0x200] =	vst v3;
	v3 =	vadd.bf16 v13, v12  }
0x32d: {  	[tilespmem:s22+$0x200] =	vst v4  }
0x32e: {  	[tilespmem:s18+$0x200] =	vst v3  }
0x32f: {  	v3 =	vld [tilespmem:$0x1C0];
	_ =	sdelay $0x4  }
0x330: {  	v4 =	vshll.u32 v3, $0x3  }
0x331: {  	v3 =	vand.u32 $0x7, v3;
	v4 =	vand.u32 $0xFFFFFFC0, v4  }
0x332: {  	v3 =	vor.u32 v3, v4  }
0x333: {  	v4 =	vperm.xlane v3, v0;
	_ =	sdelay $0x1  }
0x334: {  	v4 =	vadd.s32 v1, v4;
	_ =	sdelay $0x3  }
0x335: {  	s17 =	simm.s32 $0x0;
	s0 =	simm.s32 $0x8200  }
0x336: {  	[tilespmem:s0], [sflag:$0x1] =	stream.indirect_vreg.gather [hbm4b:s1+s17], $0x80, v4, vm0, $0xb8;
	[tilespmem:$0x18200] =	vst v63  }
0x337: {  	s23 =	simm.s32 $0x8A00;
	v3 =	vperm.xlane v3, v2  }
0x338: {  	[tilespmem:s23], [sflag:$0x1] =	stream.indirect_vreg.gather [hbm4b:s5+s17], $0x80, v4, vm0, $0xb8;
	[tilespmem:$0x18200] =	vst v63  }
0x339: {  	s24 =	simm.s32 $0x9200;
	v3 =	vadd.s32 v1, v3  }
0x33a: {  	[tilespmem:s24], [sflag:$0x1] =	stream.indirect_vreg.gather [hbm4b:s6+s17], $0x80, v4, vm0, $0xb8;
	[tilespmem:$0x18200] =	vst v63  }
0x33b: {  	s25 =	simm.s32 $0x9A00  }
0x33c: {  	[tilespmem:s25], [sflag:$0x1] =	stream.indirect_vreg.gather [hbm4b:s7+s17], $0x80, v4, vm0, $0xb8;
	[tilespmem:$0x18200] =	vst v63  }
0x33d: {  	s26 =	simm.s32 $0xA200  }
0x33e: {  	[tilespmem:s26], [sflag:$0x1] =	stream.indirect_vreg.gather [hbm4b:s1+s17], $0x80, v3, vm0, $0xb8;
	[tilespmem:$0x18200] =	vst v63  }
0x33f: {  	s29 =	simm.s32 $0xAA00  }
0x340: {  	[tilespmem:s29], [sflag:$0x1] =	stream.indirect_vreg.gather [hbm4b:s5+s17], $0x80, v3, vm0, $0xb8;
	[tilespmem:$0x18200] =	vst v63  }
0x341: {  	s30 =	simm.s32 $0xB200  }
0x342: {  	[tilespmem:s30], [sflag:$0x1] =	stream.indirect_vreg.gather [hbm4b:s6+s17], $0x80, v3, vm0, $0xb8;
	[tilespmem:$0x18200] =	vst v63  }
0x343: {  	s31 =	simm.s32 $0xBA00  }
0x344: {  	[tilespmem:s31], [sflag:$0x1] =	stream.indirect_vreg.gather [hbm4b:s7+s17], $0x80, v3, vm0, $0xb8;
	[tilespmem:$0x18200] =	vst v63  }
0x345: {  	v3 =	vld [tilespmem:$0x1D0];
	_ =	sdelay $0x4  }
0x346: {  	v4 =	vshll.u32 v3, $0x3  }
0x347: {  	v3 =	vand.u32 $0x7, v3;
	v4 =	vand.u32 $0xFFFFFFC0, v4  }
0x348: {  	v3 =	vor.u32 v3, v4  }
0x349: {  	v4 =	vperm.xlane v3, v0;
	_ =	sdelay $0x1  }
0x34a: {  	v4 =	vadd.s32 v1, v4;
	_ =	sdelay $0x3  }
0x34b: {  	s2 =	simm.s32 $0xC200  }
0x34c: {  	[tilespmem:s2], [sflag:$0x1] =	stream.indirect_vreg.gather [hbm4b:s1+s17], $0x80, v4, vm0, $0xb8;
	[tilespmem:$0x18200] =	vst v63  }
0x34d: {  	s4 =	simm.s32 $0xCA00;
	v3 =	vperm.xlane v3, v2  }
0x34e: {  	[tilespmem:s4], [sflag:$0x1] =	stream.indirect_vreg.gather [hbm4b:s5+s17], $0x80, v4, vm0, $0xb8;
	[tilespmem:$0x18200] =	vst v63  }
0x34f: {  	s8 =	simm.s32 $0xD200;
	v3 =	vadd.s32 v1, v3  }
0x350: {  	[tilespmem:s8], [sflag:$0x1] =	stream.indirect_vreg.gather [hbm4b:s6+s17], $0x80, v4, vm0, $0xb8;
	[tilespmem:$0x18200] =	vst v63  }
0x351: {  	s18 =	simm.s32 $0xDA00  }
0x352: {  	[tilespmem:s18], [sflag:$0x1] =	stream.indirect_vreg.gather [hbm4b:s7+s17], $0x80, v4, vm0, $0xb8;
	[tilespmem:$0x18200] =	vst v63  }
0x353: {  	s19 =	simm.s32 $0xE200  }
0x354: {  	[tilespmem:s19], [sflag:$0x1] =	stream.indirect_vreg.gather [hbm4b:s1+s17], $0x80, v3, vm0, $0xb8;
	[tilespmem:$0x18200] =	vst v63  }
0x355: {  	s20 =	simm.s32 $0xEA00  }
0x356: {  	[tilespmem:s20], [sflag:$0x1] =	stream.indirect_vreg.gather [hbm4b:s5+s17], $0x80, v3, vm0, $0xb8;
	[tilespmem:$0x18200] =	vst v63  }
0x357: {  	s22 =	simm.s32 $0xF200;
	s24 =	sand.u32 $0xC000, s17;
	s2 =	sand.u32 $0x3800, s17  }
0x358: {  	[tilespmem:s22], [sflag:$0x1] =	stream.indirect_vreg.gather [hbm4b:s6+s17], $0x80, v3, vm0, $0xb8;
	[tilespmem:$0x18200] =	vst v63  }
0x359: {  	s23 =	simm.s32 $0xFA00;
	s25 =	sand.u32 $0x700, s17;
	s0 =	sor.u32 s2, s24  }
0x35a: {  	[tilespmem:s23], [sflag:$0x1] =	stream.indirect_vreg.gather [hbm4b:s7+s17], $0x80, v3, vm0, $0xb8;
	[tilespmem:$0x18200] =	vst v63  }
0x35b: {  	s0 =	sor.u32 s25, s0;
	_ =	swait.ge [sflag:s13], $0x8000  }
0x35c: {  	s2 =	sor.u32 $0xE0, s0;
	[sflag:s13] =	ssyncset.done $0x0  }
0x35d: {  	s2 =	sshrl.u32 s2, $0x1;
	[sflag:s13] =	ssyncadd.s32 $0xFFFF8000  }
0x35e: {  	s4 =	sor.u32 $0x20, s0;
	v4 =	vld [tilespmem:s2+$0x200]  }
0x35f: {  	s4 =	sshrl.u32 s4, $0x1;
	v5 =	vld [tilespmem:s2+$0x10200]  }
0x360: {  	s8 =	sor.u32 $0x40, s0;
	v7 =	vld [tilespmem:s4+$0x200]  }
0x361: {  	s25 =	sshrl.u32 s8, $0x1;
	v8 =	vld [tilespmem:s4+$0x10200]  }
0x362: {  	s26 =	sor.u32 $0x60, s0;
	v9 =	vld [tilespmem:s25+$0x200]  }
0x363: {  	s23 =	sshrl.u32 s26, $0x1;
	v10 =	vld [tilespmem:s25+$0x10200]  }
0x364: {  	s29 =	sor.u32 $0x80, s0;
	v3 =	vld [tilespmem:s23+$0x200]  }
0x365: {  	s19 =	sshrl.u32 s29, $0x1;
	v6 =	vld [tilespmem:s23+$0x10200];
	v5 =	vadd.bf16 v5, v4  }
0x366: {  	s28 =	simm.s32 $0x100;
	s30 =	sor.u32 $0xA0, s0;
	v8 =	vadd.bf16 v8, v7;
	v4 =	vld [tilespmem:s19+$0x200]  }
0x367: {  	s24 =	simm.s32 $0x0;
	s31 =	sor.u32 $0xC0, s0;
	s20 =	sshrl.u32 s30, $0x1;
	v7 =	vld [tilespmem:s19+$0x10200];
	[tilespmem:s2+$0x200] =	vst v5  }
0x368: {  	s18 =	sshrl.u32 s0, $0x1;
	s22 =	sshrl.u32 s31, $0x1;
	s26 =	simm.s32 $0x800;
	[tilespmem:s4+$0x200] =	vst v8;
	v8 =	vadd.bf16 v10, v9;
	v5 =	vld [tilespmem:s20+$0x200]  }
.LBB2_16:
0x369: {  	s0 =	sand.u32 $0xC000, s28;
	s2 =	sand.u32 $0x3800, s26;
	v9 =	vld [tilespmem:s20+$0x10200];
	s17 =	sadd.s32 $0x20, s17  }
0x36a: {  	s24 =	sadd.s32 $0x8, s24;
	s0 =	sor.u32 s2, s0;
	s2 =	sand.u32 $0x700, s17;
	[tilespmem:s25+$0x200] =	vst v8;
	v3 =	vadd.bf16 v6, v3;
	v6 =	vld [tilespmem:s22+$0x200]  }
0x36b: {  	p0 =	slt.u32 s24, $0x7F8;
	s0 =	sor.u32 s2, s0;
	v8 =	vld [tilespmem:s22+$0x10200]  }
0x36c: {  	s2 =	sor.u32 $0x20, s0;
	s4 =	sor.u32 $0x40, s0;
	s8 =	sor.u32 $0xE0, s0;
	v10 =	vld [tilespmem:s18+$0x200];
	[tilespmem:s23+$0x200] =	vst v3;
	v3 =	vadd.bf16 v7, v4  }
0x36d: {  	s23 =	sor.u32 $0x60, s0;
	s29 =	sor.u32 $0x80, s0;
	s8 =	sshrl.u32 s8, $0x1;
	v4 =	vld [tilespmem:s18+$0x10200]  }
0x36e: {  	s30 =	sor.u32 $0xA0, s0;
	s31 =	sor.u32 $0xC0, s0;
	s2 =	sshrl.u32 s2, $0x1;
	v7 =	vld [tilespmem:s8+$0x200];
	[tilespmem:s19+$0x200] =	vst v3;
	v3 =	vadd.bf16 v9, v5  }
0x36f: {  	s25 =	sshrl.u32 s4, $0x1;
	s23 =	sshrl.u32 s23, $0x1;
	s19 =	sshrl.u32 s29, $0x1;
	v5 =	vld [tilespmem:s8+$0x10200]  }
0x370: {  	s0 =	sshrl.u32 s0, $0x1;
	s4 =	sshrl.u32 s31, $0x1;
	v9 =	vld [tilespmem:s2+$0x200];
	[tilespmem:s20+$0x200] =	vst v3;
	s20 =	sshrl.u32 s30, $0x1;
	v3 =	vadd.bf16 v8, v6  }
0x371: {  	v8 =	vld [tilespmem:s2+$0x10200]  }
0x372: {  	v11 =	vld [tilespmem:s25+$0x200];
	v4 =	vadd.bf16 v4, v10;
	[tilespmem:s22+$0x200] =	vst v3;
	s22 =	smov.u32 s4  }
0x373: {  	v10 =	vld [tilespmem:s25+$0x10200]  }
.Ltmp7:
0x374: {  	v3 =	vld [tilespmem:s23+$0x200];
	v5 =	vadd.bf16 v5, v7;
	[tilespmem:s18+$0x200] =	vst v4;
	s18 =	smov.u32 s0;
	(pc) =	sbr.rel @p0 .LBB2_16-.Ltmp7, $4  }
0x375: {  	v6 =	vld [tilespmem:s23+$0x10200]  }
0x376: {  	v8 =	vadd.bf16 v8, v9;
	v4 =	vld [tilespmem:s19+$0x200];
	[tilespmem:s8+$0x200] =	vst v5  }
0x377: {  	v7 =	vld [tilespmem:s19+$0x10200]  }
0x378: {  	s26 =	sadd.s32 $0x800, s26;
	s28 =	sadd.s32 $0x100, s28;
	[tilespmem:s2+$0x200] =	vst v8;
	v8 =	vadd.bf16 v10, v11;
	v5 =	vld [tilespmem:s20+$0x200]  }
0x379: {  	v9 =	vld [tilespmem:s20+$0x10200]  }
0x37a: {  	v10 =	vld [tilespmem:s22+$0x200]  }
0x37b: {  	v11 =	vld [tilespmem:s22+$0x10200]  }
0x37c: {  	v12 =	vld [tilespmem:s18+$0x200]  }
0x37d: {  	v13 =	vld [tilespmem:s18+$0x10200]  }
0x37e: {  	v3 =	vadd.bf16 v6, v3  }
0x37f: {  	[tilespmem:s25+$0x200] =	vst v8;
	v4 =	vadd.bf16 v7, v4  }
0x380: {  	[tilespmem:s23+$0x200] =	vst v3;
	v3 =	vadd.bf16 v9, v5  }
0x381: {  	[tilespmem:s19+$0x200] =	vst v4;
	v4 =	vadd.bf16 v11, v10  }
0x382: {  	[tilespmem:s20+$0x200] =	vst v3;
	v3 =	vadd.bf16 v13, v12  }
0x383: {  	[tilespmem:s22+$0x200] =	vst v4  }
0x384: {  	[tilespmem:s18+$0x200] =	vst v3  }
0x385: {  	v3 =	vld [tilespmem:$0xE0];
	_ =	sdelay $0x4  }
0x386: {  	v4 =	vshll.u32 v3, $0x3  }
0x387: {  	v3 =	vand.u32 $0x7, v3;
	v4 =	vand.u32 $0xFFFFFFC0, v4  }
0x388: {  	v3 =	vor.u32 v3, v4  }
0x389: {  	v4 =	vperm.xlane v3, v0;
	_ =	sdelay $0x1  }
0x38a: {  	v4 =	vadd.s32 v1, v4;
	_ =	sdelay $0x3  }
0x38b: {  	s17 =	simm.s32 $0x0;
	s0 =	simm.s32 $0x10200  }
0x38c: {  	[tilespmem:s0], [sflag:$0x2] =	stream.indirect_vreg.gather [hbm4b:s1+s17], $0x80, v4, vm0, $0xb8;
	[tilespmem:$0x18200] =	vst v63  }
0x38d: {  	s26 =	simm.s32 $0x10A00;
	v3 =	vperm.xlane v3, v2  }
0x38e: {  	[tilespmem:s26], [sflag:$0x2] =	stream.indirect_vreg.gather [hbm4b:s5+s17], $0x80, v4, vm0, $0xb8;
	[tilespmem:$0x18200] =	vst v63  }
0x38f: {  	s29 =	simm.s32 $0x11200;
	v3 =	vadd.s32 v1, v3  }
0x390: {  	[tilespmem:s29], [sflag:$0x2] =	stream.indirect_vreg.gather [hbm4b:s6+s17], $0x80, v4, vm0, $0xb8;
	[tilespmem:$0x18200] =	vst v63  }
0x391: {  	s30 =	simm.s32 $0x11A00  }
0x392: {  	[tilespmem:s30], [sflag:$0x2] =	stream.indirect_vreg.gather [hbm4b:s7+s17], $0x80, v4, vm0, $0xb8;
	[tilespmem:$0x18200] =	vst v63  }
0x393: {  	s31 =	simm.s32 $0x12200  }
0x394: {  	[tilespmem:s31], [sflag:$0x2] =	stream.indirect_vreg.gather [hbm4b:s1+s17], $0x80, v3, vm0, $0xb8;
	[tilespmem:$0x18200] =	vst v63  }
0x395: {  	s2 =	simm.s32 $0x12A00  }
0x396: {  	[tilespmem:s2], [sflag:$0x2] =	stream.indirect_vreg.gather [hbm4b:s5+s17], $0x80, v3, vm0, $0xb8;
	[tilespmem:$0x18200] =	vst v63  }
0x397: {  	s4 =	simm.s32 $0x13200  }
0x398: {  	[tilespmem:s4], [sflag:$0x2] =	stream.indirect_vreg.gather [hbm4b:s6+s17], $0x80, v3, vm0, $0xb8;
	[tilespmem:$0x18200] =	vst v63  }
0x399: {  	s8 =	simm.s32 $0x13A00  }
0x39a: {  	[tilespmem:s8], [sflag:$0x2] =	stream.indirect_vreg.gather [hbm4b:s7+s17], $0x80, v3, vm0, $0xb8;
	[tilespmem:$0x18200] =	vst v63  }
0x39b: {  	v3 =	vld [tilespmem:$0xF0];
	_ =	sdelay $0x4  }
0x39c: {  	v4 =	vshll.u32 v3, $0x3  }
0x39d: {  	v3 =	vand.u32 $0x7, v3;
	v4 =	vand.u32 $0xFFFFFFC0, v4  }
0x39e: {  	v3 =	vor.u32 v3, v4  }
0x39f: {  	v4 =	vperm.xlane v3, v0;
	_ =	sdelay $0x1  }
0x3a0: {  	v4 =	vadd.s32 v1, v4;
	_ =	sdelay $0x3  }
0x3a1: {  	s18 =	simm.s32 $0x14200  }
0x3a2: {  	[tilespmem:s18], [sflag:$0x2] =	stream.indirect_vreg.gather [hbm4b:s1+s17], $0x80, v4, vm0, $0xb8;
	[tilespmem:$0x18200] =	vst v63  }
0x3a3: {  	s19 =	simm.s32 $0x14A00;
	v3 =	vperm.xlane v3, v2  }
0x3a4: {  	[tilespmem:s19], [sflag:$0x2] =	stream.indirect_vreg.gather [hbm4b:s5+s17], $0x80, v4, vm0, $0xb8;
	[tilespmem:$0x18200] =	vst v63  }
0x3a5: {  	s20 =	simm.s32 $0x15200;
	v3 =	vadd.s32 v1, v3  }
0x3a6: {  	[tilespmem:s20], [sflag:$0x2] =	stream.indirect_vreg.gather [hbm4b:s6+s17], $0x80, v4, vm0, $0xb8;
	[tilespmem:$0x18200] =	vst v63  }
0x3a7: {  	s22 =	simm.s32 $0x15A00  }
0x3a8: {  	[tilespmem:s22], [sflag:$0x2] =	stream.indirect_vreg.gather [hbm4b:s7+s17], $0x80, v4, vm0, $0xb8;
	[tilespmem:$0x18200] =	vst v63  }
0x3a9: {  	s23 =	simm.s32 $0x16200  }
0x3aa: {  	[tilespmem:s23], [sflag:$0x2] =	stream.indirect_vreg.gather [hbm4b:s1+s17], $0x80, v3, vm0, $0xb8;
	[tilespmem:$0x18200] =	vst v63  }
0x3ab: {  	_ = 	snop  }
0x3ac: {  	[tilespmem:s9], [sflag:$0x2] =	stream.indirect_vreg.gather [hbm4b:s5+s17], $0x80, v3, vm0, $0xb8;
	[tilespmem:$0x18200] =	vst v63  }
0x3ad: {  	s24 =	sand.u32 $0xC000, s17;
	s2 =	sand.u32 $0x3800, s17  }
0x3ae: {  	[tilespmem:s10], [sflag:$0x2] =	stream.indirect_vreg.gather [hbm4b:s6+s17], $0x80, v3, vm0, $0xb8;
	[tilespmem:$0x18200] =	vst v63  }
0x3af: {  	s25 =	sand.u32 $0x700, s17;
	s0 =	sor.u32 s2, s24  }
0x3b0: {  	[tilespmem:s11], [sflag:$0x2] =	stream.indirect_vreg.gather [hbm4b:s7+s17], $0x80, v3, vm0, $0xb8;
	[tilespmem:$0x18200] =	vst v63  }
0x3b1: {  	s0 =	sor.u32 s25, s0;
	_ =	swait.ge [sflag:s12], $0x8000  }
0x3b2: {  	s2 =	sor.u32 $0xE0, s0;
	[sflag:s12] =	ssyncset.done $0x0  }
0x3b3: {  	s2 =	sshrl.u32 s2, $0x1;
	[sflag:s12] =	ssyncadd.s32 $0xFFFF8000  }
0x3b4: {  	s4 =	sor.u32 $0x20, s0;
	v4 =	vld [tilespmem:s2+$0x200]  }
0x3b5: {  	s4 =	sshrl.u32 s4, $0x1;
	v5 =	vld [tilespmem:s2+$0x8200]  }
0x3b6: {  	s8 =	sor.u32 $0x40, s0;
	v7 =	vld [tilespmem:s4+$0x200]  }
0x3b7: {  	s25 =	sshrl.u32 s8, $0x1;
	v8 =	vld [tilespmem:s4+$0x8200]  }
0x3b8: {  	s26 =	sor.u32 $0x60, s0;
	v9 =	vld [tilespmem:s25+$0x200]  }
0x3b9: {  	s23 =	sshrl.u32 s26, $0x1;
	v10 =	vld [tilespmem:s25+$0x8200]  }
0x3ba: {  	s29 =	sor.u32 $0x80, s0;
	v3 =	vld [tilespmem:s23+$0x200]  }
0x3bb: {  	s19 =	sshrl.u32 s29, $0x1;
	v6 =	vld [tilespmem:s23+$0x8200];
	v5 =	vadd.bf16 v5, v4  }
0x3bc: {  	s28 =	simm.s32 $0x100;
	s30 =	sor.u32 $0xA0, s0;
	v8 =	vadd.bf16 v8, v7;
	v4 =	vld [tilespmem:s19+$0x200]  }
0x3bd: {  	s24 =	simm.s32 $0x0;
	s31 =	sor.u32 $0xC0, s0;
	s20 =	sshrl.u32 s30, $0x1;
	v7 =	vld [tilespmem:s19+$0x8200];
	[tilespmem:s2+$0x200] =	vst v5  }
0x3be: {  	s18 =	sshrl.u32 s0, $0x1;
	s22 =	sshrl.u32 s31, $0x1;
	s26 =	simm.s32 $0x800;
	[tilespmem:s4+$0x200] =	vst v8;
	v8 =	vadd.bf16 v10, v9;
	v5 =	vld [tilespmem:s20+$0x200]  }
.LBB2_18:
0x3bf: {  	s0 =	sand.u32 $0xC000, s28;
	s2 =	sand.u32 $0x3800, s26;
	v9 =	vld [tilespmem:s20+$0x8200];
	s17 =	sadd.s32 $0x20, s17  }
0x3c0: {  	s24 =	sadd.s32 $0x8, s24;
	s0 =	sor.u32 s2, s0;
	s2 =	sand.u32 $0x700, s17;
	[tilespmem:s25+$0x200] =	vst v8;
	v3 =	vadd.bf16 v6, v3;
	v6 =	vld [tilespmem:s22+$0x200]  }
0x3c1: {  	p0 =	slt.u32 s24, $0x7F8;
	s0 =	sor.u32 s2, s0;
	v8 =	vld [tilespmem:s22+$0x8200]  }
0x3c2: {  	s2 =	sor.u32 $0x20, s0;
	s4 =	sor.u32 $0x40, s0;
	s8 =	sor.u32 $0xE0, s0;
	v10 =	vld [tilespmem:s18+$0x200];
	[tilespmem:s23+$0x200] =	vst v3;
	v3 =	vadd.bf16 v7, v4  }
0x3c3: {  	s23 =	sor.u32 $0x60, s0;
	s29 =	sor.u32 $0x80, s0;
	s8 =	sshrl.u32 s8, $0x1;
	v4 =	vld [tilespmem:s18+$0x8200]  }
0x3c4: {  	s30 =	sor.u32 $0xA0, s0;
	s31 =	sor.u32 $0xC0, s0;
	s2 =	sshrl.u32 s2, $0x1;
	v7 =	vld [tilespmem:s8+$0x200];
	[tilespmem:s19+$0x200] =	vst v3;
	v3 =	vadd.bf16 v9, v5  }
0x3c5: {  	s25 =	sshrl.u32 s4, $0x1;
	s23 =	sshrl.u32 s23, $0x1;
	s19 =	sshrl.u32 s29, $0x1;
	v5 =	vld [tilespmem:s8+$0x8200]  }
0x3c6: {  	s0 =	sshrl.u32 s0, $0x1;
	s4 =	sshrl.u32 s31, $0x1;
	v9 =	vld [tilespmem:s2+$0x200];
	[tilespmem:s20+$0x200] =	vst v3;
	s20 =	sshrl.u32 s30, $0x1;
	v3 =	vadd.bf16 v8, v6  }
0x3c7: {  	v8 =	vld [tilespmem:s2+$0x8200]  }
0x3c8: {  	v11 =	vld [tilespmem:s25+$0x200];
	v4 =	vadd.bf16 v4, v10;
	[tilespmem:s22+$0x200] =	vst v3;
	s22 =	smov.u32 s4  }
0x3c9: {  	v10 =	vld [tilespmem:s25+$0x8200]  }
.Ltmp8:
0x3ca: {  	v3 =	vld [tilespmem:s23+$0x200];
	v5 =	vadd.bf16 v5, v7;
	[tilespmem:s18+$0x200] =	vst v4;
	s18 =	smov.u32 s0;
	(pc) =	sbr.rel @p0 .LBB2_18-.Ltmp8, $4  }
0x3cb: {  	v6 =	vld [tilespmem:s23+$0x8200]  }
0x3cc: {  	v8 =	vadd.bf16 v8, v9;
	v4 =	vld [tilespmem:s19+$0x200];
	[tilespmem:s8+$0x200] =	vst v5  }
0x3cd: {  	v7 =	vld [tilespmem:s19+$0x8200]  }
0x3ce: {  	s26 =	sadd.s32 $0x800, s26;
	s28 =	sadd.s32 $0x100, s28;
	[tilespmem:s2+$0x200] =	vst v8;
	v8 =	vadd.bf16 v10, v11;
	v5 =	vld [tilespmem:s20+$0x200]  }
0x3cf: {  	v9 =	vld [tilespmem:s20+$0x8200]  }
0x3d0: {  	v10 =	vld [tilespmem:s22+$0x200]  }
0x3d1: {  	v11 =	vld [tilespmem:s22+$0x8200]  }
0x3d2: {  	v12 =	vld [tilespmem:s18+$0x200]  }
0x3d3: {  	v13 =	vld [tilespmem:s18+$0x8200]  }
0x3d4: {  	v3 =	vadd.bf16 v6, v3  }
0x3d5: {  	[tilespmem:s25+$0x200] =	vst v8;
	v4 =	vadd.bf16 v7, v4  }
0x3d6: {  	[tilespmem:s23+$0x200] =	vst v3;
	v3 =	vadd.bf16 v9, v5  }
0x3d7: {  	[tilespmem:s19+$0x200] =	vst v4;
	v4 =	vadd.bf16 v11, v10  }
0x3d8: {  	[tilespmem:s20+$0x200] =	vst v3;
	v3 =	vadd.bf16 v13, v12  }
0x3d9: {  	[tilespmem:s22+$0x200] =	vst v4  }
0x3da: {  	[tilespmem:s18+$0x200] =	vst v3  }
0x3db: {  	s17 =	simm.s32 $0x0;
	s0 =	rddreg [dreg:$0x6]  }
0x3dc: {  	[hbm4b:s0+s17] =	stream.linear.scatter [tilespmem:s14], [sflag:$0x4], $0x8000, $0x38;
	[tilespmem:$0x18200] =	vst v63  }
0x3dd: {  	_ =	swait.ge [sflag:s15], $0x8000  }
0x3de: {  	[sflag:s15] =	ssyncset.done $0x0  }
0x3df: {  	[sflag:s15] =	ssyncadd.s32 $0xFFFF8000  }
0x3e0: {  	v3 =	vld [tilespmem:$0x60];
	_ =	sdelay $0x4  }
0x3e1: {  	v4 =	vshll.u32 v3, $0x3  }
0x3e2: {  	v3 =	vand.u32 $0x7, v3;
	v4 =	vand.u32 $0xFFFFFFC0, v4  }
0x3e3: {  	v3 =	vor.u32 v3, v4  }
0x3e4: {  	v4 =	vperm.xlane v3, v0;
	_ =	sdelay $0x1  }
0x3e5: {  	v4 =	vadd.s32 v1, v4;
	_ =	sdelay $0x4  }
0x3e6: {  	[tilespmem:s14], [sflag:$0x3] =	stream.indirect_vreg.gather [hbm4b:s1+s17], $0x80, v4, vm0, $0xb8;
	[tilespmem:$0x18200] =	vst v63  }
0x3e7: {  	s20 =	simm.s32 $0xA00;
	v3 =	vperm.xlane v3, v2  }
0x3e8: {  	[tilespmem:s20], [sflag:$0x3] =	stream.indirect_vreg.gather [hbm4b:s5+s17], $0x80, v4, vm0, $0xb8;
	[tilespmem:$0x18200] =	vst v63  }
0x3e9: {  	s22 =	simm.s32 $0x1200;
	v3 =	vadd.s32 v1, v3  }
0x3ea: {  	[tilespmem:s22], [sflag:$0x3] =	stream.indirect_vreg.gather [hbm4b:s6+s17], $0x80, v4, vm0, $0xb8;
	[tilespmem:$0x18200] =	vst v63  }
0x3eb: {  	s23 =	simm.s32 $0x1A00  }
0x3ec: {  	[tilespmem:s23], [sflag:$0x3] =	stream.indirect_vreg.gather [hbm4b:s7+s17], $0x80, v4, vm0, $0xb8;
	[tilespmem:$0x18200] =	vst v63  }
0x3ed: {  	s24 =	simm.s32 $0x2200  }
0x3ee: {  	[tilespmem:s24], [sflag:$0x3] =	stream.indirect_vreg.gather [hbm4b:s1+s17], $0x80, v3, vm0, $0xb8;
	[tilespmem:$0x18200] =	vst v63  }
0x3ef: {  	s25 =	simm.s32 $0x2A00  }
0x3f0: {  	[tilespmem:s25], [sflag:$0x3] =	stream.indirect_vreg.gather [hbm4b:s5+s17], $0x80, v3, vm0, $0xb8;
	[tilespmem:$0x18200] =	vst v63  }
0x3f1: {  	s26 =	simm.s32 $0x3200  }
0x3f2: {  	[tilespmem:s26], [sflag:$0x3] =	stream.indirect_vreg.gather [hbm4b:s6+s17], $0x80, v3, vm0, $0xb8;
	[tilespmem:$0x18200] =	vst v63  }
0x3f3: {  	s29 =	simm.s32 $0x3A00  }
0x3f4: {  	[tilespmem:s29], [sflag:$0x3] =	stream.indirect_vreg.gather [hbm4b:s7+s17], $0x80, v3, vm0, $0xb8;
	[tilespmem:$0x18200] =	vst v63  }
0x3f5: {  	v3 =	vld [tilespmem:$0x70];
	_ =	sdelay $0x4  }
0x3f6: {  	v4 =	vshll.u32 v3, $0x3  }
0x3f7: {  	v3 =	vand.u32 $0x7, v3;
	v4 =	vand.u32 $0xFFFFFFC0, v4  }
0x3f8: {  	v3 =	vor.u32 v3, v4  }
0x3f9: {  	v4 =	vperm.xlane v3, v0;
	_ =	sdelay $0x1  }
0x3fa: {  	v4 =	vadd.s32 v1, v4;
	_ =	sdelay $0x3  }
0x3fb: {  	s30 =	simm.s32 $0x4200  }
0x3fc: {  	[tilespmem:s30], [sflag:$0x3] =	stream.indirect_vreg.gather [hbm4b:s1+s17], $0x80, v4, vm0, $0xb8;
	[tilespmem:$0x18200] =	vst v63  }
0x3fd: {  	s31 =	simm.s32 $0x4A00;
	v3 =	vperm.xlane v3, v2  }
0x3fe: {  	[tilespmem:s31], [sflag:$0x3] =	stream.indirect_vreg.gather [hbm4b:s5+s17], $0x80, v4, vm0, $0xb8;
	[tilespmem:$0x18200] =	vst v63  }
0x3ff: {  	s2 =	simm.s32 $0x5200;
	v3 =	vadd.s32 v1, v3  }
0x400: {  	[tilespmem:s2], [sflag:$0x3] =	stream.indirect_vreg.gather [hbm4b:s6+s17], $0x80, v4, vm0, $0xb8;
	[tilespmem:$0x18200] =	vst v63  }
0x401: {  	s4 =	simm.s32 $0x5A00  }
0x402: {  	[tilespmem:s4], [sflag:$0x3] =	stream.indirect_vreg.gather [hbm4b:s7+s17], $0x80, v4, vm0, $0xb8;
	[tilespmem:$0x18200] =	vst v63  }
0x403: {  	s8 =	simm.s32 $0x6200  }
0x404: {  	[tilespmem:s8], [sflag:$0x3] =	stream.indirect_vreg.gather [hbm4b:s1+s17], $0x80, v3, vm0, $0xb8;
	[tilespmem:$0x18200] =	vst v63  }
0x405: {  	s18 =	simm.s32 $0x6A00  }
0x406: {  	[tilespmem:s18], [sflag:$0x3] =	stream.indirect_vreg.gather [hbm4b:s5+s17], $0x80, v3, vm0, $0xb8;
	[tilespmem:$0x18200] =	vst v63  }
0x407: {  	s19 =	simm.s32 $0x7200  }
0x408: {  	[tilespmem:s19], [sflag:$0x3] =	stream.indirect_vreg.gather [hbm4b:s6+s17], $0x80, v3, vm0, $0xb8;
	[tilespmem:$0x18200] =	vst v63  }
0x409: {  	s20 =	simm.s32 $0x7A00  }
0x40a: {  	[tilespmem:s20], [sflag:$0x3] =	stream.indirect_vreg.gather [hbm4b:s7+s17], $0x80, v3, vm0, $0xb8;
	[tilespmem:$0x18200] =	vst v63  }
0x40b: {  	_ =	swait.ge [sflag:s21], $0x8000  }
0x40c: {  	[sflag:s21] =	ssyncset.done $0x0  }
0x40d: {  	[sflag:s21] =	ssyncadd.s32 $0xFFFF8000  }
0x40e: {  	v3 =	vld [tilespmem:$0x160];
	_ =	sdelay $0x4  }
0x40f: {  	v4 =	vshll.u32 v3, $0x3  }
0x410: {  	v3 =	vand.u32 $0x7, v3;
	v4 =	vand.u32 $0xFFFFFFC0, v4  }
0x411: {  	v3 =	vor.u32 v3, v4  }
0x412: {  	v4 =	vperm.xlane v3, v0;
	_ =	sdelay $0x1  }
0x413: {  	v4 =	vadd.s32 v1, v4;
	_ =	sdelay $0x3  }
0x414: {  	s22 =	simm.s32 $0x8200  }
0x415: {  	[tilespmem:s22], [sflag:$0x1] =	stream.indirect_vreg.gather [hbm4b:s1+s17], $0x80, v4, vm0, $0xb8;
	[tilespmem:$0x18200] =	vst v63  }
0x416: {  	s23 =	simm.s32 $0x8A00;
	v3 =	vperm.xlane v3, v2  }
0x417: {  	[tilespmem:s23], [sflag:$0x1] =	stream.indirect_vreg.gather [hbm4b:s5+s17], $0x80, v4, vm0, $0xb8;
	[tilespmem:$0x18200] =	vst v63  }
0x418: {  	s24 =	simm.s32 $0x9200;
	v3 =	vadd.s32 v1, v3  }
0x419: {  	[tilespmem:s24], [sflag:$0x1] =	stream.indirect_vreg.gather [hbm4b:s6+s17], $0x80, v4, vm0, $0xb8;
	[tilespmem:$0x18200] =	vst v63  }
0x41a: {  	s25 =	simm.s32 $0x9A00  }
0x41b: {  	[tilespmem:s25], [sflag:$0x1] =	stream.indirect_vreg.gather [hbm4b:s7+s17], $0x80, v4, vm0, $0xb8;
	[tilespmem:$0x18200] =	vst v63  }
0x41c: {  	s26 =	simm.s32 $0xA200  }
0x41d: {  	[tilespmem:s26], [sflag:$0x1] =	stream.indirect_vreg.gather [hbm4b:s1+s17], $0x80, v3, vm0, $0xb8;
	[tilespmem:$0x18200] =	vst v63  }
0x41e: {  	s29 =	simm.s32 $0xAA00  }
0x41f: {  	[tilespmem:s29], [sflag:$0x1] =	stream.indirect_vreg.gather [hbm4b:s5+s17], $0x80, v3, vm0, $0xb8;
	[tilespmem:$0x18200] =	vst v63  }
0x420: {  	s30 =	simm.s32 $0xB200  }
0x421: {  	[tilespmem:s30], [sflag:$0x1] =	stream.indirect_vreg.gather [hbm4b:s6+s17], $0x80, v3, vm0, $0xb8;
	[tilespmem:$0x18200] =	vst v63  }
0x422: {  	s31 =	simm.s32 $0xBA00  }
0x423: {  	[tilespmem:s31], [sflag:$0x1] =	stream.indirect_vreg.gather [hbm4b:s7+s17], $0x80, v3, vm0, $0xb8;
	[tilespmem:$0x18200] =	vst v63  }
0x424: {  	v3 =	vld [tilespmem:$0x170];
	_ =	sdelay $0x4  }
0x425: {  	v4 =	vshll.u32 v3, $0x3  }
0x426: {  	v3 =	vand.u32 $0x7, v3;
	v4 =	vand.u32 $0xFFFFFFC0, v4  }
0x427: {  	v3 =	vor.u32 v3, v4  }
0x428: {  	v4 =	vperm.xlane v3, v0;
	_ =	sdelay $0x1  }
0x429: {  	v4 =	vadd.s32 v1, v4;
	_ =	sdelay $0x3  }
0x42a: {  	s2 =	simm.s32 $0xC200  }
0x42b: {  	[tilespmem:s2], [sflag:$0x1] =	stream.indirect_vreg.gather [hbm4b:s1+s17], $0x80, v4, vm0, $0xb8;
	[tilespmem:$0x18200] =	vst v63  }
0x42c: {  	s4 =	simm.s32 $0xCA00;
	v3 =	vperm.xlane v3, v2  }
0x42d: {  	[tilespmem:s4], [sflag:$0x1] =	stream.indirect_vreg.gather [hbm4b:s5+s17], $0x80, v4, vm0, $0xb8;
	[tilespmem:$0x18200] =	vst v63  }
0x42e: {  	s8 =	simm.s32 $0xD200;
	v3 =	vadd.s32 v1, v3  }
0x42f: {  	[tilespmem:s8], [sflag:$0x1] =	stream.indirect_vreg.gather [hbm4b:s6+s17], $0x80, v4, vm0, $0xb8;
	[tilespmem:$0x18200] =	vst v63  }
0x430: {  	s18 =	simm.s32 $0xDA00  }
0x431: {  	[tilespmem:s18], [sflag:$0x1] =	stream.indirect_vreg.gather [hbm4b:s7+s17], $0x80, v4, vm0, $0xb8;
	[tilespmem:$0x18200] =	vst v63  }
0x432: {  	s19 =	simm.s32 $0xE200  }
0x433: {  	[tilespmem:s19], [sflag:$0x1] =	stream.indirect_vreg.gather [hbm4b:s1+s17], $0x80, v3, vm0, $0xb8;
	[tilespmem:$0x18200] =	vst v63  }
0x434: {  	s20 =	simm.s32 $0xEA00  }
0x435: {  	[tilespmem:s20], [sflag:$0x1] =	stream.indirect_vreg.gather [hbm4b:s5+s17], $0x80, v3, vm0, $0xb8;
	[tilespmem:$0x18200] =	vst v63  }
0x436: {  	s22 =	simm.s32 $0xF200;
	s24 =	sand.u32 $0xC000, s17;
	s2 =	sand.u32 $0x3800, s17  }
0x437: {  	[tilespmem:s22], [sflag:$0x1] =	stream.indirect_vreg.gather [hbm4b:s6+s17], $0x80, v3, vm0, $0xb8;
	[tilespmem:$0x18200] =	vst v63  }
0x438: {  	s23 =	simm.s32 $0xFA00;
	s25 =	sand.u32 $0x700, s17;
	s0 =	sor.u32 s2, s24  }
0x439: {  	[tilespmem:s23], [sflag:$0x1] =	stream.indirect_vreg.gather [hbm4b:s7+s17], $0x80, v3, vm0, $0xb8;
	[tilespmem:$0x18200] =	vst v63  }
0x43a: {  	s0 =	sor.u32 s25, s0;
	_ =	swait.ge [sflag:s13], $0x8000  }
0x43b: {  	s2 =	sor.u32 $0xE0, s0;
	[sflag:s13] =	ssyncset.done $0x0  }
0x43c: {  	s2 =	sshrl.u32 s2, $0x1;
	[sflag:s13] =	ssyncadd.s32 $0xFFFF8000  }
0x43d: {  	s4 =	sor.u32 $0x20, s0;
	v4 =	vld [tilespmem:s2+$0x200]  }
0x43e: {  	s4 =	sshrl.u32 s4, $0x1;
	v5 =	vld [tilespmem:s2+$0x10200]  }
0x43f: {  	s8 =	sor.u32 $0x40, s0;
	v7 =	vld [tilespmem:s4+$0x200]  }
0x440: {  	s25 =	sshrl.u32 s8, $0x1;
	v8 =	vld [tilespmem:s4+$0x10200]  }
0x441: {  	s26 =	sor.u32 $0x60, s0;
	v9 =	vld [tilespmem:s25+$0x200]  }
0x442: {  	s23 =	sshrl.u32 s26, $0x1;
	v10 =	vld [tilespmem:s25+$0x10200]  }
0x443: {  	s29 =	sor.u32 $0x80, s0;
	v3 =	vld [tilespmem:s23+$0x200]  }
0x444: {  	s19 =	sshrl.u32 s29, $0x1;
	v6 =	vld [tilespmem:s23+$0x10200];
	v5 =	vadd.bf16 v5, v4  }
0x445: {  	s28 =	simm.s32 $0x100;
	s30 =	sor.u32 $0xA0, s0;
	v8 =	vadd.bf16 v8, v7;
	v4 =	vld [tilespmem:s19+$0x200]  }
0x446: {  	s24 =	simm.s32 $0x0;
	s31 =	sor.u32 $0xC0, s0;
	s20 =	sshrl.u32 s30, $0x1;
	v7 =	vld [tilespmem:s19+$0x10200];
	[tilespmem:s2+$0x200] =	vst v5  }
0x447: {  	s18 =	sshrl.u32 s0, $0x1;
	s22 =	sshrl.u32 s31, $0x1;
	s26 =	simm.s32 $0x800;
	[tilespmem:s4+$0x200] =	vst v8;
	v8 =	vadd.bf16 v10, v9;
	v5 =	vld [tilespmem:s20+$0x200]  }
.LBB2_20:
0x448: {  	s0 =	sand.u32 $0xC000, s28;
	s2 =	sand.u32 $0x3800, s26;
	v9 =	vld [tilespmem:s20+$0x10200];
	s17 =	sadd.s32 $0x20, s17  }
0x449: {  	s24 =	sadd.s32 $0x8, s24;
	s0 =	sor.u32 s2, s0;
	s2 =	sand.u32 $0x700, s17;
	[tilespmem:s25+$0x200] =	vst v8;
	v3 =	vadd.bf16 v6, v3;
	v6 =	vld [tilespmem:s22+$0x200]  }
0x44a: {  	p0 =	slt.u32 s24, $0x7F8;
	s0 =	sor.u32 s2, s0;
	v8 =	vld [tilespmem:s22+$0x10200]  }
0x44b: {  	s2 =	sor.u32 $0x20, s0;
	s4 =	sor.u32 $0x40, s0;
	s8 =	sor.u32 $0xE0, s0;
	v10 =	vld [tilespmem:s18+$0x200];
	[tilespmem:s23+$0x200] =	vst v3;
	v3 =	vadd.bf16 v7, v4  }
0x44c: {  	s23 =	sor.u32 $0x60, s0;
	s29 =	sor.u32 $0x80, s0;
	s8 =	sshrl.u32 s8, $0x1;
	v4 =	vld [tilespmem:s18+$0x10200]  }
0x44d: {  	s30 =	sor.u32 $0xA0, s0;
	s31 =	sor.u32 $0xC0, s0;
	s2 =	sshrl.u32 s2, $0x1;
	v7 =	vld [tilespmem:s8+$0x200];
	[tilespmem:s19+$0x200] =	vst v3;
	v3 =	vadd.bf16 v9, v5  }
0x44e: {  	s25 =	sshrl.u32 s4, $0x1;
	s23 =	sshrl.u32 s23, $0x1;
	s19 =	sshrl.u32 s29, $0x1;
	v5 =	vld [tilespmem:s8+$0x10200]  }
0x44f: {  	s0 =	sshrl.u32 s0, $0x1;
	s4 =	sshrl.u32 s31, $0x1;
	v9 =	vld [tilespmem:s2+$0x200];
	[tilespmem:s20+$0x200] =	vst v3;
	s20 =	sshrl.u32 s30, $0x1;
	v3 =	vadd.bf16 v8, v6  }
0x450: {  	v8 =	vld [tilespmem:s2+$0x10200]  }
0x451: {  	v11 =	vld [tilespmem:s25+$0x200];
	v4 =	vadd.bf16 v4, v10;
	[tilespmem:s22+$0x200] =	vst v3;
	s22 =	smov.u32 s4  }
0x452: {  	v10 =	vld [tilespmem:s25+$0x10200]  }
.Ltmp9:
0x453: {  	v3 =	vld [tilespmem:s23+$0x200];
	v5 =	vadd.bf16 v5, v7;
	[tilespmem:s18+$0x200] =	vst v4;
	s18 =	smov.u32 s0;
	(pc) =	sbr.rel @p0 .LBB2_20-.Ltmp9, $4  }
0x454: {  	v6 =	vld [tilespmem:s23+$0x10200]  }
0x455: {  	v8 =	vadd.bf16 v8, v9;
	v4 =	vld [tilespmem:s19+$0x200];
	[tilespmem:s8+$0x200] =	vst v5  }
0x456: {  	v7 =	vld [tilespmem:s19+$0x10200]  }
0x457: {  	s26 =	sadd.s32 $0x800, s26;
	s28 =	sadd.s32 $0x100, s28;
	[tilespmem:s2+$0x200] =	vst v8;
	v8 =	vadd.bf16 v10, v11;
	v5 =	vld [tilespmem:s20+$0x200]  }
0x458: {  	v9 =	vld [tilespmem:s20+$0x10200]  }
0x459: {  	v10 =	vld [tilespmem:s22+$0x200]  }
0x45a: {  	v11 =	vld [tilespmem:s22+$0x10200]  }
0x45b: {  	v12 =	vld [tilespmem:s18+$0x200]  }
0x45c: {  	v13 =	vld [tilespmem:s18+$0x10200]  }
0x45d: {  	v3 =	vadd.bf16 v6, v3  }
0x45e: {  	[tilespmem:s25+$0x200] =	vst v8;
	v4 =	vadd.bf16 v7, v4  }
0x45f: {  	[tilespmem:s23+$0x200] =	vst v3;
	v3 =	vadd.bf16 v9, v5  }
0x460: {  	[tilespmem:s19+$0x200] =	vst v4;
	v4 =	vadd.bf16 v11, v10  }
0x461: {  	[tilespmem:s20+$0x200] =	vst v3;
	v3 =	vadd.bf16 v13, v12  }
0x462: {  	[tilespmem:s22+$0x200] =	vst v4  }
0x463: {  	[tilespmem:s18+$0x200] =	vst v3  }
0x464: {  	v3 =	vld [tilespmem:$0x1E0];
	_ =	sdelay $0x4  }
0x465: {  	v4 =	vshll.u32 v3, $0x3  }
0x466: {  	v3 =	vand.u32 $0x7, v3;
	v4 =	vand.u32 $0xFFFFFFC0, v4  }
0x467: {  	v3 =	vor.u32 v3, v4  }
0x468: {  	v4 =	vperm.xlane v3, v0;
	_ =	sdelay $0x1  }
0x469: {  	v4 =	vadd.s32 v1, v4;
	_ =	sdelay $0x3  }
0x46a: {  	s17 =	simm.s32 $0x0;
	s0 =	simm.s32 $0x10200  }
0x46b: {  	[tilespmem:s0], [sflag:$0x2] =	stream.indirect_vreg.gather [hbm4b:s1+s17], $0x80, v4, vm0, $0xb8;
	[tilespmem:$0x18200] =	vst v63  }
0x46c: {  	s26 =	simm.s32 $0x10A00;
	v3 =	vperm.xlane v3, v2  }
0x46d: {  	[tilespmem:s26], [sflag:$0x2] =	stream.indirect_vreg.gather [hbm4b:s5+s17], $0x80, v4, vm0, $0xb8;
	[tilespmem:$0x18200] =	vst v63  }
0x46e: {  	s29 =	simm.s32 $0x11200;
	v3 =	vadd.s32 v1, v3  }
0x46f: {  	[tilespmem:s29], [sflag:$0x2] =	stream.indirect_vreg.gather [hbm4b:s6+s17], $0x80, v4, vm0, $0xb8;
	[tilespmem:$0x18200] =	vst v63  }
0x470: {  	s30 =	simm.s32 $0x11A00  }
0x471: {  	[tilespmem:s30], [sflag:$0x2] =	stream.indirect_vreg.gather [hbm4b:s7+s17], $0x80, v4, vm0, $0xb8;
	[tilespmem:$0x18200] =	vst v63  }
0x472: {  	s31 =	simm.s32 $0x12200  }
0x473: {  	[tilespmem:s31], [sflag:$0x2] =	stream.indirect_vreg.gather [hbm4b:s1+s17], $0x80, v3, vm0, $0xb8;
	[tilespmem:$0x18200] =	vst v63  }
0x474: {  	s2 =	simm.s32 $0x12A00  }
0x475: {  	[tilespmem:s2], [sflag:$0x2] =	stream.indirect_vreg.gather [hbm4b:s5+s17], $0x80, v3, vm0, $0xb8;
	[tilespmem:$0x18200] =	vst v63  }
0x476: {  	s4 =	simm.s32 $0x13200  }
0x477: {  	[tilespmem:s4], [sflag:$0x2] =	stream.indirect_vreg.gather [hbm4b:s6+s17], $0x80, v3, vm0, $0xb8;
	[tilespmem:$0x18200] =	vst v63  }
0x478: {  	s8 =	simm.s32 $0x13A00  }
0x479: {  	[tilespmem:s8], [sflag:$0x2] =	stream.indirect_vreg.gather [hbm4b:s7+s17], $0x80, v3, vm0, $0xb8;
	[tilespmem:$0x18200] =	vst v63  }
0x47a: {  	v3 =	vld [tilespmem:$0x1F0];
	_ =	sdelay $0x4  }
0x47b: {  	v4 =	vshll.u32 v3, $0x3  }
0x47c: {  	v3 =	vand.u32 $0x7, v3;
	v4 =	vand.u32 $0xFFFFFFC0, v4  }
0x47d: {  	v3 =	vor.u32 v3, v4  }
0x47e: {  	v4 =	vperm.xlane v3, v0;
	_ =	sdelay $0x1  }
0x47f: {  	v4 =	vadd.s32 v1, v4;
	_ =	sdelay $0x3  }
0x480: {  	s18 =	simm.s32 $0x14200  }
0x481: {  	[tilespmem:s18], [sflag:$0x2] =	stream.indirect_vreg.gather [hbm4b:s1+s17], $0x80, v4, vm0, $0xb8;
	[tilespmem:$0x18200] =	vst v63  }
0x482: {  	s19 =	simm.s32 $0x14A00;
	v3 =	vperm.xlane v3, v2  }
0x483: {  	[tilespmem:s19], [sflag:$0x2] =	stream.indirect_vreg.gather [hbm4b:s5+s17], $0x80, v4, vm0, $0xb8;
	[tilespmem:$0x18200] =	vst v63  }
0x484: {  	s20 =	simm.s32 $0x15200;
	v3 =	vadd.s32 v1, v3  }
0x485: {  	[tilespmem:s20], [sflag:$0x2] =	stream.indirect_vreg.gather [hbm4b:s6+s17], $0x80, v4, vm0, $0xb8;
	[tilespmem:$0x18200] =	vst v63  }
0x486: {  	s22 =	simm.s32 $0x15A00  }
0x487: {  	[tilespmem:s22], [sflag:$0x2] =	stream.indirect_vreg.gather [hbm4b:s7+s17], $0x80, v4, vm0, $0xb8;
	[tilespmem:$0x18200] =	vst v63  }
0x488: {  	s23 =	simm.s32 $0x16200  }
0x489: {  	[tilespmem:s23], [sflag:$0x2] =	stream.indirect_vreg.gather [hbm4b:s1+s17], $0x80, v3, vm0, $0xb8;
	[tilespmem:$0x18200] =	vst v63  }
0x48a: {  	_ = 	snop  }
0x48b: {  	[tilespmem:s9], [sflag:$0x2] =	stream.indirect_vreg.gather [hbm4b:s5+s17], $0x80, v3, vm0, $0xb8;
	[tilespmem:$0x18200] =	vst v63  }
0x48c: {  	s24 =	sand.u32 $0xC000, s17;
	s2 =	sand.u32 $0x3800, s17  }
0x48d: {  	[tilespmem:s10], [sflag:$0x2] =	stream.indirect_vreg.gather [hbm4b:s6+s17], $0x80, v3, vm0, $0xb8;
	[tilespmem:$0x18200] =	vst v63  }
0x48e: {  	s25 =	sand.u32 $0x700, s17;
	s0 =	sor.u32 s2, s24  }
0x48f: {  	[tilespmem:s11], [sflag:$0x2] =	stream.indirect_vreg.gather [hbm4b:s7+s17], $0x80, v3, vm0, $0xb8;
	[tilespmem:$0x18200] =	vst v63  }
0x490: {  	s0 =	sor.u32 s25, s0;
	_ =	swait.ge [sflag:s12], $0x8000  }
0x491: {  	s2 =	sor.u32 $0xE0, s0;
	[sflag:s12] =	ssyncset.done $0x0  }
0x492: {  	s2 =	sshrl.u32 s2, $0x1;
	[sflag:s12] =	ssyncadd.s32 $0xFFFF8000  }
0x493: {  	s4 =	sor.u32 $0x20, s0;
	v4 =	vld [tilespmem:s2+$0x200]  }
0x494: {  	s4 =	sshrl.u32 s4, $0x1;
	v5 =	vld [tilespmem:s2+$0x8200]  }
0x495: {  	s8 =	sor.u32 $0x40, s0;
	v7 =	vld [tilespmem:s4+$0x200]  }
0x496: {  	s25 =	sshrl.u32 s8, $0x1;
	v8 =	vld [tilespmem:s4+$0x8200]  }
0x497: {  	s26 =	sor.u32 $0x60, s0;
	v9 =	vld [tilespmem:s25+$0x200]  }
0x498: {  	s23 =	sshrl.u32 s26, $0x1;
	v10 =	vld [tilespmem:s25+$0x8200]  }
0x499: {  	s29 =	sor.u32 $0x80, s0;
	v3 =	vld [tilespmem:s23+$0x200]  }
0x49a: {  	s19 =	sshrl.u32 s29, $0x1;
	v6 =	vld [tilespmem:s23+$0x8200];
	v5 =	vadd.bf16 v5, v4  }
0x49b: {  	s28 =	simm.s32 $0x100;
	s30 =	sor.u32 $0xA0, s0;
	v8 =	vadd.bf16 v8, v7;
	v4 =	vld [tilespmem:s19+$0x200]  }
0x49c: {  	s24 =	simm.s32 $0x0;
	s31 =	sor.u32 $0xC0, s0;
	s22 =	sshrl.u32 s30, $0x1;
	v7 =	vld [tilespmem:s19+$0x8200];
	[tilespmem:s2+$0x200] =	vst v5  }
0x49d: {  	s18 =	sshrl.u32 s0, $0x1;
	s20 =	sshrl.u32 s31, $0x1;
	s26 =	simm.s32 $0x800;
	[tilespmem:s4+$0x200] =	vst v8;
	v8 =	vadd.bf16 v10, v9;
	v5 =	vld [tilespmem:s22+$0x200]  }
.LBB2_22:
0x49e: {  	s0 =	sand.u32 $0xC000, s28;
	s2 =	sand.u32 $0x3800, s26;
	v9 =	vld [tilespmem:s22+$0x8200];
	s17 =	sadd.s32 $0x20, s17  }
0x49f: {  	s24 =	sadd.s32 $0x8, s24;
	s0 =	sor.u32 s2, s0;
	s2 =	sand.u32 $0x700, s17;
	[tilespmem:s25+$0x200] =	vst v8;
	v3 =	vadd.bf16 v6, v3;
	v6 =	vld [tilespmem:s20+$0x200]  }
0x4a0: {  	p0 =	slt.u32 s24, $0x7F8;
	s0 =	sor.u32 s2, s0;
	v8 =	vld [tilespmem:s20+$0x8200]  }
0x4a1: {  	s2 =	sor.u32 $0x20, s0;
	s4 =	sor.u32 $0x40, s0;
	s8 =	sor.u32 $0xE0, s0;
	v10 =	vld [tilespmem:s18+$0x200];
	[tilespmem:s23+$0x200] =	vst v3;
	v3 =	vadd.bf16 v7, v4  }
0x4a2: {  	s23 =	sor.u32 $0x60, s0;
	s29 =	sor.u32 $0x80, s0;
	s8 =	sshrl.u32 s8, $0x1;
	v4 =	vld [tilespmem:s18+$0x8200]  }
0x4a3: {  	s30 =	sor.u32 $0xA0, s0;
	s31 =	sor.u32 $0xC0, s0;
	s2 =	sshrl.u32 s2, $0x1;
	v7 =	vld [tilespmem:s8+$0x200];
	[tilespmem:s19+$0x200] =	vst v3;
	v3 =	vadd.bf16 v9, v5  }
0x4a4: {  	s25 =	sshrl.u32 s4, $0x1;
	s23 =	sshrl.u32 s23, $0x1;
	s19 =	sshrl.u32 s29, $0x1;
	v5 =	vld [tilespmem:s8+$0x8200]  }
0x4a5: {  	s0 =	sshrl.u32 s0, $0x1;
	s4 =	sshrl.u32 s31, $0x1;
	v9 =	vld [tilespmem:s2+$0x200];
	[tilespmem:s22+$0x200] =	vst v3;
	s22 =	sshrl.u32 s30, $0x1;
	v3 =	vadd.bf16 v8, v6  }
0x4a6: {  	v8 =	vld [tilespmem:s2+$0x8200]  }
0x4a7: {  	v11 =	vld [tilespmem:s25+$0x200];
	v4 =	vadd.bf16 v4, v10;
	[tilespmem:s20+$0x200] =	vst v3;
	s20 =	smov.u32 s4  }
0x4a8: {  	v10 =	vld [tilespmem:s25+$0x8200]  }
.Ltmp10:
0x4a9: {  	v3 =	vld [tilespmem:s23+$0x200];
	v5 =	vadd.bf16 v5, v7;
	[tilespmem:s18+$0x200] =	vst v4;
	s18 =	smov.u32 s0;
	(pc) =	sbr.rel @p0 .LBB2_22-.Ltmp10, $4  }
0x4aa: {  	v6 =	vld [tilespmem:s23+$0x8200]  }
0x4ab: {  	v8 =	vadd.bf16 v8, v9;
	v4 =	vld [tilespmem:s19+$0x200];
	[tilespmem:s8+$0x200] =	vst v5  }
0x4ac: {  	v7 =	vld [tilespmem:s19+$0x8200]  }
0x4ad: {  	s26 =	sadd.s32 $0x800, s26;
	s28 =	sadd.s32 $0x100, s28;
	[tilespmem:s2+$0x200] =	vst v8;
	v8 =	vadd.bf16 v10, v11;
	v5 =	vld [tilespmem:s22+$0x200]  }
0x4ae: {  	v9 =	vld [tilespmem:s22+$0x8200]  }
0x4af: {  	v10 =	vld [tilespmem:s20+$0x200]  }
0x4b0: {  	v11 =	vld [tilespmem:s20+$0x8200]  }
0x4b1: {  	v12 =	vld [tilespmem:s18+$0x200]  }
0x4b2: {  	v13 =	vld [tilespmem:s18+$0x8200]  }
0x4b3: {  	v3 =	vadd.bf16 v6, v3  }
0x4b4: {  	[tilespmem:s25+$0x200] =	vst v8;
	v4 =	vadd.bf16 v7, v4  }
0x4b5: {  	[tilespmem:s23+$0x200] =	vst v3;
	v3 =	vadd.bf16 v9, v5  }
0x4b6: {  	[tilespmem:s19+$0x200] =	vst v4;
	v4 =	vadd.bf16 v11, v10  }
0x4b7: {  	s17 =	simm.s32 $0x0;
	[tilespmem:s22+$0x200] =	vst v3;
	v3 =	vadd.bf16 v13, v12  }
0x4b8: {  	s0 =	sand.u32 $0xC000, s17;
	s2 =	sand.u32 $0x3800, s17;
	[tilespmem:s20+$0x200] =	vst v4  }
0x4b9: {  	s25 =	sand.u32 $0x700, s17;
	s0 =	sor.u32 s2, s0;
	[tilespmem:s18+$0x200] =	vst v3  }
0x4ba: {  	s0 =	sor.u32 s25, s0;
	_ =	swait.ge [sflag:s13], $0x8000  }
0x4bb: {  	s2 =	sor.u32 $0xE0, s0;
	[sflag:s13] =	ssyncset.done $0x0  }
0x4bc: {  	s2 =	sshrl.u32 s2, $0x1;
	[sflag:s13] =	ssyncadd.s32 $0xFFFF8000  }
0x4bd: {  	s4 =	sor.u32 $0x20, s0;
	v4 =	vld [tilespmem:s2+$0x200]  }
0x4be: {  	s4 =	sshrl.u32 s4, $0x1;
	v5 =	vld [tilespmem:s2+$0x10200]  }
0x4bf: {  	s8 =	sor.u32 $0x40, s0;
	v7 =	vld [tilespmem:s4+$0x200]  }
0x4c0: {  	s25 =	sshrl.u32 s8, $0x1;
	v8 =	vld [tilespmem:s4+$0x10200]  }
0x4c1: {  	s26 =	sor.u32 $0x60, s0;
	v9 =	vld [tilespmem:s25+$0x200]  }
0x4c2: {  	s23 =	sshrl.u32 s26, $0x1;
	v10 =	vld [tilespmem:s25+$0x10200]  }
0x4c3: {  	s29 =	sor.u32 $0x80, s0;
	v3 =	vld [tilespmem:s23+$0x200]  }
0x4c4: {  	s19 =	sshrl.u32 s29, $0x1;
	v6 =	vld [tilespmem:s23+$0x10200];
	v5 =	vadd.bf16 v5, v4  }
0x4c5: {  	s24 =	simm.s32 $0x0;
	s30 =	sor.u32 $0xA0, s0;
	v8 =	vadd.bf16 v8, v7;
	v4 =	vld [tilespmem:s19+$0x200]  }
0x4c6: {  	s28 =	simm.s32 $0x100;
	s31 =	sor.u32 $0xC0, s0;
	s20 =	sshrl.u32 s30, $0x1;
	v7 =	vld [tilespmem:s19+$0x10200];
	[tilespmem:s2+$0x200] =	vst v5  }
0x4c7: {  	s26 =	simm.s32 $0x800;
	s22 =	sshrl.u32 s31, $0x1;
	s18 =	sshrl.u32 s0, $0x1;
	[tilespmem:s4+$0x200] =	vst v8;
	v8 =	vadd.bf16 v10, v9;
	v5 =	vld [tilespmem:s20+$0x200]  }
.LBB2_24:
0x4c8: {  	s0 =	sand.u32 $0xC000, s28;
	s2 =	sand.u32 $0x3800, s26;
	v9 =	vld [tilespmem:s20+$0x10200];
	s17 =	sadd.s32 $0x20, s17  }
0x4c9: {  	s24 =	sadd.s32 $0x8, s24;
	s0 =	sor.u32 s2, s0;
	s2 =	sand.u32 $0x700, s17;
	[tilespmem:s25+$0x200] =	vst v8;
	v3 =	vadd.bf16 v6, v3;
	v6 =	vld [tilespmem:s22+$0x200]  }
0x4ca: {  	p0 =	slt.u32 s24, $0x7F8;
	s0 =	sor.u32 s2, s0;
	v8 =	vld [tilespmem:s22+$0x10200]  }
0x4cb: {  	s2 =	sor.u32 $0x20, s0;
	s4 =	sor.u32 $0x40, s0;
	s8 =	sor.u32 $0xE0, s0;
	v10 =	vld [tilespmem:s18+$0x200];
	[tilespmem:s23+$0x200] =	vst v3;
	v3 =	vadd.bf16 v7, v4  }
0x4cc: {  	s23 =	sor.u32 $0x60, s0;
	s29 =	sor.u32 $0x80, s0;
	s8 =	sshrl.u32 s8, $0x1;
	v4 =	vld [tilespmem:s18+$0x10200]  }
0x4cd: {  	s30 =	sor.u32 $0xA0, s0;
	s31 =	sor.u32 $0xC0, s0;
	s2 =	sshrl.u32 s2, $0x1;
	v7 =	vld [tilespmem:s8+$0x200];
	[tilespmem:s19+$0x200] =	vst v3;
	v3 =	vadd.bf16 v9, v5  }
0x4ce: {  	s25 =	sshrl.u32 s4, $0x1;
	s23 =	sshrl.u32 s23, $0x1;
	s19 =	sshrl.u32 s29, $0x1;
	v5 =	vld [tilespmem:s8+$0x10200]  }
0x4cf: {  	s0 =	sshrl.u32 s0, $0x1;
	s4 =	sshrl.u32 s31, $0x1;
	v9 =	vld [tilespmem:s2+$0x200];
	[tilespmem:s20+$0x200] =	vst v3;
	s20 =	sshrl.u32 s30, $0x1;
	v3 =	vadd.bf16 v8, v6  }
0x4d0: {  	v8 =	vld [tilespmem:s2+$0x10200]  }
0x4d1: {  	v11 =	vld [tilespmem:s25+$0x200];
	v4 =	vadd.bf16 v4, v10;
	[tilespmem:s22+$0x200] =	vst v3;
	s22 =	smov.u32 s4  }
0x4d2: {  	v10 =	vld [tilespmem:s25+$0x10200]  }
.Ltmp11:
0x4d3: {  	v3 =	vld [tilespmem:s23+$0x200];
	v5 =	vadd.bf16 v5, v7;
	[tilespmem:s18+$0x200] =	vst v4;
	s18 =	smov.u32 s0;
	(pc) =	sbr.rel @p0 .LBB2_24-.Ltmp11, $4  }
0x4d4: {  	v6 =	vld [tilespmem:s23+$0x10200]  }
0x4d5: {  	v8 =	vadd.bf16 v8, v9;
	v4 =	vld [tilespmem:s19+$0x200];
	[tilespmem:s8+$0x200] =	vst v5  }
0x4d6: {  	v7 =	vld [tilespmem:s19+$0x10200]  }
0x4d7: {  	s26 =	sadd.s32 $0x800, s26;
	s28 =	sadd.s32 $0x100, s28;
	[tilespmem:s2+$0x200] =	vst v8;
	v8 =	vadd.bf16 v10, v11;
	v5 =	vld [tilespmem:s20+$0x200]  }
0x4d8: {  	v9 =	vld [tilespmem:s20+$0x10200]  }
0x4d9: {  	v10 =	vld [tilespmem:s22+$0x200]  }
0x4da: {  	v11 =	vld [tilespmem:s22+$0x10200]  }
0x4db: {  	v12 =	vld [tilespmem:s18+$0x200]  }
0x4dc: {  	v13 =	vld [tilespmem:s18+$0x10200]  }
0x4dd: {  	v3 =	vadd.bf16 v6, v3  }
0x4de: {  	[tilespmem:s25+$0x200] =	vst v8;
	v4 =	vadd.bf16 v7, v4  }
0x4df: {  	[tilespmem:s23+$0x200] =	vst v3;
	v3 =	vadd.bf16 v9, v5  }
0x4e0: {  	[tilespmem:s19+$0x200] =	vst v4;
	v63 =	vadd.bf16 v11, v10  }
0x4e1: {  	[tilespmem:s20+$0x200] =	vst v3;
	v3 =	vadd.bf16 v13, v12  }
0x4e2: {  	[tilespmem:s22+$0x200] =	vst v63  }
0x4e3: {  	[tilespmem:s18+$0x200] =	vst v3  }
0x4e4: {  	s0 =	rddreg [dreg:$0x7]  }
0x4e5: {  	[hbm4b:s0+s3] =	stream.linear.scatter [tilespmem:s14], [sflag:$0x4], $0x8000, $0x38;
	[tilespmem:$0x18200] =	vst v63  }
0x4e6: {  	_ =	swait.ge [sflag:s15], $0x8000  }
0x4e7: {  	s16 =	sadd.s32 $0x1, s16;
	s31 =	rddreg [dreg:$0x8]  }
0x4e8: {  	p0 =	sne.s32 s16, s31  }
.Ltmp12:
0x4e9: {  	_ = 	snop;
	(pc) =	sbr.rel @p0 .LBB2_1-.Ltmp12, $3  }
0x4ea: {  	_ =	sdelay $0x1  }
0x4eb: {  	[sflag:s15] =	ssyncset.done $0x0  }
0x4ec: {  	[sflag:s15] =	ssyncadd.s32 $0xFFFF8000  }
0x4ed: {  	_ =	sfence.sel $0x180000  }
0x4ee: {  	[bflag:$0x0] =	sbarrier.arrive $0xFFFF  }
0x4ef: {  	_ =	strace $0x90000047  }
0x4f0: {  	s0 =	stileid.u32;
	[bflag:$0x2] =	sbarrier.arrive $0xFFFF  }
0x4f1: {  	p0 =	sne.s32 s0, $0x0;
	s0 =	rddreg [dreg:$0x2]  }
0x4f2: {  	s0 =	sadd.s32 @!p0 $0x100000, s0  }
0x4f3: {  	[sflag:s0] =	ssyncadd.tile.s32 @!p0 $0x1;
	_ =	shalt  }
.Lfunc_end2:
_tile_overlayer_lowered:
.L_overlay_start_2:
0x4f4: {  	(tag) =	ssettag $0x2  }
0x4f5: {  	s0 =	rddreg [dreg:$0x0];
	s2 =	stileid.u32  }
0x4f6: {  	s1 =	rddreg [dreg:$0x1];
	p0 =	sne.s32 s2, $0x0  }
0x4f7: {  	s3 =	rddreg [dreg:$0x2];
	[bflag:$0x3] =	sbarrier.arrive $0xFFFF;
	s2 =	simm.s32 @!p0 $0x1C05  }
0x4f8: {  	[timem:s3], [sflag:s2] =	dma.local @!p0 [hbm:s0], s1  }
0x4f9: {  	s0 =	simm.s32 @!p0 $0x5  }
0x4fa: {  	_ =	swait.ge @!p0 [sflag:s0], s1  }
0x4fb: {  	s1 =	ssub.s32 @!p0 $0x0, s1;
	[sflag:s0] =	ssyncset.done @!p0 $0x0  }
0x4fc: {  	[sflag:s0] =	ssyncadd.s32 @!p0 s1  }
0x4fd: {  	[bflag:$0x3] =	sbarrier.arrive $0xFFFF  }
0x4fe: {  	_ =	shalt  }

</sc_bundles>
